<compile_context>
chip_gen: v7x
topology: tpu7x:2x2x1
jax: 0.10.2.dev20260603
libtpu: 0.0.44.dev20260713+nightly
codegen_flags: <defaults>
</compile_context>

<pallas_src>
import functools

import jax
import jax.numpy as jnp
import numpy as np
from jax import lax
from jax.experimental import pallas as pl
from jax.experimental.pallas import tpu as pltpu
from jax.experimental.pallas import tpu_sc as plsc

N_ATOMS = 50000
M_NBRS = 16
NBR_CUTOFF = 8.0
N_CELLS = 125

CHUNK = 2048
N_CHUNKS = 25
N_SCAN = N_CHUNKS * CHUNK

BA = 1024
N_BLOCKS = 49
N_EPAD = N_BLOCKS * BA

_BIGF = np.float32(1e30)
_BIGI = np.int32(2**30)
_BIG8 = np.float32(1e9)
_BIG9 = np.float32(2e9)
_FAR = np.float32(1e5)

_r = np.arange(0.0, 40.0, 8.0, dtype=np.float32)
_mesh = np.meshgrid(_r, _r, _r)
_CELLS = np.transpose(np.stack(_mesh)).reshape(N_CELLS, 3).astype(np.float32)
_d_cc = ((_CELLS[:, None, :] - _CELLS[None, :, :]) ** 2).sum(-1)
_NBR_CELLS = np.argsort(_d_cc, axis=1, kind="stable")[:, :8].astype(np.int32)

_CELLS_LANE = np.zeros((8, 128), np.float32)
_CELLS_LANE[0:3, :N_CELLS] = _CELLS.T
_CELLS_LANE[0:3, N_CELLS:] = _FAR
_CELLS_SUB = np.zeros((128, 8), np.float32)
_CELLS_SUB[:N_CELLS, 0:3] = _CELLS
_CELLS_SUB[N_CELLS:, 0:3] = _FAR


def _topk_cells_kernel(xt_ref, csub_ref, out_ref, rv_ref, ri_ref):
    pid = pl.program_id(0)

    @pl.when(pid == 0)
    def _init():
        rv_ref[...] = jnp.full((128, 16), _BIGF, jnp.float32)
        ri_ref[...] = jnp.full((128, 16), _BIG8, jnp.float32)

    xs = xt_ref[0:1, :]
    ys = xt_ref[1:2, :]
    zs = xt_ref[2:3, :]
    cx = csub_ref[:, 0:1]
    cy = csub_ref[:, 1:2]
    cz = csub_ref[:, 2:3]
    d = (cx - xs) ** 2 + (cy - ys) ** 2 + (cz - zs) ** 2
    gidx = (pid * CHUNK).astype(jnp.float32) + lax.broadcasted_iota(
        jnp.int32, (128, CHUNK), 1).astype(jnp.float32)

    vals, idxs = [], []
    for _ in range(M_NBRS):
        m = jnp.min(d, axis=1, keepdims=True)
        mi = jnp.min(jnp.where(d == m, gidx, _BIG8), axis=1, keepdims=True)
        vals.append(m)
        idxs.append(mi)
        d = jnp.where(gidx == mi, _BIGF, d)
    av = jnp.concatenate([rv_ref[...]] + vals, axis=1)
    ai = jnp.concatenate([ri_ref[...]] + idxs, axis=1)

    nvals, nidxs = [], []
    for _ in range(M_NBRS):
        m = jnp.min(av, axis=1, keepdims=True)
        mi = jnp.min(jnp.where(av == m, ai, _BIG8), axis=1, keepdims=True)
        nvals.append(m)
        nidxs.append(mi)
        av = jnp.where((av == m) & (ai == mi), _BIGF, av)
    rv_ref[...] = jnp.concatenate(nvals, axis=1)
    ri_ref[...] = jnp.concatenate(nidxs, axis=1)
    out_ref[...] = ri_ref[...].astype(jnp.int32)


def _run_topk_cells(xt_pad):
    return pl.pallas_call(
        _topk_cells_kernel,
        grid=(N_CHUNKS,),
        in_specs=[
            pl.BlockSpec((8, CHUNK), lambda i: (0, i)),
            pl.BlockSpec((128, 8), lambda i: (0, 0)),
        ],
        out_specs=pl.BlockSpec((128, M_NBRS), lambda i: (0, 0)),
        out_shape=jax.ShapeDtypeStruct((128, M_NBRS), jnp.int32),
        scratch_shapes=[
            pltpu.VMEM((128, M_NBRS), jnp.float32),
            pltpu.VMEM((128, M_NBRS), jnp.float32),
        ],
    )(xt_pad, jnp.asarray(_CELLS_SUB))


def _dedup_kernel(ids_ref, idsf_ref):
    ids = ids_ref[...]
    lane = lax.broadcasted_iota(jnp.int32, (128, 128), 1)
    dup = jnp.zeros((128, 128), jnp.bool_)
    for j in range(1, 128):
        idj = ids[:, j:j + 1]
        dupj = jnp.any((ids == idj) & (lane < j), axis=1, keepdims=True)
        dup = dup | (dupj & (lane == j))
    clean = jnp.where(dup, -1, ids)
    idsf_ref[...] = clean.astype(jnp.float32)


def _run_dedup(ain):
    return pl.pallas_call(
        _dedup_kernel,
        out_shape=jax.ShapeDtypeStruct((128, 128), jnp.float32),
    )(ain)


_NGATHER = 128 * 16
_B_PER_W = _NGATHER // 32


def _sc_gather(table128, gidx_flat):
    mesh = plsc.VectorSubcoreMesh(
        core_axis_name="c", subcore_axis_name="s", num_cores=2, num_subcores=16
    )

    @functools.partial(
        pl.kernel,
        out_type=jax.ShapeDtypeStruct((_NGATHER, 128), jnp.float32),
        mesh=mesh,
        scratch_types=[
            pltpu.VMEM((_B_PER_W,), jnp.int32),
            pltpu.VMEM((_B_PER_W, 128), jnp.float32),
            pltpu.SemaphoreType.DMA,
        ],
    )
    def gat(table_hbm, idx_hbm, out_hbm, idx_v, rows_v, sem):
        wid = lax.axis_index("s") * 2 + lax.axis_index("c")
        base = wid * _B_PER_W
        pltpu.sync_copy(idx_hbm.at[pl.ds(base, _B_PER_W)], idx_v)
        pltpu.async_copy(table_hbm.at[idx_v], rows_v, sem).wait()
        pltpu.sync_copy(rows_v, out_hbm.at[pl.ds(base, _B_PER_W)])

    return gat(table128, gidx_flat)


def _energy_terms(d, w1, w3, w4):
    hyd = jnp.where(d < 0.5, jnp.ones_like(d),
                    jnp.where(d < 1.5, 1.5 - d, jnp.zeros_like(d)))
    g1 = jnp.exp(-((d / 0.5) ** 2))
    g2 = jnp.exp(-(((d - 3.0) / 2.0) ** 2))
    inter = w1 * hyd + w3 * g1 + w4 * g2
    return jnp.where(d < 8.0, inter, jnp.zeros_like(d))


def _energy_kernel(xc_ref, clane_ref, g_ref, par_ref, out_ref, e_ref, acc_ref):
    pid = pl.program_id(0)

    @pl.when(pid == 0)
    def _init():
        acc_ref[0, 0] = jnp.float32(0.0)

    xa = xc_ref[:, 0:1]
    ya = xc_ref[:, 1:2]
    za = xc_ref[:, 2:3]
    cxr = clane_ref[0:1, :]
    cyr = clane_ref[1:2, :]
    czr = clane_ref[2:3, :]
    d2 = (xa - cxr) ** 2 + (ya - cyr) ** 2 + (za - czr) ** 2
    lane = lax.broadcasted_iota(jnp.int32, (BA, 128), 1).astype(jnp.float32)
    m = jnp.min(d2, axis=1, keepdims=True)
    cidx = jnp.min(jnp.where(d2 == m, lane, _BIG8), axis=1, keepdims=True)
    oh = (lane == cidx).astype(jnp.float32)

    f = jnp.dot(oh, g_ref[...],
                precision=jax.lax.Precision.HIGHEST)
    ids = f[:, 0:128]
    cx = f[:, 128:256]
    cy = f[:, 256:384]
    cz = f[:, 384:512]
    d = (xa - cx) ** 2 + (ya - cy) ** 2 + (za - cz) ** 2

    sub = lax.broadcasted_iota(jnp.int32, (BA, 1), 0)
    aid = pid * BA + sub
    valid = (ids >= 0.0) & (ids != aid.astype(jnp.float32))

    w1 = par_ref[0, 1]
    w3 = par_ref[0, 3]
    w4 = par_ref[0, 4]
    s_nl = 1.0 + par_ref[0, 5]

    mask = valid & (d < 8.0)
    hyd = jnp.clip(1.5 - d, 0.0, 1.0)
    g1 = jnp.exp(-((d / 0.5) ** 2))
    g2 = jnp.exp(-(((d - 3.0) / 2.0) ** 2))
    inter = w1 * hyd + w3 * g1 + w4 * g2
    th = jnp.where(mask, inter, jnp.zeros_like(d))
    s_direct = jnp.sum(th, axis=1, keepdims=True)
    c8 = jnp.sum(mask.astype(jnp.float32), axis=1, keepdims=True)
    e_ref[...] = s_direct

    @pl.when(jnp.max(c8) > 16.0)
    def _rank_fix():
        dcur = jnp.where(valid, d, _BIG8)
        s = jnp.zeros((BA, 1), jnp.float32)
        taken = jnp.zeros((BA, 1), jnp.float32)
        for _ in range(M_NBRS):
            mv = jnp.min(dcur, axis=1, keepdims=True)
            cnt = jnp.sum((dcur == mv).astype(jnp.float32), axis=1, keepdims=True)
            take = jnp.clip(16.0 - taken, 0.0, cnt)
            s = s + take * _energy_terms(mv, w1, w3, w4)
            taken = taken + take
            dcur = jnp.where(dcur == mv, _BIG9, dcur)
        e_ref[...] = jnp.where(c8 > 16.0, s, s_direct)

    ok = (aid < N_ATOMS).astype(jnp.float32)
    blocksum = jnp.sum(e_ref[...] * ok)
    acc_ref[0, 0] = acc_ref[0, 0] + blocksum / s_nl
    out_ref[0, 0] = acc_ref[0, 0]


def _run_energy(xc_pad, gtab, params):
    return pl.pallas_call(
        _energy_kernel,
        grid=(N_BLOCKS,),
        in_specs=[
            pl.BlockSpec((BA, 4), lambda i: (i, 0)),
            pl.BlockSpec((8, 128), lambda i: (0, 0)),
            pl.BlockSpec((128, 512), lambda i: (0, 0)),
            pl.BlockSpec(memory_space=pltpu.SMEM),
        ],
        out_specs=pl.BlockSpec(memory_space=pltpu.SMEM),
        out_shape=jax.ShapeDtypeStruct((1, 1), jnp.float32),
        scratch_shapes=[
            pltpu.VMEM((BA, 1), jnp.float32),
            pltpu.SMEM((1, 1), jnp.float32),
        ],
    )(xc_pad, jnp.asarray(_CELLS_LANE), gtab, params)


def kernel(X, Z, combo_w, nl_w):
    X = X.astype(jnp.float32)

    xt = jnp.concatenate(
        [X.T, jnp.full((3, N_SCAN - N_ATOMS), _FAR, jnp.float32)], axis=1)
    xt_pad = jnp.concatenate([xt, jnp.zeros((5, N_SCAN), jnp.float32)], axis=0)
    xc = jnp.concatenate([X, jnp.zeros((N_ATOMS, 1), jnp.float32)], axis=1)
    xc_pad = jnp.concatenate(
        [xc, jnp.zeros((N_EPAD - N_ATOMS, 4), jnp.float32)], axis=0)
    params = jnp.zeros((1, 8), jnp.float32)
    params = params.at[0, 0:5].set(combo_w).at[0, 5].set(nl_w[0])

    closest = _run_topk_cells(xt_pad)

    ain = closest[:N_CELLS][jnp.asarray(_NBR_CELLS)].reshape(N_CELLS, 128)
    ain = jnp.concatenate(
        [ain, jnp.full((3, 128), -1, jnp.int32)], axis=0)

    idsf = _run_dedup(ain)

    table128 = jnp.concatenate(
        [X, jnp.zeros((N_ATOMS, 125), jnp.float32)], axis=1)
    rows = _sc_gather(
        table128, jnp.clip(closest, 0, N_ATOMS - 1).reshape(_NGATHER))
    nbr = jnp.asarray(_NBR_CELLS)
    pad3 = jnp.zeros((3, 128), jnp.float32)

    def _expand(col):
        g0 = rows[:, col].reshape(128, M_NBRS)[:N_CELLS]
        return jnp.concatenate([g0[nbr].reshape(N_CELLS, 128), pad3], axis=0)

    gtab = jnp.concatenate(
        [idsf, _expand(0), _expand(1), _expand(2)], axis=1)

    out = _run_energy(xc_pad, gtab, params)
    return out[0, 0]

# --- scband reference (transcript-rebuilt; emitter-appended) ---
"""Pipeline reference for scband-vina-free-energy-7868380087052 (READ-ONLY COPY).

The authoritative reference and input builder live on the scoring server;
editing this copy changes nothing except your own understanding.
"""

import jax, jax.numpy as jnp
import numpy as np

N_ATOMS = 50000
M_NBRS = 16
NDIM = 3
NBR_CUTOFF = 8.0
START = 0.0
STOP = 40.0
NROT = 1
N_CELLS = int(((STOP - START) / NBR_CUTOFF) ** NDIM)


def _get_cells():
    r = jnp.arange(START, STOP, NBR_CUTOFF, dtype=jnp.float32)
    mesh = jnp.meshgrid(*([r] * NDIM))
    return jnp.transpose(jnp.stack(mesh)).reshape(N_CELLS, NDIM)


def _compute_nbr_list(coords):
    cells = _get_cells()
    # cell assignment for each atom: argmin over squared dist to cell corners
    d_ac = jnp.sum((coords[:, None, :] - cells[None, :, :]) ** 2, axis=2)
    cells_for_atoms = jnp.argmin(d_ac, axis=1)  # (N,)
    # M_nbrs closest atoms to each cell: (n_cells, M)
    d_ca = jnp.sum((cells[:, None, :] - coords[None, :, :]) ** 2, axis=2)
    closest_atoms = jax.lax.top_k(-d_ca, M_NBRS)[1]
    # neighbor cells of each cell: (n_cells, 2**ndim)
    d_cc = jnp.sum((cells[:, None, :] - cells[None, :, :]) ** 2, axis=2)
    n_nbr_cells = 2 ** NDIM
    neighbor_cells = jax.lax.top_k(-d_cc, n_nbr_cells)[1]
    # candidate neighbor atoms per atom: (N, n_nbr_cells*M)
    nbr_cells_for_atoms = neighbor_cells[cells_for_atoms]
    atoms_in_nbrs = closest_atoms[nbr_cells_for_atoms].reshape(N_ATOMS, -1)
    # dedup (tf.unique equivalent; order irrelevant since we re-sort by distance)
    # and remove self (original drops first unique element assumed to be self)
    srt = jnp.sort(atoms_in_nbrs, axis=1)
    dup = jnp.concatenate([jnp.zeros((N_ATOMS, 1), bool), srt[:, 1:] == srt[:, :-1]], axis=1)
    is_self = srt == jnp.arange(N_ATOMS)[:, None]
    cand = jnp.where(dup | is_self, -1, srt)
    # phantom atoms far outside the box (index -1)
    phantom = jnp.full((NDIM,), 2.0 * STOP, dtype=coords.dtype)
    cand_coords = jnp.where((cand >= 0)[:, :, None], coords[jnp.clip(cand, 0, N_ATOMS - 1)], phantom)
    pad_idx = jnp.full((N_ATOMS, M_NBRS), -1, dtype=cand.dtype)
    pad_coords = jnp.broadcast_to(phantom, (N_ATOMS, M_NBRS, NDIM))
    padded_nbrs = jnp.concatenate([cand, pad_idx], axis=1)
    padded_coords = jnp.concatenate([cand_coords, pad_coords], axis=1)
    pdists = jnp.sum((coords[:, None, :] - padded_coords) ** 2, axis=2)
    closest = jax.lax.top_k(-pdists, M_NBRS)[1]
    nbr_list = jnp.take_along_axis(padded_nbrs, closest, axis=1)  # (N, M), int
    return nbr_list


def _interatomic_l2(coords, nbr_list):
    # InteratomicL2Distances: squared L2 to gathered neighbor coords
    nbr_coords = coords[jnp.clip(nbr_list, 0, N_ATOMS - 1)]
    nbr_coords = jnp.where((nbr_list >= 0)[:, :, None], nbr_coords, 2.0 * STOP)
    return jnp.sum((coords[:, None, :] - nbr_coords) ** 2, axis=2)  # (N, M)


def _vina_forward(X, Z, combo_w, nl_w):
    # NOTE: Z (atomic numbers/charges) is a required input of the original
    # layer but is unused by its computation; kept for signature fidelity.
    nbr_list = _compute_nbr_list(X)
    d = _interatomic_l2(X, nbr_list)
    repulsion = jnp.where(d < 0.0, d ** 2, jnp.zeros_like(d))
    hydrophobic = jnp.where(d < 0.5, jnp.ones_like(d), jnp.where(d < 1.5, 1.5 - d, jnp.zeros_like(d)))
    hbond = jnp.where(d < -0.7, jnp.ones_like(d), jnp.where(d < 0.0, (1.0 / 0.7) * (0.0 - d), jnp.zeros_like(d)))
    gauss_1 = jnp.exp(-((d / 0.5) ** 2))
    gauss_2 = jnp.exp(-(((d - 3.0) / 2.0) ** 2))
    # WeightedLinearCombo over the 5 interaction terms
    interactions = (combo_w[0] * repulsion + combo_w[1] * hydrophobic +
                    combo_w[2] * hbond + combo_w[3] * gauss_1 + combo_w[4] * gauss_2)
    thresholded = jnp.where(d < 8.0, interactions, jnp.zeros_like(interactions))
    free_energies = thresholded / (1.0 + nl_w[0] * NROT)
    return jnp.sum(free_energies)


def setup_inputs(seed: int = 0) -> dict:
    key = jax.random.key(seed)
    k1, k2, k3, k4 = jax.random.split(key, 4)
    X = jax.random.uniform(k1, (N_ATOMS, NDIM), dtype=jnp.float32, minval=START, maxval=STOP)
    Z = jax.random.uniform(k2, (N_ATOMS,), dtype=jnp.float32)
    combo_w = 0.3 * jax.random.normal(k3, (5,), dtype=jnp.float32)
    nl_w = 0.3 * jax.random.normal(k4, (1,), dtype=jnp.float32)
    return {"X": X, "Z": Z, "combo_w": combo_w, "nl_w": nl_w}


def reference(X, Z, combo_w, nl_w):
    return _vina_forward(X, Z, combo_w, nl_w)

if __name__ == "__main__":
    import jax
    _d = setup_inputs()
    print(jax.jit(kernel)(*tuple(_d.values())))

</pallas_src>

<mosaic_0001>
#map = affine_map<(d0, d1) -> (0, 0)>
#map1 = affine_map<(d0, d1) -> (0)>
module attributes {stable_mosaic.version = 14 : i64} {
  func.func @gat(%arg0: i32, %arg1: i32, %arg2: memref<50000x128xf32, #tpu.memory_space<hbm>>, %arg3: memref<2048xi32, #tpu.memory_space<hbm>>, %arg4: memref<2048x128xf32, #tpu.memory_space<hbm>>, %arg5: memref<64xi32, #tpu.memory_space<vmem>>, %arg6: memref<64x128xf32, #tpu.memory_space<vmem>>, %arg7: memref<!tpu.dma_semaphore, #tpu.memory_space<semaphore_mem>>) attributes {dimension_semantics = [#tpu.dimension_semantics<core_parallel>, #tpu.dimension_semantics<subcore_parallel>], iteration_bounds = array<i64: 2, 16>, scalar_prefetch = 0 : i64, scratch_operands = 3 : i64, tpu.core_type = #tpu.core_type<sc_vector_subcore>, window_params = [{transform_indices = #map}, {transform_indices = #map1}, {transform_indices = #map}]} {
    %mul3A = arith.constant 2 : i32
    %mul3A_0 = arith.muli %arg1, %mul3A : i32
    %add3A = arith.addi %mul3A_0, %arg0 : i32
    %mul3A_1 = arith.constant 64 : i32
    %mul3A_2 = arith.muli %add3A, %mul3A_1 : i32
    "tpu.region"() ({
      %run_scoped3A = tpu.sem_alloc : memref<!tpu.dma_semaphore, #tpu.memory_space<semaphore_mem>>
      %dma_start3A_7 = tpu.memref_slice %arg3[%mul3A_2] : memref<2048xi32, #tpu.memory_space<hbm>> -> memref<64xi32, #tpu.memory_space<hbm>>
      %dma_start3A_8 = tpu.memref_slice %arg3[%mul3A_2] : memref<2048xi32, #tpu.memory_space<hbm>> -> memref<64xi32, #tpu.memory_space<hbm>>
      tpu.enqueue_dma source(%dma_start3A_8 : memref<64xi32, #tpu.memory_space<hbm>>) target(%arg5 : memref<64xi32, #tpu.memory_space<vmem>>) target_semaphore(%run_scoped3A : memref<!tpu.dma_semaphore, #tpu.memory_space<semaphore_mem>>)
      %dma_wait3A_9 = tpu.memref_slice %arg3[%mul3A_2] : memref<2048xi32, #tpu.memory_space<hbm>> -> memref<64xi32, #tpu.memory_space<hbm>>
      %dma_wait3A_10 = tpu.memref_slice %arg3[%mul3A_2] : memref<2048xi32, #tpu.memory_space<hbm>> -> memref<64xi32, #tpu.memory_space<hbm>>
      tpu.wait_dma2 semaphore(%run_scoped3A : memref<!tpu.dma_semaphore, #tpu.memory_space<semaphore_mem>>) src(%dma_wait3A_10 : memref<64xi32, #tpu.memory_space<hbm>>) dst(%arg5 : memref<64xi32, #tpu.memory_space<vmem>>)
      tpu.yield
    }) : () -> ()
    %dma_start3A = arith.constant 0 : i32
    %dma_start3A_3 = arith.constant 0 : i32
    %dma_start3A_4 = tpu.memref_slice %arg2[%dma_start3A, %dma_start3A_3] : memref<50000x128xf32, #tpu.memory_space<hbm>> -> memref<50000x128xf32, #tpu.memory_space<hbm>>
    tpu.enqueue_indirect_dma source(%dma_start3A_4 : memref<50000x128xf32, #tpu.memory_space<hbm>>) target(%arg6 : memref<64x128xf32, #tpu.memory_space<vmem>>) offsets(%arg5 : memref<64xi32, #tpu.memory_space<vmem>>) semaphore(%arg7 : memref<!tpu.dma_semaphore, #tpu.memory_space<semaphore_mem>>)
    %dma_wait3A = arith.constant 0 : i32
    %dma_wait3A_5 = arith.constant 0 : i32
    %dma_wait3A_6 = tpu.memref_slice %arg2[%dma_wait3A, %dma_wait3A_5] : memref<50000x128xf32, #tpu.memory_space<hbm>> -> memref<50000x128xf32, #tpu.memory_space<hbm>>
    tpu.wait_indirect_dma semaphore(%arg7 : memref<!tpu.dma_semaphore, #tpu.memory_space<semaphore_mem>>) src(%dma_wait3A_6 : memref<50000x128xf32, #tpu.memory_space<hbm>>) dst(%arg6 : memref<64x128xf32, #tpu.memory_space<vmem>>)
    "tpu.region"() ({
      %run_scoped3A = tpu.sem_alloc : memref<!tpu.dma_semaphore, #tpu.memory_space<semaphore_mem>>
      %dma_start3A_7 = arith.constant 0 : i32
      %dma_start3A_8 = tpu.memref_slice %arg4[%mul3A_2, %dma_start3A_7] : memref<2048x128xf32, #tpu.memory_space<hbm>> -> memref<64x128xf32, #tpu.memory_space<hbm>>
      %dma_start3A_9 = arith.constant 0 : i32
      %dma_start3A_10 = tpu.memref_slice %arg4[%mul3A_2, %dma_start3A_9] : memref<2048x128xf32, #tpu.memory_space<hbm>> -> memref<64x128xf32, #tpu.memory_space<hbm>>
      tpu.enqueue_dma source(%arg6 : memref<64x128xf32, #tpu.memory_space<vmem>>) target(%dma_start3A_10 : memref<64x128xf32, #tpu.memory_space<hbm>>) target_semaphore(%run_scoped3A : memref<!tpu.dma_semaphore, #tpu.memory_space<semaphore_mem>>)
      %dma_wait3A_11 = arith.constant 0 : i32
      %dma_wait3A_12 = tpu.memref_slice %arg4[%mul3A_2, %dma_wait3A_11] : memref<2048x128xf32, #tpu.memory_space<hbm>> -> memref<64x128xf32, #tpu.memory_space<hbm>>
      %dma_wait3A_13 = arith.constant 0 : i32
      %dma_wait3A_14 = tpu.memref_slice %arg4[%mul3A_2, %dma_wait3A_13] : memref<2048x128xf32, #tpu.memory_space<hbm>> -> memref<64x128xf32, #tpu.memory_space<hbm>>
      tpu.wait_dma2 semaphore(%run_scoped3A : memref<!tpu.dma_semaphore, #tpu.memory_space<semaphore_mem>>) src(%arg6 : memref<64x128xf32, #tpu.memory_space<vmem>>) dst(%dma_wait3A_14 : memref<64x128xf32, #tpu.memory_space<hbm>>)
      tpu.yield
    }) : () -> ()
    return
  }
}

module attributes {stable_mosaic.version = 14 : i64} {
  func.func @_topk_cells_kernel(%arg0: i32, %arg1: memref<8x2048xf32, #tpu.memory_space<vmem>>, %arg2: memref<128x8xf32, #tpu.memory_space<vmem>>, %arg3: memref<128x16xi32, #tpu.memory_space<vmem>>, %arg4: memref<128x16xf32, #tpu.memory_space<vmem>>, %arg5: memref<128x16xf32, #tpu.memory_space<vmem>>) attributes {dimension_semantics = [#tpu.dimension_semantics<arbitrary>], iteration_bounds = array<i64: 25>, scalar_prefetch = 0 : i64, scratch_operands = 2 : i64, tpu.core_type = #tpu.core_type<tc>, window_params = [{transform_indices = @transform_0, window_bounds = array<i64: 8, 2048>}, {pipeline_mode = #tpu.pipeline_mode<synchronous>, transform_indices = @transform_1, window_bounds = array<i64: 128, 8>}, {pipeline_mode = #tpu.pipeline_mode<synchronous>, transform_indices = @transform_2, window_bounds = array<i64: 128, 16>}]} {
    %eq3A = arith.constant 0 : i32
    %eq3A_0 = arith.cmpi eq, %arg0, %eq3A : i32
    %convert_element_type3A = arith.extui %eq3A_0 : i1 to i32
    %cond3A = arith.constant 0 : i32
    %cond3A_1 = arith.cmpi ne, %convert_element_type3A, %cond3A : i32
    scf.if %cond3A_1 {
      %broadcast_in_dim3A_598 = arith.constant 1.000000e+30 : f32
      %broadcast_in_dim3A_599 = vector.broadcast %broadcast_in_dim3A_598 : f32 to vector<128x16xf32>
      %swap3A_600 = arith.constant 0 : index
      %swap3A_601 = arith.constant 0 : index
      %swap3A_602 = vector.load %arg4[%swap3A_600, %swap3A_601] : memref<128x16xf32, #tpu.memory_space<vmem>>, vector<128x16xf32>
      tpu.vector_store %arg4[%swap3A_600, %swap3A_601], %broadcast_in_dim3A_599 {strides = array<i32>} : memref<128x16xf32, #tpu.memory_space<vmem>>, vector<128x16xf32>,
      %broadcast_in_dim3A_603 = arith.constant 1.000000e+09 : f32
      %broadcast_in_dim3A_604 = vector.broadcast %broadcast_in_dim3A_603 : f32 to vector<128x16xf32>
      %swap3A_605 = arith.constant 0 : index
      %swap3A_606 = arith.constant 0 : index
      %swap3A_607 = vector.load %arg5[%swap3A_605, %swap3A_606] : memref<128x16xf32, #tpu.memory_space<vmem>>, vector<128x16xf32>
      tpu.vector_store %arg5[%swap3A_605, %swap3A_606], %broadcast_in_dim3A_604 {strides = array<i32>} : memref<128x16xf32, #tpu.memory_space<vmem>>, vector<128x16xf32>,
    } else {
    }
    %get3A = arith.constant 0 : index
    %get3A_2 = arith.constant 0 : index
    %get3A_3 = vector.load %arg1[%get3A, %get3A_2] : memref<8x2048xf32, #tpu.memory_space<vmem>>, vector<1x2048xf32>
    %get3A_4 = arith.constant 1 : index
    %get3A_5 = arith.constant 0 : index
    %get3A_6 = vector.load %arg1[%get3A_4, %get3A_5] : memref<8x2048xf32, #tpu.memory_space<vmem>>, vector<1x2048xf32>
    %get3A_7 = arith.constant 2 : index
    %get3A_8 = arith.constant 0 : index
    %get3A_9 = vector.load %arg1[%get3A_7, %get3A_8] : memref<8x2048xf32, #tpu.memory_space<vmem>>, vector<1x2048xf32>
    %get3A_10 = arith.constant 0 : index
    %get3A_11 = arith.constant 0 : index
    %get3A_12 = vector.load %arg2[%get3A_10, %get3A_11] : memref<128x8xf32, #tpu.memory_space<vmem>>, vector<128x1xf32>
    %get3A_13 = arith.constant 0 : index
    %get3A_14 = arith.constant 1 : index
    %get3A_15 = vector.load %arg2[%get3A_13, %get3A_14] : memref<128x8xf32, #tpu.memory_space<vmem>>, vector<128x1xf32>
    %get3A_16 = arith.constant 0 : index
    %get3A_17 = arith.constant 2 : index
    %get3A_18 = vector.load %arg2[%get3A_16, %get3A_17] : memref<128x8xf32, #tpu.memory_space<vmem>>, vector<128x1xf32>
    %sub3A = vector.broadcast %get3A_12 : vector<128x1xf32> to vector<128x2048xf32>
    %sub3A_19 = vector.broadcast %get3A_3 : vector<1x2048xf32> to vector<128x2048xf32>
    %sub3A_20 = arith.subf %sub3A, %sub3A_19 : vector<128x2048xf32>
    %integer_pow3A = arith.mulf %sub3A_20, %sub3A_20 : vector<128x2048xf32>
    %sub3A_21 = vector.broadcast %get3A_15 : vector<128x1xf32> to vector<128x2048xf32>
    %sub3A_22 = vector.broadcast %get3A_6 : vector<1x2048xf32> to vector<128x2048xf32>
    %sub3A_23 = arith.subf %sub3A_21, %sub3A_22 : vector<128x2048xf32>
    %integer_pow3A_24 = arith.mulf %sub3A_23, %sub3A_23 : vector<128x2048xf32>
    %add3A = arith.addf %integer_pow3A, %integer_pow3A_24 : vector<128x2048xf32>
    %sub3A_25 = vector.broadcast %get3A_18 : vector<128x1xf32> to vector<128x2048xf32>
    %sub3A_26 = vector.broadcast %get3A_9 : vector<1x2048xf32> to vector<128x2048xf32>
    %sub3A_27 = arith.subf %sub3A_25, %sub3A_26 : vector<128x2048xf32>
    %integer_pow3A_28 = arith.mulf %sub3A_27, %sub3A_27 : vector<128x2048xf32>
    %add3A_29 = arith.addf %add3A, %integer_pow3A_28 : vector<128x2048xf32>
    %mul3A = arith.constant 2048 : i32
    %mul3A_30 = arith.muli %arg0, %mul3A : i32
    %convert_element_type3A_31 = arith.sitofp %mul3A_30 : i32 to f32
    %iota3A = tpu.iota {dimensions = array<i32: 1>} : vector<128x2048xi32>
    %convert_element_type3A_32 = arith.sitofp %iota3A : vector<128x2048xi32> to vector<128x2048xf32>
    %add3A_33 = vector.broadcast %convert_element_type3A_31 : f32 to vector<128x2048xf32>
    %add3A_34 = arith.addf %add3A_33, %convert_element_type3A_32 : vector<128x2048xf32>
    %reduce_min3A = arith.constant dense<0x7F800000> : vector<128xf32>
    %reduce_min3A_35 = vector.multi_reduction <minimumf>, %add3A_29, %reduce_min3A [1] : vector<128x2048xf32> to vector<128xf32>
    %broadcast_in_dim3A = vector.shape_cast %reduce_min3A_35 : vector<128xf32> to vector<128x1xf32>
    %eq3A_36 = vector.broadcast %broadcast_in_dim3A : vector<128x1xf32> to vector<128x2048xf32>
    %eq3A_37 = arith.cmpf oeq, %add3A_29, %eq3A_36 : vector<128x2048xf32>
    %jit3A = arith.constant 1.000000e+09 : f32
    %broadcast_in_dim3A_38 = vector.broadcast %jit3A : f32 to vector<128x2048xf32>
    %select_n3A = arith.select %eq3A_37, %add3A_34, %broadcast_in_dim3A_38 : vector<128x2048xi1>, vector<128x2048xf32>
    %reduce_min3A_39 = arith.constant dense<0x7F800000> : vector<128xf32>
    %reduce_min3A_40 = vector.multi_reduction <minimumf>, %select_n3A, %reduce_min3A_39 [1] : vector<128x2048xf32> to vector<128xf32>
    %broadcast_in_dim3A_41 = vector.shape_cast %reduce_min3A_40 : vector<128xf32> to vector<128x1xf32>
    %eq3A_42 = vector.broadcast %broadcast_in_dim3A_41 : vector<128x1xf32> to vector<128x2048xf32>
    %eq3A_43 = arith.cmpf oeq, %add3A_34, %eq3A_42 : vector<128x2048xf32>
    %jit3A_44 = arith.constant 1.000000e+30 : f32
    %broadcast_in_dim3A_45 = vector.broadcast %jit3A_44 : f32 to vector<128x2048xf32>
    %select_n3A_46 = arith.select %eq3A_43, %broadcast_in_dim3A_45, %add3A_29 : vector<128x2048xi1>, vector<128x2048xf32>
    %reduce_min3A_47 = arith.constant dense<0x7F800000> : vector<128xf32>
    %reduce_min3A_48 = vector.multi_reduction <minimumf>, %select_n3A_46, %reduce_min3A_47 [1] : vector<128x2048xf32> to vector<128xf32>
    %broadcast_in_dim3A_49 = vector.shape_cast %reduce_min3A_48 : vector<128xf32> to vector<128x1xf32>
    %eq3A_50 = vector.broadcast %broadcast_in_dim3A_49 : vector<128x1xf32> to vector<128x2048xf32>
    %eq3A_51 = arith.cmpf oeq, %select_n3A_46, %eq3A_50 : vector<128x2048xf32>
    %jit3A_52 = arith.constant 1.000000e+09 : f32
    %broadcast_in_dim3A_53 = vector.broadcast %jit3A_52 : f32 to vector<128x2048xf32>
    %select_n3A_54 = arith.select %eq3A_51, %add3A_34, %broadcast_in_dim3A_53 : vector<128x2048xi1>, vector<128x2048xf32>
    %reduce_min3A_55 = arith.constant dense<0x7F800000> : vector<128xf32>
    %reduce_min3A_56 = vector.multi_reduction <minimumf>, %select_n3A_54, %reduce_min3A_55 [1] : vector<128x2048xf32> to vector<128xf32>
    %broadcast_in_dim3A_57 = vector.shape_cast %reduce_min3A_56 : vector<128xf32> to vector<128x1xf32>
    %eq3A_58 = vector.broadcast %broadcast_in_dim3A_57 : vector<128x1xf32> to vector<128x2048xf32>
    %eq3A_59 = arith.cmpf oeq, %add3A_34, %eq3A_58 : vector<128x2048xf32>
    %jit3A_60 = arith.constant 1.000000e+30 : f32
    %broadcast_in_dim3A_61 = vector.broadcast %jit3A_60 : f32 to vector<128x2048xf32>
    %select_n3A_62 = arith.select %eq3A_59, %broadcast_in_dim3A_61, %select_n3A_46 : vector<128x2048xi1>, vector<128x2048xf32>
    %reduce_min3A_63 = arith.constant dense<0x7F800000> : vector<128xf32>
    %reduce_min3A_64 = vector.multi_reduction <minimumf>, %select_n3A_62, %reduce_min3A_63 [1] : vector<128x2048xf32> to vector<128xf32>
    %broadcast_in_dim3A_65 = vector.shape_cast %reduce_min3A_64 : vector<128xf32> to vector<128x1xf32>
    %eq3A_66 = vector.broadcast %broadcast_in_dim3A_65 : vector<128x1xf32> to vector<128x2048xf32>
    %eq3A_67 = arith.cmpf oeq, %select_n3A_62, %eq3A_66 : vector<128x2048xf32>
    %jit3A_68 = arith.constant 1.000000e+09 : f32
    %broadcast_in_dim3A_69 = vector.broadcast %jit3A_68 : f32 to vector<128x2048xf32>
    %select_n3A_70 = arith.select %eq3A_67, %add3A_34, %broadcast_in_dim3A_69 : vector<128x2048xi1>, vector<128x2048xf32>
    %reduce_min3A_71 = arith.constant dense<0x7F800000> : vector<128xf32>
    %reduce_min3A_72 = vector.multi_reduction <minimumf>, %select_n3A_70, %reduce_min3A_71 [1] : vector<128x2048xf32> to vector<128xf32>
    %broadcast_in_dim3A_73 = vector.shape_cast %reduce_min3A_72 : vector<128xf32> to vector<128x1xf32>
    %eq3A_74 = vector.broadcast %broadcast_in_dim3A_73 : vector<128x1xf32> to vector<128x2048xf32>
    %eq3A_75 = arith.cmpf oeq, %add3A_34, %eq3A_74 : vector<128x2048xf32>
    %jit3A_76 = arith.constant 1.000000e+30 : f32
    %broadcast_in_dim3A_77 = vector.broadcast %jit3A_76 : f32 to vector<128x2048xf32>
    %select_n3A_78 = arith.select %eq3A_75, %broadcast_in_dim3A_77, %select_n3A_62 : vector<128x2048xi1>, vector<128x2048xf32>
    %reduce_min3A_79 = arith.constant dense<0x7F800000> : vector<128xf32>
    %reduce_min3A_80 = vector.multi_reduction <minimumf>, %select_n3A_78, %reduce_min3A_79 [1] : vector<128x2048xf32> to vector<128xf32>
    %broadcast_in_dim3A_81 = vector.shape_cast %reduce_min3A_80 : vector<128xf32> to vector<128x1xf32>
    %eq3A_82 = vector.broadcast %broadcast_in_dim3A_81 : vector<128x1xf32> to vector<128x2048xf32>
    %eq3A_83 = arith.cmpf oeq, %select_n3A_78, %eq3A_82 : vector<128x2048xf32>
    %jit3A_84 = arith.constant 1.000000e+09 : f32
    %broadcast_in_dim3A_85 = vector.broadcast %jit3A_84 : f32 to vector<128x2048xf32>
    %select_n3A_86 = arith.select %eq3A_83, %add3A_34, %broadcast_in_dim3A_85 : vector<128x2048xi1>, vector<128x2048xf32>
    %reduce_min3A_87 = arith.constant dense<0x7F800000> : vector<128xf32>
    %reduce_min3A_88 = vector.multi_reduction <minimumf>, %select_n3A_86, %reduce_min3A_87 [1] : vector<128x2048xf32> to vector<128xf32>
    %broadcast_in_dim3A_89 = vector.shape_cast %reduce_min3A_88 : vector<128xf32> to vector<128x1xf32>
    %eq3A_90 = vector.broadcast %broadcast_in_dim3A_89 : vector<128x1xf32> to vector<128x2048xf32>
    %eq3A_91 = arith.cmpf oeq, %add3A_34, %eq3A_90 : vector<128x2048xf32>
    %jit3A_92 = arith.constant 1.000000e+30 : f32
    %broadcast_in_dim3A_93 = vector.broadcast %jit3A_92 : f32 to vector<128x2048xf32>
    %select_n3A_94 = arith.select %eq3A_91, %broadcast_in_dim3A_93, %select_n3A_78 : vector<128x2048xi1>, vector<128x2048xf32>
    %reduce_min3A_95 = arith.constant dense<0x7F800000> : vector<128xf32>
    %reduce_min3A_96 = vector.multi_reduction <minimumf>, %select_n3A_94, %reduce_min3A_95 [1] : vector<128x2048xf32> to vector<128xf32>
    %broadcast_in_dim3A_97 = vector.shape_cast %reduce_min3A_96 : vector<128xf32> to vector<128x1xf32>
    %eq3A_98 = vector.broadcast %broadcast_in_dim3A_97 : vector<128x1xf32> to vector<128x2048xf32>
    %eq3A_99 = arith.cmpf oeq, %select_n3A_94, %eq3A_98 : vector<128x2048xf32>
    %jit3A_100 = arith.constant 1.000000e+09 : f32
    %broadcast_in_dim3A_101 = vector.broadcast %jit3A_100 : f32 to vector<128x2048xf32>
    %select_n3A_102 = arith.select %eq3A_99, %add3A_34, %broadcast_in_dim3A_101 : vector<128x2048xi1>, vector<128x2048xf32>
    %reduce_min3A_103 = arith.constant dense<0x7F800000> : vector<128xf32>
    %reduce_min3A_104 = vector.multi_reduction <minimumf>, %select_n3A_102, %reduce_min3A_103 [1] : vector<128x2048xf32> to vector<128xf32>
    %broadcast_in_dim3A_105 = vector.shape_cast %reduce_min3A_104 : vector<128xf32> to vector<128x1xf32>
    %eq3A_106 = vector.broadcast %broadcast_in_dim3A_105 : vector<128x1xf32> to vector<128x2048xf32>
    %eq3A_107 = arith.cmpf oeq, %add3A_34, %eq3A_106 : vector<128x2048xf32>
    %jit3A_108 = arith.constant 1.000000e+30 : f32
    %broadcast_in_dim3A_109 = vector.broadcast %jit3A_108 : f32 to vector<128x2048xf32>
    %select_n3A_110 = arith.select %eq3A_107, %broadcast_in_dim3A_109, %select_n3A_94 : vector<128x2048xi1>, vector<128x2048xf32>
    %reduce_min3A_111 = arith.constant dense<0x7F800000> : vector<128xf32>
    %reduce_min3A_112 = vector.multi_reduction <minimumf>, %select_n3A_110, %reduce_min3A_111 [1] : vector<128x2048xf32> to vector<128xf32>
    %broadcast_in_dim3A_113 = vector.shape_cast %reduce_min3A_112 : vector<128xf32> to vector<128x1xf32>
    %eq3A_114 = vector.broadcast %broadcast_in_dim3A_113 : vector<128x1xf32> to vector<128x2048xf32>
    %eq3A_115 = arith.cmpf oeq, %select_n3A_110, %eq3A_114 : vector<128x2048xf32>
    %jit3A_116 = arith.constant 1.000000e+09 : f32
    %broadcast_in_dim3A_117 = vector.broadcast %jit3A_116 : f32 to vector<128x2048xf32>
    %select_n3A_118 = arith.select %eq3A_115, %add3A_34, %broadcast_in_dim3A_117 : vector<128x2048xi1>, vector<128x2048xf32>
    %reduce_min3A_119 = arith.constant dense<0x7F800000> : vector<128xf32>
    %reduce_min3A_120 = vector.multi_reduction <minimumf>, %select_n3A_118, %reduce_min3A_119 [1] : vector<128x2048xf32> to vector<128xf32>
    %broadcast_in_dim3A_121 = vector.shape_cast %reduce_min3A_120 : vector<128xf32> to vector<128x1xf32>
    %eq3A_122 = vector.broadcast %broadcast_in_dim3A_121 : vector<128x1xf32> to vector<128x2048xf32>
    %eq3A_123 = arith.cmpf oeq, %add3A_34, %eq3A_122 : vector<128x2048xf32>
    %jit3A_124 = arith.constant 1.000000e+30 : f32
    %broadcast_in_dim3A_125 = vector.broadcast %jit3A_124 : f32 to vector<128x2048xf32>
    %select_n3A_126 = arith.select %eq3A_123, %broadcast_in_dim3A_125, %select_n3A_110 : vector<128x2048xi1>, vector<128x2048xf32>
    %reduce_min3A_127 = arith.constant dense<0x7F800000> : vector<128xf32>
    %reduce_min3A_128 = vector.multi_reduction <minimumf>, %select_n3A_126, %reduce_min3A_127 [1] : vector<128x2048xf32> to vector<128xf32>
    %broadcast_in_dim3A_129 = vector.shape_cast %reduce_min3A_128 : vector<128xf32> to vector<128x1xf32>
    %eq3A_130 = vector.broadcast %broadcast_in_dim3A_129 : vector<128x1xf32> to vector<128x2048xf32>
    %eq3A_131 = arith.cmpf oeq, %select_n3A_126, %eq3A_130 : vector<128x2048xf32>
    %jit3A_132 = arith.constant 1.000000e+09 : f32
    %broadcast_in_dim3A_133 = vector.broadcast %jit3A_132 : f32 to vector<128x2048xf32>
    %select_n3A_134 = arith.select %eq3A_131, %add3A_34, %broadcast_in_dim3A_133 : vector<128x2048xi1>, vector<128x2048xf32>
    %reduce_min3A_135 = arith.constant dense<0x7F800000> : vector<128xf32>
    %reduce_min3A_136 = vector.multi_reduction <minimumf>, %select_n3A_134, %reduce_min3A_135 [1] : vector<128x2048xf32> to vector<128xf32>
    %broadcast_in_dim3A_137 = vector.shape_cast %reduce_min3A_136 : vector<128xf32> to vector<128x1xf32>
    %eq3A_138 = vector.broadcast %broadcast_in_dim3A_137 : vector<128x1xf32> to vector<128x2048xf32>
    %eq3A_139 = arith.cmpf oeq, %add3A_34, %eq3A_138 : vector<128x2048xf32>
    %jit3A_140 = arith.constant 1.000000e+30 : f32
    %broadcast_in_dim3A_141 = vector.broadcast %jit3A_140 : f32 to vector<128x2048xf32>
    %select_n3A_142 = arith.select %eq3A_139, %broadcast_in_dim3A_141, %select_n3A_126 : vector<128x2048xi1>, vector<128x2048xf32>
    %reduce_min3A_143 = arith.constant dense<0x7F800000> : vector<128xf32>
    %reduce_min3A_144 = vector.multi_reduction <minimumf>, %select_n3A_142, %reduce_min3A_143 [1] : vector<128x2048xf32> to vector<128xf32>
    %broadcast_in_dim3A_145 = vector.shape_cast %reduce_min3A_144 : vector<128xf32> to vector<128x1xf32>
    %eq3A_146 = vector.broadcast %broadcast_in_dim3A_145 : vector<128x1xf32> to vector<128x2048xf32>
    %eq3A_147 = arith.cmpf oeq, %select_n3A_142, %eq3A_146 : vector<128x2048xf32>
    %jit3A_148 = arith.constant 1.000000e+09 : f32
    %broadcast_in_dim3A_149 = vector.broadcast %jit3A_148 : f32 to vector<128x2048xf32>
    %select_n3A_150 = arith.select %eq3A_147, %add3A_34, %broadcast_in_dim3A_149 : vector<128x2048xi1>, vector<128x2048xf32>
    %reduce_min3A_151 = arith.constant dense<0x7F800000> : vector<128xf32>
    %reduce_min3A_152 = vector.multi_reduction <minimumf>, %select_n3A_150, %reduce_min3A_151 [1] : vector<128x2048xf32> to vector<128xf32>
    %broadcast_in_dim3A_153 = vector.shape_cast %reduce_min3A_152 : vector<128xf32> to vector<128x1xf32>
    %eq3A_154 = vector.broadcast %broadcast_in_dim3A_153 : vector<128x1xf32> to vector<128x2048xf32>
    %eq3A_155 = arith.cmpf oeq, %add3A_34, %eq3A_154 : vector<128x2048xf32>
    %jit3A_156 = arith.constant 1.000000e+30 : f32
    %broadcast_in_dim3A_157 = vector.broadcast %jit3A_156 : f32 to vector<128x2048xf32>
    %select_n3A_158 = arith.select %eq3A_155, %broadcast_in_dim3A_157, %select_n3A_142 : vector<128x2048xi1>, vector<128x2048xf32>
    %reduce_min3A_159 = arith.constant dense<0x7F800000> : vector<128xf32>
    %reduce_min3A_160 = vector.multi_reduction <minimumf>, %select_n3A_158, %reduce_min3A_159 [1] : vector<128x2048xf32> to vector<128xf32>
    %broadcast_in_dim3A_161 = vector.shape_cast %reduce_min3A_160 : vector<128xf32> to vector<128x1xf32>
    %eq3A_162 = vector.broadcast %broadcast_in_dim3A_161 : vector<128x1xf32> to vector<128x2048xf32>
    %eq3A_163 = arith.cmpf oeq, %select_n3A_158, %eq3A_162 : vector<128x2048xf32>
    %jit3A_164 = arith.constant 1.000000e+09 : f32
    %broadcast_in_dim3A_165 = vector.broadcast %jit3A_164 : f32 to vector<128x2048xf32>
    %select_n3A_166 = arith.select %eq3A_163, %add3A_34, %broadcast_in_dim3A_165 : vector<128x2048xi1>, vector<128x2048xf32>
    %reduce_min3A_167 = arith.constant dense<0x7F800000> : vector<128xf32>
    %reduce_min3A_168 = vector.multi_reduction <minimumf>, %select_n3A_166, %reduce_min3A_167 [1] : vector<128x2048xf32> to vector<128xf32>
    %broadcast_in_dim3A_169 = vector.shape_cast %reduce_min3A_168 : vector<128xf32> to vector<128x1xf32>
    %eq3A_170 = vector.broadcast %broadcast_in_dim3A_169 : vector<128x1xf32> to vector<128x2048xf32>
    %eq3A_171 = arith.cmpf oeq, %add3A_34, %eq3A_170 : vector<128x2048xf32>
    %jit3A_172 = arith.constant 1.000000e+30 : f32
    %broadcast_in_dim3A_173 = vector.broadcast %jit3A_172 : f32 to vector<128x2048xf32>
    %select_n3A_174 = arith.select %eq3A_171, %broadcast_in_dim3A_173, %select_n3A_158 : vector<128x2048xi1>, vector<128x2048xf32>
    %reduce_min3A_175 = arith.constant dense<0x7F800000> : vector<128xf32>
    %reduce_min3A_176 = vector.multi_reduction <minimumf>, %select_n3A_174, %reduce_min3A_175 [1] : vector<128x2048xf32> to vector<128xf32>
    %broadcast_in_dim3A_177 = vector.shape_cast %reduce_min3A_176 : vector<128xf32> to vector<128x1xf32>
    %eq3A_178 = vector.broadcast %broadcast_in_dim3A_177 : vector<128x1xf32> to vector<128x2048xf32>
    %eq3A_179 = arith.cmpf oeq, %select_n3A_174, %eq3A_178 : vector<128x2048xf32>
    %jit3A_180 = arith.constant 1.000000e+09 : f32
    %broadcast_in_dim3A_181 = vector.broadcast %jit3A_180 : f32 to vector<128x2048xf32>
    %select_n3A_182 = arith.select %eq3A_179, %add3A_34, %broadcast_in_dim3A_181 : vector<128x2048xi1>, vector<128x2048xf32>
    %reduce_min3A_183 = arith.constant dense<0x7F800000> : vector<128xf32>
    %reduce_min3A_184 = vector.multi_reduction <minimumf>, %select_n3A_182, %reduce_min3A_183 [1] : vector<128x2048xf32> to vector<128xf32>
    %broadcast_in_dim3A_185 = vector.shape_cast %reduce_min3A_184 : vector<128xf32> to vector<128x1xf32>
    %eq3A_186 = vector.broadcast %broadcast_in_dim3A_185 : vector<128x1xf32> to vector<128x2048xf32>
    %eq3A_187 = arith.cmpf oeq, %add3A_34, %eq3A_186 : vector<128x2048xf32>
    %jit3A_188 = arith.constant 1.000000e+30 : f32
    %broadcast_in_dim3A_189 = vector.broadcast %jit3A_188 : f32 to vector<128x2048xf32>
    %select_n3A_190 = arith.select %eq3A_187, %broadcast_in_dim3A_189, %select_n3A_174 : vector<128x2048xi1>, vector<128x2048xf32>
    %reduce_min3A_191 = arith.constant dense<0x7F800000> : vector<128xf32>
    %reduce_min3A_192 = vector.multi_reduction <minimumf>, %select_n3A_190, %reduce_min3A_191 [1] : vector<128x2048xf32> to vector<128xf32>
    %broadcast_in_dim3A_193 = vector.shape_cast %reduce_min3A_192 : vector<128xf32> to vector<128x1xf32>
    %eq3A_194 = vector.broadcast %broadcast_in_dim3A_193 : vector<128x1xf32> to vector<128x2048xf32>
    %eq3A_195 = arith.cmpf oeq, %select_n3A_190, %eq3A_194 : vector<128x2048xf32>
    %jit3A_196 = arith.constant 1.000000e+09 : f32
    %broadcast_in_dim3A_197 = vector.broadcast %jit3A_196 : f32 to vector<128x2048xf32>
    %select_n3A_198 = arith.select %eq3A_195, %add3A_34, %broadcast_in_dim3A_197 : vector<128x2048xi1>, vector<128x2048xf32>
    %reduce_min3A_199 = arith.constant dense<0x7F800000> : vector<128xf32>
    %reduce_min3A_200 = vector.multi_reduction <minimumf>, %select_n3A_198, %reduce_min3A_199 [1] : vector<128x2048xf32> to vector<128xf32>
    %broadcast_in_dim3A_201 = vector.shape_cast %reduce_min3A_200 : vector<128xf32> to vector<128x1xf32>
    %eq3A_202 = vector.broadcast %broadcast_in_dim3A_201 : vector<128x1xf32> to vector<128x2048xf32>
    %eq3A_203 = arith.cmpf oeq, %add3A_34, %eq3A_202 : vector<128x2048xf32>
    %jit3A_204 = arith.constant 1.000000e+30 : f32
    %broadcast_in_dim3A_205 = vector.broadcast %jit3A_204 : f32 to vector<128x2048xf32>
    %select_n3A_206 = arith.select %eq3A_203, %broadcast_in_dim3A_205, %select_n3A_190 : vector<128x2048xi1>, vector<128x2048xf32>
    %reduce_min3A_207 = arith.constant dense<0x7F800000> : vector<128xf32>
    %reduce_min3A_208 = vector.multi_reduction <minimumf>, %select_n3A_206, %reduce_min3A_207 [1] : vector<128x2048xf32> to vector<128xf32>
    %broadcast_in_dim3A_209 = vector.shape_cast %reduce_min3A_208 : vector<128xf32> to vector<128x1xf32>
    %eq3A_210 = vector.broadcast %broadcast_in_dim3A_209 : vector<128x1xf32> to vector<128x2048xf32>
    %eq3A_211 = arith.cmpf oeq, %select_n3A_206, %eq3A_210 : vector<128x2048xf32>
    %jit3A_212 = arith.constant 1.000000e+09 : f32
    %broadcast_in_dim3A_213 = vector.broadcast %jit3A_212 : f32 to vector<128x2048xf32>
    %select_n3A_214 = arith.select %eq3A_211, %add3A_34, %broadcast_in_dim3A_213 : vector<128x2048xi1>, vector<128x2048xf32>
    %reduce_min3A_215 = arith.constant dense<0x7F800000> : vector<128xf32>
    %reduce_min3A_216 = vector.multi_reduction <minimumf>, %select_n3A_214, %reduce_min3A_215 [1] : vector<128x2048xf32> to vector<128xf32>
    %broadcast_in_dim3A_217 = vector.shape_cast %reduce_min3A_216 : vector<128xf32> to vector<128x1xf32>
    %eq3A_218 = vector.broadcast %broadcast_in_dim3A_217 : vector<128x1xf32> to vector<128x2048xf32>
    %eq3A_219 = arith.cmpf oeq, %add3A_34, %eq3A_218 : vector<128x2048xf32>
    %jit3A_220 = arith.constant 1.000000e+30 : f32
    %broadcast_in_dim3A_221 = vector.broadcast %jit3A_220 : f32 to vector<128x2048xf32>
    %select_n3A_222 = arith.select %eq3A_219, %broadcast_in_dim3A_221, %select_n3A_206 : vector<128x2048xi1>, vector<128x2048xf32>
    %reduce_min3A_223 = arith.constant dense<0x7F800000> : vector<128xf32>
    %reduce_min3A_224 = vector.multi_reduction <minimumf>, %select_n3A_222, %reduce_min3A_223 [1] : vector<128x2048xf32> to vector<128xf32>
    %broadcast_in_dim3A_225 = vector.shape_cast %reduce_min3A_224 : vector<128xf32> to vector<128x1xf32>
    %eq3A_226 = vector.broadcast %broadcast_in_dim3A_225 : vector<128x1xf32> to vector<128x2048xf32>
    %eq3A_227 = arith.cmpf oeq, %select_n3A_222, %eq3A_226 : vector<128x2048xf32>
    %jit3A_228 = arith.constant 1.000000e+09 : f32
    %broadcast_in_dim3A_229 = vector.broadcast %jit3A_228 : f32 to vector<128x2048xf32>
    %select_n3A_230 = arith.select %eq3A_227, %add3A_34, %broadcast_in_dim3A_229 : vector<128x2048xi1>, vector<128x2048xf32>
    %reduce_min3A_231 = arith.constant dense<0x7F800000> : vector<128xf32>
    %reduce_min3A_232 = vector.multi_reduction <minimumf>, %select_n3A_230, %reduce_min3A_231 [1] : vector<128x2048xf32> to vector<128xf32>
    %broadcast_in_dim3A_233 = vector.shape_cast %reduce_min3A_232 : vector<128xf32> to vector<128x1xf32>
    %eq3A_234 = vector.broadcast %broadcast_in_dim3A_233 : vector<128x1xf32> to vector<128x2048xf32>
    %eq3A_235 = arith.cmpf oeq, %add3A_34, %eq3A_234 : vector<128x2048xf32>
    %jit3A_236 = arith.constant 1.000000e+30 : f32
    %broadcast_in_dim3A_237 = vector.broadcast %jit3A_236 : f32 to vector<128x2048xf32>
    %select_n3A_238 = arith.select %eq3A_235, %broadcast_in_dim3A_237, %select_n3A_222 : vector<128x2048xi1>, vector<128x2048xf32>
    %reduce_min3A_239 = arith.constant dense<0x7F800000> : vector<128xf32>
    %reduce_min3A_240 = vector.multi_reduction <minimumf>, %select_n3A_238, %reduce_min3A_239 [1] : vector<128x2048xf32> to vector<128xf32>
    %broadcast_in_dim3A_241 = vector.shape_cast %reduce_min3A_240 : vector<128xf32> to vector<128x1xf32>
    %eq3A_242 = vector.broadcast %broadcast_in_dim3A_241 : vector<128x1xf32> to vector<128x2048xf32>
    %eq3A_243 = arith.cmpf oeq, %select_n3A_238, %eq3A_242 : vector<128x2048xf32>
    %jit3A_244 = arith.constant 1.000000e+09 : f32
    %broadcast_in_dim3A_245 = vector.broadcast %jit3A_244 : f32 to vector<128x2048xf32>
    %select_n3A_246 = arith.select %eq3A_243, %add3A_34, %broadcast_in_dim3A_245 : vector<128x2048xi1>, vector<128x2048xf32>
    %reduce_min3A_247 = arith.constant dense<0x7F800000> : vector<128xf32>
    %reduce_min3A_248 = vector.multi_reduction <minimumf>, %select_n3A_246, %reduce_min3A_247 [1] : vector<128x2048xf32> to vector<128xf32>
    %broadcast_in_dim3A_249 = vector.shape_cast %reduce_min3A_248 : vector<128xf32> to vector<128x1xf32>
    %eq3A_250 = vector.broadcast %broadcast_in_dim3A_249 : vector<128x1xf32> to vector<128x2048xf32>
    %eq3A_251 = arith.cmpf oeq, %add3A_34, %eq3A_250 : vector<128x2048xf32>
    %jit3A_252 = arith.constant 1.000000e+30 : f32
    %broadcast_in_dim3A_253 = vector.broadcast %jit3A_252 : f32 to vector<128x2048xf32>
    %select_n3A_254 = arith.select %eq3A_251, %broadcast_in_dim3A_253, %select_n3A_238 : vector<128x2048xi1>, vector<128x2048xf32>
    %reduce_min3A_255 = arith.constant dense<0x7F800000> : vector<128xf32>
    %reduce_min3A_256 = vector.multi_reduction <minimumf>, %select_n3A_254, %reduce_min3A_255 [1] : vector<128x2048xf32> to vector<128xf32>
    %broadcast_in_dim3A_257 = vector.shape_cast %reduce_min3A_256 : vector<128xf32> to vector<128x1xf32>
    %eq3A_258 = vector.broadcast %broadcast_in_dim3A_257 : vector<128x1xf32> to vector<128x2048xf32>
    %eq3A_259 = arith.cmpf oeq, %select_n3A_254, %eq3A_258 : vector<128x2048xf32>
    %jit3A_260 = arith.constant 1.000000e+09 : f32
    %broadcast_in_dim3A_261 = vector.broadcast %jit3A_260 : f32 to vector<128x2048xf32>
    %select_n3A_262 = arith.select %eq3A_259, %add3A_34, %broadcast_in_dim3A_261 : vector<128x2048xi1>, vector<128x2048xf32>
    %reduce_min3A_263 = arith.constant dense<0x7F800000> : vector<128xf32>
    %reduce_min3A_264 = vector.multi_reduction <minimumf>, %select_n3A_262, %reduce_min3A_263 [1] : vector<128x2048xf32> to vector<128xf32>
    %broadcast_in_dim3A_265 = vector.shape_cast %reduce_min3A_264 : vector<128xf32> to vector<128x1xf32>
    %eq3A_266 = vector.broadcast %broadcast_in_dim3A_265 : vector<128x1xf32> to vector<128x2048xf32>
    %eq3A_267 = arith.cmpf oeq, %add3A_34, %eq3A_266 : vector<128x2048xf32>
    %jit3A_268 = arith.constant 1.000000e+30 : f32
    %broadcast_in_dim3A_269 = vector.broadcast %jit3A_268 : f32 to vector<128x2048xf32>
    %select_n3A_270 = arith.select %eq3A_267, %broadcast_in_dim3A_269, %select_n3A_254 : vector<128x2048xi1>, vector<128x2048xf32>
    %reduce_min3A_271 = arith.constant dense<0x7F800000> : vector<128xf32>
    %reduce_min3A_272 = vector.multi_reduction <minimumf>, %select_n3A_270, %reduce_min3A_271 [1] : vector<128x2048xf32> to vector<128xf32>
    %broadcast_in_dim3A_273 = vector.shape_cast %reduce_min3A_272 : vector<128xf32> to vector<128x1xf32>
    %eq3A_274 = vector.broadcast %broadcast_in_dim3A_273 : vector<128x1xf32> to vector<128x2048xf32>
    %eq3A_275 = arith.cmpf oeq, %select_n3A_270, %eq3A_274 : vector<128x2048xf32>
    %jit3A_276 = arith.constant 1.000000e+09 : f32
    %broadcast_in_dim3A_277 = vector.broadcast %jit3A_276 : f32 to vector<128x2048xf32>
    %select_n3A_278 = arith.select %eq3A_275, %add3A_34, %broadcast_in_dim3A_277 : vector<128x2048xi1>, vector<128x2048xf32>
    %reduce_min3A_279 = arith.constant dense<0x7F800000> : vector<128xf32>
    %reduce_min3A_280 = vector.multi_reduction <minimumf>, %select_n3A_278, %reduce_min3A_279 [1] : vector<128x2048xf32> to vector<128xf32>
    %broadcast_in_dim3A_281 = vector.shape_cast %reduce_min3A_280 : vector<128xf32> to vector<128x1xf32>
    %get3A_282 = arith.constant 0 : index
    %get3A_283 = arith.constant 0 : index
    %get3A_284 = vector.load %arg4[%get3A_282, %get3A_283] : memref<128x16xf32, #tpu.memory_space<vmem>>, vector<128x16xf32>
    %concatenate3A = tpu.concatenate %get3A_284, %broadcast_in_dim3A, %broadcast_in_dim3A_49, %broadcast_in_dim3A_65, %broadcast_in_dim3A_81, %broadcast_in_dim3A_97, %broadcast_in_dim3A_113, %broadcast_in_dim3A_129, %broadcast_in_dim3A_145, %broadcast_in_dim3A_161, %broadcast_in_dim3A_177, %broadcast_in_dim3A_193, %broadcast_in_dim3A_209, %broadcast_in_dim3A_225, %broadcast_in_dim3A_241, %broadcast_in_dim3A_257, %broadcast_in_dim3A_273 in 1 : vector<128x16xf32>, vector<128x1xf32>, vector<128x1xf32>, vector<128x1xf32>, vector<128x1xf32>, vector<128x1xf32>, vector<128x1xf32>, vector<128x1xf32>, vector<128x1xf32>, vector<128x1xf32>, vector<128x1xf32>, vector<128x1xf32>, vector<128x1xf32>, vector<128x1xf32>, vector<128x1xf32>, vector<128x1xf32>, vector<128x1xf32> -> vector<128x32xf32>
    %get3A_285 = arith.constant 0 : index
    %get3A_286 = arith.constant 0 : index
    %get3A_287 = vector.load %arg5[%get3A_285, %get3A_286] : memref<128x16xf32, #tpu.memory_space<vmem>>, vector<128x16xf32>
    %concatenate3A_288 = tpu.concatenate %get3A_287, %broadcast_in_dim3A_41, %broadcast_in_dim3A_57, %broadcast_in_dim3A_73, %broadcast_in_dim3A_89, %broadcast_in_dim3A_105, %broadcast_in_dim3A_121, %broadcast_in_dim3A_137, %broadcast_in_dim3A_153, %broadcast_in_dim3A_169, %broadcast_in_dim3A_185, %broadcast_in_dim3A_201, %broadcast_in_dim3A_217, %broadcast_in_dim3A_233, %broadcast_in_dim3A_249, %broadcast_in_dim3A_265, %broadcast_in_dim3A_281 in 1 : vector<128x16xf32>, vector<128x1xf32>, vector<128x1xf32>, vector<128x1xf32>, vector<128x1xf32>, vector<128x1xf32>, vector<128x1xf32>, vector<128x1xf32>, vector<128x1xf32>, vector<128x1xf32>, vector<128x1xf32>, vector<128x1xf32>, vector<128x1xf32>, vector<128x1xf32>, vector<128x1xf32>, vector<128x1xf32>, vector<128x1xf32> -> vector<128x32xf32>
    %reduce_min3A_289 = arith.constant dense<0x7F800000> : vector<128xf32>
    %reduce_min3A_290 = vector.multi_reduction <minimumf>, %concatenate3A, %reduce_min3A_289 [1] : vector<128x32xf32> to vector<128xf32>
    %broadcast_in_dim3A_291 = vector.shape_cast %reduce_min3A_290 : vector<128xf32> to vector<128x1xf32>
    %eq3A_292 = vector.broadcast %broadcast_in_dim3A_291 : vector<128x1xf32> to vector<128x32xf32>
    %eq3A_293 = arith.cmpf oeq, %concatenate3A, %eq3A_292 : vector<128x32xf32>
    %jit3A_294 = arith.constant 1.000000e+09 : f32
    %broadcast_in_dim3A_295 = vector.broadcast %jit3A_294 : f32 to vector<128x32xf32>
    %select_n3A_296 = arith.select %eq3A_293, %concatenate3A_288, %broadcast_in_dim3A_295 : vector<128x32xi1>, vector<128x32xf32>
    %reduce_min3A_297 = arith.constant dense<0x7F800000> : vector<128xf32>
    %reduce_min3A_298 = vector.multi_reduction <minimumf>, %select_n3A_296, %reduce_min3A_297 [1] : vector<128x32xf32> to vector<128xf32>
    %broadcast_in_dim3A_299 = vector.shape_cast %reduce_min3A_298 : vector<128xf32> to vector<128x1xf32>
    %eq3A_300 = vector.broadcast %broadcast_in_dim3A_291 : vector<128x1xf32> to vector<128x32xf32>
    %eq3A_301 = arith.cmpf oeq, %concatenate3A, %eq3A_300 : vector<128x32xf32>
    %eq3A_302 = vector.broadcast %broadcast_in_dim3A_299 : vector<128x1xf32> to vector<128x32xf32>
    %eq3A_303 = arith.cmpf oeq, %concatenate3A_288, %eq3A_302 : vector<128x32xf32>
    %and3A = arith.andi %eq3A_301, %eq3A_303 : vector<128x32xi1>
    %jit3A_304 = arith.constant 1.000000e+30 : f32
    %broadcast_in_dim3A_305 = vector.broadcast %jit3A_304 : f32 to vector<128x32xf32>
    %select_n3A_306 = arith.select %and3A, %broadcast_in_dim3A_305, %concatenate3A : vector<128x32xi1>, vector<128x32xf32>
    %reduce_min3A_307 = arith.constant dense<0x7F800000> : vector<128xf32>
    %reduce_min3A_308 = vector.multi_reduction <minimumf>, %select_n3A_306, %reduce_min3A_307 [1] : vector<128x32xf32> to vector<128xf32>
    %broadcast_in_dim3A_309 = vector.shape_cast %reduce_min3A_308 : vector<128xf32> to vector<128x1xf32>
    %eq3A_310 = vector.broadcast %broadcast_in_dim3A_309 : vector<128x1xf32> to vector<128x32xf32>
    %eq3A_311 = arith.cmpf oeq, %select_n3A_306, %eq3A_310 : vector<128x32xf32>
    %jit3A_312 = arith.constant 1.000000e+09 : f32
    %broadcast_in_dim3A_313 = vector.broadcast %jit3A_312 : f32 to vector<128x32xf32>
    %select_n3A_314 = arith.select %eq3A_311, %concatenate3A_288, %broadcast_in_dim3A_313 : vector<128x32xi1>, vector<128x32xf32>
    %reduce_min3A_315 = arith.constant dense<0x7F800000> : vector<128xf32>
    %reduce_min3A_316 = vector.multi_reduction <minimumf>, %select_n3A_314, %reduce_min3A_315 [1] : vector<128x32xf32> to vector<128xf32>
    %broadcast_in_dim3A_317 = vector.shape_cast %reduce_min3A_316 : vector<128xf32> to vector<128x1xf32>
    %eq3A_318 = vector.broadcast %broadcast_in_dim3A_309 : vector<128x1xf32> to vector<128x32xf32>
    %eq3A_319 = arith.cmpf oeq, %select_n3A_306, %eq3A_318 : vector<128x32xf32>
    %eq3A_320 = vector.broadcast %broadcast_in_dim3A_317 : vector<128x1xf32> to vector<128x32xf32>
    %eq3A_321 = arith.cmpf oeq, %concatenate3A_288, %eq3A_320 : vector<128x32xf32>
    %and3A_322 = arith.andi %eq3A_319, %eq3A_321 : vector<128x32xi1>
    %jit3A_323 = arith.constant 1.000000e+30 : f32
    %broadcast_in_dim3A_324 = vector.broadcast %jit3A_323 : f32 to vector<128x32xf32>
    %select_n3A_325 = arith.select %and3A_322, %broadcast_in_dim3A_324, %select_n3A_306 : vector<128x32xi1>, vector<128x32xf32>
    %reduce_min3A_326 = arith.constant dense<0x7F800000> : vector<128xf32>
    %reduce_min3A_327 = vector.multi_reduction <minimumf>, %select_n3A_325, %reduce_min3A_326 [1] : vector<128x32xf32> to vector<128xf32>
    %broadcast_in_dim3A_328 = vector.shape_cast %reduce_min3A_327 : vector<128xf32> to vector<128x1xf32>
    %eq3A_329 = vector.broadcast %broadcast_in_dim3A_328 : vector<128x1xf32> to vector<128x32xf32>
    %eq3A_330 = arith.cmpf oeq, %select_n3A_325, %eq3A_329 : vector<128x32xf32>
    %jit3A_331 = arith.constant 1.000000e+09 : f32
    %broadcast_in_dim3A_332 = vector.broadcast %jit3A_331 : f32 to vector<128x32xf32>
    %select_n3A_333 = arith.select %eq3A_330, %concatenate3A_288, %broadcast_in_dim3A_332 : vector<128x32xi1>, vector<128x32xf32>
    %reduce_min3A_334 = arith.constant dense<0x7F800000> : vector<128xf32>
    %reduce_min3A_335 = vector.multi_reduction <minimumf>, %select_n3A_333, %reduce_min3A_334 [1] : vector<128x32xf32> to vector<128xf32>
    %broadcast_in_dim3A_336 = vector.shape_cast %reduce_min3A_335 : vector<128xf32> to vector<128x1xf32>
    %eq3A_337 = vector.broadcast %broadcast_in_dim3A_328 : vector<128x1xf32> to vector<128x32xf32>
    %eq3A_338 = arith.cmpf oeq, %select_n3A_325, %eq3A_337 : vector<128x32xf32>
    %eq3A_339 = vector.broadcast %broadcast_in_dim3A_336 : vector<128x1xf32> to vector<128x32xf32>
    %eq3A_340 = arith.cmpf oeq, %concatenate3A_288, %eq3A_339 : vector<128x32xf32>
    %and3A_341 = arith.andi %eq3A_338, %eq3A_340 : vector<128x32xi1>
    %jit3A_342 = arith.constant 1.000000e+30 : f32
    %broadcast_in_dim3A_343 = vector.broadcast %jit3A_342 : f32 to vector<128x32xf32>
    %select_n3A_344 = arith.select %and3A_341, %broadcast_in_dim3A_343, %select_n3A_325 : vector<128x32xi1>, vector<128x32xf32>
    %reduce_min3A_345 = arith.constant dense<0x7F800000> : vector<128xf32>
    %reduce_min3A_346 = vector.multi_reduction <minimumf>, %select_n3A_344, %reduce_min3A_345 [1] : vector<128x32xf32> to vector<128xf32>
    %broadcast_in_dim3A_347 = vector.shape_cast %reduce_min3A_346 : vector<128xf32> to vector<128x1xf32>
    %eq3A_348 = vector.broadcast %broadcast_in_dim3A_347 : vector<128x1xf32> to vector<128x32xf32>
    %eq3A_349 = arith.cmpf oeq, %select_n3A_344, %eq3A_348 : vector<128x32xf32>
    %jit3A_350 = arith.constant 1.000000e+09 : f32
    %broadcast_in_dim3A_351 = vector.broadcast %jit3A_350 : f32 to vector<128x32xf32>
    %select_n3A_352 = arith.select %eq3A_349, %concatenate3A_288, %broadcast_in_dim3A_351 : vector<128x32xi1>, vector<128x32xf32>
    %reduce_min3A_353 = arith.constant dense<0x7F800000> : vector<128xf32>
    %reduce_min3A_354 = vector.multi_reduction <minimumf>, %select_n3A_352, %reduce_min3A_353 [1] : vector<128x32xf32> to vector<128xf32>
    %broadcast_in_dim3A_355 = vector.shape_cast %reduce_min3A_354 : vector<128xf32> to vector<128x1xf32>
    %eq3A_356 = vector.broadcast %broadcast_in_dim3A_347 : vector<128x1xf32> to vector<128x32xf32>
    %eq3A_357 = arith.cmpf oeq, %select_n3A_344, %eq3A_356 : vector<128x32xf32>
    %eq3A_358 = vector.broadcast %broadcast_in_dim3A_355 : vector<128x1xf32> to vector<128x32xf32>
    %eq3A_359 = arith.cmpf oeq, %concatenate3A_288, %eq3A_358 : vector<128x32xf32>
    %and3A_360 = arith.andi %eq3A_357, %eq3A_359 : vector<128x32xi1>
    %jit3A_361 = arith.constant 1.000000e+30 : f32
    %broadcast_in_dim3A_362 = vector.broadcast %jit3A_361 : f32 to vector<128x32xf32>
    %select_n3A_363 = arith.select %and3A_360, %broadcast_in_dim3A_362, %select_n3A_344 : vector<128x32xi1>, vector<128x32xf32>
    %reduce_min3A_364 = arith.constant dense<0x7F800000> : vector<128xf32>
    %reduce_min3A_365 = vector.multi_reduction <minimumf>, %select_n3A_363, %reduce_min3A_364 [1] : vector<128x32xf32> to vector<128xf32>
    %broadcast_in_dim3A_366 = vector.shape_cast %reduce_min3A_365 : vector<128xf32> to vector<128x1xf32>
    %eq3A_367 = vector.broadcast %broadcast_in_dim3A_366 : vector<128x1xf32> to vector<128x32xf32>
    %eq3A_368 = arith.cmpf oeq, %select_n3A_363, %eq3A_367 : vector<128x32xf32>
    %jit3A_369 = arith.constant 1.000000e+09 : f32
    %broadcast_in_dim3A_370 = vector.broadcast %jit3A_369 : f32 to vector<128x32xf32>
    %select_n3A_371 = arith.select %eq3A_368, %concatenate3A_288, %broadcast_in_dim3A_370 : vector<128x32xi1>, vector<128x32xf32>
    %reduce_min3A_372 = arith.constant dense<0x7F800000> : vector<128xf32>
    %reduce_min3A_373 = vector.multi_reduction <minimumf>, %select_n3A_371, %reduce_min3A_372 [1] : vector<128x32xf32> to vector<128xf32>
    %broadcast_in_dim3A_374 = vector.shape_cast %reduce_min3A_373 : vector<128xf32> to vector<128x1xf32>
    %eq3A_375 = vector.broadcast %broadcast_in_dim3A_366 : vector<128x1xf32> to vector<128x32xf32>
    %eq3A_376 = arith.cmpf oeq, %select_n3A_363, %eq3A_375 : vector<128x32xf32>
    %eq3A_377 = vector.broadcast %broadcast_in_dim3A_374 : vector<128x1xf32> to vector<128x32xf32>
    %eq3A_378 = arith.cmpf oeq, %concatenate3A_288, %eq3A_377 : vector<128x32xf32>
    %and3A_379 = arith.andi %eq3A_376, %eq3A_378 : vector<128x32xi1>
    %jit3A_380 = arith.constant 1.000000e+30 : f32
    %broadcast_in_dim3A_381 = vector.broadcast %jit3A_380 : f32 to vector<128x32xf32>
    %select_n3A_382 = arith.select %and3A_379, %broadcast_in_dim3A_381, %select_n3A_363 : vector<128x32xi1>, vector<128x32xf32>
    %reduce_min3A_383 = arith.constant dense<0x7F800000> : vector<128xf32>
    %reduce_min3A_384 = vector.multi_reduction <minimumf>, %select_n3A_382, %reduce_min3A_383 [1] : vector<128x32xf32> to vector<128xf32>
    %broadcast_in_dim3A_385 = vector.shape_cast %reduce_min3A_384 : vector<128xf32> to vector<128x1xf32>
    %eq3A_386 = vector.broadcast %broadcast_in_dim3A_385 : vector<128x1xf32> to vector<128x32xf32>
    %eq3A_387 = arith.cmpf oeq, %select_n3A_382, %eq3A_386 : vector<128x32xf32>
    %jit3A_388 = arith.constant 1.000000e+09 : f32
    %broadcast_in_dim3A_389 = vector.broadcast %jit3A_388 : f32 to vector<128x32xf32>
    %select_n3A_390 = arith.select %eq3A_387, %concatenate3A_288, %broadcast_in_dim3A_389 : vector<128x32xi1>, vector<128x32xf32>
    %reduce_min3A_391 = arith.constant dense<0x7F800000> : vector<128xf32>
    %reduce_min3A_392 = vector.multi_reduction <minimumf>, %select_n3A_390, %reduce_min3A_391 [1] : vector<128x32xf32> to vector<128xf32>
    %broadcast_in_dim3A_393 = vector.shape_cast %reduce_min3A_392 : vector<128xf32> to vector<128x1xf32>
    %eq3A_394 = vector.broadcast %broadcast_in_dim3A_385 : vector<128x1xf32> to vector<128x32xf32>
    %eq3A_395 = arith.cmpf oeq, %select_n3A_382, %eq3A_394 : vector<128x32xf32>
    %eq3A_396 = vector.broadcast %broadcast_in_dim3A_393 : vector<128x1xf32> to vector<128x32xf32>
    %eq3A_397 = arith.cmpf oeq, %concatenate3A_288, %eq3A_396 : vector<128x32xf32>
    %and3A_398 = arith.andi %eq3A_395, %eq3A_397 : vector<128x32xi1>
    %jit3A_399 = arith.constant 1.000000e+30 : f32
    %broadcast_in_dim3A_400 = vector.broadcast %jit3A_399 : f32 to vector<128x32xf32>
    %select_n3A_401 = arith.select %and3A_398, %broadcast_in_dim3A_400, %select_n3A_382 : vector<128x32xi1>, vector<128x32xf32>
    %reduce_min3A_402 = arith.constant dense<0x7F800000> : vector<128xf32>
    %reduce_min3A_403 = vector.multi_reduction <minimumf>, %select_n3A_401, %reduce_min3A_402 [1] : vector<128x32xf32> to vector<128xf32>
    %broadcast_in_dim3A_404 = vector.shape_cast %reduce_min3A_403 : vector<128xf32> to vector<128x1xf32>
    %eq3A_405 = vector.broadcast %broadcast_in_dim3A_404 : vector<128x1xf32> to vector<128x32xf32>
    %eq3A_406 = arith.cmpf oeq, %select_n3A_401, %eq3A_405 : vector<128x32xf32>
    %jit3A_407 = arith.constant 1.000000e+09 : f32
    %broadcast_in_dim3A_408 = vector.broadcast %jit3A_407 : f32 to vector<128x32xf32>
    %select_n3A_409 = arith.select %eq3A_406, %concatenate3A_288, %broadcast_in_dim3A_408 : vector<128x32xi1>, vector<128x32xf32>
    %reduce_min3A_410 = arith.constant dense<0x7F800000> : vector<128xf32>
    %reduce_min3A_411 = vector.multi_reduction <minimumf>, %select_n3A_409, %reduce_min3A_410 [1] : vector<128x32xf32> to vector<128xf32>
    %broadcast_in_dim3A_412 = vector.shape_cast %reduce_min3A_411 : vector<128xf32> to vector<128x1xf32>
    %eq3A_413 = vector.broadcast %broadcast_in_dim3A_404 : vector<128x1xf32> to vector<128x32xf32>
    %eq3A_414 = arith.cmpf oeq, %select_n3A_401, %eq3A_413 : vector<128x32xf32>
    %eq3A_415 = vector.broadcast %broadcast_in_dim3A_412 : vector<128x1xf32> to vector<128x32xf32>
    %eq3A_416 = arith.cmpf oeq, %concatenate3A_288, %eq3A_415 : vector<128x32xf32>
    %and3A_417 = arith.andi %eq3A_414, %eq3A_416 : vector<128x32xi1>
    %jit3A_418 = arith.constant 1.000000e+30 : f32
    %broadcast_in_dim3A_419 = vector.broadcast %jit3A_418 : f32 to vector<128x32xf32>
    %select_n3A_420 = arith.select %and3A_417, %broadcast_in_dim3A_419, %select_n3A_401 : vector<128x32xi1>, vector<128x32xf32>
    %reduce_min3A_421 = arith.constant dense<0x7F800000> : vector<128xf32>
    %reduce_min3A_422 = vector.multi_reduction <minimumf>, %select_n3A_420, %reduce_min3A_421 [1] : vector<128x32xf32> to vector<128xf32>
    %broadcast_in_dim3A_423 = vector.shape_cast %reduce_min3A_422 : vector<128xf32> to vector<128x1xf32>
    %eq3A_424 = vector.broadcast %broadcast_in_dim3A_423 : vector<128x1xf32> to vector<128x32xf32>
    %eq3A_425 = arith.cmpf oeq, %select_n3A_420, %eq3A_424 : vector<128x32xf32>
    %jit3A_426 = arith.constant 1.000000e+09 : f32
    %broadcast_in_dim3A_427 = vector.broadcast %jit3A_426 : f32 to vector<128x32xf32>
    %select_n3A_428 = arith.select %eq3A_425, %concatenate3A_288, %broadcast_in_dim3A_427 : vector<128x32xi1>, vector<128x32xf32>
    %reduce_min3A_429 = arith.constant dense<0x7F800000> : vector<128xf32>
    %reduce_min3A_430 = vector.multi_reduction <minimumf>, %select_n3A_428, %reduce_min3A_429 [1] : vector<128x32xf32> to vector<128xf32>
    %broadcast_in_dim3A_431 = vector.shape_cast %reduce_min3A_430 : vector<128xf32> to vector<128x1xf32>
    %eq3A_432 = vector.broadcast %broadcast_in_dim3A_423 : vector<128x1xf32> to vector<128x32xf32>
    %eq3A_433 = arith.cmpf oeq, %select_n3A_420, %eq3A_432 : vector<128x32xf32>
    %eq3A_434 = vector.broadcast %broadcast_in_dim3A_431 : vector<128x1xf32> to vector<128x32xf32>
    %eq3A_435 = arith.cmpf oeq, %concatenate3A_288, %eq3A_434 : vector<128x32xf32>
    %and3A_436 = arith.andi %eq3A_433, %eq3A_435 : vector<128x32xi1>
    %jit3A_437 = arith.constant 1.000000e+30 : f32
    %broadcast_in_dim3A_438 = vector.broadcast %jit3A_437 : f32 to vector<128x32xf32>
    %select_n3A_439 = arith.select %and3A_436, %broadcast_in_dim3A_438, %select_n3A_420 : vector<128x32xi1>, vector<128x32xf32>
    %reduce_min3A_440 = arith.constant dense<0x7F800000> : vector<128xf32>
    %reduce_min3A_441 = vector.multi_reduction <minimumf>, %select_n3A_439, %reduce_min3A_440 [1] : vector<128x32xf32> to vector<128xf32>
    %broadcast_in_dim3A_442 = vector.shape_cast %reduce_min3A_441 : vector<128xf32> to vector<128x1xf32>
    %eq3A_443 = vector.broadcast %broadcast_in_dim3A_442 : vector<128x1xf32> to vector<128x32xf32>
    %eq3A_444 = arith.cmpf oeq, %select_n3A_439, %eq3A_443 : vector<128x32xf32>
    %jit3A_445 = arith.constant 1.000000e+09 : f32
    %broadcast_in_dim3A_446 = vector.broadcast %jit3A_445 : f32 to vector<128x32xf32>
    %select_n3A_447 = arith.select %eq3A_444, %concatenate3A_288, %broadcast_in_dim3A_446 : vector<128x32xi1>, vector<128x32xf32>
    %reduce_min3A_448 = arith.constant dense<0x7F800000> : vector<128xf32>
    %reduce_min3A_449 = vector.multi_reduction <minimumf>, %select_n3A_447, %reduce_min3A_448 [1] : vector<128x32xf32> to vector<128xf32>
    %broadcast_in_dim3A_450 = vector.shape_cast %reduce_min3A_449 : vector<128xf32> to vector<128x1xf32>
    %eq3A_451 = vector.broadcast %broadcast_in_dim3A_442 : vector<128x1xf32> to vector<128x32xf32>
    %eq3A_452 = arith.cmpf oeq, %select_n3A_439, %eq3A_451 : vector<128x32xf32>
    %eq3A_453 = vector.broadcast %broadcast_in_dim3A_450 : vector<128x1xf32> to vector<128x32xf32>
    %eq3A_454 = arith.cmpf oeq, %concatenate3A_288, %eq3A_453 : vector<128x32xf32>
    %and3A_455 = arith.andi %eq3A_452, %eq3A_454 : vector<128x32xi1>
    %jit3A_456 = arith.constant 1.000000e+30 : f32
    %broadcast_in_dim3A_457 = vector.broadcast %jit3A_456 : f32 to vector<128x32xf32>
    %select_n3A_458 = arith.select %and3A_455, %broadcast_in_dim3A_457, %select_n3A_439 : vector<128x32xi1>, vector<128x32xf32>
    %reduce_min3A_459 = arith.constant dense<0x7F800000> : vector<128xf32>
    %reduce_min3A_460 = vector.multi_reduction <minimumf>, %select_n3A_458, %reduce_min3A_459 [1] : vector<128x32xf32> to vector<128xf32>
    %broadcast_in_dim3A_461 = vector.shape_cast %reduce_min3A_460 : vector<128xf32> to vector<128x1xf32>
    %eq3A_462 = vector.broadcast %broadcast_in_dim3A_461 : vector<128x1xf32> to vector<128x32xf32>
    %eq3A_463 = arith.cmpf oeq, %select_n3A_458, %eq3A_462 : vector<128x32xf32>
    %jit3A_464 = arith.constant 1.000000e+09 : f32
    %broadcast_in_dim3A_465 = vector.broadcast %jit3A_464 : f32 to vector<128x32xf32>
    %select_n3A_466 = arith.select %eq3A_463, %concatenate3A_288, %broadcast_in_dim3A_465 : vector<128x32xi1>, vector<128x32xf32>
    %reduce_min3A_467 = arith.constant dense<0x7F800000> : vector<128xf32>
    %reduce_min3A_468 = vector.multi_reduction <minimumf>, %select_n3A_466, %reduce_min3A_467 [1] : vector<128x32xf32> to vector<128xf32>
    %broadcast_in_dim3A_469 = vector.shape_cast %reduce_min3A_468 : vector<128xf32> to vector<128x1xf32>
    %eq3A_470 = vector.broadcast %broadcast_in_dim3A_461 : vector<128x1xf32> to vector<128x32xf32>
    %eq3A_471 = arith.cmpf oeq, %select_n3A_458, %eq3A_470 : vector<128x32xf32>
    %eq3A_472 = vector.broadcast %broadcast_in_dim3A_469 : vector<128x1xf32> to vector<128x32xf32>
    %eq3A_473 = arith.cmpf oeq, %concatenate3A_288, %eq3A_472 : vector<128x32xf32>
    %and3A_474 = arith.andi %eq3A_471, %eq3A_473 : vector<128x32xi1>
    %jit3A_475 = arith.constant 1.000000e+30 : f32
    %broadcast_in_dim3A_476 = vector.broadcast %jit3A_475 : f32 to vector<128x32xf32>
    %select_n3A_477 = arith.select %and3A_474, %broadcast_in_dim3A_476, %select_n3A_458 : vector<128x32xi1>, vector<128x32xf32>
    %reduce_min3A_478 = arith.constant dense<0x7F800000> : vector<128xf32>
    %reduce_min3A_479 = vector.multi_reduction <minimumf>, %select_n3A_477, %reduce_min3A_478 [1] : vector<128x32xf32> to vector<128xf32>
    %broadcast_in_dim3A_480 = vector.shape_cast %reduce_min3A_479 : vector<128xf32> to vector<128x1xf32>
    %eq3A_481 = vector.broadcast %broadcast_in_dim3A_480 : vector<128x1xf32> to vector<128x32xf32>
    %eq3A_482 = arith.cmpf oeq, %select_n3A_477, %eq3A_481 : vector<128x32xf32>
    %jit3A_483 = arith.constant 1.000000e+09 : f32
    %broadcast_in_dim3A_484 = vector.broadcast %jit3A_483 : f32 to vector<128x32xf32>
    %select_n3A_485 = arith.select %eq3A_482, %concatenate3A_288, %broadcast_in_dim3A_484 : vector<128x32xi1>, vector<128x32xf32>
    %reduce_min3A_486 = arith.constant dense<0x7F800000> : vector<128xf32>
    %reduce_min3A_487 = vector.multi_reduction <minimumf>, %select_n3A_485, %reduce_min3A_486 [1] : vector<128x32xf32> to vector<128xf32>
    %broadcast_in_dim3A_488 = vector.shape_cast %reduce_min3A_487 : vector<128xf32> to vector<128x1xf32>
    %eq3A_489 = vector.broadcast %broadcast_in_dim3A_480 : vector<128x1xf32> to vector<128x32xf32>
    %eq3A_490 = arith.cmpf oeq, %select_n3A_477, %eq3A_489 : vector<128x32xf32>
    %eq3A_491 = vector.broadcast %broadcast_in_dim3A_488 : vector<128x1xf32> to vector<128x32xf32>
    %eq3A_492 = arith.cmpf oeq, %concatenate3A_288, %eq3A_491 : vector<128x32xf32>
    %and3A_493 = arith.andi %eq3A_490, %eq3A_492 : vector<128x32xi1>
    %jit3A_494 = arith.constant 1.000000e+30 : f32
    %broadcast_in_dim3A_495 = vector.broadcast %jit3A_494 : f32 to vector<128x32xf32>
    %select_n3A_496 = arith.select %and3A_493, %broadcast_in_dim3A_495, %select_n3A_477 : vector<128x32xi1>, vector<128x32xf32>
    %reduce_min3A_497 = arith.constant dense<0x7F800000> : vector<128xf32>
    %reduce_min3A_498 = vector.multi_reduction <minimumf>, %select_n3A_496, %reduce_min3A_497 [1] : vector<128x32xf32> to vector<128xf32>
    %broadcast_in_dim3A_499 = vector.shape_cast %reduce_min3A_498 : vector<128xf32> to vector<128x1xf32>
    %eq3A_500 = vector.broadcast %broadcast_in_dim3A_499 : vector<128x1xf32> to vector<128x32xf32>
    %eq3A_501 = arith.cmpf oeq, %select_n3A_496, %eq3A_500 : vector<128x32xf32>
    %jit3A_502 = arith.constant 1.000000e+09 : f32
    %broadcast_in_dim3A_503 = vector.broadcast %jit3A_502 : f32 to vector<128x32xf32>
    %select_n3A_504 = arith.select %eq3A_501, %concatenate3A_288, %broadcast_in_dim3A_503 : vector<128x32xi1>, vector<128x32xf32>
    %reduce_min3A_505 = arith.constant dense<0x7F800000> : vector<128xf32>
    %reduce_min3A_506 = vector.multi_reduction <minimumf>, %select_n3A_504, %reduce_min3A_505 [1] : vector<128x32xf32> to vector<128xf32>
    %broadcast_in_dim3A_507 = vector.shape_cast %reduce_min3A_506 : vector<128xf32> to vector<128x1xf32>
    %eq3A_508 = vector.broadcast %broadcast_in_dim3A_499 : vector<128x1xf32> to vector<128x32xf32>
    %eq3A_509 = arith.cmpf oeq, %select_n3A_496, %eq3A_508 : vector<128x32xf32>
    %eq3A_510 = vector.broadcast %broadcast_in_dim3A_507 : vector<128x1xf32> to vector<128x32xf32>
    %eq3A_511 = arith.cmpf oeq, %concatenate3A_288, %eq3A_510 : vector<128x32xf32>
    %and3A_512 = arith.andi %eq3A_509, %eq3A_511 : vector<128x32xi1>
    %jit3A_513 = arith.constant 1.000000e+30 : f32
    %broadcast_in_dim3A_514 = vector.broadcast %jit3A_513 : f32 to vector<128x32xf32>
    %select_n3A_515 = arith.select %and3A_512, %broadcast_in_dim3A_514, %select_n3A_496 : vector<128x32xi1>, vector<128x32xf32>
    %reduce_min3A_516 = arith.constant dense<0x7F800000> : vector<128xf32>
    %reduce_min3A_517 = vector.multi_reduction <minimumf>, %select_n3A_515, %reduce_min3A_516 [1] : vector<128x32xf32> to vector<128xf32>
    %broadcast_in_dim3A_518 = vector.shape_cast %reduce_min3A_517 : vector<128xf32> to vector<128x1xf32>
    %eq3A_519 = vector.broadcast %broadcast_in_dim3A_518 : vector<128x1xf32> to vector<128x32xf32>
    %eq3A_520 = arith.cmpf oeq, %select_n3A_515, %eq3A_519 : vector<128x32xf32>
    %jit3A_521 = arith.constant 1.000000e+09 : f32
    %broadcast_in_dim3A_522 = vector.broadcast %jit3A_521 : f32 to vector<128x32xf32>
    %select_n3A_523 = arith.select %eq3A_520, %concatenate3A_288, %broadcast_in_dim3A_522 : vector<128x32xi1>, vector<128x32xf32>
    %reduce_min3A_524 = arith.constant dense<0x7F800000> : vector<128xf32>
    %reduce_min3A_525 = vector.multi_reduction <minimumf>, %select_n3A_523, %reduce_min3A_524 [1] : vector<128x32xf32> to vector<128xf32>
    %broadcast_in_dim3A_526 = vector.shape_cast %reduce_min3A_525 : vector<128xf32> to vector<128x1xf32>
    %eq3A_527 = vector.broadcast %broadcast_in_dim3A_518 : vector<128x1xf32> to vector<128x32xf32>
    %eq3A_528 = arith.cmpf oeq, %select_n3A_515, %eq3A_527 : vector<128x32xf32>
    %eq3A_529 = vector.broadcast %broadcast_in_dim3A_526 : vector<128x1xf32> to vector<128x32xf32>
    %eq3A_530 = arith.cmpf oeq, %concatenate3A_288, %eq3A_529 : vector<128x32xf32>
    %and3A_531 = arith.andi %eq3A_528, %eq3A_530 : vector<128x32xi1>
    %jit3A_532 = arith.constant 1.000000e+30 : f32
    %broadcast_in_dim3A_533 = vector.broadcast %jit3A_532 : f32 to vector<128x32xf32>
    %select_n3A_534 = arith.select %and3A_531, %broadcast_in_dim3A_533, %select_n3A_515 : vector<128x32xi1>, vector<128x32xf32>
    %reduce_min3A_535 = arith.constant dense<0x7F800000> : vector<128xf32>
    %reduce_min3A_536 = vector.multi_reduction <minimumf>, %select_n3A_534, %reduce_min3A_535 [1] : vector<128x32xf32> to vector<128xf32>
    %broadcast_in_dim3A_537 = vector.shape_cast %reduce_min3A_536 : vector<128xf32> to vector<128x1xf32>
    %eq3A_538 = vector.broadcast %broadcast_in_dim3A_537 : vector<128x1xf32> to vector<128x32xf32>
    %eq3A_539 = arith.cmpf oeq, %select_n3A_534, %eq3A_538 : vector<128x32xf32>
    %jit3A_540 = arith.constant 1.000000e+09 : f32
    %broadcast_in_dim3A_541 = vector.broadcast %jit3A_540 : f32 to vector<128x32xf32>
    %select_n3A_542 = arith.select %eq3A_539, %concatenate3A_288, %broadcast_in_dim3A_541 : vector<128x32xi1>, vector<128x32xf32>
    %reduce_min3A_543 = arith.constant dense<0x7F800000> : vector<128xf32>
    %reduce_min3A_544 = vector.multi_reduction <minimumf>, %select_n3A_542, %reduce_min3A_543 [1] : vector<128x32xf32> to vector<128xf32>
    %broadcast_in_dim3A_545 = vector.shape_cast %reduce_min3A_544 : vector<128xf32> to vector<128x1xf32>
    %eq3A_546 = vector.broadcast %broadcast_in_dim3A_537 : vector<128x1xf32> to vector<128x32xf32>
    %eq3A_547 = arith.cmpf oeq, %select_n3A_534, %eq3A_546 : vector<128x32xf32>
    %eq3A_548 = vector.broadcast %broadcast_in_dim3A_545 : vector<128x1xf32> to vector<128x32xf32>
    %eq3A_549 = arith.cmpf oeq, %concatenate3A_288, %eq3A_548 : vector<128x32xf32>
    %and3A_550 = arith.andi %eq3A_547, %eq3A_549 : vector<128x32xi1>
    %jit3A_551 = arith.constant 1.000000e+30 : f32
    %broadcast_in_dim3A_552 = vector.broadcast %jit3A_551 : f32 to vector<128x32xf32>
    %select_n3A_553 = arith.select %and3A_550, %broadcast_in_dim3A_552, %select_n3A_534 : vector<128x32xi1>, vector<128x32xf32>
    %reduce_min3A_554 = arith.constant dense<0x7F800000> : vector<128xf32>
    %reduce_min3A_555 = vector.multi_reduction <minimumf>, %select_n3A_553, %reduce_min3A_554 [1] : vector<128x32xf32> to vector<128xf32>
    %broadcast_in_dim3A_556 = vector.shape_cast %reduce_min3A_555 : vector<128xf32> to vector<128x1xf32>
    %eq3A_557 = vector.broadcast %broadcast_in_dim3A_556 : vector<128x1xf32> to vector<128x32xf32>
    %eq3A_558 = arith.cmpf oeq, %select_n3A_553, %eq3A_557 : vector<128x32xf32>
    %jit3A_559 = arith.constant 1.000000e+09 : f32
    %broadcast_in_dim3A_560 = vector.broadcast %jit3A_559 : f32 to vector<128x32xf32>
    %select_n3A_561 = arith.select %eq3A_558, %concatenate3A_288, %broadcast_in_dim3A_560 : vector<128x32xi1>, vector<128x32xf32>
    %reduce_min3A_562 = arith.constant dense<0x7F800000> : vector<128xf32>
    %reduce_min3A_563 = vector.multi_reduction <minimumf>, %select_n3A_561, %reduce_min3A_562 [1] : vector<128x32xf32> to vector<128xf32>
    %broadcast_in_dim3A_564 = vector.shape_cast %reduce_min3A_563 : vector<128xf32> to vector<128x1xf32>
    %eq3A_565 = vector.broadcast %broadcast_in_dim3A_556 : vector<128x1xf32> to vector<128x32xf32>
    %eq3A_566 = arith.cmpf oeq, %select_n3A_553, %eq3A_565 : vector<128x32xf32>
    %eq3A_567 = vector.broadcast %broadcast_in_dim3A_564 : vector<128x1xf32> to vector<128x32xf32>
    %eq3A_568 = arith.cmpf oeq, %concatenate3A_288, %eq3A_567 : vector<128x32xf32>
    %and3A_569 = arith.andi %eq3A_566, %eq3A_568 : vector<128x32xi1>
    %jit3A_570 = arith.constant 1.000000e+30 : f32
    %broadcast_in_dim3A_571 = vector.broadcast %jit3A_570 : f32 to vector<128x32xf32>
    %select_n3A_572 = arith.select %and3A_569, %broadcast_in_dim3A_571, %select_n3A_553 : vector<128x32xi1>, vector<128x32xf32>
    %reduce_min3A_573 = arith.constant dense<0x7F800000> : vector<128xf32>
    %reduce_min3A_574 = vector.multi_reduction <minimumf>, %select_n3A_572, %reduce_min3A_573 [1] : vector<128x32xf32> to vector<128xf32>
    %broadcast_in_dim3A_575 = vector.shape_cast %reduce_min3A_574 : vector<128xf32> to vector<128x1xf32>
    %eq3A_576 = vector.broadcast %broadcast_in_dim3A_575 : vector<128x1xf32> to vector<128x32xf32>
    %eq3A_577 = arith.cmpf oeq, %select_n3A_572, %eq3A_576 : vector<128x32xf32>
    %jit3A_578 = arith.constant 1.000000e+09 : f32
    %broadcast_in_dim3A_579 = vector.broadcast %jit3A_578 : f32 to vector<128x32xf32>
    %select_n3A_580 = arith.select %eq3A_577, %concatenate3A_288, %broadcast_in_dim3A_579 : vector<128x32xi1>, vector<128x32xf32>
    %reduce_min3A_581 = arith.constant dense<0x7F800000> : vector<128xf32>
    %reduce_min3A_582 = vector.multi_reduction <minimumf>, %select_n3A_580, %reduce_min3A_581 [1] : vector<128x32xf32> to vector<128xf32>
    %broadcast_in_dim3A_583 = vector.shape_cast %reduce_min3A_582 : vector<128xf32> to vector<128x1xf32>
    %concatenate3A_584 = tpu.concatenate %broadcast_in_dim3A_291, %broadcast_in_dim3A_309, %broadcast_in_dim3A_328, %broadcast_in_dim3A_347, %broadcast_in_dim3A_366, %broadcast_in_dim3A_385, %broadcast_in_dim3A_404, %broadcast_in_dim3A_423, %broadcast_in_dim3A_442, %broadcast_in_dim3A_461, %broadcast_in_dim3A_480, %broadcast_in_dim3A_499, %broadcast_in_dim3A_518, %broadcast_in_dim3A_537, %broadcast_in_dim3A_556, %broadcast_in_dim3A_575 in 1 : vector<128x1xf32>, vector<128x1xf32>, vector<128x1xf32>, vector<128x1xf32>, vector<128x1xf32>, vector<128x1xf32>, vector<128x1xf32>, vector<128x1xf32>, vector<128x1xf32>, vector<128x1xf32>, vector<128x1xf32>, vector<128x1xf32>, vector<128x1xf32>, vector<128x1xf32>, vector<128x1xf32>, vector<128x1xf32> -> vector<128x16xf32>
    %swap3A = arith.constant 0 : index
    %swap3A_585 = arith.constant 0 : index
    %swap3A_586 = vector.load %arg4[%swap3A, %swap3A_585] : memref<128x16xf32, #tpu.memory_space<vmem>>, vector<128x16xf32>
    tpu.vector_store %arg4[%swap3A, %swap3A_585], %concatenate3A_584 {strides = array<i32>} : memref<128x16xf32, #tpu.memory_space<vmem>>, vector<128x16xf32>,
    %concatenate3A_587 = tpu.concatenate %broadcast_in_dim3A_299, %broadcast_in_dim3A_317, %broadcast_in_dim3A_336, %broadcast_in_dim3A_355, %broadcast_in_dim3A_374, %broadcast_in_dim3A_393, %broadcast_in_dim3A_412, %broadcast_in_dim3A_431, %broadcast_in_dim3A_450, %broadcast_in_dim3A_469, %broadcast_in_dim3A_488, %broadcast_in_dim3A_507, %broadcast_in_dim3A_526, %broadcast_in_dim3A_545, %broadcast_in_dim3A_564, %broadcast_in_dim3A_583 in 1 : vector<128x1xf32>, vector<128x1xf32>, vector<128x1xf32>, vector<128x1xf32>, vector<128x1xf32>, vector<128x1xf32>, vector<128x1xf32>, vector<128x1xf32>, vector<128x1xf32>, vector<128x1xf32>, vector<128x1xf32>, vector<128x1xf32>, vector<128x1xf32>, vector<128x1xf32>, vector<128x1xf32>, vector<128x1xf32> -> vector<128x16xf32>
    %swap3A_588 = arith.constant 0 : index
    %swap3A_589 = arith.constant 0 : index
    %swap3A_590 = vector.load %arg5[%swap3A_588, %swap3A_589] : memref<128x16xf32, #tpu.memory_space<vmem>>, vector<128x16xf32>
    tpu.vector_store %arg5[%swap3A_588, %swap3A_589], %concatenate3A_587 {strides = array<i32>} : memref<128x16xf32, #tpu.memory_space<vmem>>, vector<128x16xf32>,
    %get3A_591 = arith.constant 0 : index
    %get3A_592 = arith.constant 0 : index
    %get3A_593 = vector.load %arg5[%get3A_591, %get3A_592] : memref<128x16xf32, #tpu.memory_space<vmem>>, vector<128x16xf32>
    %convert_element_type3A_594 = arith.fptosi %get3A_593 : vector<128x16xf32> to vector<128x16xi32>
    %swap3A_595 = arith.constant 0 : index
    %swap3A_596 = arith.constant 0 : index
    %swap3A_597 = vector.load %arg3[%swap3A_595, %swap3A_596] : memref<128x16xi32, #tpu.memory_space<vmem>>, vector<128x16xi32>
    tpu.vector_store %arg3[%swap3A_595, %swap3A_596], %convert_element_type3A_594 {strides = array<i32>} : memref<128x16xi32, #tpu.memory_space<vmem>>, vector<128x16xi32>,
    return
  }
  func.func @transform_0(%arg0: i32) -> (i32, i32) {
    %c0_i32 = arith.constant 0 : i32
    %c0_i32_0 = arith.constant 0 : i32
    return %c0_i32, %arg0 : i32, i32
  }
  func.func @transform_1(%arg0: i32) -> (i32, i32) {
    %c0_i32 = arith.constant 0 : i32
    %c0_i32_0 = arith.constant 0 : i32
    %c0_i32_1 = arith.constant 0 : i32
    return %c0_i32, %c0_i32_0 : i32, i32
  }
  func.func @transform_2(%arg0: i32) -> (i32, i32) {
    %c0_i32 = arith.constant 0 : i32
    %c0_i32_0 = arith.constant 0 : i32
    %c0_i32_1 = arith.constant 0 : i32
    return %c0_i32, %c0_i32_0 : i32, i32
  }
}

module attributes {stable_mosaic.version = 14 : i64} {
  func.func @_dedup_kernel(%arg0: memref<128x128xi32, #tpu.memory_space<vmem>>, %arg1: memref<128x128xf32, #tpu.memory_space<vmem>>) attributes {dimension_semantics = [], scalar_prefetch = 0 : i64, scratch_operands = 0 : i64, tpu.core_type = #tpu.core_type<tc>} {
    %get3A = arith.constant 0 : index
    %get3A_0 = arith.constant 0 : index
    %get3A_1 = vector.load %arg0[%get3A, %get3A_0] : memref<128x128xi32, #tpu.memory_space<vmem>>, vector<128x128xi32>
    %iota3A = tpu.iota {dimensions = array<i32: 1>} : vector<128x128xi32>
    %broadcast_in_dim3A = arith.constant false
    %broadcast_in_dim3A_2 = vector.broadcast %broadcast_in_dim3A : i1 to vector<128x128xi1>
    %slice3A = vector.extract_strided_slice %get3A_1 {offsets = [0, 1], sizes = [128, 1], strides = [1, 1]} : vector<128x128xi32> to vector<128x1xi32>
    %eq3A = vector.broadcast %slice3A : vector<128x1xi32> to vector<128x128xi32>
    %eq3A_3 = arith.cmpi eq, %get3A_1, %eq3A : vector<128x128xi32>
    %lt3A = arith.constant 1 : i32
    %lt3A_4 = vector.broadcast %lt3A : i32 to vector<128x128xi32>
    %lt3A_5 = arith.cmpi slt, %iota3A, %lt3A_4 : vector<128x128xi32>
    %and3A = arith.andi %eq3A_3, %lt3A_5 : vector<128x128xi1>
    %reduce_or3A = arith.constant 1.000000e+00 : f32
    %reduce_or3A_6 = arith.constant 0.000000e+00 : f32
    %reduce_or3A_7 = vector.broadcast %reduce_or3A : f32 to vector<128x128xf32>
    %reduce_or3A_8 = vector.broadcast %reduce_or3A_6 : f32 to vector<128x128xf32>
    %reduce_or3A_9 = arith.select %and3A, %reduce_or3A_7, %reduce_or3A_8 : vector<128x128xi1>, vector<128x128xf32>
    %reduce_or3A_10 = arith.constant dense<0xFF800000> : vector<128xf32>
    %reduce_or3A_11 = vector.multi_reduction <maximumf>, %reduce_or3A_9, %reduce_or3A_10 [1] : vector<128x128xf32> to vector<128xf32>
    %reduce_or3A_12 = arith.constant 0.000000e+00 : f32
    %reduce_or3A_13 = vector.broadcast %reduce_or3A_12 : f32 to vector<128xf32>
    %reduce_or3A_14 = arith.cmpf ogt, %reduce_or3A_11, %reduce_or3A_13 : vector<128xf32>
    %broadcast_in_dim3A_15 = vector.shape_cast %reduce_or3A_14 : vector<128xi1> to vector<128x1xi1>
    %eq3A_16 = arith.constant 1 : i32
    %eq3A_17 = vector.broadcast %eq3A_16 : i32 to vector<128x128xi32>
    %eq3A_18 = arith.cmpi eq, %iota3A, %eq3A_17 : vector<128x128xi32>
    %and3A_19 = vector.broadcast %broadcast_in_dim3A_15 : vector<128x1xi1> to vector<128x128xi1>
    %and3A_20 = arith.andi %and3A_19, %eq3A_18 : vector<128x128xi1>
    %or3A = arith.ori %broadcast_in_dim3A_2, %and3A_20 : vector<128x128xi1>
    %slice3A_21 = vector.extract_strided_slice %get3A_1 {offsets = [0, 2], sizes = [128, 1], strides = [1, 1]} : vector<128x128xi32> to vector<128x1xi32>
    %eq3A_22 = vector.broadcast %slice3A_21 : vector<128x1xi32> to vector<128x128xi32>
    %eq3A_23 = arith.cmpi eq, %get3A_1, %eq3A_22 : vector<128x128xi32>
    %lt3A_24 = arith.constant 2 : i32
    %lt3A_25 = vector.broadcast %lt3A_24 : i32 to vector<128x128xi32>
    %lt3A_26 = arith.cmpi slt, %iota3A, %lt3A_25 : vector<128x128xi32>
    %and3A_27 = arith.andi %eq3A_23, %lt3A_26 : vector<128x128xi1>
    %reduce_or3A_28 = arith.constant 1.000000e+00 : f32
    %reduce_or3A_29 = arith.constant 0.000000e+00 : f32
    %reduce_or3A_30 = vector.broadcast %reduce_or3A_28 : f32 to vector<128x128xf32>
    %reduce_or3A_31 = vector.broadcast %reduce_or3A_29 : f32 to vector<128x128xf32>
    %reduce_or3A_32 = arith.select %and3A_27, %reduce_or3A_30, %reduce_or3A_31 : vector<128x128xi1>, vector<128x128xf32>
    %reduce_or3A_33 = arith.constant dense<0xFF800000> : vector<128xf32>
    %reduce_or3A_34 = vector.multi_reduction <maximumf>, %reduce_or3A_32, %reduce_or3A_33 [1] : vector<128x128xf32> to vector<128xf32>
    %reduce_or3A_35 = arith.constant 0.000000e+00 : f32
    %reduce_or3A_36 = vector.broadcast %reduce_or3A_35 : f32 to vector<128xf32>
    %reduce_or3A_37 = arith.cmpf ogt, %reduce_or3A_34, %reduce_or3A_36 : vector<128xf32>
    %broadcast_in_dim3A_38 = vector.shape_cast %reduce_or3A_37 : vector<128xi1> to vector<128x1xi1>
    %eq3A_39 = arith.constant 2 : i32
    %eq3A_40 = vector.broadcast %eq3A_39 : i32 to vector<128x128xi32>
    %eq3A_41 = arith.cmpi eq, %iota3A, %eq3A_40 : vector<128x128xi32>
    %and3A_42 = vector.broadcast %broadcast_in_dim3A_38 : vector<128x1xi1> to vector<128x128xi1>
    %and3A_43 = arith.andi %and3A_42, %eq3A_41 : vector<128x128xi1>
    %or3A_44 = arith.ori %or3A, %and3A_43 : vector<128x128xi1>
    %slice3A_45 = vector.extract_strided_slice %get3A_1 {offsets = [0, 3], sizes = [128, 1], strides = [1, 1]} : vector<128x128xi32> to vector<128x1xi32>
    %eq3A_46 = vector.broadcast %slice3A_45 : vector<128x1xi32> to vector<128x128xi32>
    %eq3A_47 = arith.cmpi eq, %get3A_1, %eq3A_46 : vector<128x128xi32>
    %lt3A_48 = arith.constant 3 : i32
    %lt3A_49 = vector.broadcast %lt3A_48 : i32 to vector<128x128xi32>
    %lt3A_50 = arith.cmpi slt, %iota3A, %lt3A_49 : vector<128x128xi32>
    %and3A_51 = arith.andi %eq3A_47, %lt3A_50 : vector<128x128xi1>
    %reduce_or3A_52 = arith.constant 1.000000e+00 : f32
    %reduce_or3A_53 = arith.constant 0.000000e+00 : f32
    %reduce_or3A_54 = vector.broadcast %reduce_or3A_52 : f32 to vector<128x128xf32>
    %reduce_or3A_55 = vector.broadcast %reduce_or3A_53 : f32 to vector<128x128xf32>
    %reduce_or3A_56 = arith.select %and3A_51, %reduce_or3A_54, %reduce_or3A_55 : vector<128x128xi1>, vector<128x128xf32>
    %reduce_or3A_57 = arith.constant dense<0xFF800000> : vector<128xf32>
    %reduce_or3A_58 = vector.multi_reduction <maximumf>, %reduce_or3A_56, %reduce_or3A_57 [1] : vector<128x128xf32> to vector<128xf32>
    %reduce_or3A_59 = arith.constant 0.000000e+00 : f32
    %reduce_or3A_60 = vector.broadcast %reduce_or3A_59 : f32 to vector<128xf32>
    %reduce_or3A_61 = arith.cmpf ogt, %reduce_or3A_58, %reduce_or3A_60 : vector<128xf32>
    %broadcast_in_dim3A_62 = vector.shape_cast %reduce_or3A_61 : vector<128xi1> to vector<128x1xi1>
    %eq3A_63 = arith.constant 3 : i32
    %eq3A_64 = vector.broadcast %eq3A_63 : i32 to vector<128x128xi32>
    %eq3A_65 = arith.cmpi eq, %iota3A, %eq3A_64 : vector<128x128xi32>
    %and3A_66 = vector.broadcast %broadcast_in_dim3A_62 : vector<128x1xi1> to vector<128x128xi1>
    %and3A_67 = arith.andi %and3A_66, %eq3A_65 : vector<128x128xi1>
    %or3A_68 = arith.ori %or3A_44, %and3A_67 : vector<128x128xi1>
    %slice3A_69 = vector.extract_strided_slice %get3A_1 {offsets = [0, 4], sizes = [128, 1], strides = [1, 1]} : vector<128x128xi32> to vector<128x1xi32>
    %eq3A_70 = vector.broadcast %slice3A_69 : vector<128x1xi32> to vector<128x128xi32>
    %eq3A_71 = arith.cmpi eq, %get3A_1, %eq3A_70 : vector<128x128xi32>
    %lt3A_72 = arith.constant 4 : i32
    %lt3A_73 = vector.broadcast %lt3A_72 : i32 to vector<128x128xi32>
    %lt3A_74 = arith.cmpi slt, %iota3A, %lt3A_73 : vector<128x128xi32>
    %and3A_75 = arith.andi %eq3A_71, %lt3A_74 : vector<128x128xi1>
    %reduce_or3A_76 = arith.constant 1.000000e+00 : f32
    %reduce_or3A_77 = arith.constant 0.000000e+00 : f32
    %reduce_or3A_78 = vector.broadcast %reduce_or3A_76 : f32 to vector<128x128xf32>
    %reduce_or3A_79 = vector.broadcast %reduce_or3A_77 : f32 to vector<128x128xf32>
    %reduce_or3A_80 = arith.select %and3A_75, %reduce_or3A_78, %reduce_or3A_79 : vector<128x128xi1>, vector<128x128xf32>
    %reduce_or3A_81 = arith.constant dense<0xFF800000> : vector<128xf32>
    %reduce_or3A_82 = vector.multi_reduction <maximumf>, %reduce_or3A_80, %reduce_or3A_81 [1] : vector<128x128xf32> to vector<128xf32>
    %reduce_or3A_83 = arith.constant 0.000000e+00 : f32
    %reduce_or3A_84 = vector.broadcast %reduce_or3A_83 : f32 to vector<128xf32>
    %reduce_or3A_85 = arith.cmpf ogt, %reduce_or3A_82, %reduce_or3A_84 : vector<128xf32>
    %broadcast_in_dim3A_86 = vector.shape_cast %reduce_or3A_85 : vector<128xi1> to vector<128x1xi1>
    %eq3A_87 = arith.constant 4 : i32
    %eq3A_88 = vector.broadcast %eq3A_87 : i32 to vector<128x128xi32>
    %eq3A_89 = arith.cmpi eq, %iota3A, %eq3A_88 : vector<128x128xi32>
    %and3A_90 = vector.broadcast %broadcast_in_dim3A_86 : vector<128x1xi1> to vector<128x128xi1>
    %and3A_91 = arith.andi %and3A_90, %eq3A_89 : vector<128x128xi1>
    %or3A_92 = arith.ori %or3A_68, %and3A_91 : vector<128x128xi1>
    %slice3A_93 = vector.extract_strided_slice %get3A_1 {offsets = [0, 5], sizes = [128, 1], strides = [1, 1]} : vector<128x128xi32> to vector<128x1xi32>
    %eq3A_94 = vector.broadcast %slice3A_93 : vector<128x1xi32> to vector<128x128xi32>
    %eq3A_95 = arith.cmpi eq, %get3A_1, %eq3A_94 : vector<128x128xi32>
    %lt3A_96 = arith.constant 5 : i32
    %lt3A_97 = vector.broadcast %lt3A_96 : i32 to vector<128x128xi32>
    %lt3A_98 = arith.cmpi slt, %iota3A, %lt3A_97 : vector<128x128xi32>
    %and3A_99 = arith.andi %eq3A_95, %lt3A_98 : vector<128x128xi1>
    %reduce_or3A_100 = arith.constant 1.000000e+00 : f32
    %reduce_or3A_101 = arith.constant 0.000000e+00 : f32
    %reduce_or3A_102 = vector.broadcast %reduce_or3A_100 : f32 to vector<128x128xf32>
    %reduce_or3A_103 = vector.broadcast %reduce_or3A_101 : f32 to vector<128x128xf32>
    %reduce_or3A_104 = arith.select %and3A_99, %reduce_or3A_102, %reduce_or3A_103 : vector<128x128xi1>, vector<128x128xf32>
    %reduce_or3A_105 = arith.constant dense<0xFF800000> : vector<128xf32>
    %reduce_or3A_106 = vector.multi_reduction <maximumf>, %reduce_or3A_104, %reduce_or3A_105 [1] : vector<128x128xf32> to vector<128xf32>
    %reduce_or3A_107 = arith.constant 0.000000e+00 : f32
    %reduce_or3A_108 = vector.broadcast %reduce_or3A_107 : f32 to vector<128xf32>
    %reduce_or3A_109 = arith.cmpf ogt, %reduce_or3A_106, %reduce_or3A_108 : vector<128xf32>
    %broadcast_in_dim3A_110 = vector.shape_cast %reduce_or3A_109 : vector<128xi1> to vector<128x1xi1>
    %eq3A_111 = arith.constant 5 : i32
    %eq3A_112 = vector.broadcast %eq3A_111 : i32 to vector<128x128xi32>
    %eq3A_113 = arith.cmpi eq, %iota3A, %eq3A_112 : vector<128x128xi32>
    %and3A_114 = vector.broadcast %broadcast_in_dim3A_110 : vector<128x1xi1> to vector<128x128xi1>
    %and3A_115 = arith.andi %and3A_114, %eq3A_113 : vector<128x128xi1>
    %or3A_116 = arith.ori %or3A_92, %and3A_115 : vector<128x128xi1>
    %slice3A_117 = vector.extract_strided_slice %get3A_1 {offsets = [0, 6], sizes = [128, 1], strides = [1, 1]} : vector<128x128xi32> to vector<128x1xi32>
    %eq3A_118 = vector.broadcast %slice3A_117 : vector<128x1xi32> to vector<128x128xi32>
    %eq3A_119 = arith.cmpi eq, %get3A_1, %eq3A_118 : vector<128x128xi32>
    %lt3A_120 = arith.constant 6 : i32
    %lt3A_121 = vector.broadcast %lt3A_120 : i32 to vector<128x128xi32>
    %lt3A_122 = arith.cmpi slt, %iota3A, %lt3A_121 : vector<128x128xi32>
    %and3A_123 = arith.andi %eq3A_119, %lt3A_122 : vector<128x128xi1>
    %reduce_or3A_124 = arith.constant 1.000000e+00 : f32
    %reduce_or3A_125 = arith.constant 0.000000e+00 : f32
    %reduce_or3A_126 = vector.broadcast %reduce_or3A_124 : f32 to vector<128x128xf32>
    %reduce_or3A_127 = vector.broadcast %reduce_or3A_125 : f32 to vector<128x128xf32>
    %reduce_or3A_128 = arith.select %and3A_123, %reduce_or3A_126, %reduce_or3A_127 : vector<128x128xi1>, vector<128x128xf32>
    %reduce_or3A_129 = arith.constant dense<0xFF800000> : vector<128xf32>
    %reduce_or3A_130 = vector.multi_reduction <maximumf>, %reduce_or3A_128, %reduce_or3A_129 [1] : vector<128x128xf32> to vector<128xf32>
    %reduce_or3A_131 = arith.constant 0.000000e+00 : f32
    %reduce_or3A_132 = vector.broadcast %reduce_or3A_131 : f32 to vector<128xf32>
    %reduce_or3A_133 = arith.cmpf ogt, %reduce_or3A_130, %reduce_or3A_132 : vector<128xf32>
    %broadcast_in_dim3A_134 = vector.shape_cast %reduce_or3A_133 : vector<128xi1> to vector<128x1xi1>
    %eq3A_135 = arith.constant 6 : i32
    %eq3A_136 = vector.broadcast %eq3A_135 : i32 to vector<128x128xi32>
    %eq3A_137 = arith.cmpi eq, %iota3A, %eq3A_136 : vector<128x128xi32>
    %and3A_138 = vector.broadcast %broadcast_in_dim3A_134 : vector<128x1xi1> to vector<128x128xi1>
    %and3A_139 = arith.andi %and3A_138, %eq3A_137 : vector<128x128xi1>
    %or3A_140 = arith.ori %or3A_116, %and3A_139 : vector<128x128xi1>
    %slice3A_141 = vector.extract_strided_slice %get3A_1 {offsets = [0, 7], sizes = [128, 1], strides = [1, 1]} : vector<128x128xi32> to vector<128x1xi32>
    %eq3A_142 = vector.broadcast %slice3A_141 : vector<128x1xi32> to vector<128x128xi32>
    %eq3A_143 = arith.cmpi eq, %get3A_1, %eq3A_142 : vector<128x128xi32>
    %lt3A_144 = arith.constant 7 : i32
    %lt3A_145 = vector.broadcast %lt3A_144 : i32 to vector<128x128xi32>
    %lt3A_146 = arith.cmpi slt, %iota3A, %lt3A_145 : vector<128x128xi32>
    %and3A_147 = arith.andi %eq3A_143, %lt3A_146 : vector<128x128xi1>
    %reduce_or3A_148 = arith.constant 1.000000e+00 : f32
    %reduce_or3A_149 = arith.constant 0.000000e+00 : f32
    %reduce_or3A_150 = vector.broadcast %reduce_or3A_148 : f32 to vector<128x128xf32>
    %reduce_or3A_151 = vector.broadcast %reduce_or3A_149 : f32 to vector<128x128xf32>
    %reduce_or3A_152 = arith.select %and3A_147, %reduce_or3A_150, %reduce_or3A_151 : vector<128x128xi1>, vector<128x128xf32>
    %reduce_or3A_153 = arith.constant dense<0xFF800000> : vector<128xf32>
    %reduce_or3A_154 = vector.multi_reduction <maximumf>, %reduce_or3A_152, %reduce_or3A_153 [1] : vector<128x128xf32> to vector<128xf32>
    %reduce_or3A_155 = arith.constant 0.000000e+00 : f32
    %reduce_or3A_156 = vector.broadcast %reduce_or3A_155 : f32 to vector<128xf32>
    %reduce_or3A_157 = arith.cmpf ogt, %reduce_or3A_154, %reduce_or3A_156 : vector<128xf32>
    %broadcast_in_dim3A_158 = vector.shape_cast %reduce_or3A_157 : vector<128xi1> to vector<128x1xi1>
    %eq3A_159 = arith.constant 7 : i32
    %eq3A_160 = vector.broadcast %eq3A_159 : i32 to vector<128x128xi32>
    %eq3A_161 = arith.cmpi eq, %iota3A, %eq3A_160 : vector<128x128xi32>
    %and3A_162 = vector.broadcast %broadcast_in_dim3A_158 : vector<128x1xi1> to vector<128x128xi1>
    %and3A_163 = arith.andi %and3A_162, %eq3A_161 : vector<128x128xi1>
    %or3A_164 = arith.ori %or3A_140, %and3A_163 : vector<128x128xi1>
    %slice3A_165 = vector.extract_strided_slice %get3A_1 {offsets = [0, 8], sizes = [128, 1], strides = [1, 1]} : vector<128x128xi32> to vector<128x1xi32>
    %eq3A_166 = vector.broadcast %slice3A_165 : vector<128x1xi32> to vector<128x128xi32>
    %eq3A_167 = arith.cmpi eq, %get3A_1, %eq3A_166 : vector<128x128xi32>
    %lt3A_168 = arith.constant 8 : i32
    %lt3A_169 = vector.broadcast %lt3A_168 : i32 to vector<128x128xi32>
    %lt3A_170 = arith.cmpi slt, %iota3A, %lt3A_169 : vector<128x128xi32>
    %and3A_171 = arith.andi %eq3A_167, %lt3A_170 : vector<128x128xi1>
    %reduce_or3A_172 = arith.constant 1.000000e+00 : f32
    %reduce_or3A_173 = arith.constant 0.000000e+00 : f32
    %reduce_or3A_174 = vector.broadcast %reduce_or3A_172 : f32 to vector<128x128xf32>
    %reduce_or3A_175 = vector.broadcast %reduce_or3A_173 : f32 to vector<128x128xf32>
    %reduce_or3A_176 = arith.select %and3A_171, %reduce_or3A_174, %reduce_or3A_175 : vector<128x128xi1>, vector<128x128xf32>
    %reduce_or3A_177 = arith.constant dense<0xFF800000> : vector<128xf32>
    %reduce_or3A_178 = vector.multi_reduction <maximumf>, %reduce_or3A_176, %reduce_or3A_177 [1] : vector<128x128xf32> to vector<128xf32>
    %reduce_or3A_179 = arith.constant 0.000000e+00 : f32
    %reduce_or3A_180 = vector.broadcast %reduce_or3A_179 : f32 to vector<128xf32>
    %reduce_or3A_181 = arith.cmpf ogt, %reduce_or3A_178, %reduce_or3A_180 : vector<128xf32>
    %broadcast_in_dim3A_182 = vector.shape_cast %reduce_or3A_181 : vector<128xi1> to vector<128x1xi1>
    %eq3A_183 = arith.constant 8 : i32
    %eq3A_184 = vector.broadcast %eq3A_183 : i32 to vector<128x128xi32>
    %eq3A_185 = arith.cmpi eq, %iota3A, %eq3A_184 : vector<128x128xi32>
    %and3A_186 = vector.broadcast %broadcast_in_dim3A_182 : vector<128x1xi1> to vector<128x128xi1>
    %and3A_187 = arith.andi %and3A_186, %eq3A_185 : vector<128x128xi1>
    %or3A_188 = arith.ori %or3A_164, %and3A_187 : vector<128x128xi1>
    %slice3A_189 = vector.extract_strided_slice %get3A_1 {offsets = [0, 9], sizes = [128, 1], strides = [1, 1]} : vector<128x128xi32> to vector<128x1xi32>
    %eq3A_190 = vector.broadcast %slice3A_189 : vector<128x1xi32> to vector<128x128xi32>
    %eq3A_191 = arith.cmpi eq, %get3A_1, %eq3A_190 : vector<128x128xi32>
    %lt3A_192 = arith.constant 9 : i32
    %lt3A_193 = vector.broadcast %lt3A_192 : i32 to vector<128x128xi32>
    %lt3A_194 = arith.cmpi slt, %iota3A, %lt3A_193 : vector<128x128xi32>
    %and3A_195 = arith.andi %eq3A_191, %lt3A_194 : vector<128x128xi1>
    %reduce_or3A_196 = arith.constant 1.000000e+00 : f32
    %reduce_or3A_197 = arith.constant 0.000000e+00 : f32
    %reduce_or3A_198 = vector.broadcast %reduce_or3A_196 : f32 to vector<128x128xf32>
    %reduce_or3A_199 = vector.broadcast %reduce_or3A_197 : f32 to vector<128x128xf32>
    %reduce_or3A_200 = arith.select %and3A_195, %reduce_or3A_198, %reduce_or3A_199 : vector<128x128xi1>, vector<128x128xf32>
    %reduce_or3A_201 = arith.constant dense<0xFF800000> : vector<128xf32>
    %reduce_or3A_202 = vector.multi_reduction <maximumf>, %reduce_or3A_200, %reduce_or3A_201 [1] : vector<128x128xf32> to vector<128xf32>
    %reduce_or3A_203 = arith.constant 0.000000e+00 : f32
    %reduce_or3A_204 = vector.broadcast %reduce_or3A_203 : f32 to vector<128xf32>
    %reduce_or3A_205 = arith.cmpf ogt, %reduce_or3A_202, %reduce_or3A_204 : vector<128xf32>
    %broadcast_in_dim3A_206 = vector.shape_cast %reduce_or3A_205 : vector<128xi1> to vector<128x1xi1>
    %eq3A_207 = arith.constant 9 : i32
    %eq3A_208 = vector.broadcast %eq3A_207 : i32 to vector<128x128xi32>
    %eq3A_209 = arith.cmpi eq, %iota3A, %eq3A_208 : vector<128x128xi32>
    %and3A_210 = vector.broadcast %broadcast_in_dim3A_206 : vector<128x1xi1> to vector<128x128xi1>
    %and3A_211 = arith.andi %and3A_210, %eq3A_209 : vector<128x128xi1>
    %or3A_212 = arith.ori %or3A_188, %and3A_211 : vector<128x128xi1>
    %slice3A_213 = vector.extract_strided_slice %get3A_1 {offsets = [0, 10], sizes = [128, 1], strides = [1, 1]} : vector<128x128xi32> to vector<128x1xi32>
    %eq3A_214 = vector.broadcast %slice3A_213 : vector<128x1xi32> to vector<128x128xi32>
    %eq3A_215 = arith.cmpi eq, %get3A_1, %eq3A_214 : vector<128x128xi32>
    %lt3A_216 = arith.constant 10 : i32
    %lt3A_217 = vector.broadcast %lt3A_216 : i32 to vector<128x128xi32>
    %lt3A_218 = arith.cmpi slt, %iota3A, %lt3A_217 : vector<128x128xi32>
    %and3A_219 = arith.andi %eq3A_215, %lt3A_218 : vector<128x128xi1>
    %reduce_or3A_220 = arith.constant 1.000000e+00 : f32
    %reduce_or3A_221 = arith.constant 0.000000e+00 : f32
    %reduce_or3A_222 = vector.broadcast %reduce_or3A_220 : f32 to vector<128x128xf32>
    %reduce_or3A_223 = vector.broadcast %reduce_or3A_221 : f32 to vector<128x128xf32>
    %reduce_or3A_224 = arith.select %and3A_219, %reduce_or3A_222, %reduce_or3A_223 : vector<128x128xi1>, vector<128x128xf32>
    %reduce_or3A_225 = arith.constant dense<0xFF800000> : vector<128xf32>
    %reduce_or3A_226 = vector.multi_reduction <maximumf>, %reduce_or3A_224, %reduce_or3A_225 [1] : vector<128x128xf32> to vector<128xf32>
    %reduce_or3A_227 = arith.constant 0.000000e+00 : f32
    %reduce_or3A_228 = vector.broadcast %reduce_or3A_227 : f32 to vector<128xf32>
    %reduce_or3A_229 = arith.cmpf ogt, %reduce_or3A_226, %reduce_or3A_228 : vector<128xf32>
    %broadcast_in_dim3A_230 = vector.shape_cast %reduce_or3A_229 : vector<128xi1> to vector<128x1xi1>
    %eq3A_231 = arith.constant 10 : i32
    %eq3A_232 = vector.broadcast %eq3A_231 : i32 to vector<128x128xi32>
    %eq3A_233 = arith.cmpi eq, %iota3A, %eq3A_232 : vector<128x128xi32>
    %and3A_234 = vector.broadcast %broadcast_in_dim3A_230 : vector<128x1xi1> to vector<128x128xi1>
    %and3A_235 = arith.andi %and3A_234, %eq3A_233 : vector<128x128xi1>
    %or3A_236 = arith.ori %or3A_212, %and3A_235 : vector<128x128xi1>
    %slice3A_237 = vector.extract_strided_slice %get3A_1 {offsets = [0, 11], sizes = [128, 1], strides = [1, 1]} : vector<128x128xi32> to vector<128x1xi32>
    %eq3A_238 = vector.broadcast %slice3A_237 : vector<128x1xi32> to vector<128x128xi32>
    %eq3A_239 = arith.cmpi eq, %get3A_1, %eq3A_238 : vector<128x128xi32>
    %lt3A_240 = arith.constant 11 : i32
    %lt3A_241 = vector.broadcast %lt3A_240 : i32 to vector<128x128xi32>
    %lt3A_242 = arith.cmpi slt, %iota3A, %lt3A_241 : vector<128x128xi32>
    %and3A_243 = arith.andi %eq3A_239, %lt3A_242 : vector<128x128xi1>
    %reduce_or3A_244 = arith.constant 1.000000e+00 : f32
    %reduce_or3A_245 = arith.constant 0.000000e+00 : f32
    %reduce_or3A_246 = vector.broadcast %reduce_or3A_244 : f32 to vector<128x128xf32>
    %reduce_or3A_247 = vector.broadcast %reduce_or3A_245 : f32 to vector<128x128xf32>
    %reduce_or3A_248 = arith.select %and3A_243, %reduce_or3A_246, %reduce_or3A_247 : vector<128x128xi1>, vector<128x128xf32>
    %reduce_or3A_249 = arith.constant dense<0xFF800000> : vector<128xf32>
    %reduce_or3A_250 = vector.multi_reduction <maximumf>, %reduce_or3A_248, %reduce_or3A_249 [1] : vector<128x128xf32> to vector<128xf32>
    %reduce_or3A_251 = arith.constant 0.000000e+00 : f32
    %reduce_or3A_252 = vector.broadcast %reduce_or3A_251 : f32 to vector<128xf32>
    %reduce_or3A_253 = arith.cmpf ogt, %reduce_or3A_250, %reduce_or3A_252 : vector<128xf32>
    %broadcast_in_dim3A_254 = vector.shape_cast %reduce_or3A_253 : vector<128xi1> to vector<128x1xi1>
    %eq3A_255 = arith.constant 11 : i32
    %eq3A_256 = vector.broadcast %eq3A_255 : i32 to vector<128x128xi32>
    %eq3A_257 = arith.cmpi eq, %iota3A, %eq3A_256 : vector<128x128xi32>
    %and3A_258 = vector.broadcast %broadcast_in_dim3A_254 : vector<128x1xi1> to vector<128x128xi1>
    %and3A_259 = arith.andi %and3A_258, %eq3A_257 : vector<128x128xi1>
    %or3A_260 = arith.ori %or3A_236, %and3A_259 : vector<128x128xi1>
    %slice3A_261 = vector.extract_strided_slice %get3A_1 {offsets = [0, 12], sizes = [128, 1], strides = [1, 1]} : vector<128x128xi32> to vector<128x1xi32>
    %eq3A_262 = vector.broadcast %slice3A_261 : vector<128x1xi32> to vector<128x128xi32>
    %eq3A_263 = arith.cmpi eq, %get3A_1, %eq3A_262 : vector<128x128xi32>
    %lt3A_264 = arith.constant 12 : i32
    %lt3A_265 = vector.broadcast %lt3A_264 : i32 to vector<128x128xi32>
    %lt3A_266 = arith.cmpi slt, %iota3A, %lt3A_265 : vector<128x128xi32>
    %and3A_267 = arith.andi %eq3A_263, %lt3A_266 : vector<128x128xi1>
    %reduce_or3A_268 = arith.constant 1.000000e+00 : f32
    %reduce_or3A_269 = arith.constant 0.000000e+00 : f32
    %reduce_or3A_270 = vector.broadcast %reduce_or3A_268 : f32 to vector<128x128xf32>
    %reduce_or3A_271 = vector.broadcast %reduce_or3A_269 : f32 to vector<128x128xf32>
    %reduce_or3A_272 = arith.select %and3A_267, %reduce_or3A_270, %reduce_or3A_271 : vector<128x128xi1>, vector<128x128xf32>
    %reduce_or3A_273 = arith.constant dense<0xFF800000> : vector<128xf32>
    %reduce_or3A_274 = vector.multi_reduction <maximumf>, %reduce_or3A_272, %reduce_or3A_273 [1] : vector<128x128xf32> to vector<128xf32>
    %reduce_or3A_275 = arith.constant 0.000000e+00 : f32
    %reduce_or3A_276 = vector.broadcast %reduce_or3A_275 : f32 to vector<128xf32>
    %reduce_or3A_277 = arith.cmpf ogt, %reduce_or3A_274, %reduce_or3A_276 : vector<128xf32>
    %broadcast_in_dim3A_278 = vector.shape_cast %reduce_or3A_277 : vector<128xi1> to vector<128x1xi1>
    %eq3A_279 = arith.constant 12 : i32
    %eq3A_280 = vector.broadcast %eq3A_279 : i32 to vector<128x128xi32>
    %eq3A_281 = arith.cmpi eq, %iota3A, %eq3A_280 : vector<128x128xi32>
    %and3A_282 = vector.broadcast %broadcast_in_dim3A_278 : vector<128x1xi1> to vector<128x128xi1>
    %and3A_283 = arith.andi %and3A_282, %eq3A_281 : vector<128x128xi1>
    %or3A_284 = arith.ori %or3A_260, %and3A_283 : vector<128x128xi1>
    %slice3A_285 = vector.extract_strided_slice %get3A_1 {offsets = [0, 13], sizes = [128, 1], strides = [1, 1]} : vector<128x128xi32> to vector<128x1xi32>
    %eq3A_286 = vector.broadcast %slice3A_285 : vector<128x1xi32> to vector<128x128xi32>
    %eq3A_287 = arith.cmpi eq, %get3A_1, %eq3A_286 : vector<128x128xi32>
    %lt3A_288 = arith.constant 13 : i32
    %lt3A_289 = vector.broadcast %lt3A_288 : i32 to vector<128x128xi32>
    %lt3A_290 = arith.cmpi slt, %iota3A, %lt3A_289 : vector<128x128xi32>
    %and3A_291 = arith.andi %eq3A_287, %lt3A_290 : vector<128x128xi1>
    %reduce_or3A_292 = arith.constant 1.000000e+00 : f32
    %reduce_or3A_293 = arith.constant 0.000000e+00 : f32
    %reduce_or3A_294 = vector.broadcast %reduce_or3A_292 : f32 to vector<128x128xf32>
    %reduce_or3A_295 = vector.broadcast %reduce_or3A_293 : f32 to vector<128x128xf32>
    %reduce_or3A_296 = arith.select %and3A_291, %reduce_or3A_294, %reduce_or3A_295 : vector<128x128xi1>, vector<128x128xf32>
    %reduce_or3A_297 = arith.constant dense<0xFF800000> : vector<128xf32>
    %reduce_or3A_298 = vector.multi_reduction <maximumf>, %reduce_or3A_296, %reduce_or3A_297 [1] : vector<128x128xf32> to vector<128xf32>
    %reduce_or3A_299 = arith.constant 0.000000e+00 : f32
    %reduce_or3A_300 = vector.broadcast %reduce_or3A_299 : f32 to vector<128xf32>
    %reduce_or3A_301 = arith.cmpf ogt, %reduce_or3A_298, %reduce_or3A_300 : vector<128xf32>
    %broadcast_in_dim3A_302 = vector.shape_cast %reduce_or3A_301 : vector<128xi1> to vector<128x1xi1>
    %eq3A_303 = arith.constant 13 : i32
    %eq3A_304 = vector.broadcast %eq3A_303 : i32 to vector<128x128xi32>
    %eq3A_305 = arith.cmpi eq, %iota3A, %eq3A_304 : vector<128x128xi32>
    %and3A_306 = vector.broadcast %broadcast_in_dim3A_302 : vector<128x1xi1> to vector<128x128xi1>
    %and3A_307 = arith.andi %and3A_306, %eq3A_305 : vector<128x128xi1>
    %or3A_308 = arith.ori %or3A_284, %and3A_307 : vector<128x128xi1>
    %slice3A_309 = vector.extract_strided_slice %get3A_1 {offsets = [0, 14], sizes = [128, 1], strides = [1, 1]} : vector<128x128xi32> to vector<128x1xi32>
    %eq3A_310 = vector.broadcast %slice3A_309 : vector<128x1xi32> to vector<128x128xi32>
    %eq3A_311 = arith.cmpi eq, %get3A_1, %eq3A_310 : vector<128x128xi32>
    %lt3A_312 = arith.constant 14 : i32
    %lt3A_313 = vector.broadcast %lt3A_312 : i32 to vector<128x128xi32>
    %lt3A_314 = arith.cmpi slt, %iota3A, %lt3A_313 : vector<128x128xi32>
    %and3A_315 = arith.andi %eq3A_311, %lt3A_314 : vector<128x128xi1>
    %reduce_or3A_316 = arith.constant 1.000000e+00 : f32
    %reduce_or3A_317 = arith.constant 0.000000e+00 : f32
    %reduce_or3A_318 = vector.broadcast %reduce_or3A_316 : f32 to vector<128x128xf32>
    %reduce_or3A_319 = vector.broadcast %reduce_or3A_317 : f32 to vector<128x128xf32>
    %reduce_or3A_320 = arith.select %and3A_315, %reduce_or3A_318, %reduce_or3A_319 : vector<128x128xi1>, vector<128x128xf32>
    %reduce_or3A_321 = arith.constant dense<0xFF800000> : vector<128xf32>
    %reduce_or3A_322 = vector.multi_reduction <maximumf>, %reduce_or3A_320, %reduce_or3A_321 [1] : vector<128x128xf32> to vector<128xf32>
    %reduce_or3A_323 = arith.constant 0.000000e+00 : f32
    %reduce_or3A_324 = vector.broadcast %reduce_or3A_323 : f32 to vector<128xf32>
    %reduce_or3A_325 = arith.cmpf ogt, %reduce_or3A_322, %reduce_or3A_324 : vector<128xf32>
    %broadcast_in_dim3A_326 = vector.shape_cast %reduce_or3A_325 : vector<128xi1> to vector<128x1xi1>
    %eq3A_327 = arith.constant 14 : i32
    %eq3A_328 = vector.broadcast %eq3A_327 : i32 to vector<128x128xi32>
    %eq3A_329 = arith.cmpi eq, %iota3A, %eq3A_328 : vector<128x128xi32>
    %and3A_330 = vector.broadcast %broadcast_in_dim3A_326 : vector<128x1xi1> to vector<128x128xi1>
    %and3A_331 = arith.andi %and3A_330, %eq3A_329 : vector<128x128xi1>
    %or3A_332 = arith.ori %or3A_308, %and3A_331 : vector<128x128xi1>
    %slice3A_333 = vector.extract_strided_slice %get3A_1 {offsets = [0, 15], sizes = [128, 1], strides = [1, 1]} : vector<128x128xi32> to vector<128x1xi32>
    %eq3A_334 = vector.broadcast %slice3A_333 : vector<128x1xi32> to vector<128x128xi32>
    %eq3A_335 = arith.cmpi eq, %get3A_1, %eq3A_334 : vector<128x128xi32>
    %lt3A_336 = arith.constant 15 : i32
    %lt3A_337 = vector.broadcast %lt3A_336 : i32 to vector<128x128xi32>
    %lt3A_338 = arith.cmpi slt, %iota3A, %lt3A_337 : vector<128x128xi32>
    %and3A_339 = arith.andi %eq3A_335, %lt3A_338 : vector<128x128xi1>
    %reduce_or3A_340 = arith.constant 1.000000e+00 : f32
    %reduce_or3A_341 = arith.constant 0.000000e+00 : f32
    %reduce_or3A_342 = vector.broadcast %reduce_or3A_340 : f32 to vector<128x128xf32>
    %reduce_or3A_343 = vector.broadcast %reduce_or3A_341 : f32 to vector<128x128xf32>
    %reduce_or3A_344 = arith.select %and3A_339, %reduce_or3A_342, %reduce_or3A_343 : vector<128x128xi1>, vector<128x128xf32>
    %reduce_or3A_345 = arith.constant dense<0xFF800000> : vector<128xf32>
    %reduce_or3A_346 = vector.multi_reduction <maximumf>, %reduce_or3A_344, %reduce_or3A_345 [1] : vector<128x128xf32> to vector<128xf32>
    %reduce_or3A_347 = arith.constant 0.000000e+00 : f32
    %reduce_or3A_348 = vector.broadcast %reduce_or3A_347 : f32 to vector<128xf32>
    %reduce_or3A_349 = arith.cmpf ogt, %reduce_or3A_346, %reduce_or3A_348 : vector<128xf32>
    %broadcast_in_dim3A_350 = vector.shape_cast %reduce_or3A_349 : vector<128xi1> to vector<128x1xi1>
    %eq3A_351 = arith.constant 15 : i32
    %eq3A_352 = vector.broadcast %eq3A_351 : i32 to vector<128x128xi32>
    %eq3A_353 = arith.cmpi eq, %iota3A, %eq3A_352 : vector<128x128xi32>
    %and3A_354 = vector.broadcast %broadcast_in_dim3A_350 : vector<128x1xi1> to vector<128x128xi1>
    %and3A_355 = arith.andi %and3A_354, %eq3A_353 : vector<128x128xi1>
    %or3A_356 = arith.ori %or3A_332, %and3A_355 : vector<128x128xi1>
    %slice3A_357 = vector.extract_strided_slice %get3A_1 {offsets = [0, 16], sizes = [128, 1], strides = [1, 1]} : vector<128x128xi32> to vector<128x1xi32>
    %eq3A_358 = vector.broadcast %slice3A_357 : vector<128x1xi32> to vector<128x128xi32>
    %eq3A_359 = arith.cmpi eq, %get3A_1, %eq3A_358 : vector<128x128xi32>
    %lt3A_360 = arith.constant 16 : i32
    %lt3A_361 = vector.broadcast %lt3A_360 : i32 to vector<128x128xi32>
    %lt3A_362 = arith.cmpi slt, %iota3A, %lt3A_361 : vector<128x128xi32>
    %and3A_363 = arith.andi %eq3A_359, %lt3A_362 : vector<128x128xi1>
    %reduce_or3A_364 = arith.constant 1.000000e+00 : f32
    %reduce_or3A_365 = arith.constant 0.000000e+00 : f32
    %reduce_or3A_366 = vector.broadcast %reduce_or3A_364 : f32 to vector<128x128xf32>
    %reduce_or3A_367 = vector.broadcast %reduce_or3A_365 : f32 to vector<128x128xf32>
    %reduce_or3A_368 = arith.select %and3A_363, %reduce_or3A_366, %reduce_or3A_367 : vector<128x128xi1>, vector<128x128xf32>
    %reduce_or3A_369 = arith.constant dense<0xFF800000> : vector<128xf32>
    %reduce_or3A_370 = vector.multi_reduction <maximumf>, %reduce_or3A_368, %reduce_or3A_369 [1] : vector<128x128xf32> to vector<128xf32>
    %reduce_or3A_371 = arith.constant 0.000000e+00 : f32
    %reduce_or3A_372 = vector.broadcast %reduce_or3A_371 : f32 to vector<128xf32>
    %reduce_or3A_373 = arith.cmpf ogt, %reduce_or3A_370, %reduce_or3A_372 : vector<128xf32>
    %broadcast_in_dim3A_374 = vector.shape_cast %reduce_or3A_373 : vector<128xi1> to vector<128x1xi1>
    %eq3A_375 = arith.constant 16 : i32
    %eq3A_376 = vector.broadcast %eq3A_375 : i32 to vector<128x128xi32>
    %eq3A_377 = arith.cmpi eq, %iota3A, %eq3A_376 : vector<128x128xi32>
    %and3A_378 = vector.broadcast %broadcast_in_dim3A_374 : vector<128x1xi1> to vector<128x128xi1>
    %and3A_379 = arith.andi %and3A_378, %eq3A_377 : vector<128x128xi1>
    %or3A_380 = arith.ori %or3A_356, %and3A_379 : vector<128x128xi1>
    %slice3A_381 = vector.extract_strided_slice %get3A_1 {offsets = [0, 17], sizes = [128, 1], strides = [1, 1]} : vector<128x128xi32> to vector<128x1xi32>
    %eq3A_382 = vector.broadcast %slice3A_381 : vector<128x1xi32> to vector<128x128xi32>
    %eq3A_383 = arith.cmpi eq, %get3A_1, %eq3A_382 : vector<128x128xi32>
    %lt3A_384 = arith.constant 17 : i32
    %lt3A_385 = vector.broadcast %lt3A_384 : i32 to vector<128x128xi32>
    %lt3A_386 = arith.cmpi slt, %iota3A, %lt3A_385 : vector<128x128xi32>
    %and3A_387 = arith.andi %eq3A_383, %lt3A_386 : vector<128x128xi1>
    %reduce_or3A_388 = arith.constant 1.000000e+00 : f32
    %reduce_or3A_389 = arith.constant 0.000000e+00 : f32
    %reduce_or3A_390 = vector.broadcast %reduce_or3A_388 : f32 to vector<128x128xf32>
    %reduce_or3A_391 = vector.broadcast %reduce_or3A_389 : f32 to vector<128x128xf32>
    %reduce_or3A_392 = arith.select %and3A_387, %reduce_or3A_390, %reduce_or3A_391 : vector<128x128xi1>, vector<128x128xf32>
    %reduce_or3A_393 = arith.constant dense<0xFF800000> : vector<128xf32>
    %reduce_or3A_394 = vector.multi_reduction <maximumf>, %reduce_or3A_392, %reduce_or3A_393 [1] : vector<128x128xf32> to vector<128xf32>
    %reduce_or3A_395 = arith.constant 0.000000e+00 : f32
    %reduce_or3A_396 = vector.broadcast %reduce_or3A_395 : f32 to vector<128xf32>
    %reduce_or3A_397 = arith.cmpf ogt, %reduce_or3A_394, %reduce_or3A_396 : vector<128xf32>
    %broadcast_in_dim3A_398 = vector.shape_cast %reduce_or3A_397 : vector<128xi1> to vector<128x1xi1>
    %eq3A_399 = arith.constant 17 : i32
    %eq3A_400 = vector.broadcast %eq3A_399 : i32 to vector<128x128xi32>
    %eq3A_401 = arith.cmpi eq, %iota3A, %eq3A_400 : vector<128x128xi32>
    %and3A_402 = vector.broadcast %broadcast_in_dim3A_398 : vector<128x1xi1> to vector<128x128xi1>
    %and3A_403 = arith.andi %and3A_402, %eq3A_401 : vector<128x128xi1>
    %or3A_404 = arith.ori %or3A_380, %and3A_403 : vector<128x128xi1>
    %slice3A_405 = vector.extract_strided_slice %get3A_1 {offsets = [0, 18], sizes = [128, 1], strides = [1, 1]} : vector<128x128xi32> to vector<128x1xi32>
    %eq3A_406 = vector.broadcast %slice3A_405 : vector<128x1xi32> to vector<128x128xi32>
    %eq3A_407 = arith.cmpi eq, %get3A_1, %eq3A_406 : vector<128x128xi32>
    %lt3A_408 = arith.constant 18 : i32
    %lt3A_409 = vector.broadcast %lt3A_408 : i32 to vector<128x128xi32>
    %lt3A_410 = arith.cmpi slt, %iota3A, %lt3A_409 : vector<128x128xi32>
    %and3A_411 = arith.andi %eq3A_407, %lt3A_410 : vector<128x128xi1>
    %reduce_or3A_412 = arith.constant 1.000000e+00 : f32
    %reduce_or3A_413 = arith.constant 0.000000e+00 : f32
    %reduce_or3A_414 = vector.broadcast %reduce_or3A_412 : f32 to vector<128x128xf32>
    %reduce_or3A_415 = vector.broadcast %reduce_or3A_413 : f32 to vector<128x128xf32>
    %reduce_or3A_416 = arith.select %and3A_411, %reduce_or3A_414, %reduce_or3A_415 : vector<128x128xi1>, vector<128x128xf32>
    %reduce_or3A_417 = arith.constant dense<0xFF800000> : vector<128xf32>
    %reduce_or3A_418 = vector.multi_reduction <maximumf>, %reduce_or3A_416, %reduce_or3A_417 [1] : vector<128x128xf32> to vector<128xf32>
    %reduce_or3A_419 = arith.constant 0.000000e+00 : f32
    %reduce_or3A_420 = vector.broadcast %reduce_or3A_419 : f32 to vector<128xf32>
    %reduce_or3A_421 = arith.cmpf ogt, %reduce_or3A_418, %reduce_or3A_420 : vector<128xf32>
    %broadcast_in_dim3A_422 = vector.shape_cast %reduce_or3A_421 : vector<128xi1> to vector<128x1xi1>
    %eq3A_423 = arith.constant 18 : i32
    %eq3A_424 = vector.broadcast %eq3A_423 : i32 to vector<128x128xi32>
    %eq3A_425 = arith.cmpi eq, %iota3A, %eq3A_424 : vector<128x128xi32>
    %and3A_426 = vector.broadcast %broadcast_in_dim3A_422 : vector<128x1xi1> to vector<128x128xi1>
    %and3A_427 = arith.andi %and3A_426, %eq3A_425 : vector<128x128xi1>
    %or3A_428 = arith.ori %or3A_404, %and3A_427 : vector<128x128xi1>
    %slice3A_429 = vector.extract_strided_slice %get3A_1 {offsets = [0, 19], sizes = [128, 1], strides = [1, 1]} : vector<128x128xi32> to vector<128x1xi32>
    %eq3A_430 = vector.broadcast %slice3A_429 : vector<128x1xi32> to vector<128x128xi32>
    %eq3A_431 = arith.cmpi eq, %get3A_1, %eq3A_430 : vector<128x128xi32>
    %lt3A_432 = arith.constant 19 : i32
    %lt3A_433 = vector.broadcast %lt3A_432 : i32 to vector<128x128xi32>
    %lt3A_434 = arith.cmpi slt, %iota3A, %lt3A_433 : vector<128x128xi32>
    %and3A_435 = arith.andi %eq3A_431, %lt3A_434 : vector<128x128xi1>
    %reduce_or3A_436 = arith.constant 1.000000e+00 : f32
    %reduce_or3A_437 = arith.constant 0.000000e+00 : f32
    %reduce_or3A_438 = vector.broadcast %reduce_or3A_436 : f32 to vector<128x128xf32>
    %reduce_or3A_439 = vector.broadcast %reduce_or3A_437 : f32 to vector<128x128xf32>
    %reduce_or3A_440 = arith.select %and3A_435, %reduce_or3A_438, %reduce_or3A_439 : vector<128x128xi1>, vector<128x128xf32>
    %reduce_or3A_441 = arith.constant dense<0xFF800000> : vector<128xf32>
    %reduce_or3A_442 = vector.multi_reduction <maximumf>, %reduce_or3A_440, %reduce_or3A_441 [1] : vector<128x128xf32> to vector<128xf32>
    %reduce_or3A_443 = arith.constant 0.000000e+00 : f32
    %reduce_or3A_444 = vector.broadcast %reduce_or3A_443 : f32 to vector<128xf32>
    %reduce_or3A_445 = arith.cmpf ogt, %reduce_or3A_442, %reduce_or3A_444 : vector<128xf32>
    %broadcast_in_dim3A_446 = vector.shape_cast %reduce_or3A_445 : vector<128xi1> to vector<128x1xi1>
    %eq3A_447 = arith.constant 19 : i32
    %eq3A_448 = vector.broadcast %eq3A_447 : i32 to vector<128x128xi32>
    %eq3A_449 = arith.cmpi eq, %iota3A, %eq3A_448 : vector<128x128xi32>
    %and3A_450 = vector.broadcast %broadcast_in_dim3A_446 : vector<128x1xi1> to vector<128x128xi1>
    %and3A_451 = arith.andi %and3A_450, %eq3A_449 : vector<128x128xi1>
    %or3A_452 = arith.ori %or3A_428, %and3A_451 : vector<128x128xi1>
    %slice3A_453 = vector.extract_strided_slice %get3A_1 {offsets = [0, 20], sizes = [128, 1], strides = [1, 1]} : vector<128x128xi32> to vector<128x1xi32>
    %eq3A_454 = vector.broadcast %slice3A_453 : vector<128x1xi32> to vector<128x128xi32>
    %eq3A_455 = arith.cmpi eq, %get3A_1, %eq3A_454 : vector<128x128xi32>
    %lt3A_456 = arith.constant 20 : i32
    %lt3A_457 = vector.broadcast %lt3A_456 : i32 to vector<128x128xi32>
    %lt3A_458 = arith.cmpi slt, %iota3A, %lt3A_457 : vector<128x128xi32>
    %and3A_459 = arith.andi %eq3A_455, %lt3A_458 : vector<128x128xi1>
    %reduce_or3A_460 = arith.constant 1.000000e+00 : f32
    %reduce_or3A_461 = arith.constant 0.000000e+00 : f32
    %reduce_or3A_462 = vector.broadcast %reduce_or3A_460 : f32 to vector<128x128xf32>
    %reduce_or3A_463 = vector.broadcast %reduce_or3A_461 : f32 to vector<128x128xf32>
    %reduce_or3A_464 = arith.select %and3A_459, %reduce_or3A_462, %reduce_or3A_463 : vector<128x128xi1>, vector<128x128xf32>
    %reduce_or3A_465 = arith.constant dense<0xFF800000> : vector<128xf32>
    %reduce_or3A_466 = vector.multi_reduction <maximumf>, %reduce_or3A_464, %reduce_or3A_465 [1] : vector<128x128xf32> to vector<128xf32>
    %reduce_or3A_467 = arith.constant 0.000000e+00 : f32
    %reduce_or3A_468 = vector.broadcast %reduce_or3A_467 : f32 to vector<128xf32>
    %reduce_or3A_469 = arith.cmpf ogt, %reduce_or3A_466, %reduce_or3A_468 : vector<128xf32>
    %broadcast_in_dim3A_470 = vector.shape_cast %reduce_or3A_469 : vector<128xi1> to vector<128x1xi1>
    %eq3A_471 = arith.constant 20 : i32
    %eq3A_472 = vector.broadcast %eq3A_471 : i32 to vector<128x128xi32>
    %eq3A_473 = arith.cmpi eq, %iota3A, %eq3A_472 : vector<128x128xi32>
    %and3A_474 = vector.broadcast %broadcast_in_dim3A_470 : vector<128x1xi1> to vector<128x128xi1>
    %and3A_475 = arith.andi %and3A_474, %eq3A_473 : vector<128x128xi1>
    %or3A_476 = arith.ori %or3A_452, %and3A_475 : vector<128x128xi1>
    %slice3A_477 = vector.extract_strided_slice %get3A_1 {offsets = [0, 21], sizes = [128, 1], strides = [1, 1]} : vector<128x128xi32> to vector<128x1xi32>
    %eq3A_478 = vector.broadcast %slice3A_477 : vector<128x1xi32> to vector<128x128xi32>
    %eq3A_479 = arith.cmpi eq, %get3A_1, %eq3A_478 : vector<128x128xi32>
    %lt3A_480 = arith.constant 21 : i32
    %lt3A_481 = vector.broadcast %lt3A_480 : i32 to vector<128x128xi32>
    %lt3A_482 = arith.cmpi slt, %iota3A, %lt3A_481 : vector<128x128xi32>
    %and3A_483 = arith.andi %eq3A_479, %lt3A_482 : vector<128x128xi1>
    %reduce_or3A_484 = arith.constant 1.000000e+00 : f32
    %reduce_or3A_485 = arith.constant 0.000000e+00 : f32
    %reduce_or3A_486 = vector.broadcast %reduce_or3A_484 : f32 to vector<128x128xf32>
    %reduce_or3A_487 = vector.broadcast %reduce_or3A_485 : f32 to vector<128x128xf32>
    %reduce_or3A_488 = arith.select %and3A_483, %reduce_or3A_486, %reduce_or3A_487 : vector<128x128xi1>, vector<128x128xf32>
    %reduce_or3A_489 = arith.constant dense<0xFF800000> : vector<128xf32>
    %reduce_or3A_490 = vector.multi_reduction <maximumf>, %reduce_or3A_488, %reduce_or3A_489 [1] : vector<128x128xf32> to vector<128xf32>
    %reduce_or3A_491 = arith.constant 0.000000e+00 : f32
    %reduce_or3A_492 = vector.broadcast %reduce_or3A_491 : f32 to vector<128xf32>
    %reduce_or3A_493 = arith.cmpf ogt, %reduce_or3A_490, %reduce_or3A_492 : vector<128xf32>
    %broadcast_in_dim3A_494 = vector.shape_cast %reduce_or3A_493 : vector<128xi1> to vector<128x1xi1>
    %eq3A_495 = arith.constant 21 : i32
    %eq3A_496 = vector.broadcast %eq3A_495 : i32 to vector<128x128xi32>
    %eq3A_497 = arith.cmpi eq, %iota3A, %eq3A_496 : vector<128x128xi32>
    %and3A_498 = vector.broadcast %broadcast_in_dim3A_494 : vector<128x1xi1> to vector<128x128xi1>
    %and3A_499 = arith.andi %and3A_498, %eq3A_497 : vector<128x128xi1>
    %or3A_500 = arith.ori %or3A_476, %and3A_499 : vector<128x128xi1>
    %slice3A_501 = vector.extract_strided_slice %get3A_1 {offsets = [0, 22], sizes = [128, 1], strides = [1, 1]} : vector<128x128xi32> to vector<128x1xi32>
    %eq3A_502 = vector.broadcast %slice3A_501 : vector<128x1xi32> to vector<128x128xi32>
    %eq3A_503 = arith.cmpi eq, %get3A_1, %eq3A_502 : vector<128x128xi32>
    %lt3A_504 = arith.constant 22 : i32
    %lt3A_505 = vector.broadcast %lt3A_504 : i32 to vector<128x128xi32>
    %lt3A_506 = arith.cmpi slt, %iota3A, %lt3A_505 : vector<128x128xi32>
    %and3A_507 = arith.andi %eq3A_503, %lt3A_506 : vector<128x128xi1>
    %reduce_or3A_508 = arith.constant 1.000000e+00 : f32
    %reduce_or3A_509 = arith.constant 0.000000e+00 : f32
    %reduce_or3A_510 = vector.broadcast %reduce_or3A_508 : f32 to vector<128x128xf32>
    %reduce_or3A_511 = vector.broadcast %reduce_or3A_509 : f32 to vector<128x128xf32>
    %reduce_or3A_512 = arith.select %and3A_507, %reduce_or3A_510, %reduce_or3A_511 : vector<128x128xi1>, vector<128x128xf32>
    %reduce_or3A_513 = arith.constant dense<0xFF800000> : vector<128xf32>
    %reduce_or3A_514 = vector.multi_reduction <maximumf>, %reduce_or3A_512, %reduce_or3A_513 [1] : vector<128x128xf32> to vector<128xf32>
    %reduce_or3A_515 = arith.constant 0.000000e+00 : f32
    %reduce_or3A_516 = vector.broadcast %reduce_or3A_515 : f32 to vector<128xf32>
    %reduce_or3A_517 = arith.cmpf ogt, %reduce_or3A_514, %reduce_or3A_516 : vector<128xf32>
    %broadcast_in_dim3A_518 = vector.shape_cast %reduce_or3A_517 : vector<128xi1> to vector<128x1xi1>
    %eq3A_519 = arith.constant 22 : i32
    %eq3A_520 = vector.broadcast %eq3A_519 : i32 to vector<128x128xi32>
    %eq3A_521 = arith.cmpi eq, %iota3A, %eq3A_520 : vector<128x128xi32>
    %and3A_522 = vector.broadcast %broadcast_in_dim3A_518 : vector<128x1xi1> to vector<128x128xi1>
    %and3A_523 = arith.andi %and3A_522, %eq3A_521 : vector<128x128xi1>
    %or3A_524 = arith.ori %or3A_500, %and3A_523 : vector<128x128xi1>
    %slice3A_525 = vector.extract_strided_slice %get3A_1 {offsets = [0, 23], sizes = [128, 1], strides = [1, 1]} : vector<128x128xi32> to vector<128x1xi32>
    %eq3A_526 = vector.broadcast %slice3A_525 : vector<128x1xi32> to vector<128x128xi32>
    %eq3A_527 = arith.cmpi eq, %get3A_1, %eq3A_526 : vector<128x128xi32>
    %lt3A_528 = arith.constant 23 : i32
    %lt3A_529 = vector.broadcast %lt3A_528 : i32 to vector<128x128xi32>
    %lt3A_530 = arith.cmpi slt, %iota3A, %lt3A_529 : vector<128x128xi32>
    %and3A_531 = arith.andi %eq3A_527, %lt3A_530 : vector<128x128xi1>
    %reduce_or3A_532 = arith.constant 1.000000e+00 : f32
    %reduce_or3A_533 = arith.constant 0.000000e+00 : f32
    %reduce_or3A_534 = vector.broadcast %reduce_or3A_532 : f32 to vector<128x128xf32>
    %reduce_or3A_535 = vector.broadcast %reduce_or3A_533 : f32 to vector<128x128xf32>
    %reduce_or3A_536 = arith.select %and3A_531, %reduce_or3A_534, %reduce_or3A_535 : vector<128x128xi1>, vector<128x128xf32>
    %reduce_or3A_537 = arith.constant dense<0xFF800000> : vector<128xf32>
    %reduce_or3A_538 = vector.multi_reduction <maximumf>, %reduce_or3A_536, %reduce_or3A_537 [1] : vector<128x128xf32> to vector<128xf32>
    %reduce_or3A_539 = arith.constant 0.000000e+00 : f32
    %reduce_or3A_540 = vector.broadcast %reduce_or3A_539 : f32 to vector<128xf32>
    %reduce_or3A_541 = arith.cmpf ogt, %reduce_or3A_538, %reduce_or3A_540 : vector<128xf32>
    %broadcast_in_dim3A_542 = vector.shape_cast %reduce_or3A_541 : vector<128xi1> to vector<128x1xi1>
    %eq3A_543 = arith.constant 23 : i32
    %eq3A_544 = vector.broadcast %eq3A_543 : i32 to vector<128x128xi32>
    %eq3A_545 = arith.cmpi eq, %iota3A, %eq3A_544 : vector<128x128xi32>
    %and3A_546 = vector.broadcast %broadcast_in_dim3A_542 : vector<128x1xi1> to vector<128x128xi1>
    %and3A_547 = arith.andi %and3A_546, %eq3A_545 : vector<128x128xi1>
    %or3A_548 = arith.ori %or3A_524, %and3A_547 : vector<128x128xi1>
    %slice3A_549 = vector.extract_strided_slice %get3A_1 {offsets = [0, 24], sizes = [128, 1], strides = [1, 1]} : vector<128x128xi32> to vector<128x1xi32>
    %eq3A_550 = vector.broadcast %slice3A_549 : vector<128x1xi32> to vector<128x128xi32>
    %eq3A_551 = arith.cmpi eq, %get3A_1, %eq3A_550 : vector<128x128xi32>
    %lt3A_552 = arith.constant 24 : i32
    %lt3A_553 = vector.broadcast %lt3A_552 : i32 to vector<128x128xi32>
    %lt3A_554 = arith.cmpi slt, %iota3A, %lt3A_553 : vector<128x128xi32>
    %and3A_555 = arith.andi %eq3A_551, %lt3A_554 : vector<128x128xi1>
    %reduce_or3A_556 = arith.constant 1.000000e+00 : f32
    %reduce_or3A_557 = arith.constant 0.000000e+00 : f32
    %reduce_or3A_558 = vector.broadcast %reduce_or3A_556 : f32 to vector<128x128xf32>
    %reduce_or3A_559 = vector.broadcast %reduce_or3A_557 : f32 to vector<128x128xf32>
    %reduce_or3A_560 = arith.select %and3A_555, %reduce_or3A_558, %reduce_or3A_559 : vector<128x128xi1>, vector<128x128xf32>
    %reduce_or3A_561 = arith.constant dense<0xFF800000> : vector<128xf32>
    %reduce_or3A_562 = vector.multi_reduction <maximumf>, %reduce_or3A_560, %reduce_or3A_561 [1] : vector<128x128xf32> to vector<128xf32>
    %reduce_or3A_563 = arith.constant 0.000000e+00 : f32
    %reduce_or3A_564 = vector.broadcast %reduce_or3A_563 : f32 to vector<128xf32>
    %reduce_or3A_565 = arith.cmpf ogt, %reduce_or3A_562, %reduce_or3A_564 : vector<128xf32>
    %broadcast_in_dim3A_566 = vector.shape_cast %reduce_or3A_565 : vector<128xi1> to vector<128x1xi1>
    %eq3A_567 = arith.constant 24 : i32
    %eq3A_568 = vector.broadcast %eq3A_567 : i32 to vector<128x128xi32>
    %eq3A_569 = arith.cmpi eq, %iota3A, %eq3A_568 : vector<128x128xi32>
    %and3A_570 = vector.broadcast %broadcast_in_dim3A_566 : vector<128x1xi1> to vector<128x128xi1>
    %and3A_571 = arith.andi %and3A_570, %eq3A_569 : vector<128x128xi1>
    %or3A_572 = arith.ori %or3A_548, %and3A_571 : vector<128x128xi1>
    %slice3A_573 = vector.extract_strided_slice %get3A_1 {offsets = [0, 25], sizes = [128, 1], strides = [1, 1]} : vector<128x128xi32> to vector<128x1xi32>
    %eq3A_574 = vector.broadcast %slice3A_573 : vector<128x1xi32> to vector<128x128xi32>
    %eq3A_575 = arith.cmpi eq, %get3A_1, %eq3A_574 : vector<128x128xi32>
    %lt3A_576 = arith.constant 25 : i32
    %lt3A_577 = vector.broadcast %lt3A_576 : i32 to vector<128x128xi32>
    %lt3A_578 = arith.cmpi slt, %iota3A, %lt3A_577 : vector<128x128xi32>
    %and3A_579 = arith.andi %eq3A_575, %lt3A_578 : vector<128x128xi1>
    %reduce_or3A_580 = arith.constant 1.000000e+00 : f32
    %reduce_or3A_581 = arith.constant 0.000000e+00 : f32
    %reduce_or3A_582 = vector.broadcast %reduce_or3A_580 : f32 to vector<128x128xf32>
    %reduce_or3A_583 = vector.broadcast %reduce_or3A_581 : f32 to vector<128x128xf32>
    %reduce_or3A_584 = arith.select %and3A_579, %reduce_or3A_582, %reduce_or3A_583 : vector<128x128xi1>, vector<128x128xf32>
    %reduce_or3A_585 = arith.constant dense<0xFF800000> : vector<128xf32>
    %reduce_or3A_586 = vector.multi_reduction <maximumf>, %reduce_or3A_584, %reduce_or3A_585 [1] : vector<128x128xf32> to vector<128xf32>
    %reduce_or3A_587 = arith.constant 0.000000e+00 : f32
    %reduce_or3A_588 = vector.broadcast %reduce_or3A_587 : f32 to vector<128xf32>
    %reduce_or3A_589 = arith.cmpf ogt, %reduce_or3A_586, %reduce_or3A_588 : vector<128xf32>
    %broadcast_in_dim3A_590 = vector.shape_cast %reduce_or3A_589 : vector<128xi1> to vector<128x1xi1>
    %eq3A_591 = arith.constant 25 : i32
    %eq3A_592 = vector.broadcast %eq3A_591 : i32 to vector<128x128xi32>
    %eq3A_593 = arith.cmpi eq, %iota3A, %eq3A_592 : vector<128x128xi32>
    %and3A_594 = vector.broadcast %broadcast_in_dim3A_590 : vector<128x1xi1> to vector<128x128xi1>
    %and3A_595 = arith.andi %and3A_594, %eq3A_593 : vector<128x128xi1>
    %or3A_596 = arith.ori %or3A_572, %and3A_595 : vector<128x128xi1>
    %slice3A_597 = vector.extract_strided_slice %get3A_1 {offsets = [0, 26], sizes = [128, 1], strides = [1, 1]} : vector<128x128xi32> to vector<128x1xi32>
    %eq3A_598 = vector.broadcast %slice3A_597 : vector<128x1xi32> to vector<128x128xi32>
    %eq3A_599 = arith.cmpi eq, %get3A_1, %eq3A_598 : vector<128x128xi32>
    %lt3A_600 = arith.constant 26 : i32
    %lt3A_601 = vector.broadcast %lt3A_600 : i32 to vector<128x128xi32>
    %lt3A_602 = arith.cmpi slt, %iota3A, %lt3A_601 : vector<128x128xi32>
    %and3A_603 = arith.andi %eq3A_599, %lt3A_602 : vector<128x128xi1>
    %reduce_or3A_604 = arith.constant 1.000000e+00 : f32
    %reduce_or3A_605 = arith.constant 0.000000e+00 : f32
    %reduce_or3A_606 = vector.broadcast %reduce_or3A_604 : f32 to vector<128x128xf32>
    %reduce_or3A_607 = vector.broadcast %reduce_or3A_605 : f32 to vector<128x128xf32>
    %reduce_or3A_608 = arith.select %and3A_603, %reduce_or3A_606, %reduce_or3A_607 : vector<128x128xi1>, vector<128x128xf32>
    %reduce_or3A_609 = arith.constant dense<0xFF800000> : vector<128xf32>
    %reduce_or3A_610 = vector.multi_reduction <maximumf>, %reduce_or3A_608, %reduce_or3A_609 [1] : vector<128x128xf32> to vector<128xf32>
    %reduce_or3A_611 = arith.constant 0.000000e+00 : f32
    %reduce_or3A_612 = vector.broadcast %reduce_or3A_611 : f32 to vector<128xf32>
    %reduce_or3A_613 = arith.cmpf ogt, %reduce_or3A_610, %reduce_or3A_612 : vector<128xf32>
    %broadcast_in_dim3A_614 = vector.shape_cast %reduce_or3A_613 : vector<128xi1> to vector<128x1xi1>
    %eq3A_615 = arith.constant 26 : i32
    %eq3A_616 = vector.broadcast %eq3A_615 : i32 to vector<128x128xi32>
    %eq3A_617 = arith.cmpi eq, %iota3A, %eq3A_616 : vector<128x128xi32>
    %and3A_618 = vector.broadcast %broadcast_in_dim3A_614 : vector<128x1xi1> to vector<128x128xi1>
    %and3A_619 = arith.andi %and3A_618, %eq3A_617 : vector<128x128xi1>
    %or3A_620 = arith.ori %or3A_596, %and3A_619 : vector<128x128xi1>
    %slice3A_621 = vector.extract_strided_slice %get3A_1 {offsets = [0, 27], sizes = [128, 1], strides = [1, 1]} : vector<128x128xi32> to vector<128x1xi32>
    %eq3A_622 = vector.broadcast %slice3A_621 : vector<128x1xi32> to vector<128x128xi32>
    %eq3A_623 = arith.cmpi eq, %get3A_1, %eq3A_622 : vector<128x128xi32>
    %lt3A_624 = arith.constant 27 : i32
    %lt3A_625 = vector.broadcast %lt3A_624 : i32 to vector<128x128xi32>
    %lt3A_626 = arith.cmpi slt, %iota3A, %lt3A_625 : vector<128x128xi32>
    %and3A_627 = arith.andi %eq3A_623, %lt3A_626 : vector<128x128xi1>
    %reduce_or3A_628 = arith.constant 1.000000e+00 : f32
    %reduce_or3A_629 = arith.constant 0.000000e+00 : f32
    %reduce_or3A_630 = vector.broadcast %reduce_or3A_628 : f32 to vector<128x128xf32>
    %reduce_or3A_631 = vector.broadcast %reduce_or3A_629 : f32 to vector<128x128xf32>
    %reduce_or3A_632 = arith.select %and3A_627, %reduce_or3A_630, %reduce_or3A_631 : vector<128x128xi1>, vector<128x128xf32>
    %reduce_or3A_633 = arith.constant dense<0xFF800000> : vector<128xf32>
    %reduce_or3A_634 = vector.multi_reduction <maximumf>, %reduce_or3A_632, %reduce_or3A_633 [1] : vector<128x128xf32> to vector<128xf32>
    %reduce_or3A_635 = arith.constant 0.000000e+00 : f32
    %reduce_or3A_636 = vector.broadcast %reduce_or3A_635 : f32 to vector<128xf32>
    %reduce_or3A_637 = arith.cmpf ogt, %reduce_or3A_634, %reduce_or3A_636 : vector<128xf32>
    %broadcast_in_dim3A_638 = vector.shape_cast %reduce_or3A_637 : vector<128xi1> to vector<128x1xi1>
    %eq3A_639 = arith.constant 27 : i32
    %eq3A_640 = vector.broadcast %eq3A_639 : i32 to vector<128x128xi32>
    %eq3A_641 = arith.cmpi eq, %iota3A, %eq3A_640 : vector<128x128xi32>
    %and3A_642 = vector.broadcast %broadcast_in_dim3A_638 : vector<128x1xi1> to vector<128x128xi1>
    %and3A_643 = arith.andi %and3A_642, %eq3A_641 : vector<128x128xi1>
    %or3A_644 = arith.ori %or3A_620, %and3A_643 : vector<128x128xi1>
    %slice3A_645 = vector.extract_strided_slice %get3A_1 {offsets = [0, 28], sizes = [128, 1], strides = [1, 1]} : vector<128x128xi32> to vector<128x1xi32>
    %eq3A_646 = vector.broadcast %slice3A_645 : vector<128x1xi32> to vector<128x128xi32>
    %eq3A_647 = arith.cmpi eq, %get3A_1, %eq3A_646 : vector<128x128xi32>
    %lt3A_648 = arith.constant 28 : i32
    %lt3A_649 = vector.broadcast %lt3A_648 : i32 to vector<128x128xi32>
    %lt3A_650 = arith.cmpi slt, %iota3A, %lt3A_649 : vector<128x128xi32>
    %and3A_651 = arith.andi %eq3A_647, %lt3A_650 : vector<128x128xi1>
    %reduce_or3A_652 = arith.constant 1.000000e+00 : f32
    %reduce_or3A_653 = arith.constant 0.000000e+00 : f32
    %reduce_or3A_654 = vector.broadcast %reduce_or3A_652 : f32 to vector<128x128xf32>
    %reduce_or3A_655 = vector.broadcast %reduce_or3A_653 : f32 to vector<128x128xf32>
    %reduce_or3A_656 = arith.select %and3A_651, %reduce_or3A_654, %reduce_or3A_655 : vector<128x128xi1>, vector<128x128xf32>
    %reduce_or3A_657 = arith.constant dense<0xFF800000> : vector<128xf32>
    %reduce_or3A_658 = vector.multi_reduction <maximumf>, %reduce_or3A_656, %reduce_or3A_657 [1] : vector<128x128xf32> to vector<128xf32>
    %reduce_or3A_659 = arith.constant 0.000000e+00 : f32
    %reduce_or3A_660 = vector.broadcast %reduce_or3A_659 : f32 to vector<128xf32>
    %reduce_or3A_661 = arith.cmpf ogt, %reduce_or3A_658, %reduce_or3A_660 : vector<128xf32>
    %broadcast_in_dim3A_662 = vector.shape_cast %reduce_or3A_661 : vector<128xi1> to vector<128x1xi1>
    %eq3A_663 = arith.constant 28 : i32
    %eq3A_664 = vector.broadcast %eq3A_663 : i32 to vector<128x128xi32>
    %eq3A_665 = arith.cmpi eq, %iota3A, %eq3A_664 : vector<128x128xi32>
    %and3A_666 = vector.broadcast %broadcast_in_dim3A_662 : vector<128x1xi1> to vector<128x128xi1>
    %and3A_667 = arith.andi %and3A_666, %eq3A_665 : vector<128x128xi1>
    %or3A_668 = arith.ori %or3A_644, %and3A_667 : vector<128x128xi1>
    %slice3A_669 = vector.extract_strided_slice %get3A_1 {offsets = [0, 29], sizes = [128, 1], strides = [1, 1]} : vector<128x128xi32> to vector<128x1xi32>
    %eq3A_670 = vector.broadcast %slice3A_669 : vector<128x1xi32> to vector<128x128xi32>
    %eq3A_671 = arith.cmpi eq, %get3A_1, %eq3A_670 : vector<128x128xi32>
    %lt3A_672 = arith.constant 29 : i32
    %lt3A_673 = vector.broadcast %lt3A_672 : i32 to vector<128x128xi32>
    %lt3A_674 = arith.cmpi slt, %iota3A, %lt3A_673 : vector<128x128xi32>
    %and3A_675 = arith.andi %eq3A_671, %lt3A_674 : vector<128x128xi1>
    %reduce_or3A_676 = arith.constant 1.000000e+00 : f32
    %reduce_or3A_677 = arith.constant 0.000000e+00 : f32
    %reduce_or3A_678 = vector.broadcast %reduce_or3A_676 : f32 to vector<128x128xf32>
    %reduce_or3A_679 = vector.broadcast %reduce_or3A_677 : f32 to vector<128x128xf32>
    %reduce_or3A_680 = arith.select %and3A_675, %reduce_or3A_678, %reduce_or3A_679 : vector<128x128xi1>, vector<128x128xf32>
    %reduce_or3A_681 = arith.constant dense<0xFF800000> : vector<128xf32>
    %reduce_or3A_682 = vector.multi_reduction <maximumf>, %reduce_or3A_680, %reduce_or3A_681 [1] : vector<128x128xf32> to vector<128xf32>
    %reduce_or3A_683 = arith.constant 0.000000e+00 : f32
    %reduce_or3A_684 = vector.broadcast %reduce_or3A_683 : f32 to vector<128xf32>
    %reduce_or3A_685 = arith.cmpf ogt, %reduce_or3A_682, %reduce_or3A_684 : vector<128xf32>
    %broadcast_in_dim3A_686 = vector.shape_cast %reduce_or3A_685 : vector<128xi1> to vector<128x1xi1>
    %eq3A_687 = arith.constant 29 : i32
    %eq3A_688 = vector.broadcast %eq3A_687 : i32 to vector<128x128xi32>
    %eq3A_689 = arith.cmpi eq, %iota3A, %eq3A_688 : vector<128x128xi32>
    %and3A_690 = vector.broadcast %broadcast_in_dim3A_686 : vector<128x1xi1> to vector<128x128xi1>
    %and3A_691 = arith.andi %and3A_690, %eq3A_689 : vector<128x128xi1>
    %or3A_692 = arith.ori %or3A_668, %and3A_691 : vector<128x128xi1>
    %slice3A_693 = vector.extract_strided_slice %get3A_1 {offsets = [0, 30], sizes = [128, 1], strides = [1, 1]} : vector<128x128xi32> to vector<128x1xi32>
    %eq3A_694 = vector.broadcast %slice3A_693 : vector<128x1xi32> to vector<128x128xi32>
    %eq3A_695 = arith.cmpi eq, %get3A_1, %eq3A_694 : vector<128x128xi32>
    %lt3A_696 = arith.constant 30 : i32
    %lt3A_697 = vector.broadcast %lt3A_696 : i32 to vector<128x128xi32>
    %lt3A_698 = arith.cmpi slt, %iota3A, %lt3A_697 : vector<128x128xi32>
    %and3A_699 = arith.andi %eq3A_695, %lt3A_698 : vector<128x128xi1>
    %reduce_or3A_700 = arith.constant 1.000000e+00 : f32
    %reduce_or3A_701 = arith.constant 0.000000e+00 : f32
    %reduce_or3A_702 = vector.broadcast %reduce_or3A_700 : f32 to vector<128x128xf32>
    %reduce_or3A_703 = vector.broadcast %reduce_or3A_701 : f32 to vector<128x128xf32>
    %reduce_or3A_704 = arith.select %and3A_699, %reduce_or3A_702, %reduce_or3A_703 : vector<128x128xi1>, vector<128x128xf32>
    %reduce_or3A_705 = arith.constant dense<0xFF800000> : vector<128xf32>
    %reduce_or3A_706 = vector.multi_reduction <maximumf>, %reduce_or3A_704, %reduce_or3A_705 [1] : vector<128x128xf32> to vector<128xf32>
    %reduce_or3A_707 = arith.constant 0.000000e+00 : f32
    %reduce_or3A_708 = vector.broadcast %reduce_or3A_707 : f32 to vector<128xf32>
    %reduce_or3A_709 = arith.cmpf ogt, %reduce_or3A_706, %reduce_or3A_708 : vector<128xf32>
    %broadcast_in_dim3A_710 = vector.shape_cast %reduce_or3A_709 : vector<128xi1> to vector<128x1xi1>
    %eq3A_711 = arith.constant 30 : i32
    %eq3A_712 = vector.broadcast %eq3A_711 : i32 to vector<128x128xi32>
    %eq3A_713 = arith.cmpi eq, %iota3A, %eq3A_712 : vector<128x128xi32>
    %and3A_714 = vector.broadcast %broadcast_in_dim3A_710 : vector<128x1xi1> to vector<128x128xi1>
    %and3A_715 = arith.andi %and3A_714, %eq3A_713 : vector<128x128xi1>
    %or3A_716 = arith.ori %or3A_692, %and3A_715 : vector<128x128xi1>
    %slice3A_717 = vector.extract_strided_slice %get3A_1 {offsets = [0, 31], sizes = [128, 1], strides = [1, 1]} : vector<128x128xi32> to vector<128x1xi32>
    %eq3A_718 = vector.broadcast %slice3A_717 : vector<128x1xi32> to vector<128x128xi32>
    %eq3A_719 = arith.cmpi eq, %get3A_1, %eq3A_718 : vector<128x128xi32>
    %lt3A_720 = arith.constant 31 : i32
    %lt3A_721 = vector.broadcast %lt3A_720 : i32 to vector<128x128xi32>
    %lt3A_722 = arith.cmpi slt, %iota3A, %lt3A_721 : vector<128x128xi32>
    %and3A_723 = arith.andi %eq3A_719, %lt3A_722 : vector<128x128xi1>
    %reduce_or3A_724 = arith.constant 1.000000e+00 : f32
    %reduce_or3A_725 = arith.constant 0.000000e+00 : f32
    %reduce_or3A_726 = vector.broadcast %reduce_or3A_724 : f32 to vector<128x128xf32>
    %reduce_or3A_727 = vector.broadcast %reduce_or3A_725 : f32 to vector<128x128xf32>
    %reduce_or3A_728 = arith.select %and3A_723, %reduce_or3A_726, %reduce_or3A_727 : vector<128x128xi1>, vector<128x128xf32>
    %reduce_or3A_729 = arith.constant dense<0xFF800000> : vector<128xf32>
    %reduce_or3A_730 = vector.multi_reduction <maximumf>, %reduce_or3A_728, %reduce_or3A_729 [1] : vector<128x128xf32> to vector<128xf32>
    %reduce_or3A_731 = arith.constant 0.000000e+00 : f32
    %reduce_or3A_732 = vector.broadcast %reduce_or3A_731 : f32 to vector<128xf32>
    %reduce_or3A_733 = arith.cmpf ogt, %reduce_or3A_730, %reduce_or3A_732 : vector<128xf32>
    %broadcast_in_dim3A_734 = vector.shape_cast %reduce_or3A_733 : vector<128xi1> to vector<128x1xi1>
    %eq3A_735 = arith.constant 31 : i32
    %eq3A_736 = vector.broadcast %eq3A_735 : i32 to vector<128x128xi32>
    %eq3A_737 = arith.cmpi eq, %iota3A, %eq3A_736 : vector<128x128xi32>
    %and3A_738 = vector.broadcast %broadcast_in_dim3A_734 : vector<128x1xi1> to vector<128x128xi1>
    %and3A_739 = arith.andi %and3A_738, %eq3A_737 : vector<128x128xi1>
    %or3A_740 = arith.ori %or3A_716, %and3A_739 : vector<128x128xi1>
    %slice3A_741 = vector.extract_strided_slice %get3A_1 {offsets = [0, 32], sizes = [128, 1], strides = [1, 1]} : vector<128x128xi32> to vector<128x1xi32>
    %eq3A_742 = vector.broadcast %slice3A_741 : vector<128x1xi32> to vector<128x128xi32>
    %eq3A_743 = arith.cmpi eq, %get3A_1, %eq3A_742 : vector<128x128xi32>
    %lt3A_744 = arith.constant 32 : i32
    %lt3A_745 = vector.broadcast %lt3A_744 : i32 to vector<128x128xi32>
    %lt3A_746 = arith.cmpi slt, %iota3A, %lt3A_745 : vector<128x128xi32>
    %and3A_747 = arith.andi %eq3A_743, %lt3A_746 : vector<128x128xi1>
    %reduce_or3A_748 = arith.constant 1.000000e+00 : f32
    %reduce_or3A_749 = arith.constant 0.000000e+00 : f32
    %reduce_or3A_750 = vector.broadcast %reduce_or3A_748 : f32 to vector<128x128xf32>
    %reduce_or3A_751 = vector.broadcast %reduce_or3A_749 : f32 to vector<128x128xf32>
    %reduce_or3A_752 = arith.select %and3A_747, %reduce_or3A_750, %reduce_or3A_751 : vector<128x128xi1>, vector<128x128xf32>
    %reduce_or3A_753 = arith.constant dense<0xFF800000> : vector<128xf32>
    %reduce_or3A_754 = vector.multi_reduction <maximumf>, %reduce_or3A_752, %reduce_or3A_753 [1] : vector<128x128xf32> to vector<128xf32>
    %reduce_or3A_755 = arith.constant 0.000000e+00 : f32
    %reduce_or3A_756 = vector.broadcast %reduce_or3A_755 : f32 to vector<128xf32>
    %reduce_or3A_757 = arith.cmpf ogt, %reduce_or3A_754, %reduce_or3A_756 : vector<128xf32>
    %broadcast_in_dim3A_758 = vector.shape_cast %reduce_or3A_757 : vector<128xi1> to vector<128x1xi1>
    %eq3A_759 = arith.constant 32 : i32
    %eq3A_760 = vector.broadcast %eq3A_759 : i32 to vector<128x128xi32>
    %eq3A_761 = arith.cmpi eq, %iota3A, %eq3A_760 : vector<128x128xi32>
    %and3A_762 = vector.broadcast %broadcast_in_dim3A_758 : vector<128x1xi1> to vector<128x128xi1>
    %and3A_763 = arith.andi %and3A_762, %eq3A_761 : vector<128x128xi1>
    %or3A_764 = arith.ori %or3A_740, %and3A_763 : vector<128x128xi1>
    %slice3A_765 = vector.extract_strided_slice %get3A_1 {offsets = [0, 33], sizes = [128, 1], strides = [1, 1]} : vector<128x128xi32> to vector<128x1xi32>
    %eq3A_766 = vector.broadcast %slice3A_765 : vector<128x1xi32> to vector<128x128xi32>
    %eq3A_767 = arith.cmpi eq, %get3A_1, %eq3A_766 : vector<128x128xi32>
    %lt3A_768 = arith.constant 33 : i32
    %lt3A_769 = vector.broadcast %lt3A_768 : i32 to vector<128x128xi32>
    %lt3A_770 = arith.cmpi slt, %iota3A, %lt3A_769 : vector<128x128xi32>
    %and3A_771 = arith.andi %eq3A_767, %lt3A_770 : vector<128x128xi1>
    %reduce_or3A_772 = arith.constant 1.000000e+00 : f32
    %reduce_or3A_773 = arith.constant 0.000000e+00 : f32
    %reduce_or3A_774 = vector.broadcast %reduce_or3A_772 : f32 to vector<128x128xf32>
    %reduce_or3A_775 = vector.broadcast %reduce_or3A_773 : f32 to vector<128x128xf32>
    %reduce_or3A_776 = arith.select %and3A_771, %reduce_or3A_774, %reduce_or3A_775 : vector<128x128xi1>, vector<128x128xf32>
    %reduce_or3A_777 = arith.constant dense<0xFF800000> : vector<128xf32>
    %reduce_or3A_778 = vector.multi_reduction <maximumf>, %reduce_or3A_776, %reduce_or3A_777 [1] : vector<128x128xf32> to vector<128xf32>
    %reduce_or3A_779 = arith.constant 0.000000e+00 : f32
    %reduce_or3A_780 = vector.broadcast %reduce_or3A_779 : f32 to vector<128xf32>
    %reduce_or3A_781 = arith.cmpf ogt, %reduce_or3A_778, %reduce_or3A_780 : vector<128xf32>
    %broadcast_in_dim3A_782 = vector.shape_cast %reduce_or3A_781 : vector<128xi1> to vector<128x1xi1>
    %eq3A_783 = arith.constant 33 : i32
    %eq3A_784 = vector.broadcast %eq3A_783 : i32 to vector<128x128xi32>
    %eq3A_785 = arith.cmpi eq, %iota3A, %eq3A_784 : vector<128x128xi32>
    %and3A_786 = vector.broadcast %broadcast_in_dim3A_782 : vector<128x1xi1> to vector<128x128xi1>
    %and3A_787 = arith.andi %and3A_786, %eq3A_785 : vector<128x128xi1>
    %or3A_788 = arith.ori %or3A_764, %and3A_787 : vector<128x128xi1>
    %slice3A_789 = vector.extract_strided_slice %get3A_1 {offsets = [0, 34], sizes = [128, 1], strides = [1, 1]} : vector<128x128xi32> to vector<128x1xi32>
    %eq3A_790 = vector.broadcast %slice3A_789 : vector<128x1xi32> to vector<128x128xi32>
    %eq3A_791 = arith.cmpi eq, %get3A_1, %eq3A_790 : vector<128x128xi32>
    %lt3A_792 = arith.constant 34 : i32
    %lt3A_793 = vector.broadcast %lt3A_792 : i32 to vector<128x128xi32>
    %lt3A_794 = arith.cmpi slt, %iota3A, %lt3A_793 : vector<128x128xi32>
    %and3A_795 = arith.andi %eq3A_791, %lt3A_794 : vector<128x128xi1>
    %reduce_or3A_796 = arith.constant 1.000000e+00 : f32
    %reduce_or3A_797 = arith.constant 0.000000e+00 : f32
    %reduce_or3A_798 = vector.broadcast %reduce_or3A_796 : f32 to vector<128x128xf32>
    %reduce_or3A_799 = vector.broadcast %reduce_or3A_797 : f32 to vector<128x128xf32>
    %reduce_or3A_800 = arith.select %and3A_795, %reduce_or3A_798, %reduce_or3A_799 : vector<128x128xi1>, vector<128x128xf32>
    %reduce_or3A_801 = arith.constant dense<0xFF800000> : vector<128xf32>
    %reduce_or3A_802 = vector.multi_reduction <maximumf>, %reduce_or3A_800, %reduce_or3A_801 [1] : vector<128x128xf32> to vector<128xf32>
    %reduce_or3A_803 = arith.constant 0.000000e+00 : f32
    %reduce_or3A_804 = vector.broadcast %reduce_or3A_803 : f32 to vector<128xf32>
    %reduce_or3A_805 = arith.cmpf ogt, %reduce_or3A_802, %reduce_or3A_804 : vector<128xf32>
    %broadcast_in_dim3A_806 = vector.shape_cast %reduce_or3A_805 : vector<128xi1> to vector<128x1xi1>
    %eq3A_807 = arith.constant 34 : i32
    %eq3A_808 = vector.broadcast %eq3A_807 : i32 to vector<128x128xi32>
    %eq3A_809 = arith.cmpi eq, %iota3A, %eq3A_808 : vector<128x128xi32>
    %and3A_810 = vector.broadcast %broadcast_in_dim3A_806 : vector<128x1xi1> to vector<128x128xi1>
    %and3A_811 = arith.andi %and3A_810, %eq3A_809 : vector<128x128xi1>
    %or3A_812 = arith.ori %or3A_788, %and3A_811 : vector<128x128xi1>
    %slice3A_813 = vector.extract_strided_slice %get3A_1 {offsets = [0, 35], sizes = [128, 1], strides = [1, 1]} : vector<128x128xi32> to vector<128x1xi32>
    %eq3A_814 = vector.broadcast %slice3A_813 : vector<128x1xi32> to vector<128x128xi32>
    %eq3A_815 = arith.cmpi eq, %get3A_1, %eq3A_814 : vector<128x128xi32>
    %lt3A_816 = arith.constant 35 : i32
    %lt3A_817 = vector.broadcast %lt3A_816 : i32 to vector<128x128xi32>
    %lt3A_818 = arith.cmpi slt, %iota3A, %lt3A_817 : vector<128x128xi32>
    %and3A_819 = arith.andi %eq3A_815, %lt3A_818 : vector<128x128xi1>
    %reduce_or3A_820 = arith.constant 1.000000e+00 : f32
    %reduce_or3A_821 = arith.constant 0.000000e+00 : f32
    %reduce_or3A_822 = vector.broadcast %reduce_or3A_820 : f32 to vector<128x128xf32>
    %reduce_or3A_823 = vector.broadcast %reduce_or3A_821 : f32 to vector<128x128xf32>
    %reduce_or3A_824 = arith.select %and3A_819, %reduce_or3A_822, %reduce_or3A_823 : vector<128x128xi1>, vector<128x128xf32>
    %reduce_or3A_825 = arith.constant dense<0xFF800000> : vector<128xf32>
    %reduce_or3A_826 = vector.multi_reduction <maximumf>, %reduce_or3A_824, %reduce_or3A_825 [1] : vector<128x128xf32> to vector<128xf32>
    %reduce_or3A_827 = arith.constant 0.000000e+00 : f32
    %reduce_or3A_828 = vector.broadcast %reduce_or3A_827 : f32 to vector<128xf32>
    %reduce_or3A_829 = arith.cmpf ogt, %reduce_or3A_826, %reduce_or3A_828 : vector<128xf32>
    %broadcast_in_dim3A_830 = vector.shape_cast %reduce_or3A_829 : vector<128xi1> to vector<128x1xi1>
    %eq3A_831 = arith.constant 35 : i32
    %eq3A_832 = vector.broadcast %eq3A_831 : i32 to vector<128x128xi32>
    %eq3A_833 = arith.cmpi eq, %iota3A, %eq3A_832 : vector<128x128xi32>
    %and3A_834 = vector.broadcast %broadcast_in_dim3A_830 : vector<128x1xi1> to vector<128x128xi1>
    %and3A_835 = arith.andi %and3A_834, %eq3A_833 : vector<128x128xi1>
    %or3A_836 = arith.ori %or3A_812, %and3A_835 : vector<128x128xi1>
    %slice3A_837 = vector.extract_strided_slice %get3A_1 {offsets = [0, 36], sizes = [128, 1], strides = [1, 1]} : vector<128x128xi32> to vector<128x1xi32>
    %eq3A_838 = vector.broadcast %slice3A_837 : vector<128x1xi32> to vector<128x128xi32>
    %eq3A_839 = arith.cmpi eq, %get3A_1, %eq3A_838 : vector<128x128xi32>
    %lt3A_840 = arith.constant 36 : i32
    %lt3A_841 = vector.broadcast %lt3A_840 : i32 to vector<128x128xi32>
    %lt3A_842 = arith.cmpi slt, %iota3A, %lt3A_841 : vector<128x128xi32>
    %and3A_843 = arith.andi %eq3A_839, %lt3A_842 : vector<128x128xi1>
    %reduce_or3A_844 = arith.constant 1.000000e+00 : f32
    %reduce_or3A_845 = arith.constant 0.000000e+00 : f32
    %reduce_or3A_846 = vector.broadcast %reduce_or3A_844 : f32 to vector<128x128xf32>
    %reduce_or3A_847 = vector.broadcast %reduce_or3A_845 : f32 to vector<128x128xf32>
    %reduce_or3A_848 = arith.select %and3A_843, %reduce_or3A_846, %reduce_or3A_847 : vector<128x128xi1>, vector<128x128xf32>
    %reduce_or3A_849 = arith.constant dense<0xFF800000> : vector<128xf32>
    %reduce_or3A_850 = vector.multi_reduction <maximumf>, %reduce_or3A_848, %reduce_or3A_849 [1] : vector<128x128xf32> to vector<128xf32>
    %reduce_or3A_851 = arith.constant 0.000000e+00 : f32
    %reduce_or3A_852 = vector.broadcast %reduce_or3A_851 : f32 to vector<128xf32>
    %reduce_or3A_853 = arith.cmpf ogt, %reduce_or3A_850, %reduce_or3A_852 : vector<128xf32>
    %broadcast_in_dim3A_854 = vector.shape_cast %reduce_or3A_853 : vector<128xi1> to vector<128x1xi1>
    %eq3A_855 = arith.constant 36 : i32
    %eq3A_856 = vector.broadcast %eq3A_855 : i32 to vector<128x128xi32>
    %eq3A_857 = arith.cmpi eq, %iota3A, %eq3A_856 : vector<128x128xi32>
    %and3A_858 = vector.broadcast %broadcast_in_dim3A_854 : vector<128x1xi1> to vector<128x128xi1>
    %and3A_859 = arith.andi %and3A_858, %eq3A_857 : vector<128x128xi1>
    %or3A_860 = arith.ori %or3A_836, %and3A_859 : vector<128x128xi1>
    %slice3A_861 = vector.extract_strided_slice %get3A_1 {offsets = [0, 37], sizes = [128, 1], strides = [1, 1]} : vector<128x128xi32> to vector<128x1xi32>
    %eq3A_862 = vector.broadcast %slice3A_861 : vector<128x1xi32> to vector<128x128xi32>
    %eq3A_863 = arith.cmpi eq, %get3A_1, %eq3A_862 : vector<128x128xi32>
    %lt3A_864 = arith.constant 37 : i32
    %lt3A_865 = vector.broadcast %lt3A_864 : i32 to vector<128x128xi32>
    %lt3A_866 = arith.cmpi slt, %iota3A, %lt3A_865 : vector<128x128xi32>
    %and3A_867 = arith.andi %eq3A_863, %lt3A_866 : vector<128x128xi1>
    %reduce_or3A_868 = arith.constant 1.000000e+00 : f32
    %reduce_or3A_869 = arith.constant 0.000000e+00 : f32
    %reduce_or3A_870 = vector.broadcast %reduce_or3A_868 : f32 to vector<128x128xf32>
    %reduce_or3A_871 = vector.broadcast %reduce_or3A_869 : f32 to vector<128x128xf32>
    %reduce_or3A_872 = arith.select %and3A_867, %reduce_or3A_870, %reduce_or3A_871 : vector<128x128xi1>, vector<128x128xf32>
    %reduce_or3A_873 = arith.constant dense<0xFF800000> : vector<128xf32>
    %reduce_or3A_874 = vector.multi_reduction <maximumf>, %reduce_or3A_872, %reduce_or3A_873 [1] : vector<128x128xf32> to vector<128xf32>
    %reduce_or3A_875 = arith.constant 0.000000e+00 : f32
    %reduce_or3A_876 = vector.broadcast %reduce_or3A_875 : f32 to vector<128xf32>
    %reduce_or3A_877 = arith.cmpf ogt, %reduce_or3A_874, %reduce_or3A_876 : vector<128xf32>
    %broadcast_in_dim3A_878 = vector.shape_cast %reduce_or3A_877 : vector<128xi1> to vector<128x1xi1>
    %eq3A_879 = arith.constant 37 : i32
    %eq3A_880 = vector.broadcast %eq3A_879 : i32 to vector<128x128xi32>
    %eq3A_881 = arith.cmpi eq, %iota3A, %eq3A_880 : vector<128x128xi32>
    %and3A_882 = vector.broadcast %broadcast_in_dim3A_878 : vector<128x1xi1> to vector<128x128xi1>
    %and3A_883 = arith.andi %and3A_882, %eq3A_881 : vector<128x128xi1>
    %or3A_884 = arith.ori %or3A_860, %and3A_883 : vector<128x128xi1>
    %slice3A_885 = vector.extract_strided_slice %get3A_1 {offsets = [0, 38], sizes = [128, 1], strides = [1, 1]} : vector<128x128xi32> to vector<128x1xi32>
    %eq3A_886 = vector.broadcast %slice3A_885 : vector<128x1xi32> to vector<128x128xi32>
    %eq3A_887 = arith.cmpi eq, %get3A_1, %eq3A_886 : vector<128x128xi32>
    %lt3A_888 = arith.constant 38 : i32
    %lt3A_889 = vector.broadcast %lt3A_888 : i32 to vector<128x128xi32>
    %lt3A_890 = arith.cmpi slt, %iota3A, %lt3A_889 : vector<128x128xi32>
    %and3A_891 = arith.andi %eq3A_887, %lt3A_890 : vector<128x128xi1>
    %reduce_or3A_892 = arith.constant 1.000000e+00 : f32
    %reduce_or3A_893 = arith.constant 0.000000e+00 : f32
    %reduce_or3A_894 = vector.broadcast %reduce_or3A_892 : f32 to vector<128x128xf32>
    %reduce_or3A_895 = vector.broadcast %reduce_or3A_893 : f32 to vector<128x128xf32>
    %reduce_or3A_896 = arith.select %and3A_891, %reduce_or3A_894, %reduce_or3A_895 : vector<128x128xi1>, vector<128x128xf32>
    %reduce_or3A_897 = arith.constant dense<0xFF800000> : vector<128xf32>
    %reduce_or3A_898 = vector.multi_reduction <maximumf>, %reduce_or3A_896, %reduce_or3A_897 [1] : vector<128x128xf32> to vector<128xf32>
    %reduce_or3A_899 = arith.constant 0.000000e+00 : f32
    %reduce_or3A_900 = vector.broadcast %reduce_or3A_899 : f32 to vector<128xf32>
    %reduce_or3A_901 = arith.cmpf ogt, %reduce_or3A_898, %reduce_or3A_900 : vector<128xf32>
    %broadcast_in_dim3A_902 = vector.shape_cast %reduce_or3A_901 : vector<128xi1> to vector<128x1xi1>
    %eq3A_903 = arith.constant 38 : i32
    %eq3A_904 = vector.broadcast %eq3A_903 : i32 to vector<128x128xi32>
    %eq3A_905 = arith.cmpi eq, %iota3A, %eq3A_904 : vector<128x128xi32>
    %and3A_906 = vector.broadcast %broadcast_in_dim3A_902 : vector<128x1xi1> to vector<128x128xi1>
    %and3A_907 = arith.andi %and3A_906, %eq3A_905 : vector<128x128xi1>
    %or3A_908 = arith.ori %or3A_884, %and3A_907 : vector<128x128xi1>
    %slice3A_909 = vector.extract_strided_slice %get3A_1 {offsets = [0, 39], sizes = [128, 1], strides = [1, 1]} : vector<128x128xi32> to vector<128x1xi32>
    %eq3A_910 = vector.broadcast %slice3A_909 : vector<128x1xi32> to vector<128x128xi32>
    %eq3A_911 = arith.cmpi eq, %get3A_1, %eq3A_910 : vector<128x128xi32>
    %lt3A_912 = arith.constant 39 : i32
    %lt3A_913 = vector.broadcast %lt3A_912 : i32 to vector<128x128xi32>
    %lt3A_914 = arith.cmpi slt, %iota3A, %lt3A_913 : vector<128x128xi32>
    %and3A_915 = arith.andi %eq3A_911, %lt3A_914 : vector<128x128xi1>
    %reduce_or3A_916 = arith.constant 1.000000e+00 : f32
    %reduce_or3A_917 = arith.constant 0.000000e+00 : f32
    %reduce_or3A_918 = vector.broadcast %reduce_or3A_916 : f32 to vector<128x128xf32>
    %reduce_or3A_919 = vector.broadcast %reduce_or3A_917 : f32 to vector<128x128xf32>
    %reduce_or3A_920 = arith.select %and3A_915, %reduce_or3A_918, %reduce_or3A_919 : vector<128x128xi1>, vector<128x128xf32>
    %reduce_or3A_921 = arith.constant dense<0xFF800000> : vector<128xf32>
    %reduce_or3A_922 = vector.multi_reduction <maximumf>, %reduce_or3A_920, %reduce_or3A_921 [1] : vector<128x128xf32> to vector<128xf32>
    %reduce_or3A_923 = arith.constant 0.000000e+00 : f32
    %reduce_or3A_924 = vector.broadcast %reduce_or3A_923 : f32 to vector<128xf32>
    %reduce_or3A_925 = arith.cmpf ogt, %reduce_or3A_922, %reduce_or3A_924 : vector<128xf32>
    %broadcast_in_dim3A_926 = vector.shape_cast %reduce_or3A_925 : vector<128xi1> to vector<128x1xi1>
    %eq3A_927 = arith.constant 39 : i32
    %eq3A_928 = vector.broadcast %eq3A_927 : i32 to vector<128x128xi32>
    %eq3A_929 = arith.cmpi eq, %iota3A, %eq3A_928 : vector<128x128xi32>
    %and3A_930 = vector.broadcast %broadcast_in_dim3A_926 : vector<128x1xi1> to vector<128x128xi1>
    %and3A_931 = arith.andi %and3A_930, %eq3A_929 : vector<128x128xi1>
    %or3A_932 = arith.ori %or3A_908, %and3A_931 : vector<128x128xi1>
    %slice3A_933 = vector.extract_strided_slice %get3A_1 {offsets = [0, 40], sizes = [128, 1], strides = [1, 1]} : vector<128x128xi32> to vector<128x1xi32>
    %eq3A_934 = vector.broadcast %slice3A_933 : vector<128x1xi32> to vector<128x128xi32>
    %eq3A_935 = arith.cmpi eq, %get3A_1, %eq3A_934 : vector<128x128xi32>
    %lt3A_936 = arith.constant 40 : i32
    %lt3A_937 = vector.broadcast %lt3A_936 : i32 to vector<128x128xi32>
    %lt3A_938 = arith.cmpi slt, %iota3A, %lt3A_937 : vector<128x128xi32>
    %and3A_939 = arith.andi %eq3A_935, %lt3A_938 : vector<128x128xi1>
    %reduce_or3A_940 = arith.constant 1.000000e+00 : f32
    %reduce_or3A_941 = arith.constant 0.000000e+00 : f32
    %reduce_or3A_942 = vector.broadcast %reduce_or3A_940 : f32 to vector<128x128xf32>
    %reduce_or3A_943 = vector.broadcast %reduce_or3A_941 : f32 to vector<128x128xf32>
    %reduce_or3A_944 = arith.select %and3A_939, %reduce_or3A_942, %reduce_or3A_943 : vector<128x128xi1>, vector<128x128xf32>
    %reduce_or3A_945 = arith.constant dense<0xFF800000> : vector<128xf32>
    %reduce_or3A_946 = vector.multi_reduction <maximumf>, %reduce_or3A_944, %reduce_or3A_945 [1] : vector<128x128xf32> to vector<128xf32>
    %reduce_or3A_947 = arith.constant 0.000000e+00 : f32
    %reduce_or3A_948 = vector.broadcast %reduce_or3A_947 : f32 to vector<128xf32>
    %reduce_or3A_949 = arith.cmpf ogt, %reduce_or3A_946, %reduce_or3A_948 : vector<128xf32>
    %broadcast_in_dim3A_950 = vector.shape_cast %reduce_or3A_949 : vector<128xi1> to vector<128x1xi1>
    %eq3A_951 = arith.constant 40 : i32
    %eq3A_952 = vector.broadcast %eq3A_951 : i32 to vector<128x128xi32>
    %eq3A_953 = arith.cmpi eq, %iota3A, %eq3A_952 : vector<128x128xi32>
    %and3A_954 = vector.broadcast %broadcast_in_dim3A_950 : vector<128x1xi1> to vector<128x128xi1>
    %and3A_955 = arith.andi %and3A_954, %eq3A_953 : vector<128x128xi1>
    %or3A_956 = arith.ori %or3A_932, %and3A_955 : vector<128x128xi1>
    %slice3A_957 = vector.extract_strided_slice %get3A_1 {offsets = [0, 41], sizes = [128, 1], strides = [1, 1]} : vector<128x128xi32> to vector<128x1xi32>
    %eq3A_958 = vector.broadcast %slice3A_957 : vector<128x1xi32> to vector<128x128xi32>
    %eq3A_959 = arith.cmpi eq, %get3A_1, %eq3A_958 : vector<128x128xi32>
    %lt3A_960 = arith.constant 41 : i32
    %lt3A_961 = vector.broadcast %lt3A_960 : i32 to vector<128x128xi32>
    %lt3A_962 = arith.cmpi slt, %iota3A, %lt3A_961 : vector<128x128xi32>
    %and3A_963 = arith.andi %eq3A_959, %lt3A_962 : vector<128x128xi1>
    %reduce_or3A_964 = arith.constant 1.000000e+00 : f32
    %reduce_or3A_965 = arith.constant 0.000000e+00 : f32
    %reduce_or3A_966 = vector.broadcast %reduce_or3A_964 : f32 to vector<128x128xf32>
    %reduce_or3A_967 = vector.broadcast %reduce_or3A_965 : f32 to vector<128x128xf32>
    %reduce_or3A_968 = arith.select %and3A_963, %reduce_or3A_966, %reduce_or3A_967 : vector<128x128xi1>, vector<128x128xf32>
    %reduce_or3A_969 = arith.constant dense<0xFF800000> : vector<128xf32>
    %reduce_or3A_970 = vector.multi_reduction <maximumf>, %reduce_or3A_968, %reduce_or3A_969 [1] : vector<128x128xf32> to vector<128xf32>
    %reduce_or3A_971 = arith.constant 0.000000e+00 : f32
    %reduce_or3A_972 = vector.broadcast %reduce_or3A_971 : f32 to vector<128xf32>
    %reduce_or3A_973 = arith.cmpf ogt, %reduce_or3A_970, %reduce_or3A_972 : vector<128xf32>
    %broadcast_in_dim3A_974 = vector.shape_cast %reduce_or3A_973 : vector<128xi1> to vector<128x1xi1>
    %eq3A_975 = arith.constant 41 : i32
    %eq3A_976 = vector.broadcast %eq3A_975 : i32 to vector<128x128xi32>
    %eq3A_977 = arith.cmpi eq, %iota3A, %eq3A_976 : vector<128x128xi32>
    %and3A_978 = vector.broadcast %broadcast_in_dim3A_974 : vector<128x1xi1> to vector<128x128xi1>
    %and3A_979 = arith.andi %and3A_978, %eq3A_977 : vector<128x128xi1>
    %or3A_980 = arith.ori %or3A_956, %and3A_979 : vector<128x128xi1>
    %slice3A_981 = vector.extract_strided_slice %get3A_1 {offsets = [0, 42], sizes = [128, 1], strides = [1, 1]} : vector<128x128xi32> to vector<128x1xi32>
    %eq3A_982 = vector.broadcast %slice3A_981 : vector<128x1xi32> to vector<128x128xi32>
    %eq3A_983 = arith.cmpi eq, %get3A_1, %eq3A_982 : vector<128x128xi32>
    %lt3A_984 = arith.constant 42 : i32
    %lt3A_985 = vector.broadcast %lt3A_984 : i32 to vector<128x128xi32>
    %lt3A_986 = arith.cmpi slt, %iota3A, %lt3A_985 : vector<128x128xi32>
    %and3A_987 = arith.andi %eq3A_983, %lt3A_986 : vector<128x128xi1>
    %reduce_or3A_988 = arith.constant 1.000000e+00 : f32
    %reduce_or3A_989 = arith.constant 0.000000e+00 : f32
    %reduce_or3A_990 = vector.broadcast %reduce_or3A_988 : f32 to vector<128x128xf32>
    %reduce_or3A_991 = vector.broadcast %reduce_or3A_989 : f32 to vector<128x128xf32>
    %reduce_or3A_992 = arith.select %and3A_987, %reduce_or3A_990, %reduce_or3A_991 : vector<128x128xi1>, vector<128x128xf32>
    %reduce_or3A_993 = arith.constant dense<0xFF800000> : vector<128xf32>
    %reduce_or3A_994 = vector.multi_reduction <maximumf>, %reduce_or3A_992, %reduce_or3A_993 [1] : vector<128x128xf32> to vector<128xf32>
    %reduce_or3A_995 = arith.constant 0.000000e+00 : f32
    %reduce_or3A_996 = vector.broadcast %reduce_or3A_995 : f32 to vector<128xf32>
    %reduce_or3A_997 = arith.cmpf ogt, %reduce_or3A_994, %reduce_or3A_996 : vector<128xf32>
    %broadcast_in_dim3A_998 = vector.shape_cast %reduce_or3A_997 : vector<128xi1> to vector<128x1xi1>
    %eq3A_999 = arith.constant 42 : i32
    %eq3A_1000 = vector.broadcast %eq3A_999 : i32 to vector<128x128xi32>
    %eq3A_1001 = arith.cmpi eq, %iota3A, %eq3A_1000 : vector<128x128xi32>
    %and3A_1002 = vector.broadcast %broadcast_in_dim3A_998 : vector<128x1xi1> to vector<128x128xi1>
    %and3A_1003 = arith.andi %and3A_1002, %eq3A_1001 : vector<128x128xi1>
    %or3A_1004 = arith.ori %or3A_980, %and3A_1003 : vector<128x128xi1>
    %slice3A_1005 = vector.extract_strided_slice %get3A_1 {offsets = [0, 43], sizes = [128, 1], strides = [1, 1]} : vector<128x128xi32> to vector<128x1xi32>
    %eq3A_1006 = vector.broadcast %slice3A_1005 : vector<128x1xi32> to vector<128x128xi32>
    %eq3A_1007 = arith.cmpi eq, %get3A_1, %eq3A_1006 : vector<128x128xi32>
    %lt3A_1008 = arith.constant 43 : i32
    %lt3A_1009 = vector.broadcast %lt3A_1008 : i32 to vector<128x128xi32>
    %lt3A_1010 = arith.cmpi slt, %iota3A, %lt3A_1009 : vector<128x128xi32>
    %and3A_1011 = arith.andi %eq3A_1007, %lt3A_1010 : vector<128x128xi1>
    %reduce_or3A_1012 = arith.constant 1.000000e+00 : f32
    %reduce_or3A_1013 = arith.constant 0.000000e+00 : f32
    %reduce_or3A_1014 = vector.broadcast %reduce_or3A_1012 : f32 to vector<128x128xf32>
    %reduce_or3A_1015 = vector.broadcast %reduce_or3A_1013 : f32 to vector<128x128xf32>
    %reduce_or3A_1016 = arith.select %and3A_1011, %reduce_or3A_1014, %reduce_or3A_1015 : vector<128x128xi1>, vector<128x128xf32>
    %reduce_or3A_1017 = arith.constant dense<0xFF800000> : vector<128xf32>
    %reduce_or3A_1018 = vector.multi_reduction <maximumf>, %reduce_or3A_1016, %reduce_or3A_1017 [1] : vector<128x128xf32> to vector<128xf32>
    %reduce_or3A_1019 = arith.constant 0.000000e+00 : f32
    %reduce_or3A_1020 = vector.broadcast %reduce_or3A_1019 : f32 to vector<128xf32>
    %reduce_or3A_1021 = arith.cmpf ogt, %reduce_or3A_1018, %reduce_or3A_1020 : vector<128xf32>
    %broadcast_in_dim3A_1022 = vector.shape_cast %reduce_or3A_1021 : vector<128xi1> to vector<128x1xi1>
    %eq3A_1023 = arith.constant 43 : i32
    %eq3A_1024 = vector.broadcast %eq3A_1023 : i32 to vector<128x128xi32>
    %eq3A_1025 = arith.cmpi eq, %iota3A, %eq3A_1024 : vector<128x128xi32>
    %and3A_1026 = vector.broadcast %broadcast_in_dim3A_1022 : vector<128x1xi1> to vector<128x128xi1>
    %and3A_1027 = arith.andi %and3A_1026, %eq3A_1025 : vector<128x128xi1>
    %or3A_1028 = arith.ori %or3A_1004, %and3A_1027 : vector<128x128xi1>
    %slice3A_1029 = vector.extract_strided_slice %get3A_1 {offsets = [0, 44], sizes = [128, 1], strides = [1, 1]} : vector<128x128xi32> to vector<128x1xi32>
    %eq3A_1030 = vector.broadcast %slice3A_1029 : vector<128x1xi32> to vector<128x128xi32>
    %eq3A_1031 = arith.cmpi eq, %get3A_1, %eq3A_1030 : vector<128x128xi32>
    %lt3A_1032 = arith.constant 44 : i32
    %lt3A_1033 = vector.broadcast %lt3A_1032 : i32 to vector<128x128xi32>
    %lt3A_1034 = arith.cmpi slt, %iota3A, %lt3A_1033 : vector<128x128xi32>
    %and3A_1035 = arith.andi %eq3A_1031, %lt3A_1034 : vector<128x128xi1>
    %reduce_or3A_1036 = arith.constant 1.000000e+00 : f32
    %reduce_or3A_1037 = arith.constant 0.000000e+00 : f32
    %reduce_or3A_1038 = vector.broadcast %reduce_or3A_1036 : f32 to vector<128x128xf32>
    %reduce_or3A_1039 = vector.broadcast %reduce_or3A_1037 : f32 to vector<128x128xf32>
    %reduce_or3A_1040 = arith.select %and3A_1035, %reduce_or3A_1038, %reduce_or3A_1039 : vector<128x128xi1>, vector<128x128xf32>
    %reduce_or3A_1041 = arith.constant dense<0xFF800000> : vector<128xf32>
    %reduce_or3A_1042 = vector.multi_reduction <maximumf>, %reduce_or3A_1040, %reduce_or3A_1041 [1] : vector<128x128xf32> to vector<128xf32>
    %reduce_or3A_1043 = arith.constant 0.000000e+00 : f32
    %reduce_or3A_1044 = vector.broadcast %reduce_or3A_1043 : f32 to vector<128xf32>
    %reduce_or3A_1045 = arith.cmpf ogt, %reduce_or3A_1042, %reduce_or3A_1044 : vector<128xf32>
    %broadcast_in_dim3A_1046 = vector.shape_cast %reduce_or3A_1045 : vector<128xi1> to vector<128x1xi1>
    %eq3A_1047 = arith.constant 44 : i32
    %eq3A_1048 = vector.broadcast %eq3A_1047 : i32 to vector<128x128xi32>
    %eq3A_1049 = arith.cmpi eq, %iota3A, %eq3A_1048 : vector<128x128xi32>
    %and3A_1050 = vector.broadcast %broadcast_in_dim3A_1046 : vector<128x1xi1> to vector<128x128xi1>
    %and3A_1051 = arith.andi %and3A_1050, %eq3A_1049 : vector<128x128xi1>
    %or3A_1052 = arith.ori %or3A_1028, %and3A_1051 : vector<128x128xi1>
    %slice3A_1053 = vector.extract_strided_slice %get3A_1 {offsets = [0, 45], sizes = [128, 1], strides = [1, 1]} : vector<128x128xi32> to vector<128x1xi32>
    %eq3A_1054 = vector.broadcast %slice3A_1053 : vector<128x1xi32> to vector<128x128xi32>
    %eq3A_1055 = arith.cmpi eq, %get3A_1, %eq3A_1054 : vector<128x128xi32>
    %lt3A_1056 = arith.constant 45 : i32
    %lt3A_1057 = vector.broadcast %lt3A_1056 : i32 to vector<128x128xi32>
    %lt3A_1058 = arith.cmpi slt, %iota3A, %lt3A_1057 : vector<128x128xi32>
    %and3A_1059 = arith.andi %eq3A_1055, %lt3A_1058 : vector<128x128xi1>
    %reduce_or3A_1060 = arith.constant 1.000000e+00 : f32
    %reduce_or3A_1061 = arith.constant 0.000000e+00 : f32
    %reduce_or3A_1062 = vector.broadcast %reduce_or3A_1060 : f32 to vector<128x128xf32>
    %reduce_or3A_1063 = vector.broadcast %reduce_or3A_1061 : f32 to vector<128x128xf32>
    %reduce_or3A_1064 = arith.select %and3A_1059, %reduce_or3A_1062, %reduce_or3A_1063 : vector<128x128xi1>, vector<128x128xf32>
    %reduce_or3A_1065 = arith.constant dense<0xFF800000> : vector<128xf32>
    %reduce_or3A_1066 = vector.multi_reduction <maximumf>, %reduce_or3A_1064, %reduce_or3A_1065 [1] : vector<128x128xf32> to vector<128xf32>
    %reduce_or3A_1067 = arith.constant 0.000000e+00 : f32
    %reduce_or3A_1068 = vector.broadcast %reduce_or3A_1067 : f32 to vector<128xf32>
    %reduce_or3A_1069 = arith.cmpf ogt, %reduce_or3A_1066, %reduce_or3A_1068 : vector<128xf32>
    %broadcast_in_dim3A_1070 = vector.shape_cast %reduce_or3A_1069 : vector<128xi1> to vector<128x1xi1>
    %eq3A_1071 = arith.constant 45 : i32
    %eq3A_1072 = vector.broadcast %eq3A_1071 : i32 to vector<128x128xi32>
    %eq3A_1073 = arith.cmpi eq, %iota3A, %eq3A_1072 : vector<128x128xi32>
    %and3A_1074 = vector.broadcast %broadcast_in_dim3A_1070 : vector<128x1xi1> to vector<128x128xi1>
    %and3A_1075 = arith.andi %and3A_1074, %eq3A_1073 : vector<128x128xi1>
    %or3A_1076 = arith.ori %or3A_1052, %and3A_1075 : vector<128x128xi1>
    %slice3A_1077 = vector.extract_strided_slice %get3A_1 {offsets = [0, 46], sizes = [128, 1], strides = [1, 1]} : vector<128x128xi32> to vector<128x1xi32>
    %eq3A_1078 = vector.broadcast %slice3A_1077 : vector<128x1xi32> to vector<128x128xi32>
    %eq3A_1079 = arith.cmpi eq, %get3A_1, %eq3A_1078 : vector<128x128xi32>
    %lt3A_1080 = arith.constant 46 : i32
    %lt3A_1081 = vector.broadcast %lt3A_1080 : i32 to vector<128x128xi32>
    %lt3A_1082 = arith.cmpi slt, %iota3A, %lt3A_1081 : vector<128x128xi32>
    %and3A_1083 = arith.andi %eq3A_1079, %lt3A_1082 : vector<128x128xi1>
    %reduce_or3A_1084 = arith.constant 1.000000e+00 : f32
    %reduce_or3A_1085 = arith.constant 0.000000e+00 : f32
    %reduce_or3A_1086 = vector.broadcast %reduce_or3A_1084 : f32 to vector<128x128xf32>
    %reduce_or3A_1087 = vector.broadcast %reduce_or3A_1085 : f32 to vector<128x128xf32>
    %reduce_or3A_1088 = arith.select %and3A_1083, %reduce_or3A_1086, %reduce_or3A_1087 : vector<128x128xi1>, vector<128x128xf32>
    %reduce_or3A_1089 = arith.constant dense<0xFF800000> : vector<128xf32>
    %reduce_or3A_1090 = vector.multi_reduction <maximumf>, %reduce_or3A_1088, %reduce_or3A_1089 [1] : vector<128x128xf32> to vector<128xf32>
    %reduce_or3A_1091 = arith.constant 0.000000e+00 : f32
    %reduce_or3A_1092 = vector.broadcast %reduce_or3A_1091 : f32 to vector<128xf32>
    %reduce_or3A_1093 = arith.cmpf ogt, %reduce_or3A_1090, %reduce_or3A_1092 : vector<128xf32>
    %broadcast_in_dim3A_1094 = vector.shape_cast %reduce_or3A_1093 : vector<128xi1> to vector<128x1xi1>
    %eq3A_1095 = arith.constant 46 : i32
    %eq3A_1096 = vector.broadcast %eq3A_1095 : i32 to vector<128x128xi32>
    %eq3A_1097 = arith.cmpi eq, %iota3A, %eq3A_1096 : vector<128x128xi32>
    %and3A_1098 = vector.broadcast %broadcast_in_dim3A_1094 : vector<128x1xi1> to vector<128x128xi1>
    %and3A_1099 = arith.andi %and3A_1098, %eq3A_1097 : vector<128x128xi1>
    %or3A_1100 = arith.ori %or3A_1076, %and3A_1099 : vector<128x128xi1>
    %slice3A_1101 = vector.extract_strided_slice %get3A_1 {offsets = [0, 47], sizes = [128, 1], strides = [1, 1]} : vector<128x128xi32> to vector<128x1xi32>
    %eq3A_1102 = vector.broadcast %slice3A_1101 : vector<128x1xi32> to vector<128x128xi32>
    %eq3A_1103 = arith.cmpi eq, %get3A_1, %eq3A_1102 : vector<128x128xi32>
    %lt3A_1104 = arith.constant 47 : i32
    %lt3A_1105 = vector.broadcast %lt3A_1104 : i32 to vector<128x128xi32>
    %lt3A_1106 = arith.cmpi slt, %iota3A, %lt3A_1105 : vector<128x128xi32>
    %and3A_1107 = arith.andi %eq3A_1103, %lt3A_1106 : vector<128x128xi1>
    %reduce_or3A_1108 = arith.constant 1.000000e+00 : f32
    %reduce_or3A_1109 = arith.constant 0.000000e+00 : f32
    %reduce_or3A_1110 = vector.broadcast %reduce_or3A_1108 : f32 to vector<128x128xf32>
    %reduce_or3A_1111 = vector.broadcast %reduce_or3A_1109 : f32 to vector<128x128xf32>
    %reduce_or3A_1112 = arith.select %and3A_1107, %reduce_or3A_1110, %reduce_or3A_1111 : vector<128x128xi1>, vector<128x128xf32>
    %reduce_or3A_1113 = arith.constant dense<0xFF800000> : vector<128xf32>
    %reduce_or3A_1114 = vector.multi_reduction <maximumf>, %reduce_or3A_1112, %reduce_or3A_1113 [1] : vector<128x128xf32> to vector<128xf32>
    %reduce_or3A_1115 = arith.constant 0.000000e+00 : f32
    %reduce_or3A_1116 = vector.broadcast %reduce_or3A_1115 : f32 to vector<128xf32>
    %reduce_or3A_1117 = arith.cmpf ogt, %reduce_or3A_1114, %reduce_or3A_1116 : vector<128xf32>
    %broadcast_in_dim3A_1118 = vector.shape_cast %reduce_or3A_1117 : vector<128xi1> to vector<128x1xi1>
    %eq3A_1119 = arith.constant 47 : i32
    %eq3A_1120 = vector.broadcast %eq3A_1119 : i32 to vector<128x128xi32>
    %eq3A_1121 = arith.cmpi eq, %iota3A, %eq3A_1120 : vector<128x128xi32>
    %and3A_1122 = vector.broadcast %broadcast_in_dim3A_1118 : vector<128x1xi1> to vector<128x128xi1>
    %and3A_1123 = arith.andi %and3A_1122, %eq3A_1121 : vector<128x128xi1>
    %or3A_1124 = arith.ori %or3A_1100, %and3A_1123 : vector<128x128xi1>
    %slice3A_1125 = vector.extract_strided_slice %get3A_1 {offsets = [0, 48], sizes = [128, 1], strides = [1, 1]} : vector<128x128xi32> to vector<128x1xi32>
    %eq3A_1126 = vector.broadcast %slice3A_1125 : vector<128x1xi32> to vector<128x128xi32>
    %eq3A_1127 = arith.cmpi eq, %get3A_1, %eq3A_1126 : vector<128x128xi32>
    %lt3A_1128 = arith.constant 48 : i32
    %lt3A_1129 = vector.broadcast %lt3A_1128 : i32 to vector<128x128xi32>
    %lt3A_1130 = arith.cmpi slt, %iota3A, %lt3A_1129 : vector<128x128xi32>
    %and3A_1131 = arith.andi %eq3A_1127, %lt3A_1130 : vector<128x128xi1>
    %reduce_or3A_1132 = arith.constant 1.000000e+00 : f32
    %reduce_or3A_1133 = arith.constant 0.000000e+00 : f32
    %reduce_or3A_1134 = vector.broadcast %reduce_or3A_1132 : f32 to vector<128x128xf32>
    %reduce_or3A_1135 = vector.broadcast %reduce_or3A_1133 : f32 to vector<128x128xf32>
    %reduce_or3A_1136 = arith.select %and3A_1131, %reduce_or3A_1134, %reduce_or3A_1135 : vector<128x128xi1>, vector<128x128xf32>
    %reduce_or3A_1137 = arith.constant dense<0xFF800000> : vector<128xf32>
    %reduce_or3A_1138 = vector.multi_reduction <maximumf>, %reduce_or3A_1136, %reduce_or3A_1137 [1] : vector<128x128xf32> to vector<128xf32>
    %reduce_or3A_1139 = arith.constant 0.000000e+00 : f32
    %reduce_or3A_1140 = vector.broadcast %reduce_or3A_1139 : f32 to vector<128xf32>
    %reduce_or3A_1141 = arith.cmpf ogt, %reduce_or3A_1138, %reduce_or3A_1140 : vector<128xf32>
    %broadcast_in_dim3A_1142 = vector.shape_cast %reduce_or3A_1141 : vector<128xi1> to vector<128x1xi1>
    %eq3A_1143 = arith.constant 48 : i32
    %eq3A_1144 = vector.broadcast %eq3A_1143 : i32 to vector<128x128xi32>
    %eq3A_1145 = arith.cmpi eq, %iota3A, %eq3A_1144 : vector<128x128xi32>
    %and3A_1146 = vector.broadcast %broadcast_in_dim3A_1142 : vector<128x1xi1> to vector<128x128xi1>
    %and3A_1147 = arith.andi %and3A_1146, %eq3A_1145 : vector<128x128xi1>
    %or3A_1148 = arith.ori %or3A_1124, %and3A_1147 : vector<128x128xi1>
    %slice3A_1149 = vector.extract_strided_slice %get3A_1 {offsets = [0, 49], sizes = [128, 1], strides = [1, 1]} : vector<128x128xi32> to vector<128x1xi32>
    %eq3A_1150 = vector.broadcast %slice3A_1149 : vector<128x1xi32> to vector<128x128xi32>
    %eq3A_1151 = arith.cmpi eq, %get3A_1, %eq3A_1150 : vector<128x128xi32>
    %lt3A_1152 = arith.constant 49 : i32
    %lt3A_1153 = vector.broadcast %lt3A_1152 : i32 to vector<128x128xi32>
    %lt3A_1154 = arith.cmpi slt, %iota3A, %lt3A_1153 : vector<128x128xi32>
    %and3A_1155 = arith.andi %eq3A_1151, %lt3A_1154 : vector<128x128xi1>
    %reduce_or3A_1156 = arith.constant 1.000000e+00 : f32
    %reduce_or3A_1157 = arith.constant 0.000000e+00 : f32
    %reduce_or3A_1158 = vector.broadcast %reduce_or3A_1156 : f32 to vector<128x128xf32>
    %reduce_or3A_1159 = vector.broadcast %reduce_or3A_1157 : f32 to vector<128x128xf32>
    %reduce_or3A_1160 = arith.select %and3A_1155, %reduce_or3A_1158, %reduce_or3A_1159 : vector<128x128xi1>, vector<128x128xf32>
    %reduce_or3A_1161 = arith.constant dense<0xFF800000> : vector<128xf32>
    %reduce_or3A_1162 = vector.multi_reduction <maximumf>, %reduce_or3A_1160, %reduce_or3A_1161 [1] : vector<128x128xf32> to vector<128xf32>
    %reduce_or3A_1163 = arith.constant 0.000000e+00 : f32
    %reduce_or3A_1164 = vector.broadcast %reduce_or3A_1163 : f32 to vector<128xf32>
    %reduce_or3A_1165 = arith.cmpf ogt, %reduce_or3A_1162, %reduce_or3A_1164 : vector<128xf32>
    %broadcast_in_dim3A_1166 = vector.shape_cast %reduce_or3A_1165 : vector<128xi1> to vector<128x1xi1>
    %eq3A_1167 = arith.constant 49 : i32
    %eq3A_1168 = vector.broadcast %eq3A_1167 : i32 to vector<128x128xi32>
    %eq3A_1169 = arith.cmpi eq, %iota3A, %eq3A_1168 : vector<128x128xi32>
    %and3A_1170 = vector.broadcast %broadcast_in_dim3A_1166 : vector<128x1xi1> to vector<128x128xi1>
    %and3A_1171 = arith.andi %and3A_1170, %eq3A_1169 : vector<128x128xi1>
    %or3A_1172 = arith.ori %or3A_1148, %and3A_1171 : vector<128x128xi1>
    %slice3A_1173 = vector.extract_strided_slice %get3A_1 {offsets = [0, 50], sizes = [128, 1], strides = [1, 1]} : vector<128x128xi32> to vector<128x1xi32>
    %eq3A_1174 = vector.broadcast %slice3A_1173 : vector<128x1xi32> to vector<128x128xi32>
    %eq3A_1175 = arith.cmpi eq, %get3A_1, %eq3A_1174 : vector<128x128xi32>
    %lt3A_1176 = arith.constant 50 : i32
    %lt3A_1177 = vector.broadcast %lt3A_1176 : i32 to vector<128x128xi32>
    %lt3A_1178 = arith.cmpi slt, %iota3A, %lt3A_1177 : vector<128x128xi32>
    %and3A_1179 = arith.andi %eq3A_1175, %lt3A_1178 : vector<128x128xi1>
    %reduce_or3A_1180 = arith.constant 1.000000e+00 : f32
    %reduce_or3A_1181 = arith.constant 0.000000e+00 : f32
    %reduce_or3A_1182 = vector.broadcast %reduce_or3A_1180 : f32 to vector<128x128xf32>
    %reduce_or3A_1183 = vector.broadcast %reduce_or3A_1181 : f32 to vector<128x128xf32>
    %reduce_or3A_1184 = arith.select %and3A_1179, %reduce_or3A_1182, %reduce_or3A_1183 : vector<128x128xi1>, vector<128x128xf32>
    %reduce_or3A_1185 = arith.constant dense<0xFF800000> : vector<128xf32>
    %reduce_or3A_1186 = vector.multi_reduction <maximumf>, %reduce_or3A_1184, %reduce_or3A_1185 [1] : vector<128x128xf32> to vector<128xf32>
    %reduce_or3A_1187 = arith.constant 0.000000e+00 : f32
    %reduce_or3A_1188 = vector.broadcast %reduce_or3A_1187 : f32 to vector<128xf32>
    %reduce_or3A_1189 = arith.cmpf ogt, %reduce_or3A_1186, %reduce_or3A_1188 : vector<128xf32>
    %broadcast_in_dim3A_1190 = vector.shape_cast %reduce_or3A_1189 : vector<128xi1> to vector<128x1xi1>
    %eq3A_1191 = arith.constant 50 : i32
    %eq3A_1192 = vector.broadcast %eq3A_1191 : i32 to vector<128x128xi32>
    %eq3A_1193 = arith.cmpi eq, %iota3A, %eq3A_1192 : vector<128x128xi32>
    %and3A_1194 = vector.broadcast %broadcast_in_dim3A_1190 : vector<128x1xi1> to vector<128x128xi1>
    %and3A_1195 = arith.andi %and3A_1194, %eq3A_1193 : vector<128x128xi1>
    %or3A_1196 = arith.ori %or3A_1172, %and3A_1195 : vector<128x128xi1>
    %slice3A_1197 = vector.extract_strided_slice %get3A_1 {offsets = [0, 51], sizes = [128, 1], strides = [1, 1]} : vector<128x128xi32> to vector<128x1xi32>
    %eq3A_1198 = vector.broadcast %slice3A_1197 : vector<128x1xi32> to vector<128x128xi32>
    %eq3A_1199 = arith.cmpi eq, %get3A_1, %eq3A_1198 : vector<128x128xi32>
    %lt3A_1200 = arith.constant 51 : i32
    %lt3A_1201 = vector.broadcast %lt3A_1200 : i32 to vector<128x128xi32>
    %lt3A_1202 = arith.cmpi slt, %iota3A, %lt3A_1201 : vector<128x128xi32>
    %and3A_1203 = arith.andi %eq3A_1199, %lt3A_1202 : vector<128x128xi1>
    %reduce_or3A_1204 = arith.constant 1.000000e+00 : f32
    %reduce_or3A_1205 = arith.constant 0.000000e+00 : f32
    %reduce_or3A_1206 = vector.broadcast %reduce_or3A_1204 : f32 to vector<128x128xf32>
    %reduce_or3A_1207 = vector.broadcast %reduce_or3A_1205 : f32 to vector<128x128xf32>
    %reduce_or3A_1208 = arith.select %and3A_1203, %reduce_or3A_1206, %reduce_or3A_1207 : vector<128x128xi1>, vector<128x128xf32>
    %reduce_or3A_1209 = arith.constant dense<0xFF800000> : vector<128xf32>
    %reduce_or3A_1210 = vector.multi_reduction <maximumf>, %reduce_or3A_1208, %reduce_or3A_1209 [1] : vector<128x128xf32> to vector<128xf32>
    %reduce_or3A_1211 = arith.constant 0.000000e+00 : f32
    %reduce_or3A_1212 = vector.broadcast %reduce_or3A_1211 : f32 to vector<128xf32>
    %reduce_or3A_1213 = arith.cmpf ogt, %reduce_or3A_1210, %reduce_or3A_1212 : vector<128xf32>
    %broadcast_in_dim3A_1214 = vector.shape_cast %reduce_or3A_1213 : vector<128xi1> to vector<128x1xi1>
    %eq3A_1215 = arith.constant 51 : i32
    %eq3A_1216 = vector.broadcast %eq3A_1215 : i32 to vector<128x128xi32>
    %eq3A_1217 = arith.cmpi eq, %iota3A, %eq3A_1216 : vector<128x128xi32>
    %and3A_1218 = vector.broadcast %broadcast_in_dim3A_1214 : vector<128x1xi1> to vector<128x128xi1>
    %and3A_1219 = arith.andi %and3A_1218, %eq3A_1217 : vector<128x128xi1>
    %or3A_1220 = arith.ori %or3A_1196, %and3A_1219 : vector<128x128xi1>
    %slice3A_1221 = vector.extract_strided_slice %get3A_1 {offsets = [0, 52], sizes = [128, 1], strides = [1, 1]} : vector<128x128xi32> to vector<128x1xi32>
    %eq3A_1222 = vector.broadcast %slice3A_1221 : vector<128x1xi32> to vector<128x128xi32>
    %eq3A_1223 = arith.cmpi eq, %get3A_1, %eq3A_1222 : vector<128x128xi32>
    %lt3A_1224 = arith.constant 52 : i32
    %lt3A_1225 = vector.broadcast %lt3A_1224 : i32 to vector<128x128xi32>
    %lt3A_1226 = arith.cmpi slt, %iota3A, %lt3A_1225 : vector<128x128xi32>
    %and3A_1227 = arith.andi %eq3A_1223, %lt3A_1226 : vector<128x128xi1>
    %reduce_or3A_1228 = arith.constant 1.000000e+00 : f32
    %reduce_or3A_1229 = arith.constant 0.000000e+00 : f32
    %reduce_or3A_1230 = vector.broadcast %reduce_or3A_1228 : f32 to vector<128x128xf32>
    %reduce_or3A_1231 = vector.broadcast %reduce_or3A_1229 : f32 to vector<128x128xf32>
    %reduce_or3A_1232 = arith.select %and3A_1227, %reduce_or3A_1230, %reduce_or3A_1231 : vector<128x128xi1>, vector<128x128xf32>
    %reduce_or3A_1233 = arith.constant dense<0xFF800000> : vector<128xf32>
    %reduce_or3A_1234 = vector.multi_reduction <maximumf>, %reduce_or3A_1232, %reduce_or3A_1233 [1] : vector<128x128xf32> to vector<128xf32>
    %reduce_or3A_1235 = arith.constant 0.000000e+00 : f32
    %reduce_or3A_1236 = vector.broadcast %reduce_or3A_1235 : f32 to vector<128xf32>
    %reduce_or3A_1237 = arith.cmpf ogt, %reduce_or3A_1234, %reduce_or3A_1236 : vector<128xf32>
    %broadcast_in_dim3A_1238 = vector.shape_cast %reduce_or3A_1237 : vector<128xi1> to vector<128x1xi1>
    %eq3A_1239 = arith.constant 52 : i32
    %eq3A_1240 = vector.broadcast %eq3A_1239 : i32 to vector<128x128xi32>
    %eq3A_1241 = arith.cmpi eq, %iota3A, %eq3A_1240 : vector<128x128xi32>
    %and3A_1242 = vector.broadcast %broadcast_in_dim3A_1238 : vector<128x1xi1> to vector<128x128xi1>
    %and3A_1243 = arith.andi %and3A_1242, %eq3A_1241 : vector<128x128xi1>
    %or3A_1244 = arith.ori %or3A_1220, %and3A_1243 : vector<128x128xi1>
    %slice3A_1245 = vector.extract_strided_slice %get3A_1 {offsets = [0, 53], sizes = [128, 1], strides = [1, 1]} : vector<128x128xi32> to vector<128x1xi32>
    %eq3A_1246 = vector.broadcast %slice3A_1245 : vector<128x1xi32> to vector<128x128xi32>
    %eq3A_1247 = arith.cmpi eq, %get3A_1, %eq3A_1246 : vector<128x128xi32>
    %lt3A_1248 = arith.constant 53 : i32
    %lt3A_1249 = vector.broadcast %lt3A_1248 : i32 to vector<128x128xi32>
    %lt3A_1250 = arith.cmpi slt, %iota3A, %lt3A_1249 : vector<128x128xi32>
    %and3A_1251 = arith.andi %eq3A_1247, %lt3A_1250 : vector<128x128xi1>
    %reduce_or3A_1252 = arith.constant 1.000000e+00 : f32
    %reduce_or3A_1253 = arith.constant 0.000000e+00 : f32
    %reduce_or3A_1254 = vector.broadcast %reduce_or3A_1252 : f32 to vector<128x128xf32>
    %reduce_or3A_1255 = vector.broadcast %reduce_or3A_1253 : f32 to vector<128x128xf32>
    %reduce_or3A_1256 = arith.select %and3A_1251, %reduce_or3A_1254, %reduce_or3A_1255 : vector<128x128xi1>, vector<128x128xf32>
    %reduce_or3A_1257 = arith.constant dense<0xFF800000> : vector<128xf32>
    %reduce_or3A_1258 = vector.multi_reduction <maximumf>, %reduce_or3A_1256, %reduce_or3A_1257 [1] : vector<128x128xf32> to vector<128xf32>
    %reduce_or3A_1259 = arith.constant 0.000000e+00 : f32
    %reduce_or3A_1260 = vector.broadcast %reduce_or3A_1259 : f32 to vector<128xf32>
    %reduce_or3A_1261 = arith.cmpf ogt, %reduce_or3A_1258, %reduce_or3A_1260 : vector<128xf32>
    %broadcast_in_dim3A_1262 = vector.shape_cast %reduce_or3A_1261 : vector<128xi1> to vector<128x1xi1>
    %eq3A_1263 = arith.constant 53 : i32
    %eq3A_1264 = vector.broadcast %eq3A_1263 : i32 to vector<128x128xi32>
    %eq3A_1265 = arith.cmpi eq, %iota3A, %eq3A_1264 : vector<128x128xi32>
    %and3A_1266 = vector.broadcast %broadcast_in_dim3A_1262 : vector<128x1xi1> to vector<128x128xi1>
    %and3A_1267 = arith.andi %and3A_1266, %eq3A_1265 : vector<128x128xi1>
    %or3A_1268 = arith.ori %or3A_1244, %and3A_1267 : vector<128x128xi1>
    %slice3A_1269 = vector.extract_strided_slice %get3A_1 {offsets = [0, 54], sizes = [128, 1], strides = [1, 1]} : vector<128x128xi32> to vector<128x1xi32>
    %eq3A_1270 = vector.broadcast %slice3A_1269 : vector<128x1xi32> to vector<128x128xi32>
    %eq3A_1271 = arith.cmpi eq, %get3A_1, %eq3A_1270 : vector<128x128xi32>
    %lt3A_1272 = arith.constant 54 : i32
    %lt3A_1273 = vector.broadcast %lt3A_1272 : i32 to vector<128x128xi32>
    %lt3A_1274 = arith.cmpi slt, %iota3A, %lt3A_1273 : vector<128x128xi32>
    %and3A_1275 = arith.andi %eq3A_1271, %lt3A_1274 : vector<128x128xi1>
    %reduce_or3A_1276 = arith.constant 1.000000e+00 : f32
    %reduce_or3A_1277 = arith.constant 0.000000e+00 : f32
    %reduce_or3A_1278 = vector.broadcast %reduce_or3A_1276 : f32 to vector<128x128xf32>
    %reduce_or3A_1279 = vector.broadcast %reduce_or3A_1277 : f32 to vector<128x128xf32>
    %reduce_or3A_1280 = arith.select %and3A_1275, %reduce_or3A_1278, %reduce_or3A_1279 : vector<128x128xi1>, vector<128x128xf32>
    %reduce_or3A_1281 = arith.constant dense<0xFF800000> : vector<128xf32>
    %reduce_or3A_1282 = vector.multi_reduction <maximumf>, %reduce_or3A_1280, %reduce_or3A_1281 [1] : vector<128x128xf32> to vector<128xf32>
    %reduce_or3A_1283 = arith.constant 0.000000e+00 : f32
    %reduce_or3A_1284 = vector.broadcast %reduce_or3A_1283 : f32 to vector<128xf32>
    %reduce_or3A_1285 = arith.cmpf ogt, %reduce_or3A_1282, %reduce_or3A_1284 : vector<128xf32>
    %broadcast_in_dim3A_1286 = vector.shape_cast %reduce_or3A_1285 : vector<128xi1> to vector<128x1xi1>
    %eq3A_1287 = arith.constant 54 : i32
    %eq3A_1288 = vector.broadcast %eq3A_1287 : i32 to vector<128x128xi32>
    %eq3A_1289 = arith.cmpi eq, %iota3A, %eq3A_1288 : vector<128x128xi32>
    %and3A_1290 = vector.broadcast %broadcast_in_dim3A_1286 : vector<128x1xi1> to vector<128x128xi1>
    %and3A_1291 = arith.andi %and3A_1290, %eq3A_1289 : vector<128x128xi1>
    %or3A_1292 = arith.ori %or3A_1268, %and3A_1291 : vector<128x128xi1>
    %slice3A_1293 = vector.extract_strided_slice %get3A_1 {offsets = [0, 55], sizes = [128, 1], strides = [1, 1]} : vector<128x128xi32> to vector<128x1xi32>
    %eq3A_1294 = vector.broadcast %slice3A_1293 : vector<128x1xi32> to vector<128x128xi32>
    %eq3A_1295 = arith.cmpi eq, %get3A_1, %eq3A_1294 : vector<128x128xi32>
    %lt3A_1296 = arith.constant 55 : i32
    %lt3A_1297 = vector.broadcast %lt3A_1296 : i32 to vector<128x128xi32>
    %lt3A_1298 = arith.cmpi slt, %iota3A, %lt3A_1297 : vector<128x128xi32>
    %and3A_1299 = arith.andi %eq3A_1295, %lt3A_1298 : vector<128x128xi1>
    %reduce_or3A_1300 = arith.constant 1.000000e+00 : f32
    %reduce_or3A_1301 = arith.constant 0.000000e+00 : f32
    %reduce_or3A_1302 = vector.broadcast %reduce_or3A_1300 : f32 to vector<128x128xf32>
    %reduce_or3A_1303 = vector.broadcast %reduce_or3A_1301 : f32 to vector<128x128xf32>
    %reduce_or3A_1304 = arith.select %and3A_1299, %reduce_or3A_1302, %reduce_or3A_1303 : vector<128x128xi1>, vector<128x128xf32>
    %reduce_or3A_1305 = arith.constant dense<0xFF800000> : vector<128xf32>
    %reduce_or3A_1306 = vector.multi_reduction <maximumf>, %reduce_or3A_1304, %reduce_or3A_1305 [1] : vector<128x128xf32> to vector<128xf32>
    %reduce_or3A_1307 = arith.constant 0.000000e+00 : f32
    %reduce_or3A_1308 = vector.broadcast %reduce_or3A_1307 : f32 to vector<128xf32>
    %reduce_or3A_1309 = arith.cmpf ogt, %reduce_or3A_1306, %reduce_or3A_1308 : vector<128xf32>
    %broadcast_in_dim3A_1310 = vector.shape_cast %reduce_or3A_1309 : vector<128xi1> to vector<128x1xi1>
    %eq3A_1311 = arith.constant 55 : i32
    %eq3A_1312 = vector.broadcast %eq3A_1311 : i32 to vector<128x128xi32>
    %eq3A_1313 = arith.cmpi eq, %iota3A, %eq3A_1312 : vector<128x128xi32>
    %and3A_1314 = vector.broadcast %broadcast_in_dim3A_1310 : vector<128x1xi1> to vector<128x128xi1>
    %and3A_1315 = arith.andi %and3A_1314, %eq3A_1313 : vector<128x128xi1>
    %or3A_1316 = arith.ori %or3A_1292, %and3A_1315 : vector<128x128xi1>
    %slice3A_1317 = vector.extract_strided_slice %get3A_1 {offsets = [0, 56], sizes = [128, 1], strides = [1, 1]} : vector<128x128xi32> to vector<128x1xi32>
    %eq3A_1318 = vector.broadcast %slice3A_1317 : vector<128x1xi32> to vector<128x128xi32>
    %eq3A_1319 = arith.cmpi eq, %get3A_1, %eq3A_1318 : vector<128x128xi32>
    %lt3A_1320 = arith.constant 56 : i32
    %lt3A_1321 = vector.broadcast %lt3A_1320 : i32 to vector<128x128xi32>
    %lt3A_1322 = arith.cmpi slt, %iota3A, %lt3A_1321 : vector<128x128xi32>
    %and3A_1323 = arith.andi %eq3A_1319, %lt3A_1322 : vector<128x128xi1>
    %reduce_or3A_1324 = arith.constant 1.000000e+00 : f32
    %reduce_or3A_1325 = arith.constant 0.000000e+00 : f32
    %reduce_or3A_1326 = vector.broadcast %reduce_or3A_1324 : f32 to vector<128x128xf32>
    %reduce_or3A_1327 = vector.broadcast %reduce_or3A_1325 : f32 to vector<128x128xf32>
    %reduce_or3A_1328 = arith.select %and3A_1323, %reduce_or3A_1326, %reduce_or3A_1327 : vector<128x128xi1>, vector<128x128xf32>
    %reduce_or3A_1329 = arith.constant dense<0xFF800000> : vector<128xf32>
    %reduce_or3A_1330 = vector.multi_reduction <maximumf>, %reduce_or3A_1328, %reduce_or3A_1329 [1] : vector<128x128xf32> to vector<128xf32>
    %reduce_or3A_1331 = arith.constant 0.000000e+00 : f32
    %reduce_or3A_1332 = vector.broadcast %reduce_or3A_1331 : f32 to vector<128xf32>
    %reduce_or3A_1333 = arith.cmpf ogt, %reduce_or3A_1330, %reduce_or3A_1332 : vector<128xf32>
    %broadcast_in_dim3A_1334 = vector.shape_cast %reduce_or3A_1333 : vector<128xi1> to vector<128x1xi1>
    %eq3A_1335 = arith.constant 56 : i32
    %eq3A_1336 = vector.broadcast %eq3A_1335 : i32 to vector<128x128xi32>
    %eq3A_1337 = arith.cmpi eq, %iota3A, %eq3A_1336 : vector<128x128xi32>
    %and3A_1338 = vector.broadcast %broadcast_in_dim3A_1334 : vector<128x1xi1> to vector<128x128xi1>
    %and3A_1339 = arith.andi %and3A_1338, %eq3A_1337 : vector<128x128xi1>
    %or3A_1340 = arith.ori %or3A_1316, %and3A_1339 : vector<128x128xi1>
    %slice3A_1341 = vector.extract_strided_slice %get3A_1 {offsets = [0, 57], sizes = [128, 1], strides = [1, 1]} : vector<128x128xi32> to vector<128x1xi32>
    %eq3A_1342 = vector.broadcast %slice3A_1341 : vector<128x1xi32> to vector<128x128xi32>
    %eq3A_1343 = arith.cmpi eq, %get3A_1, %eq3A_1342 : vector<128x128xi32>
    %lt3A_1344 = arith.constant 57 : i32
    %lt3A_1345 = vector.broadcast %lt3A_1344 : i32 to vector<128x128xi32>
    %lt3A_1346 = arith.cmpi slt, %iota3A, %lt3A_1345 : vector<128x128xi32>
    %and3A_1347 = arith.andi %eq3A_1343, %lt3A_1346 : vector<128x128xi1>
    %reduce_or3A_1348 = arith.constant 1.000000e+00 : f32
    %reduce_or3A_1349 = arith.constant 0.000000e+00 : f32
    %reduce_or3A_1350 = vector.broadcast %reduce_or3A_1348 : f32 to vector<128x128xf32>
    %reduce_or3A_1351 = vector.broadcast %reduce_or3A_1349 : f32 to vector<128x128xf32>
    %reduce_or3A_1352 = arith.select %and3A_1347, %reduce_or3A_1350, %reduce_or3A_1351 : vector<128x128xi1>, vector<128x128xf32>
    %reduce_or3A_1353 = arith.constant dense<0xFF800000> : vector<128xf32>
    %reduce_or3A_1354 = vector.multi_reduction <maximumf>, %reduce_or3A_1352, %reduce_or3A_1353 [1] : vector<128x128xf32> to vector<128xf32>
    %reduce_or3A_1355 = arith.constant 0.000000e+00 : f32
    %reduce_or3A_1356 = vector.broadcast %reduce_or3A_1355 : f32 to vector<128xf32>
    %reduce_or3A_1357 = arith.cmpf ogt, %reduce_or3A_1354, %reduce_or3A_1356 : vector<128xf32>
    %broadcast_in_dim3A_1358 = vector.shape_cast %reduce_or3A_1357 : vector<128xi1> to vector<128x1xi1>
    %eq3A_1359 = arith.constant 57 : i32
    %eq3A_1360 = vector.broadcast %eq3A_1359 : i32 to vector<128x128xi32>
    %eq3A_1361 = arith.cmpi eq, %iota3A, %eq3A_1360 : vector<128x128xi32>
    %and3A_1362 = vector.broadcast %broadcast_in_dim3A_1358 : vector<128x1xi1> to vector<128x128xi1>
    %and3A_1363 = arith.andi %and3A_1362, %eq3A_1361 : vector<128x128xi1>
    %or3A_1364 = arith.ori %or3A_1340, %and3A_1363 : vector<128x128xi1>
    %slice3A_1365 = vector.extract_strided_slice %get3A_1 {offsets = [0, 58], sizes = [128, 1], strides = [1, 1]} : vector<128x128xi32> to vector<128x1xi32>
    %eq3A_1366 = vector.broadcast %slice3A_1365 : vector<128x1xi32> to vector<128x128xi32>
    %eq3A_1367 = arith.cmpi eq, %get3A_1, %eq3A_1366 : vector<128x128xi32>
    %lt3A_1368 = arith.constant 58 : i32
    %lt3A_1369 = vector.broadcast %lt3A_1368 : i32 to vector<128x128xi32>
    %lt3A_1370 = arith.cmpi slt, %iota3A, %lt3A_1369 : vector<128x128xi32>
    %and3A_1371 = arith.andi %eq3A_1367, %lt3A_1370 : vector<128x128xi1>
    %reduce_or3A_1372 = arith.constant 1.000000e+00 : f32
    %reduce_or3A_1373 = arith.constant 0.000000e+00 : f32
    %reduce_or3A_1374 = vector.broadcast %reduce_or3A_1372 : f32 to vector<128x128xf32>
    %reduce_or3A_1375 = vector.broadcast %reduce_or3A_1373 : f32 to vector<128x128xf32>
    %reduce_or3A_1376 = arith.select %and3A_1371, %reduce_or3A_1374, %reduce_or3A_1375 : vector<128x128xi1>, vector<128x128xf32>
    %reduce_or3A_1377 = arith.constant dense<0xFF800000> : vector<128xf32>
    %reduce_or3A_1378 = vector.multi_reduction <maximumf>, %reduce_or3A_1376, %reduce_or3A_1377 [1] : vector<128x128xf32> to vector<128xf32>
    %reduce_or3A_1379 = arith.constant 0.000000e+00 : f32
    %reduce_or3A_1380 = vector.broadcast %reduce_or3A_1379 : f32 to vector<128xf32>
    %reduce_or3A_1381 = arith.cmpf ogt, %reduce_or3A_1378, %reduce_or3A_1380 : vector<128xf32>
    %broadcast_in_dim3A_1382 = vector.shape_cast %reduce_or3A_1381 : vector<128xi1> to vector<128x1xi1>
    %eq3A_1383 = arith.constant 58 : i32
    %eq3A_1384 = vector.broadcast %eq3A_1383 : i32 to vector<128x128xi32>
    %eq3A_1385 = arith.cmpi eq, %iota3A, %eq3A_1384 : vector<128x128xi32>
    %and3A_1386 = vector.broadcast %broadcast_in_dim3A_1382 : vector<128x1xi1> to vector<128x128xi1>
    %and3A_1387 = arith.andi %and3A_1386, %eq3A_1385 : vector<128x128xi1>
    %or3A_1388 = arith.ori %or3A_1364, %and3A_1387 : vector<128x128xi1>
    %slice3A_1389 = vector.extract_strided_slice %get3A_1 {offsets = [0, 59], sizes = [128, 1], strides = [1, 1]} : vector<128x128xi32> to vector<128x1xi32>
    %eq3A_1390 = vector.broadcast %slice3A_1389 : vector<128x1xi32> to vector<128x128xi32>
    %eq3A_1391 = arith.cmpi eq, %get3A_1, %eq3A_1390 : vector<128x128xi32>
    %lt3A_1392 = arith.constant 59 : i32
    %lt3A_1393 = vector.broadcast %lt3A_1392 : i32 to vector<128x128xi32>
    %lt3A_1394 = arith.cmpi slt, %iota3A, %lt3A_1393 : vector<128x128xi32>
    %and3A_1395 = arith.andi %eq3A_1391, %lt3A_1394 : vector<128x128xi1>
    %reduce_or3A_1396 = arith.constant 1.000000e+00 : f32
    %reduce_or3A_1397 = arith.constant 0.000000e+00 : f32
    %reduce_or3A_1398 = vector.broadcast %reduce_or3A_1396 : f32 to vector<128x128xf32>
    %reduce_or3A_1399 = vector.broadcast %reduce_or3A_1397 : f32 to vector<128x128xf32>
    %reduce_or3A_1400 = arith.select %and3A_1395, %reduce_or3A_1398, %reduce_or3A_1399 : vector<128x128xi1>, vector<128x128xf32>
    %reduce_or3A_1401 = arith.constant dense<0xFF800000> : vector<128xf32>
    %reduce_or3A_1402 = vector.multi_reduction <maximumf>, %reduce_or3A_1400, %reduce_or3A_1401 [1] : vector<128x128xf32> to vector<128xf32>
    %reduce_or3A_1403 = arith.constant 0.000000e+00 : f32
    %reduce_or3A_1404 = vector.broadcast %reduce_or3A_1403 : f32 to vector<128xf32>
    %reduce_or3A_1405 = arith.cmpf ogt, %reduce_or3A_1402, %reduce_or3A_1404 : vector<128xf32>
    %broadcast_in_dim3A_1406 = vector.shape_cast %reduce_or3A_1405 : vector<128xi1> to vector<128x1xi1>
    %eq3A_1407 = arith.constant 59 : i32
    %eq3A_1408 = vector.broadcast %eq3A_1407 : i32 to vector<128x128xi32>
    %eq3A_1409 = arith.cmpi eq, %iota3A, %eq3A_1408 : vector<128x128xi32>
    %and3A_1410 = vector.broadcast %broadcast_in_dim3A_1406 : vector<128x1xi1> to vector<128x128xi1>
    %and3A_1411 = arith.andi %and3A_1410, %eq3A_1409 : vector<128x128xi1>
    %or3A_1412 = arith.ori %or3A_1388, %and3A_1411 : vector<128x128xi1>
    %slice3A_1413 = vector.extract_strided_slice %get3A_1 {offsets = [0, 60], sizes = [128, 1], strides = [1, 1]} : vector<128x128xi32> to vector<128x1xi32>
    %eq3A_1414 = vector.broadcast %slice3A_1413 : vector<128x1xi32> to vector<128x128xi32>
    %eq3A_1415 = arith.cmpi eq, %get3A_1, %eq3A_1414 : vector<128x128xi32>
    %lt3A_1416 = arith.constant 60 : i32
    %lt3A_1417 = vector.broadcast %lt3A_1416 : i32 to vector<128x128xi32>
    %lt3A_1418 = arith.cmpi slt, %iota3A, %lt3A_1417 : vector<128x128xi32>
    %and3A_1419 = arith.andi %eq3A_1415, %lt3A_1418 : vector<128x128xi1>
    %reduce_or3A_1420 = arith.constant 1.000000e+00 : f32
    %reduce_or3A_1421 = arith.constant 0.000000e+00 : f32
    %reduce_or3A_1422 = vector.broadcast %reduce_or3A_1420 : f32 to vector<128x128xf32>
    %reduce_or3A_1423 = vector.broadcast %reduce_or3A_1421 : f32 to vector<128x128xf32>
    %reduce_or3A_1424 = arith.select %and3A_1419, %reduce_or3A_1422, %reduce_or3A_1423 : vector<128x128xi1>, vector<128x128xf32>
    %reduce_or3A_1425 = arith.constant dense<0xFF800000> : vector<128xf32>
    %reduce_or3A_1426 = vector.multi_reduction <maximumf>, %reduce_or3A_1424, %reduce_or3A_1425 [1] : vector<128x128xf32> to vector<128xf32>
    %reduce_or3A_1427 = arith.constant 0.000000e+00 : f32
    %reduce_or3A_1428 = vector.broadcast %reduce_or3A_1427 : f32 to vector<128xf32>
    %reduce_or3A_1429 = arith.cmpf ogt, %reduce_or3A_1426, %reduce_or3A_1428 : vector<128xf32>
    %broadcast_in_dim3A_1430 = vector.shape_cast %reduce_or3A_1429 : vector<128xi1> to vector<128x1xi1>
    %eq3A_1431 = arith.constant 60 : i32
    %eq3A_1432 = vector.broadcast %eq3A_1431 : i32 to vector<128x128xi32>
    %eq3A_1433 = arith.cmpi eq, %iota3A, %eq3A_1432 : vector<128x128xi32>
    %and3A_1434 = vector.broadcast %broadcast_in_dim3A_1430 : vector<128x1xi1> to vector<128x128xi1>
    %and3A_1435 = arith.andi %and3A_1434, %eq3A_1433 : vector<128x128xi1>
    %or3A_1436 = arith.ori %or3A_1412, %and3A_1435 : vector<128x128xi1>
    %slice3A_1437 = vector.extract_strided_slice %get3A_1 {offsets = [0, 61], sizes = [128, 1], strides = [1, 1]} : vector<128x128xi32> to vector<128x1xi32>
    %eq3A_1438 = vector.broadcast %slice3A_1437 : vector<128x1xi32> to vector<128x128xi32>
    %eq3A_1439 = arith.cmpi eq, %get3A_1, %eq3A_1438 : vector<128x128xi32>
    %lt3A_1440 = arith.constant 61 : i32
    %lt3A_1441 = vector.broadcast %lt3A_1440 : i32 to vector<128x128xi32>
    %lt3A_1442 = arith.cmpi slt, %iota3A, %lt3A_1441 : vector<128x128xi32>
    %and3A_1443 = arith.andi %eq3A_1439, %lt3A_1442 : vector<128x128xi1>
    %reduce_or3A_1444 = arith.constant 1.000000e+00 : f32
    %reduce_or3A_1445 = arith.constant 0.000000e+00 : f32
    %reduce_or3A_1446 = vector.broadcast %reduce_or3A_1444 : f32 to vector<128x128xf32>
    %reduce_or3A_1447 = vector.broadcast %reduce_or3A_1445 : f32 to vector<128x128xf32>
    %reduce_or3A_1448 = arith.select %and3A_1443, %reduce_or3A_1446, %reduce_or3A_1447 : vector<128x128xi1>, vector<128x128xf32>
    %reduce_or3A_1449 = arith.constant dense<0xFF800000> : vector<128xf32>
    %reduce_or3A_1450 = vector.multi_reduction <maximumf>, %reduce_or3A_1448, %reduce_or3A_1449 [1] : vector<128x128xf32> to vector<128xf32>
    %reduce_or3A_1451 = arith.constant 0.000000e+00 : f32
    %reduce_or3A_1452 = vector.broadcast %reduce_or3A_1451 : f32 to vector<128xf32>
    %reduce_or3A_1453 = arith.cmpf ogt, %reduce_or3A_1450, %reduce_or3A_1452 : vector<128xf32>
    %broadcast_in_dim3A_1454 = vector.shape_cast %reduce_or3A_1453 : vector<128xi1> to vector<128x1xi1>
    %eq3A_1455 = arith.constant 61 : i32
    %eq3A_1456 = vector.broadcast %eq3A_1455 : i32 to vector<128x128xi32>
    %eq3A_1457 = arith.cmpi eq, %iota3A, %eq3A_1456 : vector<128x128xi32>
    %and3A_1458 = vector.broadcast %broadcast_in_dim3A_1454 : vector<128x1xi1> to vector<128x128xi1>
    %and3A_1459 = arith.andi %and3A_1458, %eq3A_1457 : vector<128x128xi1>
    %or3A_1460 = arith.ori %or3A_1436, %and3A_1459 : vector<128x128xi1>
    %slice3A_1461 = vector.extract_strided_slice %get3A_1 {offsets = [0, 62], sizes = [128, 1], strides = [1, 1]} : vector<128x128xi32> to vector<128x1xi32>
    %eq3A_1462 = vector.broadcast %slice3A_1461 : vector<128x1xi32> to vector<128x128xi32>
    %eq3A_1463 = arith.cmpi eq, %get3A_1, %eq3A_1462 : vector<128x128xi32>
    %lt3A_1464 = arith.constant 62 : i32
    %lt3A_1465 = vector.broadcast %lt3A_1464 : i32 to vector<128x128xi32>
    %lt3A_1466 = arith.cmpi slt, %iota3A, %lt3A_1465 : vector<128x128xi32>
    %and3A_1467 = arith.andi %eq3A_1463, %lt3A_1466 : vector<128x128xi1>
    %reduce_or3A_1468 = arith.constant 1.000000e+00 : f32
    %reduce_or3A_1469 = arith.constant 0.000000e+00 : f32
    %reduce_or3A_1470 = vector.broadcast %reduce_or3A_1468 : f32 to vector<128x128xf32>
    %reduce_or3A_1471 = vector.broadcast %reduce_or3A_1469 : f32 to vector<128x128xf32>
    %reduce_or3A_1472 = arith.select %and3A_1467, %reduce_or3A_1470, %reduce_or3A_1471 : vector<128x128xi1>, vector<128x128xf32>
    %reduce_or3A_1473 = arith.constant dense<0xFF800000> : vector<128xf32>
    %reduce_or3A_1474 = vector.multi_reduction <maximumf>, %reduce_or3A_1472, %reduce_or3A_1473 [1] : vector<128x128xf32> to vector<128xf32>
    %reduce_or3A_1475 = arith.constant 0.000000e+00 : f32
    %reduce_or3A_1476 = vector.broadcast %reduce_or3A_1475 : f32 to vector<128xf32>
    %reduce_or3A_1477 = arith.cmpf ogt, %reduce_or3A_1474, %reduce_or3A_1476 : vector<128xf32>
    %broadcast_in_dim3A_1478 = vector.shape_cast %reduce_or3A_1477 : vector<128xi1> to vector<128x1xi1>
    %eq3A_1479 = arith.constant 62 : i32
    %eq3A_1480 = vector.broadcast %eq3A_1479 : i32 to vector<128x128xi32>
    %eq3A_1481 = arith.cmpi eq, %iota3A, %eq3A_1480 : vector<128x128xi32>
    %and3A_1482 = vector.broadcast %broadcast_in_dim3A_1478 : vector<128x1xi1> to vector<128x128xi1>
    %and3A_1483 = arith.andi %and3A_1482, %eq3A_1481 : vector<128x128xi1>
    %or3A_1484 = arith.ori %or3A_1460, %and3A_1483 : vector<128x128xi1>
    %slice3A_1485 = vector.extract_strided_slice %get3A_1 {offsets = [0, 63], sizes = [128, 1], strides = [1, 1]} : vector<128x128xi32> to vector<128x1xi32>
    %eq3A_1486 = vector.broadcast %slice3A_1485 : vector<128x1xi32> to vector<128x128xi32>
    %eq3A_1487 = arith.cmpi eq, %get3A_1, %eq3A_1486 : vector<128x128xi32>
    %lt3A_1488 = arith.constant 63 : i32
    %lt3A_1489 = vector.broadcast %lt3A_1488 : i32 to vector<128x128xi32>
    %lt3A_1490 = arith.cmpi slt, %iota3A, %lt3A_1489 : vector<128x128xi32>
    %and3A_1491 = arith.andi %eq3A_1487, %lt3A_1490 : vector<128x128xi1>
    %reduce_or3A_1492 = arith.constant 1.000000e+00 : f32
    %reduce_or3A_1493 = arith.constant 0.000000e+00 : f32
    %reduce_or3A_1494 = vector.broadcast %reduce_or3A_1492 : f32 to vector<128x128xf32>
    %reduce_or3A_1495 = vector.broadcast %reduce_or3A_1493 : f32 to vector<128x128xf32>
    %reduce_or3A_1496 = arith.select %and3A_1491, %reduce_or3A_1494, %reduce_or3A_1495 : vector<128x128xi1>, vector<128x128xf32>
    %reduce_or3A_1497 = arith.constant dense<0xFF800000> : vector<128xf32>
    %reduce_or3A_1498 = vector.multi_reduction <maximumf>, %reduce_or3A_1496, %reduce_or3A_1497 [1] : vector<128x128xf32> to vector<128xf32>
    %reduce_or3A_1499 = arith.constant 0.000000e+00 : f32
    %reduce_or3A_1500 = vector.broadcast %reduce_or3A_1499 : f32 to vector<128xf32>
    %reduce_or3A_1501 = arith.cmpf ogt, %reduce_or3A_1498, %reduce_or3A_1500 : vector<128xf32>
    %broadcast_in_dim3A_1502 = vector.shape_cast %reduce_or3A_1501 : vector<128xi1> to vector<128x1xi1>
    %eq3A_1503 = arith.constant 63 : i32
    %eq3A_1504 = vector.broadcast %eq3A_1503 : i32 to vector<128x128xi32>
    %eq3A_1505 = arith.cmpi eq, %iota3A, %eq3A_1504 : vector<128x128xi32>
    %and3A_1506 = vector.broadcast %broadcast_in_dim3A_1502 : vector<128x1xi1> to vector<128x128xi1>
    %and3A_1507 = arith.andi %and3A_1506, %eq3A_1505 : vector<128x128xi1>
    %or3A_1508 = arith.ori %or3A_1484, %and3A_1507 : vector<128x128xi1>
    %slice3A_1509 = vector.extract_strided_slice %get3A_1 {offsets = [0, 64], sizes = [128, 1], strides = [1, 1]} : vector<128x128xi32> to vector<128x1xi32>
    %eq3A_1510 = vector.broadcast %slice3A_1509 : vector<128x1xi32> to vector<128x128xi32>
    %eq3A_1511 = arith.cmpi eq, %get3A_1, %eq3A_1510 : vector<128x128xi32>
    %lt3A_1512 = arith.constant 64 : i32
    %lt3A_1513 = vector.broadcast %lt3A_1512 : i32 to vector<128x128xi32>
    %lt3A_1514 = arith.cmpi slt, %iota3A, %lt3A_1513 : vector<128x128xi32>
    %and3A_1515 = arith.andi %eq3A_1511, %lt3A_1514 : vector<128x128xi1>
    %reduce_or3A_1516 = arith.constant 1.000000e+00 : f32
    %reduce_or3A_1517 = arith.constant 0.000000e+00 : f32
    %reduce_or3A_1518 = vector.broadcast %reduce_or3A_1516 : f32 to vector<128x128xf32>
    %reduce_or3A_1519 = vector.broadcast %reduce_or3A_1517 : f32 to vector<128x128xf32>
    %reduce_or3A_1520 = arith.select %and3A_1515, %reduce_or3A_1518, %reduce_or3A_1519 : vector<128x128xi1>, vector<128x128xf32>
    %reduce_or3A_1521 = arith.constant dense<0xFF800000> : vector<128xf32>
    %reduce_or3A_1522 = vector.multi_reduction <maximumf>, %reduce_or3A_1520, %reduce_or3A_1521 [1] : vector<128x128xf32> to vector<128xf32>
    %reduce_or3A_1523 = arith.constant 0.000000e+00 : f32
    %reduce_or3A_1524 = vector.broadcast %reduce_or3A_1523 : f32 to vector<128xf32>
    %reduce_or3A_1525 = arith.cmpf ogt, %reduce_or3A_1522, %reduce_or3A_1524 : vector<128xf32>
    %broadcast_in_dim3A_1526 = vector.shape_cast %reduce_or3A_1525 : vector<128xi1> to vector<128x1xi1>
    %eq3A_1527 = arith.constant 64 : i32
    %eq3A_1528 = vector.broadcast %eq3A_1527 : i32 to vector<128x128xi32>
    %eq3A_1529 = arith.cmpi eq, %iota3A, %eq3A_1528 : vector<128x128xi32>
    %and3A_1530 = vector.broadcast %broadcast_in_dim3A_1526 : vector<128x1xi1> to vector<128x128xi1>
    %and3A_1531 = arith.andi %and3A_1530, %eq3A_1529 : vector<128x128xi1>
    %or3A_1532 = arith.ori %or3A_1508, %and3A_1531 : vector<128x128xi1>
    %slice3A_1533 = vector.extract_strided_slice %get3A_1 {offsets = [0, 65], sizes = [128, 1], strides = [1, 1]} : vector<128x128xi32> to vector<128x1xi32>
    %eq3A_1534 = vector.broadcast %slice3A_1533 : vector<128x1xi32> to vector<128x128xi32>
    %eq3A_1535 = arith.cmpi eq, %get3A_1, %eq3A_1534 : vector<128x128xi32>
    %lt3A_1536 = arith.constant 65 : i32
    %lt3A_1537 = vector.broadcast %lt3A_1536 : i32 to vector<128x128xi32>
    %lt3A_1538 = arith.cmpi slt, %iota3A, %lt3A_1537 : vector<128x128xi32>
    %and3A_1539 = arith.andi %eq3A_1535, %lt3A_1538 : vector<128x128xi1>
    %reduce_or3A_1540 = arith.constant 1.000000e+00 : f32
    %reduce_or3A_1541 = arith.constant 0.000000e+00 : f32
    %reduce_or3A_1542 = vector.broadcast %reduce_or3A_1540 : f32 to vector<128x128xf32>
    %reduce_or3A_1543 = vector.broadcast %reduce_or3A_1541 : f32 to vector<128x128xf32>
    %reduce_or3A_1544 = arith.select %and3A_1539, %reduce_or3A_1542, %reduce_or3A_1543 : vector<128x128xi1>, vector<128x128xf32>
    %reduce_or3A_1545 = arith.constant dense<0xFF800000> : vector<128xf32>
    %reduce_or3A_1546 = vector.multi_reduction <maximumf>, %reduce_or3A_1544, %reduce_or3A_1545 [1] : vector<128x128xf32> to vector<128xf32>
    %reduce_or3A_1547 = arith.constant 0.000000e+00 : f32
    %reduce_or3A_1548 = vector.broadcast %reduce_or3A_1547 : f32 to vector<128xf32>
    %reduce_or3A_1549 = arith.cmpf ogt, %reduce_or3A_1546, %reduce_or3A_1548 : vector<128xf32>
    %broadcast_in_dim3A_1550 = vector.shape_cast %reduce_or3A_1549 : vector<128xi1> to vector<128x1xi1>
    %eq3A_1551 = arith.constant 65 : i32
    %eq3A_1552 = vector.broadcast %eq3A_1551 : i32 to vector<128x128xi32>
    %eq3A_1553 = arith.cmpi eq, %iota3A, %eq3A_1552 : vector<128x128xi32>
    %and3A_1554 = vector.broadcast %broadcast_in_dim3A_1550 : vector<128x1xi1> to vector<128x128xi1>
    %and3A_1555 = arith.andi %and3A_1554, %eq3A_1553 : vector<128x128xi1>
    %or3A_1556 = arith.ori %or3A_1532, %and3A_1555 : vector<128x128xi1>
    %slice3A_1557 = vector.extract_strided_slice %get3A_1 {offsets = [0, 66], sizes = [128, 1], strides = [1, 1]} : vector<128x128xi32> to vector<128x1xi32>
    %eq3A_1558 = vector.broadcast %slice3A_1557 : vector<128x1xi32> to vector<128x128xi32>
    %eq3A_1559 = arith.cmpi eq, %get3A_1, %eq3A_1558 : vector<128x128xi32>
    %lt3A_1560 = arith.constant 66 : i32
    %lt3A_1561 = vector.broadcast %lt3A_1560 : i32 to vector<128x128xi32>
    %lt3A_1562 = arith.cmpi slt, %iota3A, %lt3A_1561 : vector<128x128xi32>
    %and3A_1563 = arith.andi %eq3A_1559, %lt3A_1562 : vector<128x128xi1>
    %reduce_or3A_1564 = arith.constant 1.000000e+00 : f32
    %reduce_or3A_1565 = arith.constant 0.000000e+00 : f32
    %reduce_or3A_1566 = vector.broadcast %reduce_or3A_1564 : f32 to vector<128x128xf32>
    %reduce_or3A_1567 = vector.broadcast %reduce_or3A_1565 : f32 to vector<128x128xf32>
    %reduce_or3A_1568 = arith.select %and3A_1563, %reduce_or3A_1566, %reduce_or3A_1567 : vector<128x128xi1>, vector<128x128xf32>
    %reduce_or3A_1569 = arith.constant dense<0xFF800000> : vector<128xf32>
    %reduce_or3A_1570 = vector.multi_reduction <maximumf>, %reduce_or3A_1568, %reduce_or3A_1569 [1] : vector<128x128xf32> to vector<128xf32>
    %reduce_or3A_1571 = arith.constant 0.000000e+00 : f32
    %reduce_or3A_1572 = vector.broadcast %reduce_or3A_1571 : f32 to vector<128xf32>
    %reduce_or3A_1573 = arith.cmpf ogt, %reduce_or3A_1570, %reduce_or3A_1572 : vector<128xf32>
    %broadcast_in_dim3A_1574 = vector.shape_cast %reduce_or3A_1573 : vector<128xi1> to vector<128x1xi1>
    %eq3A_1575 = arith.constant 66 : i32
    %eq3A_1576 = vector.broadcast %eq3A_1575 : i32 to vector<128x128xi32>
    %eq3A_1577 = arith.cmpi eq, %iota3A, %eq3A_1576 : vector<128x128xi32>
    %and3A_1578 = vector.broadcast %broadcast_in_dim3A_1574 : vector<128x1xi1> to vector<128x128xi1>
    %and3A_1579 = arith.andi %and3A_1578, %eq3A_1577 : vector<128x128xi1>
    %or3A_1580 = arith.ori %or3A_1556, %and3A_1579 : vector<128x128xi1>
    %slice3A_1581 = vector.extract_strided_slice %get3A_1 {offsets = [0, 67], sizes = [128, 1], strides = [1, 1]} : vector<128x128xi32> to vector<128x1xi32>
    %eq3A_1582 = vector.broadcast %slice3A_1581 : vector<128x1xi32> to vector<128x128xi32>
    %eq3A_1583 = arith.cmpi eq, %get3A_1, %eq3A_1582 : vector<128x128xi32>
    %lt3A_1584 = arith.constant 67 : i32
    %lt3A_1585 = vector.broadcast %lt3A_1584 : i32 to vector<128x128xi32>
    %lt3A_1586 = arith.cmpi slt, %iota3A, %lt3A_1585 : vector<128x128xi32>
    %and3A_1587 = arith.andi %eq3A_1583, %lt3A_1586 : vector<128x128xi1>
    %reduce_or3A_1588 = arith.constant 1.000000e+00 : f32
    %reduce_or3A_1589 = arith.constant 0.000000e+00 : f32
    %reduce_or3A_1590 = vector.broadcast %reduce_or3A_1588 : f32 to vector<128x128xf32>
    %reduce_or3A_1591 = vector.broadcast %reduce_or3A_1589 : f32 to vector<128x128xf32>
    %reduce_or3A_1592 = arith.select %and3A_1587, %reduce_or3A_1590, %reduce_or3A_1591 : vector<128x128xi1>, vector<128x128xf32>
    %reduce_or3A_1593 = arith.constant dense<0xFF800000> : vector<128xf32>
    %reduce_or3A_1594 = vector.multi_reduction <maximumf>, %reduce_or3A_1592, %reduce_or3A_1593 [1] : vector<128x128xf32> to vector<128xf32>
    %reduce_or3A_1595 = arith.constant 0.000000e+00 : f32
    %reduce_or3A_1596 = vector.broadcast %reduce_or3A_1595 : f32 to vector<128xf32>
    %reduce_or3A_1597 = arith.cmpf ogt, %reduce_or3A_1594, %reduce_or3A_1596 : vector<128xf32>
    %broadcast_in_dim3A_1598 = vector.shape_cast %reduce_or3A_1597 : vector<128xi1> to vector<128x1xi1>
    %eq3A_1599 = arith.constant 67 : i32
    %eq3A_1600 = vector.broadcast %eq3A_1599 : i32 to vector<128x128xi32>
    %eq3A_1601 = arith.cmpi eq, %iota3A, %eq3A_1600 : vector<128x128xi32>
    %and3A_1602 = vector.broadcast %broadcast_in_dim3A_1598 : vector<128x1xi1> to vector<128x128xi1>
    %and3A_1603 = arith.andi %and3A_1602, %eq3A_1601 : vector<128x128xi1>
    %or3A_1604 = arith.ori %or3A_1580, %and3A_1603 : vector<128x128xi1>
    %slice3A_1605 = vector.extract_strided_slice %get3A_1 {offsets = [0, 68], sizes = [128, 1], strides = [1, 1]} : vector<128x128xi32> to vector<128x1xi32>
    %eq3A_1606 = vector.broadcast %slice3A_1605 : vector<128x1xi32> to vector<128x128xi32>
    %eq3A_1607 = arith.cmpi eq, %get3A_1, %eq3A_1606 : vector<128x128xi32>
    %lt3A_1608 = arith.constant 68 : i32
    %lt3A_1609 = vector.broadcast %lt3A_1608 : i32 to vector<128x128xi32>
    %lt3A_1610 = arith.cmpi slt, %iota3A, %lt3A_1609 : vector<128x128xi32>
    %and3A_1611 = arith.andi %eq3A_1607, %lt3A_1610 : vector<128x128xi1>
    %reduce_or3A_1612 = arith.constant 1.000000e+00 : f32
    %reduce_or3A_1613 = arith.constant 0.000000e+00 : f32
    %reduce_or3A_1614 = vector.broadcast %reduce_or3A_1612 : f32 to vector<128x128xf32>
    %reduce_or3A_1615 = vector.broadcast %reduce_or3A_1613 : f32 to vector<128x128xf32>
    %reduce_or3A_1616 = arith.select %and3A_1611, %reduce_or3A_1614, %reduce_or3A_1615 : vector<128x128xi1>, vector<128x128xf32>
    %reduce_or3A_1617 = arith.constant dense<0xFF800000> : vector<128xf32>
    %reduce_or3A_1618 = vector.multi_reduction <maximumf>, %reduce_or3A_1616, %reduce_or3A_1617 [1] : vector<128x128xf32> to vector<128xf32>
    %reduce_or3A_1619 = arith.constant 0.000000e+00 : f32
    %reduce_or3A_1620 = vector.broadcast %reduce_or3A_1619 : f32 to vector<128xf32>
    %reduce_or3A_1621 = arith.cmpf ogt, %reduce_or3A_1618, %reduce_or3A_1620 : vector<128xf32>
    %broadcast_in_dim3A_1622 = vector.shape_cast %reduce_or3A_1621 : vector<128xi1> to vector<128x1xi1>
    %eq3A_1623 = arith.constant 68 : i32
    %eq3A_1624 = vector.broadcast %eq3A_1623 : i32 to vector<128x128xi32>
    %eq3A_1625 = arith.cmpi eq, %iota3A, %eq3A_1624 : vector<128x128xi32>
    %and3A_1626 = vector.broadcast %broadcast_in_dim3A_1622 : vector<128x1xi1> to vector<128x128xi1>
    %and3A_1627 = arith.andi %and3A_1626, %eq3A_1625 : vector<128x128xi1>
    %or3A_1628 = arith.ori %or3A_1604, %and3A_1627 : vector<128x128xi1>
    %slice3A_1629 = vector.extract_strided_slice %get3A_1 {offsets = [0, 69], sizes = [128, 1], strides = [1, 1]} : vector<128x128xi32> to vector<128x1xi32>
    %eq3A_1630 = vector.broadcast %slice3A_1629 : vector<128x1xi32> to vector<128x128xi32>
    %eq3A_1631 = arith.cmpi eq, %get3A_1, %eq3A_1630 : vector<128x128xi32>
    %lt3A_1632 = arith.constant 69 : i32
    %lt3A_1633 = vector.broadcast %lt3A_1632 : i32 to vector<128x128xi32>
    %lt3A_1634 = arith.cmpi slt, %iota3A, %lt3A_1633 : vector<128x128xi32>
    %and3A_1635 = arith.andi %eq3A_1631, %lt3A_1634 : vector<128x128xi1>
    %reduce_or3A_1636 = arith.constant 1.000000e+00 : f32
    %reduce_or3A_1637 = arith.constant 0.000000e+00 : f32
    %reduce_or3A_1638 = vector.broadcast %reduce_or3A_1636 : f32 to vector<128x128xf32>
    %reduce_or3A_1639 = vector.broadcast %reduce_or3A_1637 : f32 to vector<128x128xf32>
    %reduce_or3A_1640 = arith.select %and3A_1635, %reduce_or3A_1638, %reduce_or3A_1639 : vector<128x128xi1>, vector<128x128xf32>
    %reduce_or3A_1641 = arith.constant dense<0xFF800000> : vector<128xf32>
    %reduce_or3A_1642 = vector.multi_reduction <maximumf>, %reduce_or3A_1640, %reduce_or3A_1641 [1] : vector<128x128xf32> to vector<128xf32>
    %reduce_or3A_1643 = arith.constant 0.000000e+00 : f32
    %reduce_or3A_1644 = vector.broadcast %reduce_or3A_1643 : f32 to vector<128xf32>
    %reduce_or3A_1645 = arith.cmpf ogt, %reduce_or3A_1642, %reduce_or3A_1644 : vector<128xf32>
    %broadcast_in_dim3A_1646 = vector.shape_cast %reduce_or3A_1645 : vector<128xi1> to vector<128x1xi1>
    %eq3A_1647 = arith.constant 69 : i32
    %eq3A_1648 = vector.broadcast %eq3A_1647 : i32 to vector<128x128xi32>
    %eq3A_1649 = arith.cmpi eq, %iota3A, %eq3A_1648 : vector<128x128xi32>
    %and3A_1650 = vector.broadcast %broadcast_in_dim3A_1646 : vector<128x1xi1> to vector<128x128xi1>
    %and3A_1651 = arith.andi %and3A_1650, %eq3A_1649 : vector<128x128xi1>
    %or3A_1652 = arith.ori %or3A_1628, %and3A_1651 : vector<128x128xi1>
    %slice3A_1653 = vector.extract_strided_slice %get3A_1 {offsets = [0, 70], sizes = [128, 1], strides = [1, 1]} : vector<128x128xi32> to vector<128x1xi32>
    %eq3A_1654 = vector.broadcast %slice3A_1653 : vector<128x1xi32> to vector<128x128xi32>
    %eq3A_1655 = arith.cmpi eq, %get3A_1, %eq3A_1654 : vector<128x128xi32>
    %lt3A_1656 = arith.constant 70 : i32
    %lt3A_1657 = vector.broadcast %lt3A_1656 : i32 to vector<128x128xi32>
    %lt3A_1658 = arith.cmpi slt, %iota3A, %lt3A_1657 : vector<128x128xi32>
    %and3A_1659 = arith.andi %eq3A_1655, %lt3A_1658 : vector<128x128xi1>
    %reduce_or3A_1660 = arith.constant 1.000000e+00 : f32
    %reduce_or3A_1661 = arith.constant 0.000000e+00 : f32
    %reduce_or3A_1662 = vector.broadcast %reduce_or3A_1660 : f32 to vector<128x128xf32>
    %reduce_or3A_1663 = vector.broadcast %reduce_or3A_1661 : f32 to vector<128x128xf32>
    %reduce_or3A_1664 = arith.select %and3A_1659, %reduce_or3A_1662, %reduce_or3A_1663 : vector<128x128xi1>, vector<128x128xf32>
    %reduce_or3A_1665 = arith.constant dense<0xFF800000> : vector<128xf32>
    %reduce_or3A_1666 = vector.multi_reduction <maximumf>, %reduce_or3A_1664, %reduce_or3A_1665 [1] : vector<128x128xf32> to vector<128xf32>
    %reduce_or3A_1667 = arith.constant 0.000000e+00 : f32
    %reduce_or3A_1668 = vector.broadcast %reduce_or3A_1667 : f32 to vector<128xf32>
    %reduce_or3A_1669 = arith.cmpf ogt, %reduce_or3A_1666, %reduce_or3A_1668 : vector<128xf32>
    %broadcast_in_dim3A_1670 = vector.shape_cast %reduce_or3A_1669 : vector<128xi1> to vector<128x1xi1>
    %eq3A_1671 = arith.constant 70 : i32
    %eq3A_1672 = vector.broadcast %eq3A_1671 : i32 to vector<128x128xi32>
    %eq3A_1673 = arith.cmpi eq, %iota3A, %eq3A_1672 : vector<128x128xi32>
    %and3A_1674 = vector.broadcast %broadcast_in_dim3A_1670 : vector<128x1xi1> to vector<128x128xi1>
    %and3A_1675 = arith.andi %and3A_1674, %eq3A_1673 : vector<128x128xi1>
    %or3A_1676 = arith.ori %or3A_1652, %and3A_1675 : vector<128x128xi1>
    %slice3A_1677 = vector.extract_strided_slice %get3A_1 {offsets = [0, 71], sizes = [128, 1], strides = [1, 1]} : vector<128x128xi32> to vector<128x1xi32>
    %eq3A_1678 = vector.broadcast %slice3A_1677 : vector<128x1xi32> to vector<128x128xi32>
    %eq3A_1679 = arith.cmpi eq, %get3A_1, %eq3A_1678 : vector<128x128xi32>
    %lt3A_1680 = arith.constant 71 : i32
    %lt3A_1681 = vector.broadcast %lt3A_1680 : i32 to vector<128x128xi32>
    %lt3A_1682 = arith.cmpi slt, %iota3A, %lt3A_1681 : vector<128x128xi32>
    %and3A_1683 = arith.andi %eq3A_1679, %lt3A_1682 : vector<128x128xi1>
    %reduce_or3A_1684 = arith.constant 1.000000e+00 : f32
    %reduce_or3A_1685 = arith.constant 0.000000e+00 : f32
    %reduce_or3A_1686 = vector.broadcast %reduce_or3A_1684 : f32 to vector<128x128xf32>
    %reduce_or3A_1687 = vector.broadcast %reduce_or3A_1685 : f32 to vector<128x128xf32>
    %reduce_or3A_1688 = arith.select %and3A_1683, %reduce_or3A_1686, %reduce_or3A_1687 : vector<128x128xi1>, vector<128x128xf32>
    %reduce_or3A_1689 = arith.constant dense<0xFF800000> : vector<128xf32>
    %reduce_or3A_1690 = vector.multi_reduction <maximumf>, %reduce_or3A_1688, %reduce_or3A_1689 [1] : vector<128x128xf32> to vector<128xf32>
    %reduce_or3A_1691 = arith.constant 0.000000e+00 : f32
    %reduce_or3A_1692 = vector.broadcast %reduce_or3A_1691 : f32 to vector<128xf32>
    %reduce_or3A_1693 = arith.cmpf ogt, %reduce_or3A_1690, %reduce_or3A_1692 : vector<128xf32>
    %broadcast_in_dim3A_1694 = vector.shape_cast %reduce_or3A_1693 : vector<128xi1> to vector<128x1xi1>
    %eq3A_1695 = arith.constant 71 : i32
    %eq3A_1696 = vector.broadcast %eq3A_1695 : i32 to vector<128x128xi32>
    %eq3A_1697 = arith.cmpi eq, %iota3A, %eq3A_1696 : vector<128x128xi32>
    %and3A_1698 = vector.broadcast %broadcast_in_dim3A_1694 : vector<128x1xi1> to vector<128x128xi1>
    %and3A_1699 = arith.andi %and3A_1698, %eq3A_1697 : vector<128x128xi1>
    %or3A_1700 = arith.ori %or3A_1676, %and3A_1699 : vector<128x128xi1>
    %slice3A_1701 = vector.extract_strided_slice %get3A_1 {offsets = [0, 72], sizes = [128, 1], strides = [1, 1]} : vector<128x128xi32> to vector<128x1xi32>
    %eq3A_1702 = vector.broadcast %slice3A_1701 : vector<128x1xi32> to vector<128x128xi32>
    %eq3A_1703 = arith.cmpi eq, %get3A_1, %eq3A_1702 : vector<128x128xi32>
    %lt3A_1704 = arith.constant 72 : i32
    %lt3A_1705 = vector.broadcast %lt3A_1704 : i32 to vector<128x128xi32>
    %lt3A_1706 = arith.cmpi slt, %iota3A, %lt3A_1705 : vector<128x128xi32>
    %and3A_1707 = arith.andi %eq3A_1703, %lt3A_1706 : vector<128x128xi1>
    %reduce_or3A_1708 = arith.constant 1.000000e+00 : f32
    %reduce_or3A_1709 = arith.constant 0.000000e+00 : f32
    %reduce_or3A_1710 = vector.broadcast %reduce_or3A_1708 : f32 to vector<128x128xf32>
    %reduce_or3A_1711 = vector.broadcast %reduce_or3A_1709 : f32 to vector<128x128xf32>
    %reduce_or3A_1712 = arith.select %and3A_1707, %reduce_or3A_1710, %reduce_or3A_1711 : vector<128x128xi1>, vector<128x128xf32>
    %reduce_or3A_1713 = arith.constant dense<0xFF800000> : vector<128xf32>
    %reduce_or3A_1714 = vector.multi_reduction <maximumf>, %reduce_or3A_1712, %reduce_or3A_1713 [1] : vector<128x128xf32> to vector<128xf32>
    %reduce_or3A_1715 = arith.constant 0.000000e+00 : f32
    %reduce_or3A_1716 = vector.broadcast %reduce_or3A_1715 : f32 to vector<128xf32>
    %reduce_or3A_1717 = arith.cmpf ogt, %reduce_or3A_1714, %reduce_or3A_1716 : vector<128xf32>
    %broadcast_in_dim3A_1718 = vector.shape_cast %reduce_or3A_1717 : vector<128xi1> to vector<128x1xi1>
    %eq3A_1719 = arith.constant 72 : i32
    %eq3A_1720 = vector.broadcast %eq3A_1719 : i32 to vector<128x128xi32>
    %eq3A_1721 = arith.cmpi eq, %iota3A, %eq3A_1720 : vector<128x128xi32>
    %and3A_1722 = vector.broadcast %broadcast_in_dim3A_1718 : vector<128x1xi1> to vector<128x128xi1>
    %and3A_1723 = arith.andi %and3A_1722, %eq3A_1721 : vector<128x128xi1>
    %or3A_1724 = arith.ori %or3A_1700, %and3A_1723 : vector<128x128xi1>
    %slice3A_1725 = vector.extract_strided_slice %get3A_1 {offsets = [0, 73], sizes = [128, 1], strides = [1, 1]} : vector<128x128xi32> to vector<128x1xi32>
    %eq3A_1726 = vector.broadcast %slice3A_1725 : vector<128x1xi32> to vector<128x128xi32>
    %eq3A_1727 = arith.cmpi eq, %get3A_1, %eq3A_1726 : vector<128x128xi32>
    %lt3A_1728 = arith.constant 73 : i32
    %lt3A_1729 = vector.broadcast %lt3A_1728 : i32 to vector<128x128xi32>
    %lt3A_1730 = arith.cmpi slt, %iota3A, %lt3A_1729 : vector<128x128xi32>
    %and3A_1731 = arith.andi %eq3A_1727, %lt3A_1730 : vector<128x128xi1>
    %reduce_or3A_1732 = arith.constant 1.000000e+00 : f32
    %reduce_or3A_1733 = arith.constant 0.000000e+00 : f32
    %reduce_or3A_1734 = vector.broadcast %reduce_or3A_1732 : f32 to vector<128x128xf32>
    %reduce_or3A_1735 = vector.broadcast %reduce_or3A_1733 : f32 to vector<128x128xf32>
    %reduce_or3A_1736 = arith.select %and3A_1731, %reduce_or3A_1734, %reduce_or3A_1735 : vector<128x128xi1>, vector<128x128xf32>
    %reduce_or3A_1737 = arith.constant dense<0xFF800000> : vector<128xf32>
    %reduce_or3A_1738 = vector.multi_reduction <maximumf>, %reduce_or3A_1736, %reduce_or3A_1737 [1] : vector<128x128xf32> to vector<128xf32>
    %reduce_or3A_1739 = arith.constant 0.000000e+00 : f32
    %reduce_or3A_1740 = vector.broadcast %reduce_or3A_1739 : f32 to vector<128xf32>
    %reduce_or3A_1741 = arith.cmpf ogt, %reduce_or3A_1738, %reduce_or3A_1740 : vector<128xf32>
    %broadcast_in_dim3A_1742 = vector.shape_cast %reduce_or3A_1741 : vector<128xi1> to vector<128x1xi1>
    %eq3A_1743 = arith.constant 73 : i32
    %eq3A_1744 = vector.broadcast %eq3A_1743 : i32 to vector<128x128xi32>
    %eq3A_1745 = arith.cmpi eq, %iota3A, %eq3A_1744 : vector<128x128xi32>
    %and3A_1746 = vector.broadcast %broadcast_in_dim3A_1742 : vector<128x1xi1> to vector<128x128xi1>
    %and3A_1747 = arith.andi %and3A_1746, %eq3A_1745 : vector<128x128xi1>
    %or3A_1748 = arith.ori %or3A_1724, %and3A_1747 : vector<128x128xi1>
    %slice3A_1749 = vector.extract_strided_slice %get3A_1 {offsets = [0, 74], sizes = [128, 1], strides = [1, 1]} : vector<128x128xi32> to vector<128x1xi32>
    %eq3A_1750 = vector.broadcast %slice3A_1749 : vector<128x1xi32> to vector<128x128xi32>
    %eq3A_1751 = arith.cmpi eq, %get3A_1, %eq3A_1750 : vector<128x128xi32>
    %lt3A_1752 = arith.constant 74 : i32
    %lt3A_1753 = vector.broadcast %lt3A_1752 : i32 to vector<128x128xi32>
    %lt3A_1754 = arith.cmpi slt, %iota3A, %lt3A_1753 : vector<128x128xi32>
    %and3A_1755 = arith.andi %eq3A_1751, %lt3A_1754 : vector<128x128xi1>
    %reduce_or3A_1756 = arith.constant 1.000000e+00 : f32
    %reduce_or3A_1757 = arith.constant 0.000000e+00 : f32
    %reduce_or3A_1758 = vector.broadcast %reduce_or3A_1756 : f32 to vector<128x128xf32>
    %reduce_or3A_1759 = vector.broadcast %reduce_or3A_1757 : f32 to vector<128x128xf32>
    %reduce_or3A_1760 = arith.select %and3A_1755, %reduce_or3A_1758, %reduce_or3A_1759 : vector<128x128xi1>, vector<128x128xf32>
    %reduce_or3A_1761 = arith.constant dense<0xFF800000> : vector<128xf32>
    %reduce_or3A_1762 = vector.multi_reduction <maximumf>, %reduce_or3A_1760, %reduce_or3A_1761 [1] : vector<128x128xf32> to vector<128xf32>
    %reduce_or3A_1763 = arith.constant 0.000000e+00 : f32
    %reduce_or3A_1764 = vector.broadcast %reduce_or3A_1763 : f32 to vector<128xf32>
    %reduce_or3A_1765 = arith.cmpf ogt, %reduce_or3A_1762, %reduce_or3A_1764 : vector<128xf32>
    %broadcast_in_dim3A_1766 = vector.shape_cast %reduce_or3A_1765 : vector<128xi1> to vector<128x1xi1>
    %eq3A_1767 = arith.constant 74 : i32
    %eq3A_1768 = vector.broadcast %eq3A_1767 : i32 to vector<128x128xi32>
    %eq3A_1769 = arith.cmpi eq, %iota3A, %eq3A_1768 : vector<128x128xi32>
    %and3A_1770 = vector.broadcast %broadcast_in_dim3A_1766 : vector<128x1xi1> to vector<128x128xi1>
    %and3A_1771 = arith.andi %and3A_1770, %eq3A_1769 : vector<128x128xi1>
    %or3A_1772 = arith.ori %or3A_1748, %and3A_1771 : vector<128x128xi1>
    %slice3A_1773 = vector.extract_strided_slice %get3A_1 {offsets = [0, 75], sizes = [128, 1], strides = [1, 1]} : vector<128x128xi32> to vector<128x1xi32>
    %eq3A_1774 = vector.broadcast %slice3A_1773 : vector<128x1xi32> to vector<128x128xi32>
    %eq3A_1775 = arith.cmpi eq, %get3A_1, %eq3A_1774 : vector<128x128xi32>
    %lt3A_1776 = arith.constant 75 : i32
    %lt3A_1777 = vector.broadcast %lt3A_1776 : i32 to vector<128x128xi32>
    %lt3A_1778 = arith.cmpi slt, %iota3A, %lt3A_1777 : vector<128x128xi32>
    %and3A_1779 = arith.andi %eq3A_1775, %lt3A_1778 : vector<128x128xi1>
    %reduce_or3A_1780 = arith.constant 1.000000e+00 : f32
    %reduce_or3A_1781 = arith.constant 0.000000e+00 : f32
    %reduce_or3A_1782 = vector.broadcast %reduce_or3A_1780 : f32 to vector<128x128xf32>
    %reduce_or3A_1783 = vector.broadcast %reduce_or3A_1781 : f32 to vector<128x128xf32>
    %reduce_or3A_1784 = arith.select %and3A_1779, %reduce_or3A_1782, %reduce_or3A_1783 : vector<128x128xi1>, vector<128x128xf32>
    %reduce_or3A_1785 = arith.constant dense<0xFF800000> : vector<128xf32>
    %reduce_or3A_1786 = vector.multi_reduction <maximumf>, %reduce_or3A_1784, %reduce_or3A_1785 [1] : vector<128x128xf32> to vector<128xf32>
    %reduce_or3A_1787 = arith.constant 0.000000e+00 : f32
    %reduce_or3A_1788 = vector.broadcast %reduce_or3A_1787 : f32 to vector<128xf32>
    %reduce_or3A_1789 = arith.cmpf ogt, %reduce_or3A_1786, %reduce_or3A_1788 : vector<128xf32>
    %broadcast_in_dim3A_1790 = vector.shape_cast %reduce_or3A_1789 : vector<128xi1> to vector<128x1xi1>
    %eq3A_1791 = arith.constant 75 : i32
    %eq3A_1792 = vector.broadcast %eq3A_1791 : i32 to vector<128x128xi32>
    %eq3A_1793 = arith.cmpi eq, %iota3A, %eq3A_1792 : vector<128x128xi32>
    %and3A_1794 = vector.broadcast %broadcast_in_dim3A_1790 : vector<128x1xi1> to vector<128x128xi1>
    %and3A_1795 = arith.andi %and3A_1794, %eq3A_1793 : vector<128x128xi1>
    %or3A_1796 = arith.ori %or3A_1772, %and3A_1795 : vector<128x128xi1>
    %slice3A_1797 = vector.extract_strided_slice %get3A_1 {offsets = [0, 76], sizes = [128, 1], strides = [1, 1]} : vector<128x128xi32> to vector<128x1xi32>
    %eq3A_1798 = vector.broadcast %slice3A_1797 : vector<128x1xi32> to vector<128x128xi32>
    %eq3A_1799 = arith.cmpi eq, %get3A_1, %eq3A_1798 : vector<128x128xi32>
    %lt3A_1800 = arith.constant 76 : i32
    %lt3A_1801 = vector.broadcast %lt3A_1800 : i32 to vector<128x128xi32>
    %lt3A_1802 = arith.cmpi slt, %iota3A, %lt3A_1801 : vector<128x128xi32>
    %and3A_1803 = arith.andi %eq3A_1799, %lt3A_1802 : vector<128x128xi1>
    %reduce_or3A_1804 = arith.constant 1.000000e+00 : f32
    %reduce_or3A_1805 = arith.constant 0.000000e+00 : f32
    %reduce_or3A_1806 = vector.broadcast %reduce_or3A_1804 : f32 to vector<128x128xf32>
    %reduce_or3A_1807 = vector.broadcast %reduce_or3A_1805 : f32 to vector<128x128xf32>
    %reduce_or3A_1808 = arith.select %and3A_1803, %reduce_or3A_1806, %reduce_or3A_1807 : vector<128x128xi1>, vector<128x128xf32>
    %reduce_or3A_1809 = arith.constant dense<0xFF800000> : vector<128xf32>
    %reduce_or3A_1810 = vector.multi_reduction <maximumf>, %reduce_or3A_1808, %reduce_or3A_1809 [1] : vector<128x128xf32> to vector<128xf32>
    %reduce_or3A_1811 = arith.constant 0.000000e+00 : f32
    %reduce_or3A_1812 = vector.broadcast %reduce_or3A_1811 : f32 to vector<128xf32>
    %reduce_or3A_1813 = arith.cmpf ogt, %reduce_or3A_1810, %reduce_or3A_1812 : vector<128xf32>
    %broadcast_in_dim3A_1814 = vector.shape_cast %reduce_or3A_1813 : vector<128xi1> to vector<128x1xi1>
    %eq3A_1815 = arith.constant 76 : i32
    %eq3A_1816 = vector.broadcast %eq3A_1815 : i32 to vector<128x128xi32>
    %eq3A_1817 = arith.cmpi eq, %iota3A, %eq3A_1816 : vector<128x128xi32>
    %and3A_1818 = vector.broadcast %broadcast_in_dim3A_1814 : vector<128x1xi1> to vector<128x128xi1>
    %and3A_1819 = arith.andi %and3A_1818, %eq3A_1817 : vector<128x128xi1>
    %or3A_1820 = arith.ori %or3A_1796, %and3A_1819 : vector<128x128xi1>
    %slice3A_1821 = vector.extract_strided_slice %get3A_1 {offsets = [0, 77], sizes = [128, 1], strides = [1, 1]} : vector<128x128xi32> to vector<128x1xi32>
    %eq3A_1822 = vector.broadcast %slice3A_1821 : vector<128x1xi32> to vector<128x128xi32>
    %eq3A_1823 = arith.cmpi eq, %get3A_1, %eq3A_1822 : vector<128x128xi32>
    %lt3A_1824 = arith.constant 77 : i32
    %lt3A_1825 = vector.broadcast %lt3A_1824 : i32 to vector<128x128xi32>
    %lt3A_1826 = arith.cmpi slt, %iota3A, %lt3A_1825 : vector<128x128xi32>
    %and3A_1827 = arith.andi %eq3A_1823, %lt3A_1826 : vector<128x128xi1>
    %reduce_or3A_1828 = arith.constant 1.000000e+00 : f32
    %reduce_or3A_1829 = arith.constant 0.000000e+00 : f32
    %reduce_or3A_1830 = vector.broadcast %reduce_or3A_1828 : f32 to vector<128x128xf32>
    %reduce_or3A_1831 = vector.broadcast %reduce_or3A_1829 : f32 to vector<128x128xf32>
    %reduce_or3A_1832 = arith.select %and3A_1827, %reduce_or3A_1830, %reduce_or3A_1831 : vector<128x128xi1>, vector<128x128xf32>
    %reduce_or3A_1833 = arith.constant dense<0xFF800000> : vector<128xf32>
    %reduce_or3A_1834 = vector.multi_reduction <maximumf>, %reduce_or3A_1832, %reduce_or3A_1833 [1] : vector<128x128xf32> to vector<128xf32>
    %reduce_or3A_1835 = arith.constant 0.000000e+00 : f32
    %reduce_or3A_1836 = vector.broadcast %reduce_or3A_1835 : f32 to vector<128xf32>
    %reduce_or3A_1837 = arith.cmpf ogt, %reduce_or3A_1834, %reduce_or3A_1836 : vector<128xf32>
    %broadcast_in_dim3A_1838 = vector.shape_cast %reduce_or3A_1837 : vector<128xi1> to vector<128x1xi1>
    %eq3A_1839 = arith.constant 77 : i32
    %eq3A_1840 = vector.broadcast %eq3A_1839 : i32 to vector<128x128xi32>
    %eq3A_1841 = arith.cmpi eq, %iota3A, %eq3A_1840 : vector<128x128xi32>
    %and3A_1842 = vector.broadcast %broadcast_in_dim3A_1838 : vector<128x1xi1> to vector<128x128xi1>
    %and3A_1843 = arith.andi %and3A_1842, %eq3A_1841 : vector<128x128xi1>
    %or3A_1844 = arith.ori %or3A_1820, %and3A_1843 : vector<128x128xi1>
    %slice3A_1845 = vector.extract_strided_slice %get3A_1 {offsets = [0, 78], sizes = [128, 1], strides = [1, 1]} : vector<128x128xi32> to vector<128x1xi32>
    %eq3A_1846 = vector.broadcast %slice3A_1845 : vector<128x1xi32> to vector<128x128xi32>
    %eq3A_1847 = arith.cmpi eq, %get3A_1, %eq3A_1846 : vector<128x128xi32>
    %lt3A_1848 = arith.constant 78 : i32
    %lt3A_1849 = vector.broadcast %lt3A_1848 : i32 to vector<128x128xi32>
    %lt3A_1850 = arith.cmpi slt, %iota3A, %lt3A_1849 : vector<128x128xi32>
    %and3A_1851 = arith.andi %eq3A_1847, %lt3A_1850 : vector<128x128xi1>
    %reduce_or3A_1852 = arith.constant 1.000000e+00 : f32
    %reduce_or3A_1853 = arith.constant 0.000000e+00 : f32
    %reduce_or3A_1854 = vector.broadcast %reduce_or3A_1852 : f32 to vector<128x128xf32>
    %reduce_or3A_1855 = vector.broadcast %reduce_or3A_1853 : f32 to vector<128x128xf32>
    %reduce_or3A_1856 = arith.select %and3A_1851, %reduce_or3A_1854, %reduce_or3A_1855 : vector<128x128xi1>, vector<128x128xf32>
    %reduce_or3A_1857 = arith.constant dense<0xFF800000> : vector<128xf32>
    %reduce_or3A_1858 = vector.multi_reduction <maximumf>, %reduce_or3A_1856, %reduce_or3A_1857 [1] : vector<128x128xf32> to vector<128xf32>
    %reduce_or3A_1859 = arith.constant 0.000000e+00 : f32
    %reduce_or3A_1860 = vector.broadcast %reduce_or3A_1859 : f32 to vector<128xf32>
    %reduce_or3A_1861 = arith.cmpf ogt, %reduce_or3A_1858, %reduce_or3A_1860 : vector<128xf32>
    %broadcast_in_dim3A_1862 = vector.shape_cast %reduce_or3A_1861 : vector<128xi1> to vector<128x1xi1>
    %eq3A_1863 = arith.constant 78 : i32
    %eq3A_1864 = vector.broadcast %eq3A_1863 : i32 to vector<128x128xi32>
    %eq3A_1865 = arith.cmpi eq, %iota3A, %eq3A_1864 : vector<128x128xi32>
    %and3A_1866 = vector.broadcast %broadcast_in_dim3A_1862 : vector<128x1xi1> to vector<128x128xi1>
    %and3A_1867 = arith.andi %and3A_1866, %eq3A_1865 : vector<128x128xi1>
    %or3A_1868 = arith.ori %or3A_1844, %and3A_1867 : vector<128x128xi1>
    %slice3A_1869 = vector.extract_strided_slice %get3A_1 {offsets = [0, 79], sizes = [128, 1], strides = [1, 1]} : vector<128x128xi32> to vector<128x1xi32>
    %eq3A_1870 = vector.broadcast %slice3A_1869 : vector<128x1xi32> to vector<128x128xi32>
    %eq3A_1871 = arith.cmpi eq, %get3A_1, %eq3A_1870 : vector<128x128xi32>
    %lt3A_1872 = arith.constant 79 : i32
    %lt3A_1873 = vector.broadcast %lt3A_1872 : i32 to vector<128x128xi32>
    %lt3A_1874 = arith.cmpi slt, %iota3A, %lt3A_1873 : vector<128x128xi32>
    %and3A_1875 = arith.andi %eq3A_1871, %lt3A_1874 : vector<128x128xi1>
    %reduce_or3A_1876 = arith.constant 1.000000e+00 : f32
    %reduce_or3A_1877 = arith.constant 0.000000e+00 : f32
    %reduce_or3A_1878 = vector.broadcast %reduce_or3A_1876 : f32 to vector<128x128xf32>
    %reduce_or3A_1879 = vector.broadcast %reduce_or3A_1877 : f32 to vector<128x128xf32>
    %reduce_or3A_1880 = arith.select %and3A_1875, %reduce_or3A_1878, %reduce_or3A_1879 : vector<128x128xi1>, vector<128x128xf32>
    %reduce_or3A_1881 = arith.constant dense<0xFF800000> : vector<128xf32>
    %reduce_or3A_1882 = vector.multi_reduction <maximumf>, %reduce_or3A_1880, %reduce_or3A_1881 [1] : vector<128x128xf32> to vector<128xf32>
    %reduce_or3A_1883 = arith.constant 0.000000e+00 : f32
    %reduce_or3A_1884 = vector.broadcast %reduce_or3A_1883 : f32 to vector<128xf32>
    %reduce_or3A_1885 = arith.cmpf ogt, %reduce_or3A_1882, %reduce_or3A_1884 : vector<128xf32>
    %broadcast_in_dim3A_1886 = vector.shape_cast %reduce_or3A_1885 : vector<128xi1> to vector<128x1xi1>
    %eq3A_1887 = arith.constant 79 : i32
    %eq3A_1888 = vector.broadcast %eq3A_1887 : i32 to vector<128x128xi32>
    %eq3A_1889 = arith.cmpi eq, %iota3A, %eq3A_1888 : vector<128x128xi32>
    %and3A_1890 = vector.broadcast %broadcast_in_dim3A_1886 : vector<128x1xi1> to vector<128x128xi1>
    %and3A_1891 = arith.andi %and3A_1890, %eq3A_1889 : vector<128x128xi1>
    %or3A_1892 = arith.ori %or3A_1868, %and3A_1891 : vector<128x128xi1>
    %slice3A_1893 = vector.extract_strided_slice %get3A_1 {offsets = [0, 80], sizes = [128, 1], strides = [1, 1]} : vector<128x128xi32> to vector<128x1xi32>
    %eq3A_1894 = vector.broadcast %slice3A_1893 : vector<128x1xi32> to vector<128x128xi32>
    %eq3A_1895 = arith.cmpi eq, %get3A_1, %eq3A_1894 : vector<128x128xi32>
    %lt3A_1896 = arith.constant 80 : i32
    %lt3A_1897 = vector.broadcast %lt3A_1896 : i32 to vector<128x128xi32>
    %lt3A_1898 = arith.cmpi slt, %iota3A, %lt3A_1897 : vector<128x128xi32>
    %and3A_1899 = arith.andi %eq3A_1895, %lt3A_1898 : vector<128x128xi1>
    %reduce_or3A_1900 = arith.constant 1.000000e+00 : f32
    %reduce_or3A_1901 = arith.constant 0.000000e+00 : f32
    %reduce_or3A_1902 = vector.broadcast %reduce_or3A_1900 : f32 to vector<128x128xf32>
    %reduce_or3A_1903 = vector.broadcast %reduce_or3A_1901 : f32 to vector<128x128xf32>
    %reduce_or3A_1904 = arith.select %and3A_1899, %reduce_or3A_1902, %reduce_or3A_1903 : vector<128x128xi1>, vector<128x128xf32>
    %reduce_or3A_1905 = arith.constant dense<0xFF800000> : vector<128xf32>
    %reduce_or3A_1906 = vector.multi_reduction <maximumf>, %reduce_or3A_1904, %reduce_or3A_1905 [1] : vector<128x128xf32> to vector<128xf32>
    %reduce_or3A_1907 = arith.constant 0.000000e+00 : f32
    %reduce_or3A_1908 = vector.broadcast %reduce_or3A_1907 : f32 to vector<128xf32>
    %reduce_or3A_1909 = arith.cmpf ogt, %reduce_or3A_1906, %reduce_or3A_1908 : vector<128xf32>
    %broadcast_in_dim3A_1910 = vector.shape_cast %reduce_or3A_1909 : vector<128xi1> to vector<128x1xi1>
    %eq3A_1911 = arith.constant 80 : i32
    %eq3A_1912 = vector.broadcast %eq3A_1911 : i32 to vector<128x128xi32>
    %eq3A_1913 = arith.cmpi eq, %iota3A, %eq3A_1912 : vector<128x128xi32>
    %and3A_1914 = vector.broadcast %broadcast_in_dim3A_1910 : vector<128x1xi1> to vector<128x128xi1>
    %and3A_1915 = arith.andi %and3A_1914, %eq3A_1913 : vector<128x128xi1>
    %or3A_1916 = arith.ori %or3A_1892, %and3A_1915 : vector<128x128xi1>
    %slice3A_1917 = vector.extract_strided_slice %get3A_1 {offsets = [0, 81], sizes = [128, 1], strides = [1, 1]} : vector<128x128xi32> to vector<128x1xi32>
    %eq3A_1918 = vector.broadcast %slice3A_1917 : vector<128x1xi32> to vector<128x128xi32>
    %eq3A_1919 = arith.cmpi eq, %get3A_1, %eq3A_1918 : vector<128x128xi32>
    %lt3A_1920 = arith.constant 81 : i32
    %lt3A_1921 = vector.broadcast %lt3A_1920 : i32 to vector<128x128xi32>
    %lt3A_1922 = arith.cmpi slt, %iota3A, %lt3A_1921 : vector<128x128xi32>
    %and3A_1923 = arith.andi %eq3A_1919, %lt3A_1922 : vector<128x128xi1>
    %reduce_or3A_1924 = arith.constant 1.000000e+00 : f32
    %reduce_or3A_1925 = arith.constant 0.000000e+00 : f32
    %reduce_or3A_1926 = vector.broadcast %reduce_or3A_1924 : f32 to vector<128x128xf32>
    %reduce_or3A_1927 = vector.broadcast %reduce_or3A_1925 : f32 to vector<128x128xf32>
    %reduce_or3A_1928 = arith.select %and3A_1923, %reduce_or3A_1926, %reduce_or3A_1927 : vector<128x128xi1>, vector<128x128xf32>
    %reduce_or3A_1929 = arith.constant dense<0xFF800000> : vector<128xf32>
    %reduce_or3A_1930 = vector.multi_reduction <maximumf>, %reduce_or3A_1928, %reduce_or3A_1929 [1] : vector<128x128xf32> to vector<128xf32>
    %reduce_or3A_1931 = arith.constant 0.000000e+00 : f32
    %reduce_or3A_1932 = vector.broadcast %reduce_or3A_1931 : f32 to vector<128xf32>
    %reduce_or3A_1933 = arith.cmpf ogt, %reduce_or3A_1930, %reduce_or3A_1932 : vector<128xf32>
    %broadcast_in_dim3A_1934 = vector.shape_cast %reduce_or3A_1933 : vector<128xi1> to vector<128x1xi1>
    %eq3A_1935 = arith.constant 81 : i32
    %eq3A_1936 = vector.broadcast %eq3A_1935 : i32 to vector<128x128xi32>
    %eq3A_1937 = arith.cmpi eq, %iota3A, %eq3A_1936 : vector<128x128xi32>
    %and3A_1938 = vector.broadcast %broadcast_in_dim3A_1934 : vector<128x1xi1> to vector<128x128xi1>
    %and3A_1939 = arith.andi %and3A_1938, %eq3A_1937 : vector<128x128xi1>
    %or3A_1940 = arith.ori %or3A_1916, %and3A_1939 : vector<128x128xi1>
    %slice3A_1941 = vector.extract_strided_slice %get3A_1 {offsets = [0, 82], sizes = [128, 1], strides = [1, 1]} : vector<128x128xi32> to vector<128x1xi32>
    %eq3A_1942 = vector.broadcast %slice3A_1941 : vector<128x1xi32> to vector<128x128xi32>
    %eq3A_1943 = arith.cmpi eq, %get3A_1, %eq3A_1942 : vector<128x128xi32>
    %lt3A_1944 = arith.constant 82 : i32
    %lt3A_1945 = vector.broadcast %lt3A_1944 : i32 to vector<128x128xi32>
    %lt3A_1946 = arith.cmpi slt, %iota3A, %lt3A_1945 : vector<128x128xi32>
    %and3A_1947 = arith.andi %eq3A_1943, %lt3A_1946 : vector<128x128xi1>
    %reduce_or3A_1948 = arith.constant 1.000000e+00 : f32
    %reduce_or3A_1949 = arith.constant 0.000000e+00 : f32
    %reduce_or3A_1950 = vector.broadcast %reduce_or3A_1948 : f32 to vector<128x128xf32>
    %reduce_or3A_1951 = vector.broadcast %reduce_or3A_1949 : f32 to vector<128x128xf32>
    %reduce_or3A_1952 = arith.select %and3A_1947, %reduce_or3A_1950, %reduce_or3A_1951 : vector<128x128xi1>, vector<128x128xf32>
    %reduce_or3A_1953 = arith.constant dense<0xFF800000> : vector<128xf32>
    %reduce_or3A_1954 = vector.multi_reduction <maximumf>, %reduce_or3A_1952, %reduce_or3A_1953 [1] : vector<128x128xf32> to vector<128xf32>
    %reduce_or3A_1955 = arith.constant 0.000000e+00 : f32
    %reduce_or3A_1956 = vector.broadcast %reduce_or3A_1955 : f32 to vector<128xf32>
    %reduce_or3A_1957 = arith.cmpf ogt, %reduce_or3A_1954, %reduce_or3A_1956 : vector<128xf32>
    %broadcast_in_dim3A_1958 = vector.shape_cast %reduce_or3A_1957 : vector<128xi1> to vector<128x1xi1>
    %eq3A_1959 = arith.constant 82 : i32
    %eq3A_1960 = vector.broadcast %eq3A_1959 : i32 to vector<128x128xi32>
    %eq3A_1961 = arith.cmpi eq, %iota3A, %eq3A_1960 : vector<128x128xi32>
    %and3A_1962 = vector.broadcast %broadcast_in_dim3A_1958 : vector<128x1xi1> to vector<128x128xi1>
    %and3A_1963 = arith.andi %and3A_1962, %eq3A_1961 : vector<128x128xi1>
    %or3A_1964 = arith.ori %or3A_1940, %and3A_1963 : vector<128x128xi1>
    %slice3A_1965 = vector.extract_strided_slice %get3A_1 {offsets = [0, 83], sizes = [128, 1], strides = [1, 1]} : vector<128x128xi32> to vector<128x1xi32>
    %eq3A_1966 = vector.broadcast %slice3A_1965 : vector<128x1xi32> to vector<128x128xi32>
    %eq3A_1967 = arith.cmpi eq, %get3A_1, %eq3A_1966 : vector<128x128xi32>
    %lt3A_1968 = arith.constant 83 : i32
    %lt3A_1969 = vector.broadcast %lt3A_1968 : i32 to vector<128x128xi32>
    %lt3A_1970 = arith.cmpi slt, %iota3A, %lt3A_1969 : vector<128x128xi32>
    %and3A_1971 = arith.andi %eq3A_1967, %lt3A_1970 : vector<128x128xi1>
    %reduce_or3A_1972 = arith.constant 1.000000e+00 : f32
    %reduce_or3A_1973 = arith.constant 0.000000e+00 : f32
    %reduce_or3A_1974 = vector.broadcast %reduce_or3A_1972 : f32 to vector<128x128xf32>
    %reduce_or3A_1975 = vector.broadcast %reduce_or3A_1973 : f32 to vector<128x128xf32>
    %reduce_or3A_1976 = arith.select %and3A_1971, %reduce_or3A_1974, %reduce_or3A_1975 : vector<128x128xi1>, vector<128x128xf32>
    %reduce_or3A_1977 = arith.constant dense<0xFF800000> : vector<128xf32>
    %reduce_or3A_1978 = vector.multi_reduction <maximumf>, %reduce_or3A_1976, %reduce_or3A_1977 [1] : vector<128x128xf32> to vector<128xf32>
    %reduce_or3A_1979 = arith.constant 0.000000e+00 : f32
    %reduce_or3A_1980 = vector.broadcast %reduce_or3A_1979 : f32 to vector<128xf32>
    %reduce_or3A_1981 = arith.cmpf ogt, %reduce_or3A_1978, %reduce_or3A_1980 : vector<128xf32>
    %broadcast_in_dim3A_1982 = vector.shape_cast %reduce_or3A_1981 : vector<128xi1> to vector<128x1xi1>
    %eq3A_1983 = arith.constant 83 : i32
    %eq3A_1984 = vector.broadcast %eq3A_1983 : i32 to vector<128x128xi32>
    %eq3A_1985 = arith.cmpi eq, %iota3A, %eq3A_1984 : vector<128x128xi32>
    %and3A_1986 = vector.broadcast %broadcast_in_dim3A_1982 : vector<128x1xi1> to vector<128x128xi1>
    %and3A_1987 = arith.andi %and3A_1986, %eq3A_1985 : vector<128x128xi1>
    %or3A_1988 = arith.ori %or3A_1964, %and3A_1987 : vector<128x128xi1>
    %slice3A_1989 = vector.extract_strided_slice %get3A_1 {offsets = [0, 84], sizes = [128, 1], strides = [1, 1]} : vector<128x128xi32> to vector<128x1xi32>
    %eq3A_1990 = vector.broadcast %slice3A_1989 : vector<128x1xi32> to vector<128x128xi32>
    %eq3A_1991 = arith.cmpi eq, %get3A_1, %eq3A_1990 : vector<128x128xi32>
    %lt3A_1992 = arith.constant 84 : i32
    %lt3A_1993 = vector.broadcast %lt3A_1992 : i32 to vector<128x128xi32>
    %lt3A_1994 = arith.cmpi slt, %iota3A, %lt3A_1993 : vector<128x128xi32>
    %and3A_1995 = arith.andi %eq3A_1991, %lt3A_1994 : vector<128x128xi1>
    %reduce_or3A_1996 = arith.constant 1.000000e+00 : f32
    %reduce_or3A_1997 = arith.constant 0.000000e+00 : f32
    %reduce_or3A_1998 = vector.broadcast %reduce_or3A_1996 : f32 to vector<128x128xf32>
    %reduce_or3A_1999 = vector.broadcast %reduce_or3A_1997 : f32 to vector<128x128xf32>
    %reduce_or3A_2000 = arith.select %and3A_1995, %reduce_or3A_1998, %reduce_or3A_1999 : vector<128x128xi1>, vector<128x128xf32>
    %reduce_or3A_2001 = arith.constant dense<0xFF800000> : vector<128xf32>
    %reduce_or3A_2002 = vector.multi_reduction <maximumf>, %reduce_or3A_2000, %reduce_or3A_2001 [1] : vector<128x128xf32> to vector<128xf32>
    %reduce_or3A_2003 = arith.constant 0.000000e+00 : f32
    %reduce_or3A_2004 = vector.broadcast %reduce_or3A_2003 : f32 to vector<128xf32>
    %reduce_or3A_2005 = arith.cmpf ogt, %reduce_or3A_2002, %reduce_or3A_2004 : vector<128xf32>
    %broadcast_in_dim3A_2006 = vector.shape_cast %reduce_or3A_2005 : vector<128xi1> to vector<128x1xi1>
    %eq3A_2007 = arith.constant 84 : i32
    %eq3A_2008 = vector.broadcast %eq3A_2007 : i32 to vector<128x128xi32>
    %eq3A_2009 = arith.cmpi eq, %iota3A, %eq3A_2008 : vector<128x128xi32>
    %and3A_2010 = vector.broadcast %broadcast_in_dim3A_2006 : vector<128x1xi1> to vector<128x128xi1>
    %and3A_2011 = arith.andi %and3A_2010, %eq3A_2009 : vector<128x128xi1>
    %or3A_2012 = arith.ori %or3A_1988, %and3A_2011 : vector<128x128xi1>
    %slice3A_2013 = vector.extract_strided_slice %get3A_1 {offsets = [0, 85], sizes = [128, 1], strides = [1, 1]} : vector<128x128xi32> to vector<128x1xi32>
    %eq3A_2014 = vector.broadcast %slice3A_2013 : vector<128x1xi32> to vector<128x128xi32>
    %eq3A_2015 = arith.cmpi eq, %get3A_1, %eq3A_2014 : vector<128x128xi32>
    %lt3A_2016 = arith.constant 85 : i32
    %lt3A_2017 = vector.broadcast %lt3A_2016 : i32 to vector<128x128xi32>
    %lt3A_2018 = arith.cmpi slt, %iota3A, %lt3A_2017 : vector<128x128xi32>
    %and3A_2019 = arith.andi %eq3A_2015, %lt3A_2018 : vector<128x128xi1>
    %reduce_or3A_2020 = arith.constant 1.000000e+00 : f32
    %reduce_or3A_2021 = arith.constant 0.000000e+00 : f32
    %reduce_or3A_2022 = vector.broadcast %reduce_or3A_2020 : f32 to vector<128x128xf32>
    %reduce_or3A_2023 = vector.broadcast %reduce_or3A_2021 : f32 to vector<128x128xf32>
    %reduce_or3A_2024 = arith.select %and3A_2019, %reduce_or3A_2022, %reduce_or3A_2023 : vector<128x128xi1>, vector<128x128xf32>
    %reduce_or3A_2025 = arith.constant dense<0xFF800000> : vector<128xf32>
    %reduce_or3A_2026 = vector.multi_reduction <maximumf>, %reduce_or3A_2024, %reduce_or3A_2025 [1] : vector<128x128xf32> to vector<128xf32>
    %reduce_or3A_2027 = arith.constant 0.000000e+00 : f32
    %reduce_or3A_2028 = vector.broadcast %reduce_or3A_2027 : f32 to vector<128xf32>
    %reduce_or3A_2029 = arith.cmpf ogt, %reduce_or3A_2026, %reduce_or3A_2028 : vector<128xf32>
    %broadcast_in_dim3A_2030 = vector.shape_cast %reduce_or3A_2029 : vector<128xi1> to vector<128x1xi1>
    %eq3A_2031 = arith.constant 85 : i32
    %eq3A_2032 = vector.broadcast %eq3A_2031 : i32 to vector<128x128xi32>
    %eq3A_2033 = arith.cmpi eq, %iota3A, %eq3A_2032 : vector<128x128xi32>
    %and3A_2034 = vector.broadcast %broadcast_in_dim3A_2030 : vector<128x1xi1> to vector<128x128xi1>
    %and3A_2035 = arith.andi %and3A_2034, %eq3A_2033 : vector<128x128xi1>
    %or3A_2036 = arith.ori %or3A_2012, %and3A_2035 : vector<128x128xi1>
    %slice3A_2037 = vector.extract_strided_slice %get3A_1 {offsets = [0, 86], sizes = [128, 1], strides = [1, 1]} : vector<128x128xi32> to vector<128x1xi32>
    %eq3A_2038 = vector.broadcast %slice3A_2037 : vector<128x1xi32> to vector<128x128xi32>
    %eq3A_2039 = arith.cmpi eq, %get3A_1, %eq3A_2038 : vector<128x128xi32>
    %lt3A_2040 = arith.constant 86 : i32
    %lt3A_2041 = vector.broadcast %lt3A_2040 : i32 to vector<128x128xi32>
    %lt3A_2042 = arith.cmpi slt, %iota3A, %lt3A_2041 : vector<128x128xi32>
    %and3A_2043 = arith.andi %eq3A_2039, %lt3A_2042 : vector<128x128xi1>
    %reduce_or3A_2044 = arith.constant 1.000000e+00 : f32
    %reduce_or3A_2045 = arith.constant 0.000000e+00 : f32
    %reduce_or3A_2046 = vector.broadcast %reduce_or3A_2044 : f32 to vector<128x128xf32>
    %reduce_or3A_2047 = vector.broadcast %reduce_or3A_2045 : f32 to vector<128x128xf32>
    %reduce_or3A_2048 = arith.select %and3A_2043, %reduce_or3A_2046, %reduce_or3A_2047 : vector<128x128xi1>, vector<128x128xf32>
    %reduce_or3A_2049 = arith.constant dense<0xFF800000> : vector<128xf32>
    %reduce_or3A_2050 = vector.multi_reduction <maximumf>, %reduce_or3A_2048, %reduce_or3A_2049 [1] : vector<128x128xf32> to vector<128xf32>
    %reduce_or3A_2051 = arith.constant 0.000000e+00 : f32
    %reduce_or3A_2052 = vector.broadcast %reduce_or3A_2051 : f32 to vector<128xf32>
    %reduce_or3A_2053 = arith.cmpf ogt, %reduce_or3A_2050, %reduce_or3A_2052 : vector<128xf32>
    %broadcast_in_dim3A_2054 = vector.shape_cast %reduce_or3A_2053 : vector<128xi1> to vector<128x1xi1>
    %eq3A_2055 = arith.constant 86 : i32
    %eq3A_2056 = vector.broadcast %eq3A_2055 : i32 to vector<128x128xi32>
    %eq3A_2057 = arith.cmpi eq, %iota3A, %eq3A_2056 : vector<128x128xi32>
    %and3A_2058 = vector.broadcast %broadcast_in_dim3A_2054 : vector<128x1xi1> to vector<128x128xi1>
    %and3A_2059 = arith.andi %and3A_2058, %eq3A_2057 : vector<128x128xi1>
    %or3A_2060 = arith.ori %or3A_2036, %and3A_2059 : vector<128x128xi1>
    %slice3A_2061 = vector.extract_strided_slice %get3A_1 {offsets = [0, 87], sizes = [128, 1], strides = [1, 1]} : vector<128x128xi32> to vector<128x1xi32>
    %eq3A_2062 = vector.broadcast %slice3A_2061 : vector<128x1xi32> to vector<128x128xi32>
    %eq3A_2063 = arith.cmpi eq, %get3A_1, %eq3A_2062 : vector<128x128xi32>
    %lt3A_2064 = arith.constant 87 : i32
    %lt3A_2065 = vector.broadcast %lt3A_2064 : i32 to vector<128x128xi32>
    %lt3A_2066 = arith.cmpi slt, %iota3A, %lt3A_2065 : vector<128x128xi32>
    %and3A_2067 = arith.andi %eq3A_2063, %lt3A_2066 : vector<128x128xi1>
    %reduce_or3A_2068 = arith.constant 1.000000e+00 : f32
    %reduce_or3A_2069 = arith.constant 0.000000e+00 : f32
    %reduce_or3A_2070 = vector.broadcast %reduce_or3A_2068 : f32 to vector<128x128xf32>
    %reduce_or3A_2071 = vector.broadcast %reduce_or3A_2069 : f32 to vector<128x128xf32>
    %reduce_or3A_2072 = arith.select %and3A_2067, %reduce_or3A_2070, %reduce_or3A_2071 : vector<128x128xi1>, vector<128x128xf32>
    %reduce_or3A_2073 = arith.constant dense<0xFF800000> : vector<128xf32>
    %reduce_or3A_2074 = vector.multi_reduction <maximumf>, %reduce_or3A_2072, %reduce_or3A_2073 [1] : vector<128x128xf32> to vector<128xf32>
    %reduce_or3A_2075 = arith.constant 0.000000e+00 : f32
    %reduce_or3A_2076 = vector.broadcast %reduce_or3A_2075 : f32 to vector<128xf32>
    %reduce_or3A_2077 = arith.cmpf ogt, %reduce_or3A_2074, %reduce_or3A_2076 : vector<128xf32>
    %broadcast_in_dim3A_2078 = vector.shape_cast %reduce_or3A_2077 : vector<128xi1> to vector<128x1xi1>
    %eq3A_2079 = arith.constant 87 : i32
    %eq3A_2080 = vector.broadcast %eq3A_2079 : i32 to vector<128x128xi32>
    %eq3A_2081 = arith.cmpi eq, %iota3A, %eq3A_2080 : vector<128x128xi32>
    %and3A_2082 = vector.broadcast %broadcast_in_dim3A_2078 : vector<128x1xi1> to vector<128x128xi1>
    %and3A_2083 = arith.andi %and3A_2082, %eq3A_2081 : vector<128x128xi1>
    %or3A_2084 = arith.ori %or3A_2060, %and3A_2083 : vector<128x128xi1>
    %slice3A_2085 = vector.extract_strided_slice %get3A_1 {offsets = [0, 88], sizes = [128, 1], strides = [1, 1]} : vector<128x128xi32> to vector<128x1xi32>
    %eq3A_2086 = vector.broadcast %slice3A_2085 : vector<128x1xi32> to vector<128x128xi32>
    %eq3A_2087 = arith.cmpi eq, %get3A_1, %eq3A_2086 : vector<128x128xi32>
    %lt3A_2088 = arith.constant 88 : i32
    %lt3A_2089 = vector.broadcast %lt3A_2088 : i32 to vector<128x128xi32>
    %lt3A_2090 = arith.cmpi slt, %iota3A, %lt3A_2089 : vector<128x128xi32>
    %and3A_2091 = arith.andi %eq3A_2087, %lt3A_2090 : vector<128x128xi1>
    %reduce_or3A_2092 = arith.constant 1.000000e+00 : f32
    %reduce_or3A_2093 = arith.constant 0.000000e+00 : f32
    %reduce_or3A_2094 = vector.broadcast %reduce_or3A_2092 : f32 to vector<128x128xf32>
    %reduce_or3A_2095 = vector.broadcast %reduce_or3A_2093 : f32 to vector<128x128xf32>
    %reduce_or3A_2096 = arith.select %and3A_2091, %reduce_or3A_2094, %reduce_or3A_2095 : vector<128x128xi1>, vector<128x128xf32>
    %reduce_or3A_2097 = arith.constant dense<0xFF800000> : vector<128xf32>
    %reduce_or3A_2098 = vector.multi_reduction <maximumf>, %reduce_or3A_2096, %reduce_or3A_2097 [1] : vector<128x128xf32> to vector<128xf32>
    %reduce_or3A_2099 = arith.constant 0.000000e+00 : f32
    %reduce_or3A_2100 = vector.broadcast %reduce_or3A_2099 : f32 to vector<128xf32>
    %reduce_or3A_2101 = arith.cmpf ogt, %reduce_or3A_2098, %reduce_or3A_2100 : vector<128xf32>
    %broadcast_in_dim3A_2102 = vector.shape_cast %reduce_or3A_2101 : vector<128xi1> to vector<128x1xi1>
    %eq3A_2103 = arith.constant 88 : i32
    %eq3A_2104 = vector.broadcast %eq3A_2103 : i32 to vector<128x128xi32>
    %eq3A_2105 = arith.cmpi eq, %iota3A, %eq3A_2104 : vector<128x128xi32>
    %and3A_2106 = vector.broadcast %broadcast_in_dim3A_2102 : vector<128x1xi1> to vector<128x128xi1>
    %and3A_2107 = arith.andi %and3A_2106, %eq3A_2105 : vector<128x128xi1>
    %or3A_2108 = arith.ori %or3A_2084, %and3A_2107 : vector<128x128xi1>
    %slice3A_2109 = vector.extract_strided_slice %get3A_1 {offsets = [0, 89], sizes = [128, 1], strides = [1, 1]} : vector<128x128xi32> to vector<128x1xi32>
    %eq3A_2110 = vector.broadcast %slice3A_2109 : vector<128x1xi32> to vector<128x128xi32>
    %eq3A_2111 = arith.cmpi eq, %get3A_1, %eq3A_2110 : vector<128x128xi32>
    %lt3A_2112 = arith.constant 89 : i32
    %lt3A_2113 = vector.broadcast %lt3A_2112 : i32 to vector<128x128xi32>
    %lt3A_2114 = arith.cmpi slt, %iota3A, %lt3A_2113 : vector<128x128xi32>
    %and3A_2115 = arith.andi %eq3A_2111, %lt3A_2114 : vector<128x128xi1>
    %reduce_or3A_2116 = arith.constant 1.000000e+00 : f32
    %reduce_or3A_2117 = arith.constant 0.000000e+00 : f32
    %reduce_or3A_2118 = vector.broadcast %reduce_or3A_2116 : f32 to vector<128x128xf32>
    %reduce_or3A_2119 = vector.broadcast %reduce_or3A_2117 : f32 to vector<128x128xf32>
    %reduce_or3A_2120 = arith.select %and3A_2115, %reduce_or3A_2118, %reduce_or3A_2119 : vector<128x128xi1>, vector<128x128xf32>
    %reduce_or3A_2121 = arith.constant dense<0xFF800000> : vector<128xf32>
    %reduce_or3A_2122 = vector.multi_reduction <maximumf>, %reduce_or3A_2120, %reduce_or3A_2121 [1] : vector<128x128xf32> to vector<128xf32>
    %reduce_or3A_2123 = arith.constant 0.000000e+00 : f32
    %reduce_or3A_2124 = vector.broadcast %reduce_or3A_2123 : f32 to vector<128xf32>
    %reduce_or3A_2125 = arith.cmpf ogt, %reduce_or3A_2122, %reduce_or3A_2124 : vector<128xf32>
    %broadcast_in_dim3A_2126 = vector.shape_cast %reduce_or3A_2125 : vector<128xi1> to vector<128x1xi1>
    %eq3A_2127 = arith.constant 89 : i32
    %eq3A_2128 = vector.broadcast %eq3A_2127 : i32 to vector<128x128xi32>
    %eq3A_2129 = arith.cmpi eq, %iota3A, %eq3A_2128 : vector<128x128xi32>
    %and3A_2130 = vector.broadcast %broadcast_in_dim3A_2126 : vector<128x1xi1> to vector<128x128xi1>
    %and3A_2131 = arith.andi %and3A_2130, %eq3A_2129 : vector<128x128xi1>
    %or3A_2132 = arith.ori %or3A_2108, %and3A_2131 : vector<128x128xi1>
    %slice3A_2133 = vector.extract_strided_slice %get3A_1 {offsets = [0, 90], sizes = [128, 1], strides = [1, 1]} : vector<128x128xi32> to vector<128x1xi32>
    %eq3A_2134 = vector.broadcast %slice3A_2133 : vector<128x1xi32> to vector<128x128xi32>
    %eq3A_2135 = arith.cmpi eq, %get3A_1, %eq3A_2134 : vector<128x128xi32>
    %lt3A_2136 = arith.constant 90 : i32
    %lt3A_2137 = vector.broadcast %lt3A_2136 : i32 to vector<128x128xi32>
    %lt3A_2138 = arith.cmpi slt, %iota3A, %lt3A_2137 : vector<128x128xi32>
    %and3A_2139 = arith.andi %eq3A_2135, %lt3A_2138 : vector<128x128xi1>
    %reduce_or3A_2140 = arith.constant 1.000000e+00 : f32
    %reduce_or3A_2141 = arith.constant 0.000000e+00 : f32
    %reduce_or3A_2142 = vector.broadcast %reduce_or3A_2140 : f32 to vector<128x128xf32>
    %reduce_or3A_2143 = vector.broadcast %reduce_or3A_2141 : f32 to vector<128x128xf32>
    %reduce_or3A_2144 = arith.select %and3A_2139, %reduce_or3A_2142, %reduce_or3A_2143 : vector<128x128xi1>, vector<128x128xf32>
    %reduce_or3A_2145 = arith.constant dense<0xFF800000> : vector<128xf32>
    %reduce_or3A_2146 = vector.multi_reduction <maximumf>, %reduce_or3A_2144, %reduce_or3A_2145 [1] : vector<128x128xf32> to vector<128xf32>
    %reduce_or3A_2147 = arith.constant 0.000000e+00 : f32
    %reduce_or3A_2148 = vector.broadcast %reduce_or3A_2147 : f32 to vector<128xf32>
    %reduce_or3A_2149 = arith.cmpf ogt, %reduce_or3A_2146, %reduce_or3A_2148 : vector<128xf32>
    %broadcast_in_dim3A_2150 = vector.shape_cast %reduce_or3A_2149 : vector<128xi1> to vector<128x1xi1>
    %eq3A_2151 = arith.constant 90 : i32
    %eq3A_2152 = vector.broadcast %eq3A_2151 : i32 to vector<128x128xi32>
    %eq3A_2153 = arith.cmpi eq, %iota3A, %eq3A_2152 : vector<128x128xi32>
    %and3A_2154 = vector.broadcast %broadcast_in_dim3A_2150 : vector<128x1xi1> to vector<128x128xi1>
    %and3A_2155 = arith.andi %and3A_2154, %eq3A_2153 : vector<128x128xi1>
    %or3A_2156 = arith.ori %or3A_2132, %and3A_2155 : vector<128x128xi1>
    %slice3A_2157 = vector.extract_strided_slice %get3A_1 {offsets = [0, 91], sizes = [128, 1], strides = [1, 1]} : vector<128x128xi32> to vector<128x1xi32>
    %eq3A_2158 = vector.broadcast %slice3A_2157 : vector<128x1xi32> to vector<128x128xi32>
    %eq3A_2159 = arith.cmpi eq, %get3A_1, %eq3A_2158 : vector<128x128xi32>
    %lt3A_2160 = arith.constant 91 : i32
    %lt3A_2161 = vector.broadcast %lt3A_2160 : i32 to vector<128x128xi32>
    %lt3A_2162 = arith.cmpi slt, %iota3A, %lt3A_2161 : vector<128x128xi32>
    %and3A_2163 = arith.andi %eq3A_2159, %lt3A_2162 : vector<128x128xi1>
    %reduce_or3A_2164 = arith.constant 1.000000e+00 : f32
    %reduce_or3A_2165 = arith.constant 0.000000e+00 : f32
    %reduce_or3A_2166 = vector.broadcast %reduce_or3A_2164 : f32 to vector<128x128xf32>
    %reduce_or3A_2167 = vector.broadcast %reduce_or3A_2165 : f32 to vector<128x128xf32>
    %reduce_or3A_2168 = arith.select %and3A_2163, %reduce_or3A_2166, %reduce_or3A_2167 : vector<128x128xi1>, vector<128x128xf32>
    %reduce_or3A_2169 = arith.constant dense<0xFF800000> : vector<128xf32>
    %reduce_or3A_2170 = vector.multi_reduction <maximumf>, %reduce_or3A_2168, %reduce_or3A_2169 [1] : vector<128x128xf32> to vector<128xf32>
    %reduce_or3A_2171 = arith.constant 0.000000e+00 : f32
    %reduce_or3A_2172 = vector.broadcast %reduce_or3A_2171 : f32 to vector<128xf32>
    %reduce_or3A_2173 = arith.cmpf ogt, %reduce_or3A_2170, %reduce_or3A_2172 : vector<128xf32>
    %broadcast_in_dim3A_2174 = vector.shape_cast %reduce_or3A_2173 : vector<128xi1> to vector<128x1xi1>
    %eq3A_2175 = arith.constant 91 : i32
    %eq3A_2176 = vector.broadcast %eq3A_2175 : i32 to vector<128x128xi32>
    %eq3A_2177 = arith.cmpi eq, %iota3A, %eq3A_2176 : vector<128x128xi32>
    %and3A_2178 = vector.broadcast %broadcast_in_dim3A_2174 : vector<128x1xi1> to vector<128x128xi1>
    %and3A_2179 = arith.andi %and3A_2178, %eq3A_2177 : vector<128x128xi1>
    %or3A_2180 = arith.ori %or3A_2156, %and3A_2179 : vector<128x128xi1>
    %slice3A_2181 = vector.extract_strided_slice %get3A_1 {offsets = [0, 92], sizes = [128, 1], strides = [1, 1]} : vector<128x128xi32> to vector<128x1xi32>
    %eq3A_2182 = vector.broadcast %slice3A_2181 : vector<128x1xi32> to vector<128x128xi32>
    %eq3A_2183 = arith.cmpi eq, %get3A_1, %eq3A_2182 : vector<128x128xi32>
    %lt3A_2184 = arith.constant 92 : i32
    %lt3A_2185 = vector.broadcast %lt3A_2184 : i32 to vector<128x128xi32>
    %lt3A_2186 = arith.cmpi slt, %iota3A, %lt3A_2185 : vector<128x128xi32>
    %and3A_2187 = arith.andi %eq3A_2183, %lt3A_2186 : vector<128x128xi1>
    %reduce_or3A_2188 = arith.constant 1.000000e+00 : f32
    %reduce_or3A_2189 = arith.constant 0.000000e+00 : f32
    %reduce_or3A_2190 = vector.broadcast %reduce_or3A_2188 : f32 to vector<128x128xf32>
    %reduce_or3A_2191 = vector.broadcast %reduce_or3A_2189 : f32 to vector<128x128xf32>
    %reduce_or3A_2192 = arith.select %and3A_2187, %reduce_or3A_2190, %reduce_or3A_2191 : vector<128x128xi1>, vector<128x128xf32>
    %reduce_or3A_2193 = arith.constant dense<0xFF800000> : vector<128xf32>
    %reduce_or3A_2194 = vector.multi_reduction <maximumf>, %reduce_or3A_2192, %reduce_or3A_2193 [1] : vector<128x128xf32> to vector<128xf32>
    %reduce_or3A_2195 = arith.constant 0.000000e+00 : f32
    %reduce_or3A_2196 = vector.broadcast %reduce_or3A_2195 : f32 to vector<128xf32>
    %reduce_or3A_2197 = arith.cmpf ogt, %reduce_or3A_2194, %reduce_or3A_2196 : vector<128xf32>
    %broadcast_in_dim3A_2198 = vector.shape_cast %reduce_or3A_2197 : vector<128xi1> to vector<128x1xi1>
    %eq3A_2199 = arith.constant 92 : i32
    %eq3A_2200 = vector.broadcast %eq3A_2199 : i32 to vector<128x128xi32>
    %eq3A_2201 = arith.cmpi eq, %iota3A, %eq3A_2200 : vector<128x128xi32>
    %and3A_2202 = vector.broadcast %broadcast_in_dim3A_2198 : vector<128x1xi1> to vector<128x128xi1>
    %and3A_2203 = arith.andi %and3A_2202, %eq3A_2201 : vector<128x128xi1>
    %or3A_2204 = arith.ori %or3A_2180, %and3A_2203 : vector<128x128xi1>
    %slice3A_2205 = vector.extract_strided_slice %get3A_1 {offsets = [0, 93], sizes = [128, 1], strides = [1, 1]} : vector<128x128xi32> to vector<128x1xi32>
    %eq3A_2206 = vector.broadcast %slice3A_2205 : vector<128x1xi32> to vector<128x128xi32>
    %eq3A_2207 = arith.cmpi eq, %get3A_1, %eq3A_2206 : vector<128x128xi32>
    %lt3A_2208 = arith.constant 93 : i32
    %lt3A_2209 = vector.broadcast %lt3A_2208 : i32 to vector<128x128xi32>
    %lt3A_2210 = arith.cmpi slt, %iota3A, %lt3A_2209 : vector<128x128xi32>
    %and3A_2211 = arith.andi %eq3A_2207, %lt3A_2210 : vector<128x128xi1>
    %reduce_or3A_2212 = arith.constant 1.000000e+00 : f32
    %reduce_or3A_2213 = arith.constant 0.000000e+00 : f32
    %reduce_or3A_2214 = vector.broadcast %reduce_or3A_2212 : f32 to vector<128x128xf32>
    %reduce_or3A_2215 = vector.broadcast %reduce_or3A_2213 : f32 to vector<128x128xf32>
    %reduce_or3A_2216 = arith.select %and3A_2211, %reduce_or3A_2214, %reduce_or3A_2215 : vector<128x128xi1>, vector<128x128xf32>
    %reduce_or3A_2217 = arith.constant dense<0xFF800000> : vector<128xf32>
    %reduce_or3A_2218 = vector.multi_reduction <maximumf>, %reduce_or3A_2216, %reduce_or3A_2217 [1] : vector<128x128xf32> to vector<128xf32>
    %reduce_or3A_2219 = arith.constant 0.000000e+00 : f32
    %reduce_or3A_2220 = vector.broadcast %reduce_or3A_2219 : f32 to vector<128xf32>
    %reduce_or3A_2221 = arith.cmpf ogt, %reduce_or3A_2218, %reduce_or3A_2220 : vector<128xf32>
    %broadcast_in_dim3A_2222 = vector.shape_cast %reduce_or3A_2221 : vector<128xi1> to vector<128x1xi1>
    %eq3A_2223 = arith.constant 93 : i32
    %eq3A_2224 = vector.broadcast %eq3A_2223 : i32 to vector<128x128xi32>
    %eq3A_2225 = arith.cmpi eq, %iota3A, %eq3A_2224 : vector<128x128xi32>
    %and3A_2226 = vector.broadcast %broadcast_in_dim3A_2222 : vector<128x1xi1> to vector<128x128xi1>
    %and3A_2227 = arith.andi %and3A_2226, %eq3A_2225 : vector<128x128xi1>
    %or3A_2228 = arith.ori %or3A_2204, %and3A_2227 : vector<128x128xi1>
    %slice3A_2229 = vector.extract_strided_slice %get3A_1 {offsets = [0, 94], sizes = [128, 1], strides = [1, 1]} : vector<128x128xi32> to vector<128x1xi32>
    %eq3A_2230 = vector.broadcast %slice3A_2229 : vector<128x1xi32> to vector<128x128xi32>
    %eq3A_2231 = arith.cmpi eq, %get3A_1, %eq3A_2230 : vector<128x128xi32>
    %lt3A_2232 = arith.constant 94 : i32
    %lt3A_2233 = vector.broadcast %lt3A_2232 : i32 to vector<128x128xi32>
    %lt3A_2234 = arith.cmpi slt, %iota3A, %lt3A_2233 : vector<128x128xi32>
    %and3A_2235 = arith.andi %eq3A_2231, %lt3A_2234 : vector<128x128xi1>
    %reduce_or3A_2236 = arith.constant 1.000000e+00 : f32
    %reduce_or3A_2237 = arith.constant 0.000000e+00 : f32
    %reduce_or3A_2238 = vector.broadcast %reduce_or3A_2236 : f32 to vector<128x128xf32>
    %reduce_or3A_2239 = vector.broadcast %reduce_or3A_2237 : f32 to vector<128x128xf32>
    %reduce_or3A_2240 = arith.select %and3A_2235, %reduce_or3A_2238, %reduce_or3A_2239 : vector<128x128xi1>, vector<128x128xf32>
    %reduce_or3A_2241 = arith.constant dense<0xFF800000> : vector<128xf32>
    %reduce_or3A_2242 = vector.multi_reduction <maximumf>, %reduce_or3A_2240, %reduce_or3A_2241 [1] : vector<128x128xf32> to vector<128xf32>
    %reduce_or3A_2243 = arith.constant 0.000000e+00 : f32
    %reduce_or3A_2244 = vector.broadcast %reduce_or3A_2243 : f32 to vector<128xf32>
    %reduce_or3A_2245 = arith.cmpf ogt, %reduce_or3A_2242, %reduce_or3A_2244 : vector<128xf32>
    %broadcast_in_dim3A_2246 = vector.shape_cast %reduce_or3A_2245 : vector<128xi1> to vector<128x1xi1>
    %eq3A_2247 = arith.constant 94 : i32
    %eq3A_2248 = vector.broadcast %eq3A_2247 : i32 to vector<128x128xi32>
    %eq3A_2249 = arith.cmpi eq, %iota3A, %eq3A_2248 : vector<128x128xi32>
    %and3A_2250 = vector.broadcast %broadcast_in_dim3A_2246 : vector<128x1xi1> to vector<128x128xi1>
    %and3A_2251 = arith.andi %and3A_2250, %eq3A_2249 : vector<128x128xi1>
    %or3A_2252 = arith.ori %or3A_2228, %and3A_2251 : vector<128x128xi1>
    %slice3A_2253 = vector.extract_strided_slice %get3A_1 {offsets = [0, 95], sizes = [128, 1], strides = [1, 1]} : vector<128x128xi32> to vector<128x1xi32>
    %eq3A_2254 = vector.broadcast %slice3A_2253 : vector<128x1xi32> to vector<128x128xi32>
    %eq3A_2255 = arith.cmpi eq, %get3A_1, %eq3A_2254 : vector<128x128xi32>
    %lt3A_2256 = arith.constant 95 : i32
    %lt3A_2257 = vector.broadcast %lt3A_2256 : i32 to vector<128x128xi32>
    %lt3A_2258 = arith.cmpi slt, %iota3A, %lt3A_2257 : vector<128x128xi32>
    %and3A_2259 = arith.andi %eq3A_2255, %lt3A_2258 : vector<128x128xi1>
    %reduce_or3A_2260 = arith.constant 1.000000e+00 : f32
    %reduce_or3A_2261 = arith.constant 0.000000e+00 : f32
    %reduce_or3A_2262 = vector.broadcast %reduce_or3A_2260 : f32 to vector<128x128xf32>
    %reduce_or3A_2263 = vector.broadcast %reduce_or3A_2261 : f32 to vector<128x128xf32>
    %reduce_or3A_2264 = arith.select %and3A_2259, %reduce_or3A_2262, %reduce_or3A_2263 : vector<128x128xi1>, vector<128x128xf32>
    %reduce_or3A_2265 = arith.constant dense<0xFF800000> : vector<128xf32>
    %reduce_or3A_2266 = vector.multi_reduction <maximumf>, %reduce_or3A_2264, %reduce_or3A_2265 [1] : vector<128x128xf32> to vector<128xf32>
    %reduce_or3A_2267 = arith.constant 0.000000e+00 : f32
    %reduce_or3A_2268 = vector.broadcast %reduce_or3A_2267 : f32 to vector<128xf32>
    %reduce_or3A_2269 = arith.cmpf ogt, %reduce_or3A_2266, %reduce_or3A_2268 : vector<128xf32>
    %broadcast_in_dim3A_2270 = vector.shape_cast %reduce_or3A_2269 : vector<128xi1> to vector<128x1xi1>
    %eq3A_2271 = arith.constant 95 : i32
    %eq3A_2272 = vector.broadcast %eq3A_2271 : i32 to vector<128x128xi32>
    %eq3A_2273 = arith.cmpi eq, %iota3A, %eq3A_2272 : vector<128x128xi32>
    %and3A_2274 = vector.broadcast %broadcast_in_dim3A_2270 : vector<128x1xi1> to vector<128x128xi1>
    %and3A_2275 = arith.andi %and3A_2274, %eq3A_2273 : vector<128x128xi1>
    %or3A_2276 = arith.ori %or3A_2252, %and3A_2275 : vector<128x128xi1>
    %slice3A_2277 = vector.extract_strided_slice %get3A_1 {offsets = [0, 96], sizes = [128, 1], strides = [1, 1]} : vector<128x128xi32> to vector<128x1xi32>
    %eq3A_2278 = vector.broadcast %slice3A_2277 : vector<128x1xi32> to vector<128x128xi32>
    %eq3A_2279 = arith.cmpi eq, %get3A_1, %eq3A_2278 : vector<128x128xi32>
    %lt3A_2280 = arith.constant 96 : i32
    %lt3A_2281 = vector.broadcast %lt3A_2280 : i32 to vector<128x128xi32>
    %lt3A_2282 = arith.cmpi slt, %iota3A, %lt3A_2281 : vector<128x128xi32>
    %and3A_2283 = arith.andi %eq3A_2279, %lt3A_2282 : vector<128x128xi1>
    %reduce_or3A_2284 = arith.constant 1.000000e+00 : f32
    %reduce_or3A_2285 = arith.constant 0.000000e+00 : f32
    %reduce_or3A_2286 = vector.broadcast %reduce_or3A_2284 : f32 to vector<128x128xf32>
    %reduce_or3A_2287 = vector.broadcast %reduce_or3A_2285 : f32 to vector<128x128xf32>
    %reduce_or3A_2288 = arith.select %and3A_2283, %reduce_or3A_2286, %reduce_or3A_2287 : vector<128x128xi1>, vector<128x128xf32>
    %reduce_or3A_2289 = arith.constant dense<0xFF800000> : vector<128xf32>
    %reduce_or3A_2290 = vector.multi_reduction <maximumf>, %reduce_or3A_2288, %reduce_or3A_2289 [1] : vector<128x128xf32> to vector<128xf32>
    %reduce_or3A_2291 = arith.constant 0.000000e+00 : f32
    %reduce_or3A_2292 = vector.broadcast %reduce_or3A_2291 : f32 to vector<128xf32>
    %reduce_or3A_2293 = arith.cmpf ogt, %reduce_or3A_2290, %reduce_or3A_2292 : vector<128xf32>
    %broadcast_in_dim3A_2294 = vector.shape_cast %reduce_or3A_2293 : vector<128xi1> to vector<128x1xi1>
    %eq3A_2295 = arith.constant 96 : i32
    %eq3A_2296 = vector.broadcast %eq3A_2295 : i32 to vector<128x128xi32>
    %eq3A_2297 = arith.cmpi eq, %iota3A, %eq3A_2296 : vector<128x128xi32>
    %and3A_2298 = vector.broadcast %broadcast_in_dim3A_2294 : vector<128x1xi1> to vector<128x128xi1>
    %and3A_2299 = arith.andi %and3A_2298, %eq3A_2297 : vector<128x128xi1>
    %or3A_2300 = arith.ori %or3A_2276, %and3A_2299 : vector<128x128xi1>
    %slice3A_2301 = vector.extract_strided_slice %get3A_1 {offsets = [0, 97], sizes = [128, 1], strides = [1, 1]} : vector<128x128xi32> to vector<128x1xi32>
    %eq3A_2302 = vector.broadcast %slice3A_2301 : vector<128x1xi32> to vector<128x128xi32>
    %eq3A_2303 = arith.cmpi eq, %get3A_1, %eq3A_2302 : vector<128x128xi32>
    %lt3A_2304 = arith.constant 97 : i32
    %lt3A_2305 = vector.broadcast %lt3A_2304 : i32 to vector<128x128xi32>
    %lt3A_2306 = arith.cmpi slt, %iota3A, %lt3A_2305 : vector<128x128xi32>
    %and3A_2307 = arith.andi %eq3A_2303, %lt3A_2306 : vector<128x128xi1>
    %reduce_or3A_2308 = arith.constant 1.000000e+00 : f32
    %reduce_or3A_2309 = arith.constant 0.000000e+00 : f32
    %reduce_or3A_2310 = vector.broadcast %reduce_or3A_2308 : f32 to vector<128x128xf32>
    %reduce_or3A_2311 = vector.broadcast %reduce_or3A_2309 : f32 to vector<128x128xf32>
    %reduce_or3A_2312 = arith.select %and3A_2307, %reduce_or3A_2310, %reduce_or3A_2311 : vector<128x128xi1>, vector<128x128xf32>
    %reduce_or3A_2313 = arith.constant dense<0xFF800000> : vector<128xf32>
    %reduce_or3A_2314 = vector.multi_reduction <maximumf>, %reduce_or3A_2312, %reduce_or3A_2313 [1] : vector<128x128xf32> to vector<128xf32>
    %reduce_or3A_2315 = arith.constant 0.000000e+00 : f32
    %reduce_or3A_2316 = vector.broadcast %reduce_or3A_2315 : f32 to vector<128xf32>
    %reduce_or3A_2317 = arith.cmpf ogt, %reduce_or3A_2314, %reduce_or3A_2316 : vector<128xf32>
    %broadcast_in_dim3A_2318 = vector.shape_cast %reduce_or3A_2317 : vector<128xi1> to vector<128x1xi1>
    %eq3A_2319 = arith.constant 97 : i32
    %eq3A_2320 = vector.broadcast %eq3A_2319 : i32 to vector<128x128xi32>
    %eq3A_2321 = arith.cmpi eq, %iota3A, %eq3A_2320 : vector<128x128xi32>
    %and3A_2322 = vector.broadcast %broadcast_in_dim3A_2318 : vector<128x1xi1> to vector<128x128xi1>
    %and3A_2323 = arith.andi %and3A_2322, %eq3A_2321 : vector<128x128xi1>
    %or3A_2324 = arith.ori %or3A_2300, %and3A_2323 : vector<128x128xi1>
    %slice3A_2325 = vector.extract_strided_slice %get3A_1 {offsets = [0, 98], sizes = [128, 1], strides = [1, 1]} : vector<128x128xi32> to vector<128x1xi32>
    %eq3A_2326 = vector.broadcast %slice3A_2325 : vector<128x1xi32> to vector<128x128xi32>
    %eq3A_2327 = arith.cmpi eq, %get3A_1, %eq3A_2326 : vector<128x128xi32>
    %lt3A_2328 = arith.constant 98 : i32
    %lt3A_2329 = vector.broadcast %lt3A_2328 : i32 to vector<128x128xi32>
    %lt3A_2330 = arith.cmpi slt, %iota3A, %lt3A_2329 : vector<128x128xi32>
    %and3A_2331 = arith.andi %eq3A_2327, %lt3A_2330 : vector<128x128xi1>
    %reduce_or3A_2332 = arith.constant 1.000000e+00 : f32
    %reduce_or3A_2333 = arith.constant 0.000000e+00 : f32
    %reduce_or3A_2334 = vector.broadcast %reduce_or3A_2332 : f32 to vector<128x128xf32>
    %reduce_or3A_2335 = vector.broadcast %reduce_or3A_2333 : f32 to vector<128x128xf32>
    %reduce_or3A_2336 = arith.select %and3A_2331, %reduce_or3A_2334, %reduce_or3A_2335 : vector<128x128xi1>, vector<128x128xf32>
    %reduce_or3A_2337 = arith.constant dense<0xFF800000> : vector<128xf32>
    %reduce_or3A_2338 = vector.multi_reduction <maximumf>, %reduce_or3A_2336, %reduce_or3A_2337 [1] : vector<128x128xf32> to vector<128xf32>
    %reduce_or3A_2339 = arith.constant 0.000000e+00 : f32
    %reduce_or3A_2340 = vector.broadcast %reduce_or3A_2339 : f32 to vector<128xf32>
    %reduce_or3A_2341 = arith.cmpf ogt, %reduce_or3A_2338, %reduce_or3A_2340 : vector<128xf32>
    %broadcast_in_dim3A_2342 = vector.shape_cast %reduce_or3A_2341 : vector<128xi1> to vector<128x1xi1>
    %eq3A_2343 = arith.constant 98 : i32
    %eq3A_2344 = vector.broadcast %eq3A_2343 : i32 to vector<128x128xi32>
    %eq3A_2345 = arith.cmpi eq, %iota3A, %eq3A_2344 : vector<128x128xi32>
    %and3A_2346 = vector.broadcast %broadcast_in_dim3A_2342 : vector<128x1xi1> to vector<128x128xi1>
    %and3A_2347 = arith.andi %and3A_2346, %eq3A_2345 : vector<128x128xi1>
    %or3A_2348 = arith.ori %or3A_2324, %and3A_2347 : vector<128x128xi1>
    %slice3A_2349 = vector.extract_strided_slice %get3A_1 {offsets = [0, 99], sizes = [128, 1], strides = [1, 1]} : vector<128x128xi32> to vector<128x1xi32>
    %eq3A_2350 = vector.broadcast %slice3A_2349 : vector<128x1xi32> to vector<128x128xi32>
    %eq3A_2351 = arith.cmpi eq, %get3A_1, %eq3A_2350 : vector<128x128xi32>
    %lt3A_2352 = arith.constant 99 : i32
    %lt3A_2353 = vector.broadcast %lt3A_2352 : i32 to vector<128x128xi32>
    %lt3A_2354 = arith.cmpi slt, %iota3A, %lt3A_2353 : vector<128x128xi32>
    %and3A_2355 = arith.andi %eq3A_2351, %lt3A_2354 : vector<128x128xi1>
    %reduce_or3A_2356 = arith.constant 1.000000e+00 : f32
    %reduce_or3A_2357 = arith.constant 0.000000e+00 : f32
    %reduce_or3A_2358 = vector.broadcast %reduce_or3A_2356 : f32 to vector<128x128xf32>
    %reduce_or3A_2359 = vector.broadcast %reduce_or3A_2357 : f32 to vector<128x128xf32>
    %reduce_or3A_2360 = arith.select %and3A_2355, %reduce_or3A_2358, %reduce_or3A_2359 : vector<128x128xi1>, vector<128x128xf32>
    %reduce_or3A_2361 = arith.constant dense<0xFF800000> : vector<128xf32>
    %reduce_or3A_2362 = vector.multi_reduction <maximumf>, %reduce_or3A_2360, %reduce_or3A_2361 [1] : vector<128x128xf32> to vector<128xf32>
    %reduce_or3A_2363 = arith.constant 0.000000e+00 : f32
    %reduce_or3A_2364 = vector.broadcast %reduce_or3A_2363 : f32 to vector<128xf32>
    %reduce_or3A_2365 = arith.cmpf ogt, %reduce_or3A_2362, %reduce_or3A_2364 : vector<128xf32>
    %broadcast_in_dim3A_2366 = vector.shape_cast %reduce_or3A_2365 : vector<128xi1> to vector<128x1xi1>
    %eq3A_2367 = arith.constant 99 : i32
    %eq3A_2368 = vector.broadcast %eq3A_2367 : i32 to vector<128x128xi32>
    %eq3A_2369 = arith.cmpi eq, %iota3A, %eq3A_2368 : vector<128x128xi32>
    %and3A_2370 = vector.broadcast %broadcast_in_dim3A_2366 : vector<128x1xi1> to vector<128x128xi1>
    %and3A_2371 = arith.andi %and3A_2370, %eq3A_2369 : vector<128x128xi1>
    %or3A_2372 = arith.ori %or3A_2348, %and3A_2371 : vector<128x128xi1>
    %slice3A_2373 = vector.extract_strided_slice %get3A_1 {offsets = [0, 100], sizes = [128, 1], strides = [1, 1]} : vector<128x128xi32> to vector<128x1xi32>
    %eq3A_2374 = vector.broadcast %slice3A_2373 : vector<128x1xi32> to vector<128x128xi32>
    %eq3A_2375 = arith.cmpi eq, %get3A_1, %eq3A_2374 : vector<128x128xi32>
    %lt3A_2376 = arith.constant 100 : i32
    %lt3A_2377 = vector.broadcast %lt3A_2376 : i32 to vector<128x128xi32>
    %lt3A_2378 = arith.cmpi slt, %iota3A, %lt3A_2377 : vector<128x128xi32>
    %and3A_2379 = arith.andi %eq3A_2375, %lt3A_2378 : vector<128x128xi1>
    %reduce_or3A_2380 = arith.constant 1.000000e+00 : f32
    %reduce_or3A_2381 = arith.constant 0.000000e+00 : f32
    %reduce_or3A_2382 = vector.broadcast %reduce_or3A_2380 : f32 to vector<128x128xf32>
    %reduce_or3A_2383 = vector.broadcast %reduce_or3A_2381 : f32 to vector<128x128xf32>
    %reduce_or3A_2384 = arith.select %and3A_2379, %reduce_or3A_2382, %reduce_or3A_2383 : vector<128x128xi1>, vector<128x128xf32>
    %reduce_or3A_2385 = arith.constant dense<0xFF800000> : vector<128xf32>
    %reduce_or3A_2386 = vector.multi_reduction <maximumf>, %reduce_or3A_2384, %reduce_or3A_2385 [1] : vector<128x128xf32> to vector<128xf32>
    %reduce_or3A_2387 = arith.constant 0.000000e+00 : f32
    %reduce_or3A_2388 = vector.broadcast %reduce_or3A_2387 : f32 to vector<128xf32>
    %reduce_or3A_2389 = arith.cmpf ogt, %reduce_or3A_2386, %reduce_or3A_2388 : vector<128xf32>
    %broadcast_in_dim3A_2390 = vector.shape_cast %reduce_or3A_2389 : vector<128xi1> to vector<128x1xi1>
    %eq3A_2391 = arith.constant 100 : i32
    %eq3A_2392 = vector.broadcast %eq3A_2391 : i32 to vector<128x128xi32>
    %eq3A_2393 = arith.cmpi eq, %iota3A, %eq3A_2392 : vector<128x128xi32>
    %and3A_2394 = vector.broadcast %broadcast_in_dim3A_2390 : vector<128x1xi1> to vector<128x128xi1>
    %and3A_2395 = arith.andi %and3A_2394, %eq3A_2393 : vector<128x128xi1>
    %or3A_2396 = arith.ori %or3A_2372, %and3A_2395 : vector<128x128xi1>
    %slice3A_2397 = vector.extract_strided_slice %get3A_1 {offsets = [0, 101], sizes = [128, 1], strides = [1, 1]} : vector<128x128xi32> to vector<128x1xi32>
    %eq3A_2398 = vector.broadcast %slice3A_2397 : vector<128x1xi32> to vector<128x128xi32>
    %eq3A_2399 = arith.cmpi eq, %get3A_1, %eq3A_2398 : vector<128x128xi32>
    %lt3A_2400 = arith.constant 101 : i32
    %lt3A_2401 = vector.broadcast %lt3A_2400 : i32 to vector<128x128xi32>
    %lt3A_2402 = arith.cmpi slt, %iota3A, %lt3A_2401 : vector<128x128xi32>
    %and3A_2403 = arith.andi %eq3A_2399, %lt3A_2402 : vector<128x128xi1>
    %reduce_or3A_2404 = arith.constant 1.000000e+00 : f32
    %reduce_or3A_2405 = arith.constant 0.000000e+00 : f32
    %reduce_or3A_2406 = vector.broadcast %reduce_or3A_2404 : f32 to vector<128x128xf32>
    %reduce_or3A_2407 = vector.broadcast %reduce_or3A_2405 : f32 to vector<128x128xf32>
    %reduce_or3A_2408 = arith.select %and3A_2403, %reduce_or3A_2406, %reduce_or3A_2407 : vector<128x128xi1>, vector<128x128xf32>
    %reduce_or3A_2409 = arith.constant dense<0xFF800000> : vector<128xf32>
    %reduce_or3A_2410 = vector.multi_reduction <maximumf>, %reduce_or3A_2408, %reduce_or3A_2409 [1] : vector<128x128xf32> to vector<128xf32>
    %reduce_or3A_2411 = arith.constant 0.000000e+00 : f32
    %reduce_or3A_2412 = vector.broadcast %reduce_or3A_2411 : f32 to vector<128xf32>
    %reduce_or3A_2413 = arith.cmpf ogt, %reduce_or3A_2410, %reduce_or3A_2412 : vector<128xf32>
    %broadcast_in_dim3A_2414 = vector.shape_cast %reduce_or3A_2413 : vector<128xi1> to vector<128x1xi1>
    %eq3A_2415 = arith.constant 101 : i32
    %eq3A_2416 = vector.broadcast %eq3A_2415 : i32 to vector<128x128xi32>
    %eq3A_2417 = arith.cmpi eq, %iota3A, %eq3A_2416 : vector<128x128xi32>
    %and3A_2418 = vector.broadcast %broadcast_in_dim3A_2414 : vector<128x1xi1> to vector<128x128xi1>
    %and3A_2419 = arith.andi %and3A_2418, %eq3A_2417 : vector<128x128xi1>
    %or3A_2420 = arith.ori %or3A_2396, %and3A_2419 : vector<128x128xi1>
    %slice3A_2421 = vector.extract_strided_slice %get3A_1 {offsets = [0, 102], sizes = [128, 1], strides = [1, 1]} : vector<128x128xi32> to vector<128x1xi32>
    %eq3A_2422 = vector.broadcast %slice3A_2421 : vector<128x1xi32> to vector<128x128xi32>
    %eq3A_2423 = arith.cmpi eq, %get3A_1, %eq3A_2422 : vector<128x128xi32>
    %lt3A_2424 = arith.constant 102 : i32
    %lt3A_2425 = vector.broadcast %lt3A_2424 : i32 to vector<128x128xi32>
    %lt3A_2426 = arith.cmpi slt, %iota3A, %lt3A_2425 : vector<128x128xi32>
    %and3A_2427 = arith.andi %eq3A_2423, %lt3A_2426 : vector<128x128xi1>
    %reduce_or3A_2428 = arith.constant 1.000000e+00 : f32
    %reduce_or3A_2429 = arith.constant 0.000000e+00 : f32
    %reduce_or3A_2430 = vector.broadcast %reduce_or3A_2428 : f32 to vector<128x128xf32>
    %reduce_or3A_2431 = vector.broadcast %reduce_or3A_2429 : f32 to vector<128x128xf32>
    %reduce_or3A_2432 = arith.select %and3A_2427, %reduce_or3A_2430, %reduce_or3A_2431 : vector<128x128xi1>, vector<128x128xf32>
    %reduce_or3A_2433 = arith.constant dense<0xFF800000> : vector<128xf32>
    %reduce_or3A_2434 = vector.multi_reduction <maximumf>, %reduce_or3A_2432, %reduce_or3A_2433 [1] : vector<128x128xf32> to vector<128xf32>
    %reduce_or3A_2435 = arith.constant 0.000000e+00 : f32
    %reduce_or3A_2436 = vector.broadcast %reduce_or3A_2435 : f32 to vector<128xf32>
    %reduce_or3A_2437 = arith.cmpf ogt, %reduce_or3A_2434, %reduce_or3A_2436 : vector<128xf32>
    %broadcast_in_dim3A_2438 = vector.shape_cast %reduce_or3A_2437 : vector<128xi1> to vector<128x1xi1>
    %eq3A_2439 = arith.constant 102 : i32
    %eq3A_2440 = vector.broadcast %eq3A_2439 : i32 to vector<128x128xi32>
    %eq3A_2441 = arith.cmpi eq, %iota3A, %eq3A_2440 : vector<128x128xi32>
    %and3A_2442 = vector.broadcast %broadcast_in_dim3A_2438 : vector<128x1xi1> to vector<128x128xi1>
    %and3A_2443 = arith.andi %and3A_2442, %eq3A_2441 : vector<128x128xi1>
    %or3A_2444 = arith.ori %or3A_2420, %and3A_2443 : vector<128x128xi1>
    %slice3A_2445 = vector.extract_strided_slice %get3A_1 {offsets = [0, 103], sizes = [128, 1], strides = [1, 1]} : vector<128x128xi32> to vector<128x1xi32>
    %eq3A_2446 = vector.broadcast %slice3A_2445 : vector<128x1xi32> to vector<128x128xi32>
    %eq3A_2447 = arith.cmpi eq, %get3A_1, %eq3A_2446 : vector<128x128xi32>
    %lt3A_2448 = arith.constant 103 : i32
    %lt3A_2449 = vector.broadcast %lt3A_2448 : i32 to vector<128x128xi32>
    %lt3A_2450 = arith.cmpi slt, %iota3A, %lt3A_2449 : vector<128x128xi32>
    %and3A_2451 = arith.andi %eq3A_2447, %lt3A_2450 : vector<128x128xi1>
    %reduce_or3A_2452 = arith.constant 1.000000e+00 : f32
    %reduce_or3A_2453 = arith.constant 0.000000e+00 : f32
    %reduce_or3A_2454 = vector.broadcast %reduce_or3A_2452 : f32 to vector<128x128xf32>
    %reduce_or3A_2455 = vector.broadcast %reduce_or3A_2453 : f32 to vector<128x128xf32>
    %reduce_or3A_2456 = arith.select %and3A_2451, %reduce_or3A_2454, %reduce_or3A_2455 : vector<128x128xi1>, vector<128x128xf32>
    %reduce_or3A_2457 = arith.constant dense<0xFF800000> : vector<128xf32>
    %reduce_or3A_2458 = vector.multi_reduction <maximumf>, %reduce_or3A_2456, %reduce_or3A_2457 [1] : vector<128x128xf32> to vector<128xf32>
    %reduce_or3A_2459 = arith.constant 0.000000e+00 : f32
    %reduce_or3A_2460 = vector.broadcast %reduce_or3A_2459 : f32 to vector<128xf32>
    %reduce_or3A_2461 = arith.cmpf ogt, %reduce_or3A_2458, %reduce_or3A_2460 : vector<128xf32>
    %broadcast_in_dim3A_2462 = vector.shape_cast %reduce_or3A_2461 : vector<128xi1> to vector<128x1xi1>
    %eq3A_2463 = arith.constant 103 : i32
    %eq3A_2464 = vector.broadcast %eq3A_2463 : i32 to vector<128x128xi32>
    %eq3A_2465 = arith.cmpi eq, %iota3A, %eq3A_2464 : vector<128x128xi32>
    %and3A_2466 = vector.broadcast %broadcast_in_dim3A_2462 : vector<128x1xi1> to vector<128x128xi1>
    %and3A_2467 = arith.andi %and3A_2466, %eq3A_2465 : vector<128x128xi1>
    %or3A_2468 = arith.ori %or3A_2444, %and3A_2467 : vector<128x128xi1>
    %slice3A_2469 = vector.extract_strided_slice %get3A_1 {offsets = [0, 104], sizes = [128, 1], strides = [1, 1]} : vector<128x128xi32> to vector<128x1xi32>
    %eq3A_2470 = vector.broadcast %slice3A_2469 : vector<128x1xi32> to vector<128x128xi32>
    %eq3A_2471 = arith.cmpi eq, %get3A_1, %eq3A_2470 : vector<128x128xi32>
    %lt3A_2472 = arith.constant 104 : i32
    %lt3A_2473 = vector.broadcast %lt3A_2472 : i32 to vector<128x128xi32>
    %lt3A_2474 = arith.cmpi slt, %iota3A, %lt3A_2473 : vector<128x128xi32>
    %and3A_2475 = arith.andi %eq3A_2471, %lt3A_2474 : vector<128x128xi1>
    %reduce_or3A_2476 = arith.constant 1.000000e+00 : f32
    %reduce_or3A_2477 = arith.constant 0.000000e+00 : f32
    %reduce_or3A_2478 = vector.broadcast %reduce_or3A_2476 : f32 to vector<128x128xf32>
    %reduce_or3A_2479 = vector.broadcast %reduce_or3A_2477 : f32 to vector<128x128xf32>
    %reduce_or3A_2480 = arith.select %and3A_2475, %reduce_or3A_2478, %reduce_or3A_2479 : vector<128x128xi1>, vector<128x128xf32>
    %reduce_or3A_2481 = arith.constant dense<0xFF800000> : vector<128xf32>
    %reduce_or3A_2482 = vector.multi_reduction <maximumf>, %reduce_or3A_2480, %reduce_or3A_2481 [1] : vector<128x128xf32> to vector<128xf32>
    %reduce_or3A_2483 = arith.constant 0.000000e+00 : f32
    %reduce_or3A_2484 = vector.broadcast %reduce_or3A_2483 : f32 to vector<128xf32>
    %reduce_or3A_2485 = arith.cmpf ogt, %reduce_or3A_2482, %reduce_or3A_2484 : vector<128xf32>
    %broadcast_in_dim3A_2486 = vector.shape_cast %reduce_or3A_2485 : vector<128xi1> to vector<128x1xi1>
    %eq3A_2487 = arith.constant 104 : i32
    %eq3A_2488 = vector.broadcast %eq3A_2487 : i32 to vector<128x128xi32>
    %eq3A_2489 = arith.cmpi eq, %iota3A, %eq3A_2488 : vector<128x128xi32>
    %and3A_2490 = vector.broadcast %broadcast_in_dim3A_2486 : vector<128x1xi1> to vector<128x128xi1>
    %and3A_2491 = arith.andi %and3A_2490, %eq3A_2489 : vector<128x128xi1>
    %or3A_2492 = arith.ori %or3A_2468, %and3A_2491 : vector<128x128xi1>
    %slice3A_2493 = vector.extract_strided_slice %get3A_1 {offsets = [0, 105], sizes = [128, 1], strides = [1, 1]} : vector<128x128xi32> to vector<128x1xi32>
    %eq3A_2494 = vector.broadcast %slice3A_2493 : vector<128x1xi32> to vector<128x128xi32>
    %eq3A_2495 = arith.cmpi eq, %get3A_1, %eq3A_2494 : vector<128x128xi32>
    %lt3A_2496 = arith.constant 105 : i32
    %lt3A_2497 = vector.broadcast %lt3A_2496 : i32 to vector<128x128xi32>
    %lt3A_2498 = arith.cmpi slt, %iota3A, %lt3A_2497 : vector<128x128xi32>
    %and3A_2499 = arith.andi %eq3A_2495, %lt3A_2498 : vector<128x128xi1>
    %reduce_or3A_2500 = arith.constant 1.000000e+00 : f32
    %reduce_or3A_2501 = arith.constant 0.000000e+00 : f32
    %reduce_or3A_2502 = vector.broadcast %reduce_or3A_2500 : f32 to vector<128x128xf32>
    %reduce_or3A_2503 = vector.broadcast %reduce_or3A_2501 : f32 to vector<128x128xf32>
    %reduce_or3A_2504 = arith.select %and3A_2499, %reduce_or3A_2502, %reduce_or3A_2503 : vector<128x128xi1>, vector<128x128xf32>
    %reduce_or3A_2505 = arith.constant dense<0xFF800000> : vector<128xf32>
    %reduce_or3A_2506 = vector.multi_reduction <maximumf>, %reduce_or3A_2504, %reduce_or3A_2505 [1] : vector<128x128xf32> to vector<128xf32>
    %reduce_or3A_2507 = arith.constant 0.000000e+00 : f32
    %reduce_or3A_2508 = vector.broadcast %reduce_or3A_2507 : f32 to vector<128xf32>
    %reduce_or3A_2509 = arith.cmpf ogt, %reduce_or3A_2506, %reduce_or3A_2508 : vector<128xf32>
    %broadcast_in_dim3A_2510 = vector.shape_cast %reduce_or3A_2509 : vector<128xi1> to vector<128x1xi1>
    %eq3A_2511 = arith.constant 105 : i32
    %eq3A_2512 = vector.broadcast %eq3A_2511 : i32 to vector<128x128xi32>
    %eq3A_2513 = arith.cmpi eq, %iota3A, %eq3A_2512 : vector<128x128xi32>
    %and3A_2514 = vector.broadcast %broadcast_in_dim3A_2510 : vector<128x1xi1> to vector<128x128xi1>
    %and3A_2515 = arith.andi %and3A_2514, %eq3A_2513 : vector<128x128xi1>
    %or3A_2516 = arith.ori %or3A_2492, %and3A_2515 : vector<128x128xi1>
    %slice3A_2517 = vector.extract_strided_slice %get3A_1 {offsets = [0, 106], sizes = [128, 1], strides = [1, 1]} : vector<128x128xi32> to vector<128x1xi32>
    %eq3A_2518 = vector.broadcast %slice3A_2517 : vector<128x1xi32> to vector<128x128xi32>
    %eq3A_2519 = arith.cmpi eq, %get3A_1, %eq3A_2518 : vector<128x128xi32>
    %lt3A_2520 = arith.constant 106 : i32
    %lt3A_2521 = vector.broadcast %lt3A_2520 : i32 to vector<128x128xi32>
    %lt3A_2522 = arith.cmpi slt, %iota3A, %lt3A_2521 : vector<128x128xi32>
    %and3A_2523 = arith.andi %eq3A_2519, %lt3A_2522 : vector<128x128xi1>
    %reduce_or3A_2524 = arith.constant 1.000000e+00 : f32
    %reduce_or3A_2525 = arith.constant 0.000000e+00 : f32
    %reduce_or3A_2526 = vector.broadcast %reduce_or3A_2524 : f32 to vector<128x128xf32>
    %reduce_or3A_2527 = vector.broadcast %reduce_or3A_2525 : f32 to vector<128x128xf32>
    %reduce_or3A_2528 = arith.select %and3A_2523, %reduce_or3A_2526, %reduce_or3A_2527 : vector<128x128xi1>, vector<128x128xf32>
    %reduce_or3A_2529 = arith.constant dense<0xFF800000> : vector<128xf32>
    %reduce_or3A_2530 = vector.multi_reduction <maximumf>, %reduce_or3A_2528, %reduce_or3A_2529 [1] : vector<128x128xf32> to vector<128xf32>
    %reduce_or3A_2531 = arith.constant 0.000000e+00 : f32
    %reduce_or3A_2532 = vector.broadcast %reduce_or3A_2531 : f32 to vector<128xf32>
    %reduce_or3A_2533 = arith.cmpf ogt, %reduce_or3A_2530, %reduce_or3A_2532 : vector<128xf32>
    %broadcast_in_dim3A_2534 = vector.shape_cast %reduce_or3A_2533 : vector<128xi1> to vector<128x1xi1>
    %eq3A_2535 = arith.constant 106 : i32
    %eq3A_2536 = vector.broadcast %eq3A_2535 : i32 to vector<128x128xi32>
    %eq3A_2537 = arith.cmpi eq, %iota3A, %eq3A_2536 : vector<128x128xi32>
    %and3A_2538 = vector.broadcast %broadcast_in_dim3A_2534 : vector<128x1xi1> to vector<128x128xi1>
    %and3A_2539 = arith.andi %and3A_2538, %eq3A_2537 : vector<128x128xi1>
    %or3A_2540 = arith.ori %or3A_2516, %and3A_2539 : vector<128x128xi1>
    %slice3A_2541 = vector.extract_strided_slice %get3A_1 {offsets = [0, 107], sizes = [128, 1], strides = [1, 1]} : vector<128x128xi32> to vector<128x1xi32>
    %eq3A_2542 = vector.broadcast %slice3A_2541 : vector<128x1xi32> to vector<128x128xi32>
    %eq3A_2543 = arith.cmpi eq, %get3A_1, %eq3A_2542 : vector<128x128xi32>
    %lt3A_2544 = arith.constant 107 : i32
    %lt3A_2545 = vector.broadcast %lt3A_2544 : i32 to vector<128x128xi32>
    %lt3A_2546 = arith.cmpi slt, %iota3A, %lt3A_2545 : vector<128x128xi32>
    %and3A_2547 = arith.andi %eq3A_2543, %lt3A_2546 : vector<128x128xi1>
    %reduce_or3A_2548 = arith.constant 1.000000e+00 : f32
    %reduce_or3A_2549 = arith.constant 0.000000e+00 : f32
    %reduce_or3A_2550 = vector.broadcast %reduce_or3A_2548 : f32 to vector<128x128xf32>
    %reduce_or3A_2551 = vector.broadcast %reduce_or3A_2549 : f32 to vector<128x128xf32>
    %reduce_or3A_2552 = arith.select %and3A_2547, %reduce_or3A_2550, %reduce_or3A_2551 : vector<128x128xi1>, vector<128x128xf32>
    %reduce_or3A_2553 = arith.constant dense<0xFF800000> : vector<128xf32>
    %reduce_or3A_2554 = vector.multi_reduction <maximumf>, %reduce_or3A_2552, %reduce_or3A_2553 [1] : vector<128x128xf32> to vector<128xf32>
    %reduce_or3A_2555 = arith.constant 0.000000e+00 : f32
    %reduce_or3A_2556 = vector.broadcast %reduce_or3A_2555 : f32 to vector<128xf32>
    %reduce_or3A_2557 = arith.cmpf ogt, %reduce_or3A_2554, %reduce_or3A_2556 : vector<128xf32>
    %broadcast_in_dim3A_2558 = vector.shape_cast %reduce_or3A_2557 : vector<128xi1> to vector<128x1xi1>
    %eq3A_2559 = arith.constant 107 : i32
    %eq3A_2560 = vector.broadcast %eq3A_2559 : i32 to vector<128x128xi32>
    %eq3A_2561 = arith.cmpi eq, %iota3A, %eq3A_2560 : vector<128x128xi32>
    %and3A_2562 = vector.broadcast %broadcast_in_dim3A_2558 : vector<128x1xi1> to vector<128x128xi1>
    %and3A_2563 = arith.andi %and3A_2562, %eq3A_2561 : vector<128x128xi1>
    %or3A_2564 = arith.ori %or3A_2540, %and3A_2563 : vector<128x128xi1>
    %slice3A_2565 = vector.extract_strided_slice %get3A_1 {offsets = [0, 108], sizes = [128, 1], strides = [1, 1]} : vector<128x128xi32> to vector<128x1xi32>
    %eq3A_2566 = vector.broadcast %slice3A_2565 : vector<128x1xi32> to vector<128x128xi32>
    %eq3A_2567 = arith.cmpi eq, %get3A_1, %eq3A_2566 : vector<128x128xi32>
    %lt3A_2568 = arith.constant 108 : i32
    %lt3A_2569 = vector.broadcast %lt3A_2568 : i32 to vector<128x128xi32>
    %lt3A_2570 = arith.cmpi slt, %iota3A, %lt3A_2569 : vector<128x128xi32>
    %and3A_2571 = arith.andi %eq3A_2567, %lt3A_2570 : vector<128x128xi1>
    %reduce_or3A_2572 = arith.constant 1.000000e+00 : f32
    %reduce_or3A_2573 = arith.constant 0.000000e+00 : f32
    %reduce_or3A_2574 = vector.broadcast %reduce_or3A_2572 : f32 to vector<128x128xf32>
    %reduce_or3A_2575 = vector.broadcast %reduce_or3A_2573 : f32 to vector<128x128xf32>
    %reduce_or3A_2576 = arith.select %and3A_2571, %reduce_or3A_2574, %reduce_or3A_2575 : vector<128x128xi1>, vector<128x128xf32>
    %reduce_or3A_2577 = arith.constant dense<0xFF800000> : vector<128xf32>
    %reduce_or3A_2578 = vector.multi_reduction <maximumf>, %reduce_or3A_2576, %reduce_or3A_2577 [1] : vector<128x128xf32> to vector<128xf32>
    %reduce_or3A_2579 = arith.constant 0.000000e+00 : f32
    %reduce_or3A_2580 = vector.broadcast %reduce_or3A_2579 : f32 to vector<128xf32>
    %reduce_or3A_2581 = arith.cmpf ogt, %reduce_or3A_2578, %reduce_or3A_2580 : vector<128xf32>
    %broadcast_in_dim3A_2582 = vector.shape_cast %reduce_or3A_2581 : vector<128xi1> to vector<128x1xi1>
    %eq3A_2583 = arith.constant 108 : i32
    %eq3A_2584 = vector.broadcast %eq3A_2583 : i32 to vector<128x128xi32>
    %eq3A_2585 = arith.cmpi eq, %iota3A, %eq3A_2584 : vector<128x128xi32>
    %and3A_2586 = vector.broadcast %broadcast_in_dim3A_2582 : vector<128x1xi1> to vector<128x128xi1>
    %and3A_2587 = arith.andi %and3A_2586, %eq3A_2585 : vector<128x128xi1>
    %or3A_2588 = arith.ori %or3A_2564, %and3A_2587 : vector<128x128xi1>
    %slice3A_2589 = vector.extract_strided_slice %get3A_1 {offsets = [0, 109], sizes = [128, 1], strides = [1, 1]} : vector<128x128xi32> to vector<128x1xi32>
    %eq3A_2590 = vector.broadcast %slice3A_2589 : vector<128x1xi32> to vector<128x128xi32>
    %eq3A_2591 = arith.cmpi eq, %get3A_1, %eq3A_2590 : vector<128x128xi32>
    %lt3A_2592 = arith.constant 109 : i32
    %lt3A_2593 = vector.broadcast %lt3A_2592 : i32 to vector<128x128xi32>
    %lt3A_2594 = arith.cmpi slt, %iota3A, %lt3A_2593 : vector<128x128xi32>
    %and3A_2595 = arith.andi %eq3A_2591, %lt3A_2594 : vector<128x128xi1>
    %reduce_or3A_2596 = arith.constant 1.000000e+00 : f32
    %reduce_or3A_2597 = arith.constant 0.000000e+00 : f32
    %reduce_or3A_2598 = vector.broadcast %reduce_or3A_2596 : f32 to vector<128x128xf32>
    %reduce_or3A_2599 = vector.broadcast %reduce_or3A_2597 : f32 to vector<128x128xf32>
    %reduce_or3A_2600 = arith.select %and3A_2595, %reduce_or3A_2598, %reduce_or3A_2599 : vector<128x128xi1>, vector<128x128xf32>
    %reduce_or3A_2601 = arith.constant dense<0xFF800000> : vector<128xf32>
    %reduce_or3A_2602 = vector.multi_reduction <maximumf>, %reduce_or3A_2600, %reduce_or3A_2601 [1] : vector<128x128xf32> to vector<128xf32>
    %reduce_or3A_2603 = arith.constant 0.000000e+00 : f32
    %reduce_or3A_2604 = vector.broadcast %reduce_or3A_2603 : f32 to vector<128xf32>
    %reduce_or3A_2605 = arith.cmpf ogt, %reduce_or3A_2602, %reduce_or3A_2604 : vector<128xf32>
    %broadcast_in_dim3A_2606 = vector.shape_cast %reduce_or3A_2605 : vector<128xi1> to vector<128x1xi1>
    %eq3A_2607 = arith.constant 109 : i32
    %eq3A_2608 = vector.broadcast %eq3A_2607 : i32 to vector<128x128xi32>
    %eq3A_2609 = arith.cmpi eq, %iota3A, %eq3A_2608 : vector<128x128xi32>
    %and3A_2610 = vector.broadcast %broadcast_in_dim3A_2606 : vector<128x1xi1> to vector<128x128xi1>
    %and3A_2611 = arith.andi %and3A_2610, %eq3A_2609 : vector<128x128xi1>
    %or3A_2612 = arith.ori %or3A_2588, %and3A_2611 : vector<128x128xi1>
    %slice3A_2613 = vector.extract_strided_slice %get3A_1 {offsets = [0, 110], sizes = [128, 1], strides = [1, 1]} : vector<128x128xi32> to vector<128x1xi32>
    %eq3A_2614 = vector.broadcast %slice3A_2613 : vector<128x1xi32> to vector<128x128xi32>
    %eq3A_2615 = arith.cmpi eq, %get3A_1, %eq3A_2614 : vector<128x128xi32>
    %lt3A_2616 = arith.constant 110 : i32
    %lt3A_2617 = vector.broadcast %lt3A_2616 : i32 to vector<128x128xi32>
    %lt3A_2618 = arith.cmpi slt, %iota3A, %lt3A_2617 : vector<128x128xi32>
    %and3A_2619 = arith.andi %eq3A_2615, %lt3A_2618 : vector<128x128xi1>
    %reduce_or3A_2620 = arith.constant 1.000000e+00 : f32
    %reduce_or3A_2621 = arith.constant 0.000000e+00 : f32
    %reduce_or3A_2622 = vector.broadcast %reduce_or3A_2620 : f32 to vector<128x128xf32>
    %reduce_or3A_2623 = vector.broadcast %reduce_or3A_2621 : f32 to vector<128x128xf32>
    %reduce_or3A_2624 = arith.select %and3A_2619, %reduce_or3A_2622, %reduce_or3A_2623 : vector<128x128xi1>, vector<128x128xf32>
    %reduce_or3A_2625 = arith.constant dense<0xFF800000> : vector<128xf32>
    %reduce_or3A_2626 = vector.multi_reduction <maximumf>, %reduce_or3A_2624, %reduce_or3A_2625 [1] : vector<128x128xf32> to vector<128xf32>
    %reduce_or3A_2627 = arith.constant 0.000000e+00 : f32
    %reduce_or3A_2628 = vector.broadcast %reduce_or3A_2627 : f32 to vector<128xf32>
    %reduce_or3A_2629 = arith.cmpf ogt, %reduce_or3A_2626, %reduce_or3A_2628 : vector<128xf32>
    %broadcast_in_dim3A_2630 = vector.shape_cast %reduce_or3A_2629 : vector<128xi1> to vector<128x1xi1>
    %eq3A_2631 = arith.constant 110 : i32
    %eq3A_2632 = vector.broadcast %eq3A_2631 : i32 to vector<128x128xi32>
    %eq3A_2633 = arith.cmpi eq, %iota3A, %eq3A_2632 : vector<128x128xi32>
    %and3A_2634 = vector.broadcast %broadcast_in_dim3A_2630 : vector<128x1xi1> to vector<128x128xi1>
    %and3A_2635 = arith.andi %and3A_2634, %eq3A_2633 : vector<128x128xi1>
    %or3A_2636 = arith.ori %or3A_2612, %and3A_2635 : vector<128x128xi1>
    %slice3A_2637 = vector.extract_strided_slice %get3A_1 {offsets = [0, 111], sizes = [128, 1], strides = [1, 1]} : vector<128x128xi32> to vector<128x1xi32>
    %eq3A_2638 = vector.broadcast %slice3A_2637 : vector<128x1xi32> to vector<128x128xi32>
    %eq3A_2639 = arith.cmpi eq, %get3A_1, %eq3A_2638 : vector<128x128xi32>
    %lt3A_2640 = arith.constant 111 : i32
    %lt3A_2641 = vector.broadcast %lt3A_2640 : i32 to vector<128x128xi32>
    %lt3A_2642 = arith.cmpi slt, %iota3A, %lt3A_2641 : vector<128x128xi32>
    %and3A_2643 = arith.andi %eq3A_2639, %lt3A_2642 : vector<128x128xi1>
    %reduce_or3A_2644 = arith.constant 1.000000e+00 : f32
    %reduce_or3A_2645 = arith.constant 0.000000e+00 : f32
    %reduce_or3A_2646 = vector.broadcast %reduce_or3A_2644 : f32 to vector<128x128xf32>
    %reduce_or3A_2647 = vector.broadcast %reduce_or3A_2645 : f32 to vector<128x128xf32>
    %reduce_or3A_2648 = arith.select %and3A_2643, %reduce_or3A_2646, %reduce_or3A_2647 : vector<128x128xi1>, vector<128x128xf32>
    %reduce_or3A_2649 = arith.constant dense<0xFF800000> : vector<128xf32>
    %reduce_or3A_2650 = vector.multi_reduction <maximumf>, %reduce_or3A_2648, %reduce_or3A_2649 [1] : vector<128x128xf32> to vector<128xf32>
    %reduce_or3A_2651 = arith.constant 0.000000e+00 : f32
    %reduce_or3A_2652 = vector.broadcast %reduce_or3A_2651 : f32 to vector<128xf32>
    %reduce_or3A_2653 = arith.cmpf ogt, %reduce_or3A_2650, %reduce_or3A_2652 : vector<128xf32>
    %broadcast_in_dim3A_2654 = vector.shape_cast %reduce_or3A_2653 : vector<128xi1> to vector<128x1xi1>
    %eq3A_2655 = arith.constant 111 : i32
    %eq3A_2656 = vector.broadcast %eq3A_2655 : i32 to vector<128x128xi32>
    %eq3A_2657 = arith.cmpi eq, %iota3A, %eq3A_2656 : vector<128x128xi32>
    %and3A_2658 = vector.broadcast %broadcast_in_dim3A_2654 : vector<128x1xi1> to vector<128x128xi1>
    %and3A_2659 = arith.andi %and3A_2658, %eq3A_2657 : vector<128x128xi1>
    %or3A_2660 = arith.ori %or3A_2636, %and3A_2659 : vector<128x128xi1>
    %slice3A_2661 = vector.extract_strided_slice %get3A_1 {offsets = [0, 112], sizes = [128, 1], strides = [1, 1]} : vector<128x128xi32> to vector<128x1xi32>
    %eq3A_2662 = vector.broadcast %slice3A_2661 : vector<128x1xi32> to vector<128x128xi32>
    %eq3A_2663 = arith.cmpi eq, %get3A_1, %eq3A_2662 : vector<128x128xi32>
    %lt3A_2664 = arith.constant 112 : i32
    %lt3A_2665 = vector.broadcast %lt3A_2664 : i32 to vector<128x128xi32>
    %lt3A_2666 = arith.cmpi slt, %iota3A, %lt3A_2665 : vector<128x128xi32>
    %and3A_2667 = arith.andi %eq3A_2663, %lt3A_2666 : vector<128x128xi1>
    %reduce_or3A_2668 = arith.constant 1.000000e+00 : f32
    %reduce_or3A_2669 = arith.constant 0.000000e+00 : f32
    %reduce_or3A_2670 = vector.broadcast %reduce_or3A_2668 : f32 to vector<128x128xf32>
    %reduce_or3A_2671 = vector.broadcast %reduce_or3A_2669 : f32 to vector<128x128xf32>
    %reduce_or3A_2672 = arith.select %and3A_2667, %reduce_or3A_2670, %reduce_or3A_2671 : vector<128x128xi1>, vector<128x128xf32>
    %reduce_or3A_2673 = arith.constant dense<0xFF800000> : vector<128xf32>
    %reduce_or3A_2674 = vector.multi_reduction <maximumf>, %reduce_or3A_2672, %reduce_or3A_2673 [1] : vector<128x128xf32> to vector<128xf32>
    %reduce_or3A_2675 = arith.constant 0.000000e+00 : f32
    %reduce_or3A_2676 = vector.broadcast %reduce_or3A_2675 : f32 to vector<128xf32>
    %reduce_or3A_2677 = arith.cmpf ogt, %reduce_or3A_2674, %reduce_or3A_2676 : vector<128xf32>
    %broadcast_in_dim3A_2678 = vector.shape_cast %reduce_or3A_2677 : vector<128xi1> to vector<128x1xi1>
    %eq3A_2679 = arith.constant 112 : i32
    %eq3A_2680 = vector.broadcast %eq3A_2679 : i32 to vector<128x128xi32>
    %eq3A_2681 = arith.cmpi eq, %iota3A, %eq3A_2680 : vector<128x128xi32>
    %and3A_2682 = vector.broadcast %broadcast_in_dim3A_2678 : vector<128x1xi1> to vector<128x128xi1>
    %and3A_2683 = arith.andi %and3A_2682, %eq3A_2681 : vector<128x128xi1>
    %or3A_2684 = arith.ori %or3A_2660, %and3A_2683 : vector<128x128xi1>
    %slice3A_2685 = vector.extract_strided_slice %get3A_1 {offsets = [0, 113], sizes = [128, 1], strides = [1, 1]} : vector<128x128xi32> to vector<128x1xi32>
    %eq3A_2686 = vector.broadcast %slice3A_2685 : vector<128x1xi32> to vector<128x128xi32>
    %eq3A_2687 = arith.cmpi eq, %get3A_1, %eq3A_2686 : vector<128x128xi32>
    %lt3A_2688 = arith.constant 113 : i32
    %lt3A_2689 = vector.broadcast %lt3A_2688 : i32 to vector<128x128xi32>
    %lt3A_2690 = arith.cmpi slt, %iota3A, %lt3A_2689 : vector<128x128xi32>
    %and3A_2691 = arith.andi %eq3A_2687, %lt3A_2690 : vector<128x128xi1>
    %reduce_or3A_2692 = arith.constant 1.000000e+00 : f32
    %reduce_or3A_2693 = arith.constant 0.000000e+00 : f32
    %reduce_or3A_2694 = vector.broadcast %reduce_or3A_2692 : f32 to vector<128x128xf32>
    %reduce_or3A_2695 = vector.broadcast %reduce_or3A_2693 : f32 to vector<128x128xf32>
    %reduce_or3A_2696 = arith.select %and3A_2691, %reduce_or3A_2694, %reduce_or3A_2695 : vector<128x128xi1>, vector<128x128xf32>
    %reduce_or3A_2697 = arith.constant dense<0xFF800000> : vector<128xf32>
    %reduce_or3A_2698 = vector.multi_reduction <maximumf>, %reduce_or3A_2696, %reduce_or3A_2697 [1] : vector<128x128xf32> to vector<128xf32>
    %reduce_or3A_2699 = arith.constant 0.000000e+00 : f32
    %reduce_or3A_2700 = vector.broadcast %reduce_or3A_2699 : f32 to vector<128xf32>
    %reduce_or3A_2701 = arith.cmpf ogt, %reduce_or3A_2698, %reduce_or3A_2700 : vector<128xf32>
    %broadcast_in_dim3A_2702 = vector.shape_cast %reduce_or3A_2701 : vector<128xi1> to vector<128x1xi1>
    %eq3A_2703 = arith.constant 113 : i32
    %eq3A_2704 = vector.broadcast %eq3A_2703 : i32 to vector<128x128xi32>
    %eq3A_2705 = arith.cmpi eq, %iota3A, %eq3A_2704 : vector<128x128xi32>
    %and3A_2706 = vector.broadcast %broadcast_in_dim3A_2702 : vector<128x1xi1> to vector<128x128xi1>
    %and3A_2707 = arith.andi %and3A_2706, %eq3A_2705 : vector<128x128xi1>
    %or3A_2708 = arith.ori %or3A_2684, %and3A_2707 : vector<128x128xi1>
    %slice3A_2709 = vector.extract_strided_slice %get3A_1 {offsets = [0, 114], sizes = [128, 1], strides = [1, 1]} : vector<128x128xi32> to vector<128x1xi32>
    %eq3A_2710 = vector.broadcast %slice3A_2709 : vector<128x1xi32> to vector<128x128xi32>
    %eq3A_2711 = arith.cmpi eq, %get3A_1, %eq3A_2710 : vector<128x128xi32>
    %lt3A_2712 = arith.constant 114 : i32
    %lt3A_2713 = vector.broadcast %lt3A_2712 : i32 to vector<128x128xi32>
    %lt3A_2714 = arith.cmpi slt, %iota3A, %lt3A_2713 : vector<128x128xi32>
    %and3A_2715 = arith.andi %eq3A_2711, %lt3A_2714 : vector<128x128xi1>
    %reduce_or3A_2716 = arith.constant 1.000000e+00 : f32
    %reduce_or3A_2717 = arith.constant 0.000000e+00 : f32
    %reduce_or3A_2718 = vector.broadcast %reduce_or3A_2716 : f32 to vector<128x128xf32>
    %reduce_or3A_2719 = vector.broadcast %reduce_or3A_2717 : f32 to vector<128x128xf32>
    %reduce_or3A_2720 = arith.select %and3A_2715, %reduce_or3A_2718, %reduce_or3A_2719 : vector<128x128xi1>, vector<128x128xf32>
    %reduce_or3A_2721 = arith.constant dense<0xFF800000> : vector<128xf32>
    %reduce_or3A_2722 = vector.multi_reduction <maximumf>, %reduce_or3A_2720, %reduce_or3A_2721 [1] : vector<128x128xf32> to vector<128xf32>
    %reduce_or3A_2723 = arith.constant 0.000000e+00 : f32
    %reduce_or3A_2724 = vector.broadcast %reduce_or3A_2723 : f32 to vector<128xf32>
    %reduce_or3A_2725 = arith.cmpf ogt, %reduce_or3A_2722, %reduce_or3A_2724 : vector<128xf32>
    %broadcast_in_dim3A_2726 = vector.shape_cast %reduce_or3A_2725 : vector<128xi1> to vector<128x1xi1>
    %eq3A_2727 = arith.constant 114 : i32
    %eq3A_2728 = vector.broadcast %eq3A_2727 : i32 to vector<128x128xi32>
    %eq3A_2729 = arith.cmpi eq, %iota3A, %eq3A_2728 : vector<128x128xi32>
    %and3A_2730 = vector.broadcast %broadcast_in_dim3A_2726 : vector<128x1xi1> to vector<128x128xi1>
    %and3A_2731 = arith.andi %and3A_2730, %eq3A_2729 : vector<128x128xi1>
    %or3A_2732 = arith.ori %or3A_2708, %and3A_2731 : vector<128x128xi1>
    %slice3A_2733 = vector.extract_strided_slice %get3A_1 {offsets = [0, 115], sizes = [128, 1], strides = [1, 1]} : vector<128x128xi32> to vector<128x1xi32>
    %eq3A_2734 = vector.broadcast %slice3A_2733 : vector<128x1xi32> to vector<128x128xi32>
    %eq3A_2735 = arith.cmpi eq, %get3A_1, %eq3A_2734 : vector<128x128xi32>
    %lt3A_2736 = arith.constant 115 : i32
    %lt3A_2737 = vector.broadcast %lt3A_2736 : i32 to vector<128x128xi32>
    %lt3A_2738 = arith.cmpi slt, %iota3A, %lt3A_2737 : vector<128x128xi32>
    %and3A_2739 = arith.andi %eq3A_2735, %lt3A_2738 : vector<128x128xi1>
    %reduce_or3A_2740 = arith.constant 1.000000e+00 : f32
    %reduce_or3A_2741 = arith.constant 0.000000e+00 : f32
    %reduce_or3A_2742 = vector.broadcast %reduce_or3A_2740 : f32 to vector<128x128xf32>
    %reduce_or3A_2743 = vector.broadcast %reduce_or3A_2741 : f32 to vector<128x128xf32>
    %reduce_or3A_2744 = arith.select %and3A_2739, %reduce_or3A_2742, %reduce_or3A_2743 : vector<128x128xi1>, vector<128x128xf32>
    %reduce_or3A_2745 = arith.constant dense<0xFF800000> : vector<128xf32>
    %reduce_or3A_2746 = vector.multi_reduction <maximumf>, %reduce_or3A_2744, %reduce_or3A_2745 [1] : vector<128x128xf32> to vector<128xf32>
    %reduce_or3A_2747 = arith.constant 0.000000e+00 : f32
    %reduce_or3A_2748 = vector.broadcast %reduce_or3A_2747 : f32 to vector<128xf32>
    %reduce_or3A_2749 = arith.cmpf ogt, %reduce_or3A_2746, %reduce_or3A_2748 : vector<128xf32>
    %broadcast_in_dim3A_2750 = vector.shape_cast %reduce_or3A_2749 : vector<128xi1> to vector<128x1xi1>
    %eq3A_2751 = arith.constant 115 : i32
    %eq3A_2752 = vector.broadcast %eq3A_2751 : i32 to vector<128x128xi32>
    %eq3A_2753 = arith.cmpi eq, %iota3A, %eq3A_2752 : vector<128x128xi32>
    %and3A_2754 = vector.broadcast %broadcast_in_dim3A_2750 : vector<128x1xi1> to vector<128x128xi1>
    %and3A_2755 = arith.andi %and3A_2754, %eq3A_2753 : vector<128x128xi1>
    %or3A_2756 = arith.ori %or3A_2732, %and3A_2755 : vector<128x128xi1>
    %slice3A_2757 = vector.extract_strided_slice %get3A_1 {offsets = [0, 116], sizes = [128, 1], strides = [1, 1]} : vector<128x128xi32> to vector<128x1xi32>
    %eq3A_2758 = vector.broadcast %slice3A_2757 : vector<128x1xi32> to vector<128x128xi32>
    %eq3A_2759 = arith.cmpi eq, %get3A_1, %eq3A_2758 : vector<128x128xi32>
    %lt3A_2760 = arith.constant 116 : i32
    %lt3A_2761 = vector.broadcast %lt3A_2760 : i32 to vector<128x128xi32>
    %lt3A_2762 = arith.cmpi slt, %iota3A, %lt3A_2761 : vector<128x128xi32>
    %and3A_2763 = arith.andi %eq3A_2759, %lt3A_2762 : vector<128x128xi1>
    %reduce_or3A_2764 = arith.constant 1.000000e+00 : f32
    %reduce_or3A_2765 = arith.constant 0.000000e+00 : f32
    %reduce_or3A_2766 = vector.broadcast %reduce_or3A_2764 : f32 to vector<128x128xf32>
    %reduce_or3A_2767 = vector.broadcast %reduce_or3A_2765 : f32 to vector<128x128xf32>
    %reduce_or3A_2768 = arith.select %and3A_2763, %reduce_or3A_2766, %reduce_or3A_2767 : vector<128x128xi1>, vector<128x128xf32>
    %reduce_or3A_2769 = arith.constant dense<0xFF800000> : vector<128xf32>
    %reduce_or3A_2770 = vector.multi_reduction <maximumf>, %reduce_or3A_2768, %reduce_or3A_2769 [1] : vector<128x128xf32> to vector<128xf32>
    %reduce_or3A_2771 = arith.constant 0.000000e+00 : f32
    %reduce_or3A_2772 = vector.broadcast %reduce_or3A_2771 : f32 to vector<128xf32>
    %reduce_or3A_2773 = arith.cmpf ogt, %reduce_or3A_2770, %reduce_or3A_2772 : vector<128xf32>
    %broadcast_in_dim3A_2774 = vector.shape_cast %reduce_or3A_2773 : vector<128xi1> to vector<128x1xi1>
    %eq3A_2775 = arith.constant 116 : i32
    %eq3A_2776 = vector.broadcast %eq3A_2775 : i32 to vector<128x128xi32>
    %eq3A_2777 = arith.cmpi eq, %iota3A, %eq3A_2776 : vector<128x128xi32>
    %and3A_2778 = vector.broadcast %broadcast_in_dim3A_2774 : vector<128x1xi1> to vector<128x128xi1>
    %and3A_2779 = arith.andi %and3A_2778, %eq3A_2777 : vector<128x128xi1>
    %or3A_2780 = arith.ori %or3A_2756, %and3A_2779 : vector<128x128xi1>
    %slice3A_2781 = vector.extract_strided_slice %get3A_1 {offsets = [0, 117], sizes = [128, 1], strides = [1, 1]} : vector<128x128xi32> to vector<128x1xi32>
    %eq3A_2782 = vector.broadcast %slice3A_2781 : vector<128x1xi32> to vector<128x128xi32>
    %eq3A_2783 = arith.cmpi eq, %get3A_1, %eq3A_2782 : vector<128x128xi32>
    %lt3A_2784 = arith.constant 117 : i32
    %lt3A_2785 = vector.broadcast %lt3A_2784 : i32 to vector<128x128xi32>
    %lt3A_2786 = arith.cmpi slt, %iota3A, %lt3A_2785 : vector<128x128xi32>
    %and3A_2787 = arith.andi %eq3A_2783, %lt3A_2786 : vector<128x128xi1>
    %reduce_or3A_2788 = arith.constant 1.000000e+00 : f32
    %reduce_or3A_2789 = arith.constant 0.000000e+00 : f32
    %reduce_or3A_2790 = vector.broadcast %reduce_or3A_2788 : f32 to vector<128x128xf32>
    %reduce_or3A_2791 = vector.broadcast %reduce_or3A_2789 : f32 to vector<128x128xf32>
    %reduce_or3A_2792 = arith.select %and3A_2787, %reduce_or3A_2790, %reduce_or3A_2791 : vector<128x128xi1>, vector<128x128xf32>
    %reduce_or3A_2793 = arith.constant dense<0xFF800000> : vector<128xf32>
    %reduce_or3A_2794 = vector.multi_reduction <maximumf>, %reduce_or3A_2792, %reduce_or3A_2793 [1] : vector<128x128xf32> to vector<128xf32>
    %reduce_or3A_2795 = arith.constant 0.000000e+00 : f32
    %reduce_or3A_2796 = vector.broadcast %reduce_or3A_2795 : f32 to vector<128xf32>
    %reduce_or3A_2797 = arith.cmpf ogt, %reduce_or3A_2794, %reduce_or3A_2796 : vector<128xf32>
    %broadcast_in_dim3A_2798 = vector.shape_cast %reduce_or3A_2797 : vector<128xi1> to vector<128x1xi1>
    %eq3A_2799 = arith.constant 117 : i32
    %eq3A_2800 = vector.broadcast %eq3A_2799 : i32 to vector<128x128xi32>
    %eq3A_2801 = arith.cmpi eq, %iota3A, %eq3A_2800 : vector<128x128xi32>
    %and3A_2802 = vector.broadcast %broadcast_in_dim3A_2798 : vector<128x1xi1> to vector<128x128xi1>
    %and3A_2803 = arith.andi %and3A_2802, %eq3A_2801 : vector<128x128xi1>
    %or3A_2804 = arith.ori %or3A_2780, %and3A_2803 : vector<128x128xi1>
    %slice3A_2805 = vector.extract_strided_slice %get3A_1 {offsets = [0, 118], sizes = [128, 1], strides = [1, 1]} : vector<128x128xi32> to vector<128x1xi32>
    %eq3A_2806 = vector.broadcast %slice3A_2805 : vector<128x1xi32> to vector<128x128xi32>
    %eq3A_2807 = arith.cmpi eq, %get3A_1, %eq3A_2806 : vector<128x128xi32>
    %lt3A_2808 = arith.constant 118 : i32
    %lt3A_2809 = vector.broadcast %lt3A_2808 : i32 to vector<128x128xi32>
    %lt3A_2810 = arith.cmpi slt, %iota3A, %lt3A_2809 : vector<128x128xi32>
    %and3A_2811 = arith.andi %eq3A_2807, %lt3A_2810 : vector<128x128xi1>
    %reduce_or3A_2812 = arith.constant 1.000000e+00 : f32
    %reduce_or3A_2813 = arith.constant 0.000000e+00 : f32
    %reduce_or3A_2814 = vector.broadcast %reduce_or3A_2812 : f32 to vector<128x128xf32>
    %reduce_or3A_2815 = vector.broadcast %reduce_or3A_2813 : f32 to vector<128x128xf32>
    %reduce_or3A_2816 = arith.select %and3A_2811, %reduce_or3A_2814, %reduce_or3A_2815 : vector<128x128xi1>, vector<128x128xf32>
    %reduce_or3A_2817 = arith.constant dense<0xFF800000> : vector<128xf32>
    %reduce_or3A_2818 = vector.multi_reduction <maximumf>, %reduce_or3A_2816, %reduce_or3A_2817 [1] : vector<128x128xf32> to vector<128xf32>
    %reduce_or3A_2819 = arith.constant 0.000000e+00 : f32
    %reduce_or3A_2820 = vector.broadcast %reduce_or3A_2819 : f32 to vector<128xf32>
    %reduce_or3A_2821 = arith.cmpf ogt, %reduce_or3A_2818, %reduce_or3A_2820 : vector<128xf32>
    %broadcast_in_dim3A_2822 = vector.shape_cast %reduce_or3A_2821 : vector<128xi1> to vector<128x1xi1>
    %eq3A_2823 = arith.constant 118 : i32
    %eq3A_2824 = vector.broadcast %eq3A_2823 : i32 to vector<128x128xi32>
    %eq3A_2825 = arith.cmpi eq, %iota3A, %eq3A_2824 : vector<128x128xi32>
    %and3A_2826 = vector.broadcast %broadcast_in_dim3A_2822 : vector<128x1xi1> to vector<128x128xi1>
    %and3A_2827 = arith.andi %and3A_2826, %eq3A_2825 : vector<128x128xi1>
    %or3A_2828 = arith.ori %or3A_2804, %and3A_2827 : vector<128x128xi1>
    %slice3A_2829 = vector.extract_strided_slice %get3A_1 {offsets = [0, 119], sizes = [128, 1], strides = [1, 1]} : vector<128x128xi32> to vector<128x1xi32>
    %eq3A_2830 = vector.broadcast %slice3A_2829 : vector<128x1xi32> to vector<128x128xi32>
    %eq3A_2831 = arith.cmpi eq, %get3A_1, %eq3A_2830 : vector<128x128xi32>
    %lt3A_2832 = arith.constant 119 : i32
    %lt3A_2833 = vector.broadcast %lt3A_2832 : i32 to vector<128x128xi32>
    %lt3A_2834 = arith.cmpi slt, %iota3A, %lt3A_2833 : vector<128x128xi32>
    %and3A_2835 = arith.andi %eq3A_2831, %lt3A_2834 : vector<128x128xi1>
    %reduce_or3A_2836 = arith.constant 1.000000e+00 : f32
    %reduce_or3A_2837 = arith.constant 0.000000e+00 : f32
    %reduce_or3A_2838 = vector.broadcast %reduce_or3A_2836 : f32 to vector<128x128xf32>
    %reduce_or3A_2839 = vector.broadcast %reduce_or3A_2837 : f32 to vector<128x128xf32>
    %reduce_or3A_2840 = arith.select %and3A_2835, %reduce_or3A_2838, %reduce_or3A_2839 : vector<128x128xi1>, vector<128x128xf32>
    %reduce_or3A_2841 = arith.constant dense<0xFF800000> : vector<128xf32>
    %reduce_or3A_2842 = vector.multi_reduction <maximumf>, %reduce_or3A_2840, %reduce_or3A_2841 [1] : vector<128x128xf32> to vector<128xf32>
    %reduce_or3A_2843 = arith.constant 0.000000e+00 : f32
    %reduce_or3A_2844 = vector.broadcast %reduce_or3A_2843 : f32 to vector<128xf32>
    %reduce_or3A_2845 = arith.cmpf ogt, %reduce_or3A_2842, %reduce_or3A_2844 : vector<128xf32>
    %broadcast_in_dim3A_2846 = vector.shape_cast %reduce_or3A_2845 : vector<128xi1> to vector<128x1xi1>
    %eq3A_2847 = arith.constant 119 : i32
    %eq3A_2848 = vector.broadcast %eq3A_2847 : i32 to vector<128x128xi32>
    %eq3A_2849 = arith.cmpi eq, %iota3A, %eq3A_2848 : vector<128x128xi32>
    %and3A_2850 = vector.broadcast %broadcast_in_dim3A_2846 : vector<128x1xi1> to vector<128x128xi1>
    %and3A_2851 = arith.andi %and3A_2850, %eq3A_2849 : vector<128x128xi1>
    %or3A_2852 = arith.ori %or3A_2828, %and3A_2851 : vector<128x128xi1>
    %slice3A_2853 = vector.extract_strided_slice %get3A_1 {offsets = [0, 120], sizes = [128, 1], strides = [1, 1]} : vector<128x128xi32> to vector<128x1xi32>
    %eq3A_2854 = vector.broadcast %slice3A_2853 : vector<128x1xi32> to vector<128x128xi32>
    %eq3A_2855 = arith.cmpi eq, %get3A_1, %eq3A_2854 : vector<128x128xi32>
    %lt3A_2856 = arith.constant 120 : i32
    %lt3A_2857 = vector.broadcast %lt3A_2856 : i32 to vector<128x128xi32>
    %lt3A_2858 = arith.cmpi slt, %iota3A, %lt3A_2857 : vector<128x128xi32>
    %and3A_2859 = arith.andi %eq3A_2855, %lt3A_2858 : vector<128x128xi1>
    %reduce_or3A_2860 = arith.constant 1.000000e+00 : f32
    %reduce_or3A_2861 = arith.constant 0.000000e+00 : f32
    %reduce_or3A_2862 = vector.broadcast %reduce_or3A_2860 : f32 to vector<128x128xf32>
    %reduce_or3A_2863 = vector.broadcast %reduce_or3A_2861 : f32 to vector<128x128xf32>
    %reduce_or3A_2864 = arith.select %and3A_2859, %reduce_or3A_2862, %reduce_or3A_2863 : vector<128x128xi1>, vector<128x128xf32>
    %reduce_or3A_2865 = arith.constant dense<0xFF800000> : vector<128xf32>
    %reduce_or3A_2866 = vector.multi_reduction <maximumf>, %reduce_or3A_2864, %reduce_or3A_2865 [1] : vector<128x128xf32> to vector<128xf32>
    %reduce_or3A_2867 = arith.constant 0.000000e+00 : f32
    %reduce_or3A_2868 = vector.broadcast %reduce_or3A_2867 : f32 to vector<128xf32>
    %reduce_or3A_2869 = arith.cmpf ogt, %reduce_or3A_2866, %reduce_or3A_2868 : vector<128xf32>
    %broadcast_in_dim3A_2870 = vector.shape_cast %reduce_or3A_2869 : vector<128xi1> to vector<128x1xi1>
    %eq3A_2871 = arith.constant 120 : i32
    %eq3A_2872 = vector.broadcast %eq3A_2871 : i32 to vector<128x128xi32>
    %eq3A_2873 = arith.cmpi eq, %iota3A, %eq3A_2872 : vector<128x128xi32>
    %and3A_2874 = vector.broadcast %broadcast_in_dim3A_2870 : vector<128x1xi1> to vector<128x128xi1>
    %and3A_2875 = arith.andi %and3A_2874, %eq3A_2873 : vector<128x128xi1>
    %or3A_2876 = arith.ori %or3A_2852, %and3A_2875 : vector<128x128xi1>
    %slice3A_2877 = vector.extract_strided_slice %get3A_1 {offsets = [0, 121], sizes = [128, 1], strides = [1, 1]} : vector<128x128xi32> to vector<128x1xi32>
    %eq3A_2878 = vector.broadcast %slice3A_2877 : vector<128x1xi32> to vector<128x128xi32>
    %eq3A_2879 = arith.cmpi eq, %get3A_1, %eq3A_2878 : vector<128x128xi32>
    %lt3A_2880 = arith.constant 121 : i32
    %lt3A_2881 = vector.broadcast %lt3A_2880 : i32 to vector<128x128xi32>
    %lt3A_2882 = arith.cmpi slt, %iota3A, %lt3A_2881 : vector<128x128xi32>
    %and3A_2883 = arith.andi %eq3A_2879, %lt3A_2882 : vector<128x128xi1>
    %reduce_or3A_2884 = arith.constant 1.000000e+00 : f32
    %reduce_or3A_2885 = arith.constant 0.000000e+00 : f32
    %reduce_or3A_2886 = vector.broadcast %reduce_or3A_2884 : f32 to vector<128x128xf32>
    %reduce_or3A_2887 = vector.broadcast %reduce_or3A_2885 : f32 to vector<128x128xf32>
    %reduce_or3A_2888 = arith.select %and3A_2883, %reduce_or3A_2886, %reduce_or3A_2887 : vector<128x128xi1>, vector<128x128xf32>
    %reduce_or3A_2889 = arith.constant dense<0xFF800000> : vector<128xf32>
    %reduce_or3A_2890 = vector.multi_reduction <maximumf>, %reduce_or3A_2888, %reduce_or3A_2889 [1] : vector<128x128xf32> to vector<128xf32>
    %reduce_or3A_2891 = arith.constant 0.000000e+00 : f32
    %reduce_or3A_2892 = vector.broadcast %reduce_or3A_2891 : f32 to vector<128xf32>
    %reduce_or3A_2893 = arith.cmpf ogt, %reduce_or3A_2890, %reduce_or3A_2892 : vector<128xf32>
    %broadcast_in_dim3A_2894 = vector.shape_cast %reduce_or3A_2893 : vector<128xi1> to vector<128x1xi1>
    %eq3A_2895 = arith.constant 121 : i32
    %eq3A_2896 = vector.broadcast %eq3A_2895 : i32 to vector<128x128xi32>
    %eq3A_2897 = arith.cmpi eq, %iota3A, %eq3A_2896 : vector<128x128xi32>
    %and3A_2898 = vector.broadcast %broadcast_in_dim3A_2894 : vector<128x1xi1> to vector<128x128xi1>
    %and3A_2899 = arith.andi %and3A_2898, %eq3A_2897 : vector<128x128xi1>
    %or3A_2900 = arith.ori %or3A_2876, %and3A_2899 : vector<128x128xi1>
    %slice3A_2901 = vector.extract_strided_slice %get3A_1 {offsets = [0, 122], sizes = [128, 1], strides = [1, 1]} : vector<128x128xi32> to vector<128x1xi32>
    %eq3A_2902 = vector.broadcast %slice3A_2901 : vector<128x1xi32> to vector<128x128xi32>
    %eq3A_2903 = arith.cmpi eq, %get3A_1, %eq3A_2902 : vector<128x128xi32>
    %lt3A_2904 = arith.constant 122 : i32
    %lt3A_2905 = vector.broadcast %lt3A_2904 : i32 to vector<128x128xi32>
    %lt3A_2906 = arith.cmpi slt, %iota3A, %lt3A_2905 : vector<128x128xi32>
    %and3A_2907 = arith.andi %eq3A_2903, %lt3A_2906 : vector<128x128xi1>
    %reduce_or3A_2908 = arith.constant 1.000000e+00 : f32
    %reduce_or3A_2909 = arith.constant 0.000000e+00 : f32
    %reduce_or3A_2910 = vector.broadcast %reduce_or3A_2908 : f32 to vector<128x128xf32>
    %reduce_or3A_2911 = vector.broadcast %reduce_or3A_2909 : f32 to vector<128x128xf32>
    %reduce_or3A_2912 = arith.select %and3A_2907, %reduce_or3A_2910, %reduce_or3A_2911 : vector<128x128xi1>, vector<128x128xf32>
    %reduce_or3A_2913 = arith.constant dense<0xFF800000> : vector<128xf32>
    %reduce_or3A_2914 = vector.multi_reduction <maximumf>, %reduce_or3A_2912, %reduce_or3A_2913 [1] : vector<128x128xf32> to vector<128xf32>
    %reduce_or3A_2915 = arith.constant 0.000000e+00 : f32
    %reduce_or3A_2916 = vector.broadcast %reduce_or3A_2915 : f32 to vector<128xf32>
    %reduce_or3A_2917 = arith.cmpf ogt, %reduce_or3A_2914, %reduce_or3A_2916 : vector<128xf32>
    %broadcast_in_dim3A_2918 = vector.shape_cast %reduce_or3A_2917 : vector<128xi1> to vector<128x1xi1>
    %eq3A_2919 = arith.constant 122 : i32
    %eq3A_2920 = vector.broadcast %eq3A_2919 : i32 to vector<128x128xi32>
    %eq3A_2921 = arith.cmpi eq, %iota3A, %eq3A_2920 : vector<128x128xi32>
    %and3A_2922 = vector.broadcast %broadcast_in_dim3A_2918 : vector<128x1xi1> to vector<128x128xi1>
    %and3A_2923 = arith.andi %and3A_2922, %eq3A_2921 : vector<128x128xi1>
    %or3A_2924 = arith.ori %or3A_2900, %and3A_2923 : vector<128x128xi1>
    %slice3A_2925 = vector.extract_strided_slice %get3A_1 {offsets = [0, 123], sizes = [128, 1], strides = [1, 1]} : vector<128x128xi32> to vector<128x1xi32>
    %eq3A_2926 = vector.broadcast %slice3A_2925 : vector<128x1xi32> to vector<128x128xi32>
    %eq3A_2927 = arith.cmpi eq, %get3A_1, %eq3A_2926 : vector<128x128xi32>
    %lt3A_2928 = arith.constant 123 : i32
    %lt3A_2929 = vector.broadcast %lt3A_2928 : i32 to vector<128x128xi32>
    %lt3A_2930 = arith.cmpi slt, %iota3A, %lt3A_2929 : vector<128x128xi32>
    %and3A_2931 = arith.andi %eq3A_2927, %lt3A_2930 : vector<128x128xi1>
    %reduce_or3A_2932 = arith.constant 1.000000e+00 : f32
    %reduce_or3A_2933 = arith.constant 0.000000e+00 : f32
    %reduce_or3A_2934 = vector.broadcast %reduce_or3A_2932 : f32 to vector<128x128xf32>
    %reduce_or3A_2935 = vector.broadcast %reduce_or3A_2933 : f32 to vector<128x128xf32>
    %reduce_or3A_2936 = arith.select %and3A_2931, %reduce_or3A_2934, %reduce_or3A_2935 : vector<128x128xi1>, vector<128x128xf32>
    %reduce_or3A_2937 = arith.constant dense<0xFF800000> : vector<128xf32>
    %reduce_or3A_2938 = vector.multi_reduction <maximumf>, %reduce_or3A_2936, %reduce_or3A_2937 [1] : vector<128x128xf32> to vector<128xf32>
    %reduce_or3A_2939 = arith.constant 0.000000e+00 : f32
    %reduce_or3A_2940 = vector.broadcast %reduce_or3A_2939 : f32 to vector<128xf32>
    %reduce_or3A_2941 = arith.cmpf ogt, %reduce_or3A_2938, %reduce_or3A_2940 : vector<128xf32>
    %broadcast_in_dim3A_2942 = vector.shape_cast %reduce_or3A_2941 : vector<128xi1> to vector<128x1xi1>
    %eq3A_2943 = arith.constant 123 : i32
    %eq3A_2944 = vector.broadcast %eq3A_2943 : i32 to vector<128x128xi32>
    %eq3A_2945 = arith.cmpi eq, %iota3A, %eq3A_2944 : vector<128x128xi32>
    %and3A_2946 = vector.broadcast %broadcast_in_dim3A_2942 : vector<128x1xi1> to vector<128x128xi1>
    %and3A_2947 = arith.andi %and3A_2946, %eq3A_2945 : vector<128x128xi1>
    %or3A_2948 = arith.ori %or3A_2924, %and3A_2947 : vector<128x128xi1>
    %slice3A_2949 = vector.extract_strided_slice %get3A_1 {offsets = [0, 124], sizes = [128, 1], strides = [1, 1]} : vector<128x128xi32> to vector<128x1xi32>
    %eq3A_2950 = vector.broadcast %slice3A_2949 : vector<128x1xi32> to vector<128x128xi32>
    %eq3A_2951 = arith.cmpi eq, %get3A_1, %eq3A_2950 : vector<128x128xi32>
    %lt3A_2952 = arith.constant 124 : i32
    %lt3A_2953 = vector.broadcast %lt3A_2952 : i32 to vector<128x128xi32>
    %lt3A_2954 = arith.cmpi slt, %iota3A, %lt3A_2953 : vector<128x128xi32>
    %and3A_2955 = arith.andi %eq3A_2951, %lt3A_2954 : vector<128x128xi1>
    %reduce_or3A_2956 = arith.constant 1.000000e+00 : f32
    %reduce_or3A_2957 = arith.constant 0.000000e+00 : f32
    %reduce_or3A_2958 = vector.broadcast %reduce_or3A_2956 : f32 to vector<128x128xf32>
    %reduce_or3A_2959 = vector.broadcast %reduce_or3A_2957 : f32 to vector<128x128xf32>
    %reduce_or3A_2960 = arith.select %and3A_2955, %reduce_or3A_2958, %reduce_or3A_2959 : vector<128x128xi1>, vector<128x128xf32>
    %reduce_or3A_2961 = arith.constant dense<0xFF800000> : vector<128xf32>
    %reduce_or3A_2962 = vector.multi_reduction <maximumf>, %reduce_or3A_2960, %reduce_or3A_2961 [1] : vector<128x128xf32> to vector<128xf32>
    %reduce_or3A_2963 = arith.constant 0.000000e+00 : f32
    %reduce_or3A_2964 = vector.broadcast %reduce_or3A_2963 : f32 to vector<128xf32>
    %reduce_or3A_2965 = arith.cmpf ogt, %reduce_or3A_2962, %reduce_or3A_2964 : vector<128xf32>
    %broadcast_in_dim3A_2966 = vector.shape_cast %reduce_or3A_2965 : vector<128xi1> to vector<128x1xi1>
    %eq3A_2967 = arith.constant 124 : i32
    %eq3A_2968 = vector.broadcast %eq3A_2967 : i32 to vector<128x128xi32>
    %eq3A_2969 = arith.cmpi eq, %iota3A, %eq3A_2968 : vector<128x128xi32>
    %and3A_2970 = vector.broadcast %broadcast_in_dim3A_2966 : vector<128x1xi1> to vector<128x128xi1>
    %and3A_2971 = arith.andi %and3A_2970, %eq3A_2969 : vector<128x128xi1>
    %or3A_2972 = arith.ori %or3A_2948, %and3A_2971 : vector<128x128xi1>
    %slice3A_2973 = vector.extract_strided_slice %get3A_1 {offsets = [0, 125], sizes = [128, 1], strides = [1, 1]} : vector<128x128xi32> to vector<128x1xi32>
    %eq3A_2974 = vector.broadcast %slice3A_2973 : vector<128x1xi32> to vector<128x128xi32>
    %eq3A_2975 = arith.cmpi eq, %get3A_1, %eq3A_2974 : vector<128x128xi32>
    %lt3A_2976 = arith.constant 125 : i32
    %lt3A_2977 = vector.broadcast %lt3A_2976 : i32 to vector<128x128xi32>
    %lt3A_2978 = arith.cmpi slt, %iota3A, %lt3A_2977 : vector<128x128xi32>
    %and3A_2979 = arith.andi %eq3A_2975, %lt3A_2978 : vector<128x128xi1>
    %reduce_or3A_2980 = arith.constant 1.000000e+00 : f32
    %reduce_or3A_2981 = arith.constant 0.000000e+00 : f32
    %reduce_or3A_2982 = vector.broadcast %reduce_or3A_2980 : f32 to vector<128x128xf32>
    %reduce_or3A_2983 = vector.broadcast %reduce_or3A_2981 : f32 to vector<128x128xf32>
    %reduce_or3A_2984 = arith.select %and3A_2979, %reduce_or3A_2982, %reduce_or3A_2983 : vector<128x128xi1>, vector<128x128xf32>
    %reduce_or3A_2985 = arith.constant dense<0xFF800000> : vector<128xf32>
    %reduce_or3A_2986 = vector.multi_reduction <maximumf>, %reduce_or3A_2984, %reduce_or3A_2985 [1] : vector<128x128xf32> to vector<128xf32>
    %reduce_or3A_2987 = arith.constant 0.000000e+00 : f32
    %reduce_or3A_2988 = vector.broadcast %reduce_or3A_2987 : f32 to vector<128xf32>
    %reduce_or3A_2989 = arith.cmpf ogt, %reduce_or3A_2986, %reduce_or3A_2988 : vector<128xf32>
    %broadcast_in_dim3A_2990 = vector.shape_cast %reduce_or3A_2989 : vector<128xi1> to vector<128x1xi1>
    %eq3A_2991 = arith.constant 125 : i32
    %eq3A_2992 = vector.broadcast %eq3A_2991 : i32 to vector<128x128xi32>
    %eq3A_2993 = arith.cmpi eq, %iota3A, %eq3A_2992 : vector<128x128xi32>
    %and3A_2994 = vector.broadcast %broadcast_in_dim3A_2990 : vector<128x1xi1> to vector<128x128xi1>
    %and3A_2995 = arith.andi %and3A_2994, %eq3A_2993 : vector<128x128xi1>
    %or3A_2996 = arith.ori %or3A_2972, %and3A_2995 : vector<128x128xi1>
    %slice3A_2997 = vector.extract_strided_slice %get3A_1 {offsets = [0, 126], sizes = [128, 1], strides = [1, 1]} : vector<128x128xi32> to vector<128x1xi32>
    %eq3A_2998 = vector.broadcast %slice3A_2997 : vector<128x1xi32> to vector<128x128xi32>
    %eq3A_2999 = arith.cmpi eq, %get3A_1, %eq3A_2998 : vector<128x128xi32>
    %lt3A_3000 = arith.constant 126 : i32
    %lt3A_3001 = vector.broadcast %lt3A_3000 : i32 to vector<128x128xi32>
    %lt3A_3002 = arith.cmpi slt, %iota3A, %lt3A_3001 : vector<128x128xi32>
    %and3A_3003 = arith.andi %eq3A_2999, %lt3A_3002 : vector<128x128xi1>
    %reduce_or3A_3004 = arith.constant 1.000000e+00 : f32
    %reduce_or3A_3005 = arith.constant 0.000000e+00 : f32
    %reduce_or3A_3006 = vector.broadcast %reduce_or3A_3004 : f32 to vector<128x128xf32>
    %reduce_or3A_3007 = vector.broadcast %reduce_or3A_3005 : f32 to vector<128x128xf32>
    %reduce_or3A_3008 = arith.select %and3A_3003, %reduce_or3A_3006, %reduce_or3A_3007 : vector<128x128xi1>, vector<128x128xf32>
    %reduce_or3A_3009 = arith.constant dense<0xFF800000> : vector<128xf32>
    %reduce_or3A_3010 = vector.multi_reduction <maximumf>, %reduce_or3A_3008, %reduce_or3A_3009 [1] : vector<128x128xf32> to vector<128xf32>
    %reduce_or3A_3011 = arith.constant 0.000000e+00 : f32
    %reduce_or3A_3012 = vector.broadcast %reduce_or3A_3011 : f32 to vector<128xf32>
    %reduce_or3A_3013 = arith.cmpf ogt, %reduce_or3A_3010, %reduce_or3A_3012 : vector<128xf32>
    %broadcast_in_dim3A_3014 = vector.shape_cast %reduce_or3A_3013 : vector<128xi1> to vector<128x1xi1>
    %eq3A_3015 = arith.constant 126 : i32
    %eq3A_3016 = vector.broadcast %eq3A_3015 : i32 to vector<128x128xi32>
    %eq3A_3017 = arith.cmpi eq, %iota3A, %eq3A_3016 : vector<128x128xi32>
    %and3A_3018 = vector.broadcast %broadcast_in_dim3A_3014 : vector<128x1xi1> to vector<128x128xi1>
    %and3A_3019 = arith.andi %and3A_3018, %eq3A_3017 : vector<128x128xi1>
    %or3A_3020 = arith.ori %or3A_2996, %and3A_3019 : vector<128x128xi1>
    %slice3A_3021 = vector.extract_strided_slice %get3A_1 {offsets = [0, 127], sizes = [128, 1], strides = [1, 1]} : vector<128x128xi32> to vector<128x1xi32>
    %eq3A_3022 = vector.broadcast %slice3A_3021 : vector<128x1xi32> to vector<128x128xi32>
    %eq3A_3023 = arith.cmpi eq, %get3A_1, %eq3A_3022 : vector<128x128xi32>
    %lt3A_3024 = arith.constant 127 : i32
    %lt3A_3025 = vector.broadcast %lt3A_3024 : i32 to vector<128x128xi32>
    %lt3A_3026 = arith.cmpi slt, %iota3A, %lt3A_3025 : vector<128x128xi32>
    %and3A_3027 = arith.andi %eq3A_3023, %lt3A_3026 : vector<128x128xi1>
    %reduce_or3A_3028 = arith.constant 1.000000e+00 : f32
    %reduce_or3A_3029 = arith.constant 0.000000e+00 : f32
    %reduce_or3A_3030 = vector.broadcast %reduce_or3A_3028 : f32 to vector<128x128xf32>
    %reduce_or3A_3031 = vector.broadcast %reduce_or3A_3029 : f32 to vector<128x128xf32>
    %reduce_or3A_3032 = arith.select %and3A_3027, %reduce_or3A_3030, %reduce_or3A_3031 : vector<128x128xi1>, vector<128x128xf32>
    %reduce_or3A_3033 = arith.constant dense<0xFF800000> : vector<128xf32>
    %reduce_or3A_3034 = vector.multi_reduction <maximumf>, %reduce_or3A_3032, %reduce_or3A_3033 [1] : vector<128x128xf32> to vector<128xf32>
    %reduce_or3A_3035 = arith.constant 0.000000e+00 : f32
    %reduce_or3A_3036 = vector.broadcast %reduce_or3A_3035 : f32 to vector<128xf32>
    %reduce_or3A_3037 = arith.cmpf ogt, %reduce_or3A_3034, %reduce_or3A_3036 : vector<128xf32>
    %broadcast_in_dim3A_3038 = vector.shape_cast %reduce_or3A_3037 : vector<128xi1> to vector<128x1xi1>
    %eq3A_3039 = arith.constant 127 : i32
    %eq3A_3040 = vector.broadcast %eq3A_3039 : i32 to vector<128x128xi32>
    %eq3A_3041 = arith.cmpi eq, %iota3A, %eq3A_3040 : vector<128x128xi32>
    %and3A_3042 = vector.broadcast %broadcast_in_dim3A_3038 : vector<128x1xi1> to vector<128x128xi1>
    %and3A_3043 = arith.andi %and3A_3042, %eq3A_3041 : vector<128x128xi1>
    %or3A_3044 = arith.ori %or3A_3020, %and3A_3043 : vector<128x128xi1>
    %jit3A = arith.constant -1 : i32
    %broadcast_in_dim3A_3045 = vector.broadcast %jit3A : i32 to vector<128x128xi32>
    %select_n3A = arith.select %or3A_3044, %broadcast_in_dim3A_3045, %get3A_1 : vector<128x128xi1>, vector<128x128xi32>
    %convert_element_type3A = arith.sitofp %select_n3A : vector<128x128xi32> to vector<128x128xf32>
    %swap3A = arith.constant 0 : index
    %swap3A_3046 = arith.constant 0 : index
    %swap3A_3047 = vector.load %arg1[%swap3A, %swap3A_3046] : memref<128x128xf32, #tpu.memory_space<vmem>>, vector<128x128xf32>
    tpu.vector_store %arg1[%swap3A, %swap3A_3046], %convert_element_type3A {strides = array<i32>} : memref<128x128xf32, #tpu.memory_space<vmem>>, vector<128x128xf32>,
    return
  }
}

module attributes {stable_mosaic.version = 14 : i64} {
  func.func @_energy_kernel(%arg0: i32, %arg1: memref<1024x4xf32, #tpu.memory_space<vmem>>, %arg2: memref<8x128xf32, #tpu.memory_space<vmem>>, %arg3: memref<128x512xf32, #tpu.memory_space<vmem>>, %arg4: memref<1x8xf32, #tpu.memory_space<smem>>, %arg5: memref<1x1xf32, #tpu.memory_space<smem>>, %arg6: memref<1024x1xf32, #tpu.memory_space<vmem>>, %arg7: memref<1x1xf32, #tpu.memory_space<smem>>) attributes {dimension_semantics = [#tpu.dimension_semantics<arbitrary>], iteration_bounds = array<i64: 49>, scalar_prefetch = 0 : i64, scratch_operands = 2 : i64, tpu.core_type = #tpu.core_type<tc>, window_params = [{transform_indices = @transform_0, window_bounds = array<i64: 1024, 4>}, {pipeline_mode = #tpu.pipeline_mode<synchronous>, transform_indices = @transform_1, window_bounds = array<i64: 8, 128>}, {pipeline_mode = #tpu.pipeline_mode<synchronous>, transform_indices = @transform_2, window_bounds = array<i64: 128, 512>}, {transform_indices = @transform_3, window_bounds = array<i64: 1, 8>}, {transform_indices = @transform_4, window_bounds = array<i64: 1, 1>}]} {
    %eq3A = arith.constant 0 : i32
    %eq3A_0 = arith.cmpi eq, %arg0, %eq3A : i32
    %convert_element_type3A = arith.extui %eq3A_0 : i1 to i32
    %cond3A = arith.constant 0 : i32
    %cond3A_1 = arith.cmpi ne, %convert_element_type3A, %cond3A : i32
    scf.if %cond3A_1 {
      %swap3A_164 = arith.constant 0.000000e+00 : f32
      %swap3A_165 = arith.constant 0 : index
      %swap3A_166 = arith.constant 0 : index
      %swap3A_167 = memref.load %arg7[%swap3A_165, %swap3A_166] : memref<1x1xf32, #tpu.memory_space<smem>>
      memref.store %swap3A_164, %arg7[%swap3A_165, %swap3A_166] : memref<1x1xf32, #tpu.memory_space<smem>>
    } else {
    }
    %get3A = arith.constant 0 : index
    %get3A_2 = arith.constant 0 : index
    %get3A_3 = vector.load %arg1[%get3A, %get3A_2] : memref<1024x4xf32, #tpu.memory_space<vmem>>, vector<1024x1xf32>
    %get3A_4 = arith.constant 0 : index
    %get3A_5 = arith.constant 1 : index
    %get3A_6 = vector.load %arg1[%get3A_4, %get3A_5] : memref<1024x4xf32, #tpu.memory_space<vmem>>, vector<1024x1xf32>
    %get3A_7 = arith.constant 0 : index
    %get3A_8 = arith.constant 2 : index
    %get3A_9 = vector.load %arg1[%get3A_7, %get3A_8] : memref<1024x4xf32, #tpu.memory_space<vmem>>, vector<1024x1xf32>
    %get3A_10 = arith.constant 0 : index
    %get3A_11 = arith.constant 0 : index
    %get3A_12 = vector.load %arg2[%get3A_10, %get3A_11] : memref<8x128xf32, #tpu.memory_space<vmem>>, vector<1x128xf32>
    %get3A_13 = arith.constant 1 : index
    %get3A_14 = arith.constant 0 : index
    %get3A_15 = vector.load %arg2[%get3A_13, %get3A_14] : memref<8x128xf32, #tpu.memory_space<vmem>>, vector<1x128xf32>
    %get3A_16 = arith.constant 2 : index
    %get3A_17 = arith.constant 0 : index
    %get3A_18 = vector.load %arg2[%get3A_16, %get3A_17] : memref<8x128xf32, #tpu.memory_space<vmem>>, vector<1x128xf32>
    %sub3A = vector.broadcast %get3A_3 : vector<1024x1xf32> to vector<1024x128xf32>
    %sub3A_19 = vector.broadcast %get3A_12 : vector<1x128xf32> to vector<1024x128xf32>
    %sub3A_20 = arith.subf %sub3A, %sub3A_19 : vector<1024x128xf32>
    %integer_pow3A = arith.mulf %sub3A_20, %sub3A_20 : vector<1024x128xf32>
    %sub3A_21 = vector.broadcast %get3A_6 : vector<1024x1xf32> to vector<1024x128xf32>
    %sub3A_22 = vector.broadcast %get3A_15 : vector<1x128xf32> to vector<1024x128xf32>
    %sub3A_23 = arith.subf %sub3A_21, %sub3A_22 : vector<1024x128xf32>
    %integer_pow3A_24 = arith.mulf %sub3A_23, %sub3A_23 : vector<1024x128xf32>
    %add3A = arith.addf %integer_pow3A, %integer_pow3A_24 : vector<1024x128xf32>
    %sub3A_25 = vector.broadcast %get3A_9 : vector<1024x1xf32> to vector<1024x128xf32>
    %sub3A_26 = vector.broadcast %get3A_18 : vector<1x128xf32> to vector<1024x128xf32>
    %sub3A_27 = arith.subf %sub3A_25, %sub3A_26 : vector<1024x128xf32>
    %integer_pow3A_28 = arith.mulf %sub3A_27, %sub3A_27 : vector<1024x128xf32>
    %add3A_29 = arith.addf %add3A, %integer_pow3A_28 : vector<1024x128xf32>
    %iota3A = tpu.iota {dimensions = array<i32: 1>} : vector<1024x128xi32>
    %convert_element_type3A_30 = arith.sitofp %iota3A : vector<1024x128xi32> to vector<1024x128xf32>
    %reduce_min3A = arith.constant dense<0x7F800000> : vector<1024xf32>
    %reduce_min3A_31 = vector.multi_reduction <minimumf>, %add3A_29, %reduce_min3A [1] : vector<1024x128xf32> to vector<1024xf32>
    %broadcast_in_dim3A = vector.shape_cast %reduce_min3A_31 : vector<1024xf32> to vector<1024x1xf32>
    %eq3A_32 = vector.broadcast %broadcast_in_dim3A : vector<1024x1xf32> to vector<1024x128xf32>
    %eq3A_33 = arith.cmpf oeq, %add3A_29, %eq3A_32 : vector<1024x128xf32>
    %jit3A = arith.constant 1.000000e+09 : f32
    %broadcast_in_dim3A_34 = vector.broadcast %jit3A : f32 to vector<1024x128xf32>
    %select_n3A = arith.select %eq3A_33, %convert_element_type3A_30, %broadcast_in_dim3A_34 : vector<1024x128xi1>, vector<1024x128xf32>
    %reduce_min3A_35 = arith.constant dense<0x7F800000> : vector<1024xf32>
    %reduce_min3A_36 = vector.multi_reduction <minimumf>, %select_n3A, %reduce_min3A_35 [1] : vector<1024x128xf32> to vector<1024xf32>
    %broadcast_in_dim3A_37 = vector.shape_cast %reduce_min3A_36 : vector<1024xf32> to vector<1024x1xf32>
    %eq3A_38 = vector.broadcast %broadcast_in_dim3A_37 : vector<1024x1xf32> to vector<1024x128xf32>
    %eq3A_39 = arith.cmpf oeq, %convert_element_type3A_30, %eq3A_38 : vector<1024x128xf32>
    %convert_element_type3A_40 = arith.extui %eq3A_39 : vector<1024x128xi1> to vector<1024x128xi32>
    %convert_element_type3A_41 = arith.sitofp %convert_element_type3A_40 : vector<1024x128xi32> to vector<1024x128xf32>
    %get3A_42 = arith.constant 0 : index
    %get3A_43 = arith.constant 0 : index
    %get3A_44 = vector.load %arg3[%get3A_42, %get3A_43] : memref<128x512xf32, #tpu.memory_space<vmem>>, vector<128x512xf32>
    %dot_general3A = arith.constant dense<0.000000e+00> : vector<1024x512xf32>
    %dot_general3A_45 = tpu.matmul %convert_element_type3A_41, %get3A_44, %dot_general3A {dimension_numbers = #tpu.dot_dimension_numbers<[1], [0], [0], [1], [0, 0, 1, 1], [], []>, precision = #tpu.contract_precision<fp32>, transpose_lhs_hint = false} : vector<1024x128xf32>, vector<128x512xf32>, vector<1024x512xf32> -> vector<1024x512xf32>
    %slice3A = vector.extract_strided_slice %dot_general3A_45 {offsets = [0, 0], sizes = [1024, 128], strides = [1, 1]} : vector<1024x512xf32> to vector<1024x128xf32>
    %slice3A_46 = vector.extract_strided_slice %dot_general3A_45 {offsets = [0, 128], sizes = [1024, 128], strides = [1, 1]} : vector<1024x512xf32> to vector<1024x128xf32>
    %slice3A_47 = vector.extract_strided_slice %dot_general3A_45 {offsets = [0, 256], sizes = [1024, 128], strides = [1, 1]} : vector<1024x512xf32> to vector<1024x128xf32>
    %slice3A_48 = vector.extract_strided_slice %dot_general3A_45 {offsets = [0, 384], sizes = [1024, 128], strides = [1, 1]} : vector<1024x512xf32> to vector<1024x128xf32>
    %sub3A_49 = vector.broadcast %get3A_3 : vector<1024x1xf32> to vector<1024x128xf32>
    %sub3A_50 = arith.subf %sub3A_49, %slice3A_46 : vector<1024x128xf32>
    %integer_pow3A_51 = arith.mulf %sub3A_50, %sub3A_50 : vector<1024x128xf32>
    %sub3A_52 = vector.broadcast %get3A_6 : vector<1024x1xf32> to vector<1024x128xf32>
    %sub3A_53 = arith.subf %sub3A_52, %slice3A_47 : vector<1024x128xf32>
    %integer_pow3A_54 = arith.mulf %sub3A_53, %sub3A_53 : vector<1024x128xf32>
    %add3A_55 = arith.addf %integer_pow3A_51, %integer_pow3A_54 : vector<1024x128xf32>
    %sub3A_56 = vector.broadcast %get3A_9 : vector<1024x1xf32> to vector<1024x128xf32>
    %sub3A_57 = arith.subf %sub3A_56, %slice3A_48 : vector<1024x128xf32>
    %integer_pow3A_58 = arith.mulf %sub3A_57, %sub3A_57 : vector<1024x128xf32>
    %add3A_59 = arith.addf %add3A_55, %integer_pow3A_58 : vector<1024x128xf32>
    %iota3A_60 = tpu.iota {dimensions = array<i32: 0>} : vector<1024x1xi32>
    %mul3A = arith.constant 1024 : i32
    %mul3A_61 = arith.muli %arg0, %mul3A : i32
    %add3A_62 = vector.broadcast %mul3A_61 : i32 to vector<1024x1xi32>
    %add3A_63 = arith.addi %add3A_62, %iota3A_60 : vector<1024x1xi32>
    %ge3A = arith.constant 0.000000e+00 : f32
    %ge3A_64 = vector.broadcast %ge3A : f32 to vector<1024x128xf32>
    %ge3A_65 = arith.cmpf oge, %slice3A, %ge3A_64 : vector<1024x128xf32>
    %convert_element_type3A_66 = arith.sitofp %add3A_63 : vector<1024x1xi32> to vector<1024x1xf32>
    %ne3A = vector.broadcast %convert_element_type3A_66 : vector<1024x1xf32> to vector<1024x128xf32>
    %ne3A_67 = arith.cmpf one, %slice3A, %ne3A : vector<1024x128xf32>
    %and3A = arith.andi %ge3A_65, %ne3A_67 : vector<1024x128xi1>
    %get3A_68 = arith.constant 0 : index
    %get3A_69 = arith.constant 1 : index
    %get3A_70 = memref.load %arg4[%get3A_68, %get3A_69] : memref<1x8xf32, #tpu.memory_space<smem>>
    %get3A_71 = arith.constant 0 : index
    %get3A_72 = arith.constant 3 : index
    %get3A_73 = memref.load %arg4[%get3A_71, %get3A_72] : memref<1x8xf32, #tpu.memory_space<smem>>
    %get3A_74 = arith.constant 0 : index
    %get3A_75 = arith.constant 4 : index
    %get3A_76 = memref.load %arg4[%get3A_74, %get3A_75] : memref<1x8xf32, #tpu.memory_space<smem>>
    %get3A_77 = arith.constant 0 : index
    %get3A_78 = arith.constant 5 : index
    %get3A_79 = memref.load %arg4[%get3A_77, %get3A_78] : memref<1x8xf32, #tpu.memory_space<smem>>
    %add3A_80 = arith.constant 1.000000e+00 : f32
    %add3A_81 = arith.addf %add3A_80, %get3A_79 : f32
    %lt3A = arith.constant 8.000000e+00 : f32
    %lt3A_82 = vector.broadcast %lt3A : f32 to vector<1024x128xf32>
    %lt3A_83 = arith.cmpf olt, %add3A_59, %lt3A_82 : vector<1024x128xf32>
    %and3A_84 = arith.andi %and3A, %lt3A_83 : vector<1024x128xi1>
    %sub3A_85 = arith.constant 1.500000e+00 : f32
    %sub3A_86 = vector.broadcast %sub3A_85 : f32 to vector<1024x128xf32>
    %sub3A_87 = arith.subf %sub3A_86, %add3A_59 : vector<1024x128xf32>
    %jit3A_88 = arith.constant 0.000000e+00 : f32
    %jit3A_89 = arith.constant 1.000000e+00 : f32
    %max3A = vector.broadcast %jit3A_88 : f32 to vector<1024x128xf32>
    %max3A_90 = arith.maximumf %max3A, %sub3A_87 : vector<1024x128xf32>
    %min3A = vector.broadcast %jit3A_89 : f32 to vector<1024x128xf32>
    %min3A_91 = arith.minimumf %min3A, %max3A_90 : vector<1024x128xf32>
    %div3A = arith.constant 5.000000e-01 : f32
    %div3A_92 = vector.broadcast %div3A : f32 to vector<1024x128xf32>
    %div3A_93 = arith.divf %add3A_59, %div3A_92 : vector<1024x128xf32>
    %integer_pow3A_94 = arith.mulf %div3A_93, %div3A_93 : vector<1024x128xf32>
    %neg3A = arith.constant 0.000000e+00 : f32
    %neg3A_95 = vector.broadcast %neg3A : f32 to vector<1024x128xf32>
    %neg3A_96 = arith.subf %neg3A_95, %integer_pow3A_94 : vector<1024x128xf32>
    %exp3A = math.exp %neg3A_96 : vector<1024x128xf32>
    %sub3A_97 = arith.constant 3.000000e+00 : f32
    %sub3A_98 = vector.broadcast %sub3A_97 : f32 to vector<1024x128xf32>
    %sub3A_99 = arith.subf %add3A_59, %sub3A_98 : vector<1024x128xf32>
    %div3A_100 = arith.constant 2.000000e+00 : f32
    %div3A_101 = vector.broadcast %div3A_100 : f32 to vector<1024x128xf32>
    %div3A_102 = arith.divf %sub3A_99, %div3A_101 : vector<1024x128xf32>
    %integer_pow3A_103 = arith.mulf %div3A_102, %div3A_102 : vector<1024x128xf32>
    %neg3A_104 = arith.constant 0.000000e+00 : f32
    %neg3A_105 = vector.broadcast %neg3A_104 : f32 to vector<1024x128xf32>
    %neg3A_106 = arith.subf %neg3A_105, %integer_pow3A_103 : vector<1024x128xf32>
    %exp3A_107 = math.exp %neg3A_106 : vector<1024x128xf32>
    %mul3A_108 = vector.broadcast %get3A_70 : f32 to vector<1024x128xf32>
    %mul3A_109 = arith.mulf %mul3A_108, %min3A_91 : vector<1024x128xf32>
    %mul3A_110 = vector.broadcast %get3A_73 : f32 to vector<1024x128xf32>
    %mul3A_111 = arith.mulf %mul3A_110, %exp3A : vector<1024x128xf32>
    %add3A_112 = arith.addf %mul3A_109, %mul3A_111 : vector<1024x128xf32>
    %mul3A_113 = vector.broadcast %get3A_76 : f32 to vector<1024x128xf32>
    %mul3A_114 = arith.mulf %mul3A_113, %exp3A_107 : vector<1024x128xf32>
    %add3A_115 = arith.addf %add3A_112, %mul3A_114 : vector<1024x128xf32>
    %broadcast_in_dim3A_116 = arith.constant 0.000000e+00 : f32
    %broadcast_in_dim3A_117 = vector.broadcast %broadcast_in_dim3A_116 : f32 to vector<1024x128xf32>
    %select_n3A_118 = arith.select %and3A_84, %add3A_115, %broadcast_in_dim3A_117 : vector<1024x128xi1>, vector<1024x128xf32>
    %reduce_sum3A = arith.constant dense<0.000000e+00> : vector<1024xf32>
    %reduce_sum3A_119 = vector.multi_reduction <add>, %select_n3A_118, %reduce_sum3A [1] : vector<1024x128xf32> to vector<1024xf32>
    %broadcast_in_dim3A_120 = vector.shape_cast %reduce_sum3A_119 : vector<1024xf32> to vector<1024x1xf32>
    %convert_element_type3A_121 = arith.extui %and3A_84 : vector<1024x128xi1> to vector<1024x128xi32>
    %convert_element_type3A_122 = arith.sitofp %convert_element_type3A_121 : vector<1024x128xi32> to vector<1024x128xf32>
    %reduce_sum3A_123 = arith.constant dense<0.000000e+00> : vector<1024xf32>
    %reduce_sum3A_124 = vector.multi_reduction <add>, %convert_element_type3A_122, %reduce_sum3A_123 [1] : vector<1024x128xf32> to vector<1024xf32>
    %broadcast_in_dim3A_125 = vector.shape_cast %reduce_sum3A_124 : vector<1024xf32> to vector<1024x1xf32>
    %swap3A = arith.constant 0 : index
    %swap3A_126 = arith.constant 0 : index
    %swap3A_127 = vector.load %arg6[%swap3A, %swap3A_126] : memref<1024x1xf32, #tpu.memory_space<vmem>>, vector<1024x1xf32>
    tpu.vector_store %arg6[%swap3A, %swap3A_126], %broadcast_in_dim3A_120 {strides = array<i32>} : memref<1024x1xf32, #tpu.memory_space<vmem>>, vector<1024x1xf32>,
    %reduce_max3A = vector.shape_cast %broadcast_in_dim3A_125 : vector<1024x1xf32> to vector<1x1024x1xf32>
    %reduce_max3A_128 = arith.constant dense<0xFF800000> : vector<1xf32>
    %reduce_max3A_129 = vector.multi_reduction <maximumf>, %reduce_max3A, %reduce_max3A_128 [1, 2] : vector<1x1024x1xf32> to vector<1xf32>
    %reduce_max3A_130 = vector.shape_cast %reduce_max3A_129 : vector<1xf32> to vector<1x1x1xf32>
    %reduce_max3A_131 = vector.extract %reduce_max3A_130[0, 0, 0] : f32 from vector<1x1x1xf32>
    %gt3A = arith.constant 1.600000e+01 : f32
    %gt3A_132 = arith.cmpf ogt, %reduce_max3A_131, %gt3A : f32
    %convert_element_type3A_133 = arith.extui %gt3A_132 : i1 to i32
    %cond3A_134 = arith.constant 0 : i32
    %cond3A_135 = arith.cmpi ne, %convert_element_type3A_133, %cond3A_134 : i32
    scf.if %cond3A_135 {
      %jit3A_164 = arith.constant 1.000000e+09 : f32
      %broadcast_in_dim3A_165 = vector.broadcast %jit3A_164 : f32 to vector<1024x128xf32>
      %select_n3A_166 = arith.select %and3A, %add3A_59, %broadcast_in_dim3A_165 : vector<1024x128xi1>, vector<1024x128xf32>
      %broadcast_in_dim3A_167 = arith.constant 0.000000e+00 : f32
      %broadcast_in_dim3A_168 = vector.broadcast %broadcast_in_dim3A_167 : f32 to vector<1024x1xf32>
      %broadcast_in_dim3A_169 = arith.constant 0.000000e+00 : f32
      %broadcast_in_dim3A_170 = vector.broadcast %broadcast_in_dim3A_169 : f32 to vector<1024x1xf32>
      %reduce_min3A_171 = arith.constant dense<0x7F800000> : vector<1024xf32>
      %reduce_min3A_172 = vector.multi_reduction <minimumf>, %select_n3A_166, %reduce_min3A_171 [1] : vector<1024x128xf32> to vector<1024xf32>
      %broadcast_in_dim3A_173 = vector.shape_cast %reduce_min3A_172 : vector<1024xf32> to vector<1024x1xf32>
      %eq3A_174 = vector.broadcast %broadcast_in_dim3A_173 : vector<1024x1xf32> to vector<1024x128xf32>
      %eq3A_175 = arith.cmpf oeq, %select_n3A_166, %eq3A_174 : vector<1024x128xf32>
      %convert_element_type3A_176 = arith.extui %eq3A_175 : vector<1024x128xi1> to vector<1024x128xi32>
      %convert_element_type3A_177 = arith.sitofp %convert_element_type3A_176 : vector<1024x128xi32> to vector<1024x128xf32>
      %reduce_sum3A_178 = arith.constant dense<0.000000e+00> : vector<1024xf32>
      %reduce_sum3A_179 = vector.multi_reduction <add>, %convert_element_type3A_177, %reduce_sum3A_178 [1] : vector<1024x128xf32> to vector<1024xf32>
      %broadcast_in_dim3A_180 = vector.shape_cast %reduce_sum3A_179 : vector<1024xf32> to vector<1024x1xf32>
      %sub3A_181 = arith.constant 1.600000e+01 : f32
      %sub3A_182 = vector.broadcast %sub3A_181 : f32 to vector<1024x1xf32>
      %sub3A_183 = arith.subf %sub3A_182, %broadcast_in_dim3A_170 : vector<1024x1xf32>
      %jit3A_184 = arith.constant 0.000000e+00 : f32
      %max3A_185 = vector.broadcast %jit3A_184 : f32 to vector<1024x1xf32>
      %max3A_186 = arith.maximumf %max3A_185, %sub3A_183 : vector<1024x1xf32>
      %min3A_187 = arith.minimumf %broadcast_in_dim3A_180, %max3A_186 : vector<1024x1xf32>
      %lt3A_188 = arith.constant 5.000000e-01 : f32
      %lt3A_189 = vector.broadcast %lt3A_188 : f32 to vector<1024x1xf32>
      %lt3A_190 = arith.cmpf olt, %broadcast_in_dim3A_173, %lt3A_189 : vector<1024x1xf32>
      %broadcast_in_dim3A_191 = arith.constant 1.000000e+00 : f32
      %broadcast_in_dim3A_192 = vector.broadcast %broadcast_in_dim3A_191 : f32 to vector<1024x1xf32>
      %lt3A_193 = arith.constant 1.500000e+00 : f32
      %lt3A_194 = vector.broadcast %lt3A_193 : f32 to vector<1024x1xf32>
      %lt3A_195 = arith.cmpf olt, %broadcast_in_dim3A_173, %lt3A_194 : vector<1024x1xf32>
      %sub3A_196 = arith.constant 1.500000e+00 : f32
      %sub3A_197 = vector.broadcast %sub3A_196 : f32 to vector<1024x1xf32>
      %sub3A_198 = arith.subf %sub3A_197, %broadcast_in_dim3A_173 : vector<1024x1xf32>
      %broadcast_in_dim3A_199 = arith.constant 0.000000e+00 : f32
      %broadcast_in_dim3A_200 = vector.broadcast %broadcast_in_dim3A_199 : f32 to vector<1024x1xf32>
      %select_n3A_201 = arith.select %lt3A_195, %sub3A_198, %broadcast_in_dim3A_200 : vector<1024x1xi1>, vector<1024x1xf32>
      %select_n3A_202 = arith.select %lt3A_190, %broadcast_in_dim3A_192, %select_n3A_201 : vector<1024x1xi1>, vector<1024x1xf32>
      %div3A_203 = arith.constant 5.000000e-01 : f32
      %div3A_204 = vector.broadcast %div3A_203 : f32 to vector<1024x1xf32>
      %div3A_205 = arith.divf %broadcast_in_dim3A_173, %div3A_204 : vector<1024x1xf32>
      %integer_pow3A_206 = arith.mulf %div3A_205, %div3A_205 : vector<1024x1xf32>
      %neg3A_207 = arith.constant 0.000000e+00 : f32
      %neg3A_208 = vector.broadcast %neg3A_207 : f32 to vector<1024x1xf32>
      %neg3A_209 = arith.subf %neg3A_208, %integer_pow3A_206 : vector<1024x1xf32>
      %exp3A_210 = math.exp %neg3A_209 : vector<1024x1xf32>
      %sub3A_211 = arith.constant 3.000000e+00 : f32
      %sub3A_212 = vector.broadcast %sub3A_211 : f32 to vector<1024x1xf32>
      %sub3A_213 = arith.subf %broadcast_in_dim3A_173, %sub3A_212 : vector<1024x1xf32>
      %div3A_214 = arith.constant 2.000000e+00 : f32
      %div3A_215 = vector.broadcast %div3A_214 : f32 to vector<1024x1xf32>
      %div3A_216 = arith.divf %sub3A_213, %div3A_215 : vector<1024x1xf32>
      %integer_pow3A_217 = arith.mulf %div3A_216, %div3A_216 : vector<1024x1xf32>
      %neg3A_218 = arith.constant 0.000000e+00 : f32
      %neg3A_219 = vector.broadcast %neg3A_218 : f32 to vector<1024x1xf32>
      %neg3A_220 = arith.subf %neg3A_219, %integer_pow3A_217 : vector<1024x1xf32>
      %exp3A_221 = math.exp %neg3A_220 : vector<1024x1xf32>
      %mul3A_222 = vector.broadcast %get3A_70 : f32 to vector<1024x1xf32>
      %mul3A_223 = arith.mulf %mul3A_222, %select_n3A_202 : vector<1024x1xf32>
      %mul3A_224 = vector.broadcast %get3A_73 : f32 to vector<1024x1xf32>
      %mul3A_225 = arith.mulf %mul3A_224, %exp3A_210 : vector<1024x1xf32>
      %add3A_226 = arith.addf %mul3A_223, %mul3A_225 : vector<1024x1xf32>
      %mul3A_227 = vector.broadcast %get3A_76 : f32 to vector<1024x1xf32>
      %mul3A_228 = arith.mulf %mul3A_227, %exp3A_221 : vector<1024x1xf32>
      %add3A_229 = arith.addf %add3A_226, %mul3A_228 : vector<1024x1xf32>
      %lt3A_230 = arith.constant 8.000000e+00 : f32
      %lt3A_231 = vector.broadcast %lt3A_230 : f32 to vector<1024x1xf32>
      %lt3A_232 = arith.cmpf olt, %broadcast_in_dim3A_173, %lt3A_231 : vector<1024x1xf32>
      %broadcast_in_dim3A_233 = arith.constant 0.000000e+00 : f32
      %broadcast_in_dim3A_234 = vector.broadcast %broadcast_in_dim3A_233 : f32 to vector<1024x1xf32>
      %select_n3A_235 = arith.select %lt3A_232, %add3A_229, %broadcast_in_dim3A_234 : vector<1024x1xi1>, vector<1024x1xf32>
      %mul3A_236 = arith.mulf %min3A_187, %select_n3A_235 : vector<1024x1xf32>
      %add3A_237 = arith.addf %broadcast_in_dim3A_168, %mul3A_236 : vector<1024x1xf32>
      %add3A_238 = arith.addf %broadcast_in_dim3A_170, %min3A_187 : vector<1024x1xf32>
      %eq3A_239 = vector.broadcast %broadcast_in_dim3A_173 : vector<1024x1xf32> to vector<1024x128xf32>
      %eq3A_240 = arith.cmpf oeq, %select_n3A_166, %eq3A_239 : vector<1024x128xf32>
      %jit3A_241 = arith.constant 2.000000e+09 : f32
      %broadcast_in_dim3A_242 = vector.broadcast %jit3A_241 : f32 to vector<1024x128xf32>
      %select_n3A_243 = arith.select %eq3A_240, %broadcast_in_dim3A_242, %select_n3A_166 : vector<1024x128xi1>, vector<1024x128xf32>
      %reduce_min3A_244 = arith.constant dense<0x7F800000> : vector<1024xf32>
      %reduce_min3A_245 = vector.multi_reduction <minimumf>, %select_n3A_243, %reduce_min3A_244 [1] : vector<1024x128xf32> to vector<1024xf32>
      %broadcast_in_dim3A_246 = vector.shape_cast %reduce_min3A_245 : vector<1024xf32> to vector<1024x1xf32>
      %eq3A_247 = vector.broadcast %broadcast_in_dim3A_246 : vector<1024x1xf32> to vector<1024x128xf32>
      %eq3A_248 = arith.cmpf oeq, %select_n3A_243, %eq3A_247 : vector<1024x128xf32>
      %convert_element_type3A_249 = arith.extui %eq3A_248 : vector<1024x128xi1> to vector<1024x128xi32>
      %convert_element_type3A_250 = arith.sitofp %convert_element_type3A_249 : vector<1024x128xi32> to vector<1024x128xf32>
      %reduce_sum3A_251 = arith.constant dense<0.000000e+00> : vector<1024xf32>
      %reduce_sum3A_252 = vector.multi_reduction <add>, %convert_element_type3A_250, %reduce_sum3A_251 [1] : vector<1024x128xf32> to vector<1024xf32>
      %broadcast_in_dim3A_253 = vector.shape_cast %reduce_sum3A_252 : vector<1024xf32> to vector<1024x1xf32>
      %sub3A_254 = arith.constant 1.600000e+01 : f32
      %sub3A_255 = vector.broadcast %sub3A_254 : f32 to vector<1024x1xf32>
      %sub3A_256 = arith.subf %sub3A_255, %add3A_238 : vector<1024x1xf32>
      %jit3A_257 = arith.constant 0.000000e+00 : f32
      %max3A_258 = vector.broadcast %jit3A_257 : f32 to vector<1024x1xf32>
      %max3A_259 = arith.maximumf %max3A_258, %sub3A_256 : vector<1024x1xf32>
      %min3A_260 = arith.minimumf %broadcast_in_dim3A_253, %max3A_259 : vector<1024x1xf32>
      %lt3A_261 = arith.constant 5.000000e-01 : f32
      %lt3A_262 = vector.broadcast %lt3A_261 : f32 to vector<1024x1xf32>
      %lt3A_263 = arith.cmpf olt, %broadcast_in_dim3A_246, %lt3A_262 : vector<1024x1xf32>
      %broadcast_in_dim3A_264 = arith.constant 1.000000e+00 : f32
      %broadcast_in_dim3A_265 = vector.broadcast %broadcast_in_dim3A_264 : f32 to vector<1024x1xf32>
      %lt3A_266 = arith.constant 1.500000e+00 : f32
      %lt3A_267 = vector.broadcast %lt3A_266 : f32 to vector<1024x1xf32>
      %lt3A_268 = arith.cmpf olt, %broadcast_in_dim3A_246, %lt3A_267 : vector<1024x1xf32>
      %sub3A_269 = arith.constant 1.500000e+00 : f32
      %sub3A_270 = vector.broadcast %sub3A_269 : f32 to vector<1024x1xf32>
      %sub3A_271 = arith.subf %sub3A_270, %broadcast_in_dim3A_246 : vector<1024x1xf32>
      %broadcast_in_dim3A_272 = arith.constant 0.000000e+00 : f32
      %broadcast_in_dim3A_273 = vector.broadcast %broadcast_in_dim3A_272 : f32 to vector<1024x1xf32>
      %select_n3A_274 = arith.select %lt3A_268, %sub3A_271, %broadcast_in_dim3A_273 : vector<1024x1xi1>, vector<1024x1xf32>
      %select_n3A_275 = arith.select %lt3A_263, %broadcast_in_dim3A_265, %select_n3A_274 : vector<1024x1xi1>, vector<1024x1xf32>
      %div3A_276 = arith.constant 5.000000e-01 : f32
      %div3A_277 = vector.broadcast %div3A_276 : f32 to vector<1024x1xf32>
      %div3A_278 = arith.divf %broadcast_in_dim3A_246, %div3A_277 : vector<1024x1xf32>
      %integer_pow3A_279 = arith.mulf %div3A_278, %div3A_278 : vector<1024x1xf32>
      %neg3A_280 = arith.constant 0.000000e+00 : f32
      %neg3A_281 = vector.broadcast %neg3A_280 : f32 to vector<1024x1xf32>
      %neg3A_282 = arith.subf %neg3A_281, %integer_pow3A_279 : vector<1024x1xf32>
      %exp3A_283 = math.exp %neg3A_282 : vector<1024x1xf32>
      %sub3A_284 = arith.constant 3.000000e+00 : f32
      %sub3A_285 = vector.broadcast %sub3A_284 : f32 to vector<1024x1xf32>
      %sub3A_286 = arith.subf %broadcast_in_dim3A_246, %sub3A_285 : vector<1024x1xf32>
      %div3A_287 = arith.constant 2.000000e+00 : f32
      %div3A_288 = vector.broadcast %div3A_287 : f32 to vector<1024x1xf32>
      %div3A_289 = arith.divf %sub3A_286, %div3A_288 : vector<1024x1xf32>
      %integer_pow3A_290 = arith.mulf %div3A_289, %div3A_289 : vector<1024x1xf32>
      %neg3A_291 = arith.constant 0.000000e+00 : f32
      %neg3A_292 = vector.broadcast %neg3A_291 : f32 to vector<1024x1xf32>
      %neg3A_293 = arith.subf %neg3A_292, %integer_pow3A_290 : vector<1024x1xf32>
      %exp3A_294 = math.exp %neg3A_293 : vector<1024x1xf32>
      %mul3A_295 = vector.broadcast %get3A_70 : f32 to vector<1024x1xf32>
      %mul3A_296 = arith.mulf %mul3A_295, %select_n3A_275 : vector<1024x1xf32>
      %mul3A_297 = vector.broadcast %get3A_73 : f32 to vector<1024x1xf32>
      %mul3A_298 = arith.mulf %mul3A_297, %exp3A_283 : vector<1024x1xf32>
      %add3A_299 = arith.addf %mul3A_296, %mul3A_298 : vector<1024x1xf32>
      %mul3A_300 = vector.broadcast %get3A_76 : f32 to vector<1024x1xf32>
      %mul3A_301 = arith.mulf %mul3A_300, %exp3A_294 : vector<1024x1xf32>
      %add3A_302 = arith.addf %add3A_299, %mul3A_301 : vector<1024x1xf32>
      %lt3A_303 = arith.constant 8.000000e+00 : f32
      %lt3A_304 = vector.broadcast %lt3A_303 : f32 to vector<1024x1xf32>
      %lt3A_305 = arith.cmpf olt, %broadcast_in_dim3A_246, %lt3A_304 : vector<1024x1xf32>
      %broadcast_in_dim3A_306 = arith.constant 0.000000e+00 : f32
      %broadcast_in_dim3A_307 = vector.broadcast %broadcast_in_dim3A_306 : f32 to vector<1024x1xf32>
      %select_n3A_308 = arith.select %lt3A_305, %add3A_302, %broadcast_in_dim3A_307 : vector<1024x1xi1>, vector<1024x1xf32>
      %mul3A_309 = arith.mulf %min3A_260, %select_n3A_308 : vector<1024x1xf32>
      %add3A_310 = arith.addf %add3A_237, %mul3A_309 : vector<1024x1xf32>
      %add3A_311 = arith.addf %add3A_238, %min3A_260 : vector<1024x1xf32>
      %eq3A_312 = vector.broadcast %broadcast_in_dim3A_246 : vector<1024x1xf32> to vector<1024x128xf32>
      %eq3A_313 = arith.cmpf oeq, %select_n3A_243, %eq3A_312 : vector<1024x128xf32>
      %jit3A_314 = arith.constant 2.000000e+09 : f32
      %broadcast_in_dim3A_315 = vector.broadcast %jit3A_314 : f32 to vector<1024x128xf32>
      %select_n3A_316 = arith.select %eq3A_313, %broadcast_in_dim3A_315, %select_n3A_243 : vector<1024x128xi1>, vector<1024x128xf32>
      %reduce_min3A_317 = arith.constant dense<0x7F800000> : vector<1024xf32>
      %reduce_min3A_318 = vector.multi_reduction <minimumf>, %select_n3A_316, %reduce_min3A_317 [1] : vector<1024x128xf32> to vector<1024xf32>
      %broadcast_in_dim3A_319 = vector.shape_cast %reduce_min3A_318 : vector<1024xf32> to vector<1024x1xf32>
      %eq3A_320 = vector.broadcast %broadcast_in_dim3A_319 : vector<1024x1xf32> to vector<1024x128xf32>
      %eq3A_321 = arith.cmpf oeq, %select_n3A_316, %eq3A_320 : vector<1024x128xf32>
      %convert_element_type3A_322 = arith.extui %eq3A_321 : vector<1024x128xi1> to vector<1024x128xi32>
      %convert_element_type3A_323 = arith.sitofp %convert_element_type3A_322 : vector<1024x128xi32> to vector<1024x128xf32>
      %reduce_sum3A_324 = arith.constant dense<0.000000e+00> : vector<1024xf32>
      %reduce_sum3A_325 = vector.multi_reduction <add>, %convert_element_type3A_323, %reduce_sum3A_324 [1] : vector<1024x128xf32> to vector<1024xf32>
      %broadcast_in_dim3A_326 = vector.shape_cast %reduce_sum3A_325 : vector<1024xf32> to vector<1024x1xf32>
      %sub3A_327 = arith.constant 1.600000e+01 : f32
      %sub3A_328 = vector.broadcast %sub3A_327 : f32 to vector<1024x1xf32>
      %sub3A_329 = arith.subf %sub3A_328, %add3A_311 : vector<1024x1xf32>
      %jit3A_330 = arith.constant 0.000000e+00 : f32
      %max3A_331 = vector.broadcast %jit3A_330 : f32 to vector<1024x1xf32>
      %max3A_332 = arith.maximumf %max3A_331, %sub3A_329 : vector<1024x1xf32>
      %min3A_333 = arith.minimumf %broadcast_in_dim3A_326, %max3A_332 : vector<1024x1xf32>
      %lt3A_334 = arith.constant 5.000000e-01 : f32
      %lt3A_335 = vector.broadcast %lt3A_334 : f32 to vector<1024x1xf32>
      %lt3A_336 = arith.cmpf olt, %broadcast_in_dim3A_319, %lt3A_335 : vector<1024x1xf32>
      %broadcast_in_dim3A_337 = arith.constant 1.000000e+00 : f32
      %broadcast_in_dim3A_338 = vector.broadcast %broadcast_in_dim3A_337 : f32 to vector<1024x1xf32>
      %lt3A_339 = arith.constant 1.500000e+00 : f32
      %lt3A_340 = vector.broadcast %lt3A_339 : f32 to vector<1024x1xf32>
      %lt3A_341 = arith.cmpf olt, %broadcast_in_dim3A_319, %lt3A_340 : vector<1024x1xf32>
      %sub3A_342 = arith.constant 1.500000e+00 : f32
      %sub3A_343 = vector.broadcast %sub3A_342 : f32 to vector<1024x1xf32>
      %sub3A_344 = arith.subf %sub3A_343, %broadcast_in_dim3A_319 : vector<1024x1xf32>
      %broadcast_in_dim3A_345 = arith.constant 0.000000e+00 : f32
      %broadcast_in_dim3A_346 = vector.broadcast %broadcast_in_dim3A_345 : f32 to vector<1024x1xf32>
      %select_n3A_347 = arith.select %lt3A_341, %sub3A_344, %broadcast_in_dim3A_346 : vector<1024x1xi1>, vector<1024x1xf32>
      %select_n3A_348 = arith.select %lt3A_336, %broadcast_in_dim3A_338, %select_n3A_347 : vector<1024x1xi1>, vector<1024x1xf32>
      %div3A_349 = arith.constant 5.000000e-01 : f32
      %div3A_350 = vector.broadcast %div3A_349 : f32 to vector<1024x1xf32>
      %div3A_351 = arith.divf %broadcast_in_dim3A_319, %div3A_350 : vector<1024x1xf32>
      %integer_pow3A_352 = arith.mulf %div3A_351, %div3A_351 : vector<1024x1xf32>
      %neg3A_353 = arith.constant 0.000000e+00 : f32
      %neg3A_354 = vector.broadcast %neg3A_353 : f32 to vector<1024x1xf32>
      %neg3A_355 = arith.subf %neg3A_354, %integer_pow3A_352 : vector<1024x1xf32>
      %exp3A_356 = math.exp %neg3A_355 : vector<1024x1xf32>
      %sub3A_357 = arith.constant 3.000000e+00 : f32
      %sub3A_358 = vector.broadcast %sub3A_357 : f32 to vector<1024x1xf32>
      %sub3A_359 = arith.subf %broadcast_in_dim3A_319, %sub3A_358 : vector<1024x1xf32>
      %div3A_360 = arith.constant 2.000000e+00 : f32
      %div3A_361 = vector.broadcast %div3A_360 : f32 to vector<1024x1xf32>
      %div3A_362 = arith.divf %sub3A_359, %div3A_361 : vector<1024x1xf32>
      %integer_pow3A_363 = arith.mulf %div3A_362, %div3A_362 : vector<1024x1xf32>
      %neg3A_364 = arith.constant 0.000000e+00 : f32
      %neg3A_365 = vector.broadcast %neg3A_364 : f32 to vector<1024x1xf32>
      %neg3A_366 = arith.subf %neg3A_365, %integer_pow3A_363 : vector<1024x1xf32>
      %exp3A_367 = math.exp %neg3A_366 : vector<1024x1xf32>
      %mul3A_368 = vector.broadcast %get3A_70 : f32 to vector<1024x1xf32>
      %mul3A_369 = arith.mulf %mul3A_368, %select_n3A_348 : vector<1024x1xf32>
      %mul3A_370 = vector.broadcast %get3A_73 : f32 to vector<1024x1xf32>
      %mul3A_371 = arith.mulf %mul3A_370, %exp3A_356 : vector<1024x1xf32>
      %add3A_372 = arith.addf %mul3A_369, %mul3A_371 : vector<1024x1xf32>
      %mul3A_373 = vector.broadcast %get3A_76 : f32 to vector<1024x1xf32>
      %mul3A_374 = arith.mulf %mul3A_373, %exp3A_367 : vector<1024x1xf32>
      %add3A_375 = arith.addf %add3A_372, %mul3A_374 : vector<1024x1xf32>
      %lt3A_376 = arith.constant 8.000000e+00 : f32
      %lt3A_377 = vector.broadcast %lt3A_376 : f32 to vector<1024x1xf32>
      %lt3A_378 = arith.cmpf olt, %broadcast_in_dim3A_319, %lt3A_377 : vector<1024x1xf32>
      %broadcast_in_dim3A_379 = arith.constant 0.000000e+00 : f32
      %broadcast_in_dim3A_380 = vector.broadcast %broadcast_in_dim3A_379 : f32 to vector<1024x1xf32>
      %select_n3A_381 = arith.select %lt3A_378, %add3A_375, %broadcast_in_dim3A_380 : vector<1024x1xi1>, vector<1024x1xf32>
      %mul3A_382 = arith.mulf %min3A_333, %select_n3A_381 : vector<1024x1xf32>
      %add3A_383 = arith.addf %add3A_310, %mul3A_382 : vector<1024x1xf32>
      %add3A_384 = arith.addf %add3A_311, %min3A_333 : vector<1024x1xf32>
      %eq3A_385 = vector.broadcast %broadcast_in_dim3A_319 : vector<1024x1xf32> to vector<1024x128xf32>
      %eq3A_386 = arith.cmpf oeq, %select_n3A_316, %eq3A_385 : vector<1024x128xf32>
      %jit3A_387 = arith.constant 2.000000e+09 : f32
      %broadcast_in_dim3A_388 = vector.broadcast %jit3A_387 : f32 to vector<1024x128xf32>
      %select_n3A_389 = arith.select %eq3A_386, %broadcast_in_dim3A_388, %select_n3A_316 : vector<1024x128xi1>, vector<1024x128xf32>
      %reduce_min3A_390 = arith.constant dense<0x7F800000> : vector<1024xf32>
      %reduce_min3A_391 = vector.multi_reduction <minimumf>, %select_n3A_389, %reduce_min3A_390 [1] : vector<1024x128xf32> to vector<1024xf32>
      %broadcast_in_dim3A_392 = vector.shape_cast %reduce_min3A_391 : vector<1024xf32> to vector<1024x1xf32>
      %eq3A_393 = vector.broadcast %broadcast_in_dim3A_392 : vector<1024x1xf32> to vector<1024x128xf32>
      %eq3A_394 = arith.cmpf oeq, %select_n3A_389, %eq3A_393 : vector<1024x128xf32>
      %convert_element_type3A_395 = arith.extui %eq3A_394 : vector<1024x128xi1> to vector<1024x128xi32>
      %convert_element_type3A_396 = arith.sitofp %convert_element_type3A_395 : vector<1024x128xi32> to vector<1024x128xf32>
      %reduce_sum3A_397 = arith.constant dense<0.000000e+00> : vector<1024xf32>
      %reduce_sum3A_398 = vector.multi_reduction <add>, %convert_element_type3A_396, %reduce_sum3A_397 [1] : vector<1024x128xf32> to vector<1024xf32>
      %broadcast_in_dim3A_399 = vector.shape_cast %reduce_sum3A_398 : vector<1024xf32> to vector<1024x1xf32>
      %sub3A_400 = arith.constant 1.600000e+01 : f32
      %sub3A_401 = vector.broadcast %sub3A_400 : f32 to vector<1024x1xf32>
      %sub3A_402 = arith.subf %sub3A_401, %add3A_384 : vector<1024x1xf32>
      %jit3A_403 = arith.constant 0.000000e+00 : f32
      %max3A_404 = vector.broadcast %jit3A_403 : f32 to vector<1024x1xf32>
      %max3A_405 = arith.maximumf %max3A_404, %sub3A_402 : vector<1024x1xf32>
      %min3A_406 = arith.minimumf %broadcast_in_dim3A_399, %max3A_405 : vector<1024x1xf32>
      %lt3A_407 = arith.constant 5.000000e-01 : f32
      %lt3A_408 = vector.broadcast %lt3A_407 : f32 to vector<1024x1xf32>
      %lt3A_409 = arith.cmpf olt, %broadcast_in_dim3A_392, %lt3A_408 : vector<1024x1xf32>
      %broadcast_in_dim3A_410 = arith.constant 1.000000e+00 : f32
      %broadcast_in_dim3A_411 = vector.broadcast %broadcast_in_dim3A_410 : f32 to vector<1024x1xf32>
      %lt3A_412 = arith.constant 1.500000e+00 : f32
      %lt3A_413 = vector.broadcast %lt3A_412 : f32 to vector<1024x1xf32>
      %lt3A_414 = arith.cmpf olt, %broadcast_in_dim3A_392, %lt3A_413 : vector<1024x1xf32>
      %sub3A_415 = arith.constant 1.500000e+00 : f32
      %sub3A_416 = vector.broadcast %sub3A_415 : f32 to vector<1024x1xf32>
      %sub3A_417 = arith.subf %sub3A_416, %broadcast_in_dim3A_392 : vector<1024x1xf32>
      %broadcast_in_dim3A_418 = arith.constant 0.000000e+00 : f32
      %broadcast_in_dim3A_419 = vector.broadcast %broadcast_in_dim3A_418 : f32 to vector<1024x1xf32>
      %select_n3A_420 = arith.select %lt3A_414, %sub3A_417, %broadcast_in_dim3A_419 : vector<1024x1xi1>, vector<1024x1xf32>
      %select_n3A_421 = arith.select %lt3A_409, %broadcast_in_dim3A_411, %select_n3A_420 : vector<1024x1xi1>, vector<1024x1xf32>
      %div3A_422 = arith.constant 5.000000e-01 : f32
      %div3A_423 = vector.broadcast %div3A_422 : f32 to vector<1024x1xf32>
      %div3A_424 = arith.divf %broadcast_in_dim3A_392, %div3A_423 : vector<1024x1xf32>
      %integer_pow3A_425 = arith.mulf %div3A_424, %div3A_424 : vector<1024x1xf32>
      %neg3A_426 = arith.constant 0.000000e+00 : f32
      %neg3A_427 = vector.broadcast %neg3A_426 : f32 to vector<1024x1xf32>
      %neg3A_428 = arith.subf %neg3A_427, %integer_pow3A_425 : vector<1024x1xf32>
      %exp3A_429 = math.exp %neg3A_428 : vector<1024x1xf32>
      %sub3A_430 = arith.constant 3.000000e+00 : f32
      %sub3A_431 = vector.broadcast %sub3A_430 : f32 to vector<1024x1xf32>
      %sub3A_432 = arith.subf %broadcast_in_dim3A_392, %sub3A_431 : vector<1024x1xf32>
      %div3A_433 = arith.constant 2.000000e+00 : f32
      %div3A_434 = vector.broadcast %div3A_433 : f32 to vector<1024x1xf32>
      %div3A_435 = arith.divf %sub3A_432, %div3A_434 : vector<1024x1xf32>
      %integer_pow3A_436 = arith.mulf %div3A_435, %div3A_435 : vector<1024x1xf32>
      %neg3A_437 = arith.constant 0.000000e+00 : f32
      %neg3A_438 = vector.broadcast %neg3A_437 : f32 to vector<1024x1xf32>
      %neg3A_439 = arith.subf %neg3A_438, %integer_pow3A_436 : vector<1024x1xf32>
      %exp3A_440 = math.exp %neg3A_439 : vector<1024x1xf32>
      %mul3A_441 = vector.broadcast %get3A_70 : f32 to vector<1024x1xf32>
      %mul3A_442 = arith.mulf %mul3A_441, %select_n3A_421 : vector<1024x1xf32>
      %mul3A_443 = vector.broadcast %get3A_73 : f32 to vector<1024x1xf32>
      %mul3A_444 = arith.mulf %mul3A_443, %exp3A_429 : vector<1024x1xf32>
      %add3A_445 = arith.addf %mul3A_442, %mul3A_444 : vector<1024x1xf32>
      %mul3A_446 = vector.broadcast %get3A_76 : f32 to vector<1024x1xf32>
      %mul3A_447 = arith.mulf %mul3A_446, %exp3A_440 : vector<1024x1xf32>
      %add3A_448 = arith.addf %add3A_445, %mul3A_447 : vector<1024x1xf32>
      %lt3A_449 = arith.constant 8.000000e+00 : f32
      %lt3A_450 = vector.broadcast %lt3A_449 : f32 to vector<1024x1xf32>
      %lt3A_451 = arith.cmpf olt, %broadcast_in_dim3A_392, %lt3A_450 : vector<1024x1xf32>
      %broadcast_in_dim3A_452 = arith.constant 0.000000e+00 : f32
      %broadcast_in_dim3A_453 = vector.broadcast %broadcast_in_dim3A_452 : f32 to vector<1024x1xf32>
      %select_n3A_454 = arith.select %lt3A_451, %add3A_448, %broadcast_in_dim3A_453 : vector<1024x1xi1>, vector<1024x1xf32>
      %mul3A_455 = arith.mulf %min3A_406, %select_n3A_454 : vector<1024x1xf32>
      %add3A_456 = arith.addf %add3A_383, %mul3A_455 : vector<1024x1xf32>
      %add3A_457 = arith.addf %add3A_384, %min3A_406 : vector<1024x1xf32>
      %eq3A_458 = vector.broadcast %broadcast_in_dim3A_392 : vector<1024x1xf32> to vector<1024x128xf32>
      %eq3A_459 = arith.cmpf oeq, %select_n3A_389, %eq3A_458 : vector<1024x128xf32>
      %jit3A_460 = arith.constant 2.000000e+09 : f32
      %broadcast_in_dim3A_461 = vector.broadcast %jit3A_460 : f32 to vector<1024x128xf32>
      %select_n3A_462 = arith.select %eq3A_459, %broadcast_in_dim3A_461, %select_n3A_389 : vector<1024x128xi1>, vector<1024x128xf32>
      %reduce_min3A_463 = arith.constant dense<0x7F800000> : vector<1024xf32>
      %reduce_min3A_464 = vector.multi_reduction <minimumf>, %select_n3A_462, %reduce_min3A_463 [1] : vector<1024x128xf32> to vector<1024xf32>
      %broadcast_in_dim3A_465 = vector.shape_cast %reduce_min3A_464 : vector<1024xf32> to vector<1024x1xf32>
      %eq3A_466 = vector.broadcast %broadcast_in_dim3A_465 : vector<1024x1xf32> to vector<1024x128xf32>
      %eq3A_467 = arith.cmpf oeq, %select_n3A_462, %eq3A_466 : vector<1024x128xf32>
      %convert_element_type3A_468 = arith.extui %eq3A_467 : vector<1024x128xi1> to vector<1024x128xi32>
      %convert_element_type3A_469 = arith.sitofp %convert_element_type3A_468 : vector<1024x128xi32> to vector<1024x128xf32>
      %reduce_sum3A_470 = arith.constant dense<0.000000e+00> : vector<1024xf32>
      %reduce_sum3A_471 = vector.multi_reduction <add>, %convert_element_type3A_469, %reduce_sum3A_470 [1] : vector<1024x128xf32> to vector<1024xf32>
      %broadcast_in_dim3A_472 = vector.shape_cast %reduce_sum3A_471 : vector<1024xf32> to vector<1024x1xf32>
      %sub3A_473 = arith.constant 1.600000e+01 : f32
      %sub3A_474 = vector.broadcast %sub3A_473 : f32 to vector<1024x1xf32>
      %sub3A_475 = arith.subf %sub3A_474, %add3A_457 : vector<1024x1xf32>
      %jit3A_476 = arith.constant 0.000000e+00 : f32
      %max3A_477 = vector.broadcast %jit3A_476 : f32 to vector<1024x1xf32>
      %max3A_478 = arith.maximumf %max3A_477, %sub3A_475 : vector<1024x1xf32>
      %min3A_479 = arith.minimumf %broadcast_in_dim3A_472, %max3A_478 : vector<1024x1xf32>
      %lt3A_480 = arith.constant 5.000000e-01 : f32
      %lt3A_481 = vector.broadcast %lt3A_480 : f32 to vector<1024x1xf32>
      %lt3A_482 = arith.cmpf olt, %broadcast_in_dim3A_465, %lt3A_481 : vector<1024x1xf32>
      %broadcast_in_dim3A_483 = arith.constant 1.000000e+00 : f32
      %broadcast_in_dim3A_484 = vector.broadcast %broadcast_in_dim3A_483 : f32 to vector<1024x1xf32>
      %lt3A_485 = arith.constant 1.500000e+00 : f32
      %lt3A_486 = vector.broadcast %lt3A_485 : f32 to vector<1024x1xf32>
      %lt3A_487 = arith.cmpf olt, %broadcast_in_dim3A_465, %lt3A_486 : vector<1024x1xf32>
      %sub3A_488 = arith.constant 1.500000e+00 : f32
      %sub3A_489 = vector.broadcast %sub3A_488 : f32 to vector<1024x1xf32>
      %sub3A_490 = arith.subf %sub3A_489, %broadcast_in_dim3A_465 : vector<1024x1xf32>
      %broadcast_in_dim3A_491 = arith.constant 0.000000e+00 : f32
      %broadcast_in_dim3A_492 = vector.broadcast %broadcast_in_dim3A_491 : f32 to vector<1024x1xf32>
      %select_n3A_493 = arith.select %lt3A_487, %sub3A_490, %broadcast_in_dim3A_492 : vector<1024x1xi1>, vector<1024x1xf32>
      %select_n3A_494 = arith.select %lt3A_482, %broadcast_in_dim3A_484, %select_n3A_493 : vector<1024x1xi1>, vector<1024x1xf32>
      %div3A_495 = arith.constant 5.000000e-01 : f32
      %div3A_496 = vector.broadcast %div3A_495 : f32 to vector<1024x1xf32>
      %div3A_497 = arith.divf %broadcast_in_dim3A_465, %div3A_496 : vector<1024x1xf32>
      %integer_pow3A_498 = arith.mulf %div3A_497, %div3A_497 : vector<1024x1xf32>
      %neg3A_499 = arith.constant 0.000000e+00 : f32
      %neg3A_500 = vector.broadcast %neg3A_499 : f32 to vector<1024x1xf32>
      %neg3A_501 = arith.subf %neg3A_500, %integer_pow3A_498 : vector<1024x1xf32>
      %exp3A_502 = math.exp %neg3A_501 : vector<1024x1xf32>
      %sub3A_503 = arith.constant 3.000000e+00 : f32
      %sub3A_504 = vector.broadcast %sub3A_503 : f32 to vector<1024x1xf32>
      %sub3A_505 = arith.subf %broadcast_in_dim3A_465, %sub3A_504 : vector<1024x1xf32>
      %div3A_506 = arith.constant 2.000000e+00 : f32
      %div3A_507 = vector.broadcast %div3A_506 : f32 to vector<1024x1xf32>
      %div3A_508 = arith.divf %sub3A_505, %div3A_507 : vector<1024x1xf32>
      %integer_pow3A_509 = arith.mulf %div3A_508, %div3A_508 : vector<1024x1xf32>
      %neg3A_510 = arith.constant 0.000000e+00 : f32
      %neg3A_511 = vector.broadcast %neg3A_510 : f32 to vector<1024x1xf32>
      %neg3A_512 = arith.subf %neg3A_511, %integer_pow3A_509 : vector<1024x1xf32>
      %exp3A_513 = math.exp %neg3A_512 : vector<1024x1xf32>
      %mul3A_514 = vector.broadcast %get3A_70 : f32 to vector<1024x1xf32>
      %mul3A_515 = arith.mulf %mul3A_514, %select_n3A_494 : vector<1024x1xf32>
      %mul3A_516 = vector.broadcast %get3A_73 : f32 to vector<1024x1xf32>
      %mul3A_517 = arith.mulf %mul3A_516, %exp3A_502 : vector<1024x1xf32>
      %add3A_518 = arith.addf %mul3A_515, %mul3A_517 : vector<1024x1xf32>
      %mul3A_519 = vector.broadcast %get3A_76 : f32 to vector<1024x1xf32>
      %mul3A_520 = arith.mulf %mul3A_519, %exp3A_513 : vector<1024x1xf32>
      %add3A_521 = arith.addf %add3A_518, %mul3A_520 : vector<1024x1xf32>
      %lt3A_522 = arith.constant 8.000000e+00 : f32
      %lt3A_523 = vector.broadcast %lt3A_522 : f32 to vector<1024x1xf32>
      %lt3A_524 = arith.cmpf olt, %broadcast_in_dim3A_465, %lt3A_523 : vector<1024x1xf32>
      %broadcast_in_dim3A_525 = arith.constant 0.000000e+00 : f32
      %broadcast_in_dim3A_526 = vector.broadcast %broadcast_in_dim3A_525 : f32 to vector<1024x1xf32>
      %select_n3A_527 = arith.select %lt3A_524, %add3A_521, %broadcast_in_dim3A_526 : vector<1024x1xi1>, vector<1024x1xf32>
      %mul3A_528 = arith.mulf %min3A_479, %select_n3A_527 : vector<1024x1xf32>
      %add3A_529 = arith.addf %add3A_456, %mul3A_528 : vector<1024x1xf32>
      %add3A_530 = arith.addf %add3A_457, %min3A_479 : vector<1024x1xf32>
      %eq3A_531 = vector.broadcast %broadcast_in_dim3A_465 : vector<1024x1xf32> to vector<1024x128xf32>
      %eq3A_532 = arith.cmpf oeq, %select_n3A_462, %eq3A_531 : vector<1024x128xf32>
      %jit3A_533 = arith.constant 2.000000e+09 : f32
      %broadcast_in_dim3A_534 = vector.broadcast %jit3A_533 : f32 to vector<1024x128xf32>
      %select_n3A_535 = arith.select %eq3A_532, %broadcast_in_dim3A_534, %select_n3A_462 : vector<1024x128xi1>, vector<1024x128xf32>
      %reduce_min3A_536 = arith.constant dense<0x7F800000> : vector<1024xf32>
      %reduce_min3A_537 = vector.multi_reduction <minimumf>, %select_n3A_535, %reduce_min3A_536 [1] : vector<1024x128xf32> to vector<1024xf32>
      %broadcast_in_dim3A_538 = vector.shape_cast %reduce_min3A_537 : vector<1024xf32> to vector<1024x1xf32>
      %eq3A_539 = vector.broadcast %broadcast_in_dim3A_538 : vector<1024x1xf32> to vector<1024x128xf32>
      %eq3A_540 = arith.cmpf oeq, %select_n3A_535, %eq3A_539 : vector<1024x128xf32>
      %convert_element_type3A_541 = arith.extui %eq3A_540 : vector<1024x128xi1> to vector<1024x128xi32>
      %convert_element_type3A_542 = arith.sitofp %convert_element_type3A_541 : vector<1024x128xi32> to vector<1024x128xf32>
      %reduce_sum3A_543 = arith.constant dense<0.000000e+00> : vector<1024xf32>
      %reduce_sum3A_544 = vector.multi_reduction <add>, %convert_element_type3A_542, %reduce_sum3A_543 [1] : vector<1024x128xf32> to vector<1024xf32>
      %broadcast_in_dim3A_545 = vector.shape_cast %reduce_sum3A_544 : vector<1024xf32> to vector<1024x1xf32>
      %sub3A_546 = arith.constant 1.600000e+01 : f32
      %sub3A_547 = vector.broadcast %sub3A_546 : f32 to vector<1024x1xf32>
      %sub3A_548 = arith.subf %sub3A_547, %add3A_530 : vector<1024x1xf32>
      %jit3A_549 = arith.constant 0.000000e+00 : f32
      %max3A_550 = vector.broadcast %jit3A_549 : f32 to vector<1024x1xf32>
      %max3A_551 = arith.maximumf %max3A_550, %sub3A_548 : vector<1024x1xf32>
      %min3A_552 = arith.minimumf %broadcast_in_dim3A_545, %max3A_551 : vector<1024x1xf32>
      %lt3A_553 = arith.constant 5.000000e-01 : f32
      %lt3A_554 = vector.broadcast %lt3A_553 : f32 to vector<1024x1xf32>
      %lt3A_555 = arith.cmpf olt, %broadcast_in_dim3A_538, %lt3A_554 : vector<1024x1xf32>
      %broadcast_in_dim3A_556 = arith.constant 1.000000e+00 : f32
      %broadcast_in_dim3A_557 = vector.broadcast %broadcast_in_dim3A_556 : f32 to vector<1024x1xf32>
      %lt3A_558 = arith.constant 1.500000e+00 : f32
      %lt3A_559 = vector.broadcast %lt3A_558 : f32 to vector<1024x1xf32>
      %lt3A_560 = arith.cmpf olt, %broadcast_in_dim3A_538, %lt3A_559 : vector<1024x1xf32>
      %sub3A_561 = arith.constant 1.500000e+00 : f32
      %sub3A_562 = vector.broadcast %sub3A_561 : f32 to vector<1024x1xf32>
      %sub3A_563 = arith.subf %sub3A_562, %broadcast_in_dim3A_538 : vector<1024x1xf32>
      %broadcast_in_dim3A_564 = arith.constant 0.000000e+00 : f32
      %broadcast_in_dim3A_565 = vector.broadcast %broadcast_in_dim3A_564 : f32 to vector<1024x1xf32>
      %select_n3A_566 = arith.select %lt3A_560, %sub3A_563, %broadcast_in_dim3A_565 : vector<1024x1xi1>, vector<1024x1xf32>
      %select_n3A_567 = arith.select %lt3A_555, %broadcast_in_dim3A_557, %select_n3A_566 : vector<1024x1xi1>, vector<1024x1xf32>
      %div3A_568 = arith.constant 5.000000e-01 : f32
      %div3A_569 = vector.broadcast %div3A_568 : f32 to vector<1024x1xf32>
      %div3A_570 = arith.divf %broadcast_in_dim3A_538, %div3A_569 : vector<1024x1xf32>
      %integer_pow3A_571 = arith.mulf %div3A_570, %div3A_570 : vector<1024x1xf32>
      %neg3A_572 = arith.constant 0.000000e+00 : f32
      %neg3A_573 = vector.broadcast %neg3A_572 : f32 to vector<1024x1xf32>
      %neg3A_574 = arith.subf %neg3A_573, %integer_pow3A_571 : vector<1024x1xf32>
      %exp3A_575 = math.exp %neg3A_574 : vector<1024x1xf32>
      %sub3A_576 = arith.constant 3.000000e+00 : f32
      %sub3A_577 = vector.broadcast %sub3A_576 : f32 to vector<1024x1xf32>
      %sub3A_578 = arith.subf %broadcast_in_dim3A_538, %sub3A_577 : vector<1024x1xf32>
      %div3A_579 = arith.constant 2.000000e+00 : f32
      %div3A_580 = vector.broadcast %div3A_579 : f32 to vector<1024x1xf32>
      %div3A_581 = arith.divf %sub3A_578, %div3A_580 : vector<1024x1xf32>
      %integer_pow3A_582 = arith.mulf %div3A_581, %div3A_581 : vector<1024x1xf32>
      %neg3A_583 = arith.constant 0.000000e+00 : f32
      %neg3A_584 = vector.broadcast %neg3A_583 : f32 to vector<1024x1xf32>
      %neg3A_585 = arith.subf %neg3A_584, %integer_pow3A_582 : vector<1024x1xf32>
      %exp3A_586 = math.exp %neg3A_585 : vector<1024x1xf32>
      %mul3A_587 = vector.broadcast %get3A_70 : f32 to vector<1024x1xf32>
      %mul3A_588 = arith.mulf %mul3A_587, %select_n3A_567 : vector<1024x1xf32>
      %mul3A_589 = vector.broadcast %get3A_73 : f32 to vector<1024x1xf32>
      %mul3A_590 = arith.mulf %mul3A_589, %exp3A_575 : vector<1024x1xf32>
      %add3A_591 = arith.addf %mul3A_588, %mul3A_590 : vector<1024x1xf32>
      %mul3A_592 = vector.broadcast %get3A_76 : f32 to vector<1024x1xf32>
      %mul3A_593 = arith.mulf %mul3A_592, %exp3A_586 : vector<1024x1xf32>
      %add3A_594 = arith.addf %add3A_591, %mul3A_593 : vector<1024x1xf32>
      %lt3A_595 = arith.constant 8.000000e+00 : f32
      %lt3A_596 = vector.broadcast %lt3A_595 : f32 to vector<1024x1xf32>
      %lt3A_597 = arith.cmpf olt, %broadcast_in_dim3A_538, %lt3A_596 : vector<1024x1xf32>
      %broadcast_in_dim3A_598 = arith.constant 0.000000e+00 : f32
      %broadcast_in_dim3A_599 = vector.broadcast %broadcast_in_dim3A_598 : f32 to vector<1024x1xf32>
      %select_n3A_600 = arith.select %lt3A_597, %add3A_594, %broadcast_in_dim3A_599 : vector<1024x1xi1>, vector<1024x1xf32>
      %mul3A_601 = arith.mulf %min3A_552, %select_n3A_600 : vector<1024x1xf32>
      %add3A_602 = arith.addf %add3A_529, %mul3A_601 : vector<1024x1xf32>
      %add3A_603 = arith.addf %add3A_530, %min3A_552 : vector<1024x1xf32>
      %eq3A_604 = vector.broadcast %broadcast_in_dim3A_538 : vector<1024x1xf32> to vector<1024x128xf32>
      %eq3A_605 = arith.cmpf oeq, %select_n3A_535, %eq3A_604 : vector<1024x128xf32>
      %jit3A_606 = arith.constant 2.000000e+09 : f32
      %broadcast_in_dim3A_607 = vector.broadcast %jit3A_606 : f32 to vector<1024x128xf32>
      %select_n3A_608 = arith.select %eq3A_605, %broadcast_in_dim3A_607, %select_n3A_535 : vector<1024x128xi1>, vector<1024x128xf32>
      %reduce_min3A_609 = arith.constant dense<0x7F800000> : vector<1024xf32>
      %reduce_min3A_610 = vector.multi_reduction <minimumf>, %select_n3A_608, %reduce_min3A_609 [1] : vector<1024x128xf32> to vector<1024xf32>
      %broadcast_in_dim3A_611 = vector.shape_cast %reduce_min3A_610 : vector<1024xf32> to vector<1024x1xf32>
      %eq3A_612 = vector.broadcast %broadcast_in_dim3A_611 : vector<1024x1xf32> to vector<1024x128xf32>
      %eq3A_613 = arith.cmpf oeq, %select_n3A_608, %eq3A_612 : vector<1024x128xf32>
      %convert_element_type3A_614 = arith.extui %eq3A_613 : vector<1024x128xi1> to vector<1024x128xi32>
      %convert_element_type3A_615 = arith.sitofp %convert_element_type3A_614 : vector<1024x128xi32> to vector<1024x128xf32>
      %reduce_sum3A_616 = arith.constant dense<0.000000e+00> : vector<1024xf32>
      %reduce_sum3A_617 = vector.multi_reduction <add>, %convert_element_type3A_615, %reduce_sum3A_616 [1] : vector<1024x128xf32> to vector<1024xf32>
      %broadcast_in_dim3A_618 = vector.shape_cast %reduce_sum3A_617 : vector<1024xf32> to vector<1024x1xf32>
      %sub3A_619 = arith.constant 1.600000e+01 : f32
      %sub3A_620 = vector.broadcast %sub3A_619 : f32 to vector<1024x1xf32>
      %sub3A_621 = arith.subf %sub3A_620, %add3A_603 : vector<1024x1xf32>
      %jit3A_622 = arith.constant 0.000000e+00 : f32
      %max3A_623 = vector.broadcast %jit3A_622 : f32 to vector<1024x1xf32>
      %max3A_624 = arith.maximumf %max3A_623, %sub3A_621 : vector<1024x1xf32>
      %min3A_625 = arith.minimumf %broadcast_in_dim3A_618, %max3A_624 : vector<1024x1xf32>
      %lt3A_626 = arith.constant 5.000000e-01 : f32
      %lt3A_627 = vector.broadcast %lt3A_626 : f32 to vector<1024x1xf32>
      %lt3A_628 = arith.cmpf olt, %broadcast_in_dim3A_611, %lt3A_627 : vector<1024x1xf32>
      %broadcast_in_dim3A_629 = arith.constant 1.000000e+00 : f32
      %broadcast_in_dim3A_630 = vector.broadcast %broadcast_in_dim3A_629 : f32 to vector<1024x1xf32>
      %lt3A_631 = arith.constant 1.500000e+00 : f32
      %lt3A_632 = vector.broadcast %lt3A_631 : f32 to vector<1024x1xf32>
      %lt3A_633 = arith.cmpf olt, %broadcast_in_dim3A_611, %lt3A_632 : vector<1024x1xf32>
      %sub3A_634 = arith.constant 1.500000e+00 : f32
      %sub3A_635 = vector.broadcast %sub3A_634 : f32 to vector<1024x1xf32>
      %sub3A_636 = arith.subf %sub3A_635, %broadcast_in_dim3A_611 : vector<1024x1xf32>
      %broadcast_in_dim3A_637 = arith.constant 0.000000e+00 : f32
      %broadcast_in_dim3A_638 = vector.broadcast %broadcast_in_dim3A_637 : f32 to vector<1024x1xf32>
      %select_n3A_639 = arith.select %lt3A_633, %sub3A_636, %broadcast_in_dim3A_638 : vector<1024x1xi1>, vector<1024x1xf32>
      %select_n3A_640 = arith.select %lt3A_628, %broadcast_in_dim3A_630, %select_n3A_639 : vector<1024x1xi1>, vector<1024x1xf32>
      %div3A_641 = arith.constant 5.000000e-01 : f32
      %div3A_642 = vector.broadcast %div3A_641 : f32 to vector<1024x1xf32>
      %div3A_643 = arith.divf %broadcast_in_dim3A_611, %div3A_642 : vector<1024x1xf32>
      %integer_pow3A_644 = arith.mulf %div3A_643, %div3A_643 : vector<1024x1xf32>
      %neg3A_645 = arith.constant 0.000000e+00 : f32
      %neg3A_646 = vector.broadcast %neg3A_645 : f32 to vector<1024x1xf32>
      %neg3A_647 = arith.subf %neg3A_646, %integer_pow3A_644 : vector<1024x1xf32>
      %exp3A_648 = math.exp %neg3A_647 : vector<1024x1xf32>
      %sub3A_649 = arith.constant 3.000000e+00 : f32
      %sub3A_650 = vector.broadcast %sub3A_649 : f32 to vector<1024x1xf32>
      %sub3A_651 = arith.subf %broadcast_in_dim3A_611, %sub3A_650 : vector<1024x1xf32>
      %div3A_652 = arith.constant 2.000000e+00 : f32
      %div3A_653 = vector.broadcast %div3A_652 : f32 to vector<1024x1xf32>
      %div3A_654 = arith.divf %sub3A_651, %div3A_653 : vector<1024x1xf32>
      %integer_pow3A_655 = arith.mulf %div3A_654, %div3A_654 : vector<1024x1xf32>
      %neg3A_656 = arith.constant 0.000000e+00 : f32
      %neg3A_657 = vector.broadcast %neg3A_656 : f32 to vector<1024x1xf32>
      %neg3A_658 = arith.subf %neg3A_657, %integer_pow3A_655 : vector<1024x1xf32>
      %exp3A_659 = math.exp %neg3A_658 : vector<1024x1xf32>
      %mul3A_660 = vector.broadcast %get3A_70 : f32 to vector<1024x1xf32>
      %mul3A_661 = arith.mulf %mul3A_660, %select_n3A_640 : vector<1024x1xf32>
      %mul3A_662 = vector.broadcast %get3A_73 : f32 to vector<1024x1xf32>
      %mul3A_663 = arith.mulf %mul3A_662, %exp3A_648 : vector<1024x1xf32>
      %add3A_664 = arith.addf %mul3A_661, %mul3A_663 : vector<1024x1xf32>
      %mul3A_665 = vector.broadcast %get3A_76 : f32 to vector<1024x1xf32>
      %mul3A_666 = arith.mulf %mul3A_665, %exp3A_659 : vector<1024x1xf32>
      %add3A_667 = arith.addf %add3A_664, %mul3A_666 : vector<1024x1xf32>
      %lt3A_668 = arith.constant 8.000000e+00 : f32
      %lt3A_669 = vector.broadcast %lt3A_668 : f32 to vector<1024x1xf32>
      %lt3A_670 = arith.cmpf olt, %broadcast_in_dim3A_611, %lt3A_669 : vector<1024x1xf32>
      %broadcast_in_dim3A_671 = arith.constant 0.000000e+00 : f32
      %broadcast_in_dim3A_672 = vector.broadcast %broadcast_in_dim3A_671 : f32 to vector<1024x1xf32>
      %select_n3A_673 = arith.select %lt3A_670, %add3A_667, %broadcast_in_dim3A_672 : vector<1024x1xi1>, vector<1024x1xf32>
      %mul3A_674 = arith.mulf %min3A_625, %select_n3A_673 : vector<1024x1xf32>
      %add3A_675 = arith.addf %add3A_602, %mul3A_674 : vector<1024x1xf32>
      %add3A_676 = arith.addf %add3A_603, %min3A_625 : vector<1024x1xf32>
      %eq3A_677 = vector.broadcast %broadcast_in_dim3A_611 : vector<1024x1xf32> to vector<1024x128xf32>
      %eq3A_678 = arith.cmpf oeq, %select_n3A_608, %eq3A_677 : vector<1024x128xf32>
      %jit3A_679 = arith.constant 2.000000e+09 : f32
      %broadcast_in_dim3A_680 = vector.broadcast %jit3A_679 : f32 to vector<1024x128xf32>
      %select_n3A_681 = arith.select %eq3A_678, %broadcast_in_dim3A_680, %select_n3A_608 : vector<1024x128xi1>, vector<1024x128xf32>
      %reduce_min3A_682 = arith.constant dense<0x7F800000> : vector<1024xf32>
      %reduce_min3A_683 = vector.multi_reduction <minimumf>, %select_n3A_681, %reduce_min3A_682 [1] : vector<1024x128xf32> to vector<1024xf32>
      %broadcast_in_dim3A_684 = vector.shape_cast %reduce_min3A_683 : vector<1024xf32> to vector<1024x1xf32>
      %eq3A_685 = vector.broadcast %broadcast_in_dim3A_684 : vector<1024x1xf32> to vector<1024x128xf32>
      %eq3A_686 = arith.cmpf oeq, %select_n3A_681, %eq3A_685 : vector<1024x128xf32>
      %convert_element_type3A_687 = arith.extui %eq3A_686 : vector<1024x128xi1> to vector<1024x128xi32>
      %convert_element_type3A_688 = arith.sitofp %convert_element_type3A_687 : vector<1024x128xi32> to vector<1024x128xf32>
      %reduce_sum3A_689 = arith.constant dense<0.000000e+00> : vector<1024xf32>
      %reduce_sum3A_690 = vector.multi_reduction <add>, %convert_element_type3A_688, %reduce_sum3A_689 [1] : vector<1024x128xf32> to vector<1024xf32>
      %broadcast_in_dim3A_691 = vector.shape_cast %reduce_sum3A_690 : vector<1024xf32> to vector<1024x1xf32>
      %sub3A_692 = arith.constant 1.600000e+01 : f32
      %sub3A_693 = vector.broadcast %sub3A_692 : f32 to vector<1024x1xf32>
      %sub3A_694 = arith.subf %sub3A_693, %add3A_676 : vector<1024x1xf32>
      %jit3A_695 = arith.constant 0.000000e+00 : f32
      %max3A_696 = vector.broadcast %jit3A_695 : f32 to vector<1024x1xf32>
      %max3A_697 = arith.maximumf %max3A_696, %sub3A_694 : vector<1024x1xf32>
      %min3A_698 = arith.minimumf %broadcast_in_dim3A_691, %max3A_697 : vector<1024x1xf32>
      %lt3A_699 = arith.constant 5.000000e-01 : f32
      %lt3A_700 = vector.broadcast %lt3A_699 : f32 to vector<1024x1xf32>
      %lt3A_701 = arith.cmpf olt, %broadcast_in_dim3A_684, %lt3A_700 : vector<1024x1xf32>
      %broadcast_in_dim3A_702 = arith.constant 1.000000e+00 : f32
      %broadcast_in_dim3A_703 = vector.broadcast %broadcast_in_dim3A_702 : f32 to vector<1024x1xf32>
      %lt3A_704 = arith.constant 1.500000e+00 : f32
      %lt3A_705 = vector.broadcast %lt3A_704 : f32 to vector<1024x1xf32>
      %lt3A_706 = arith.cmpf olt, %broadcast_in_dim3A_684, %lt3A_705 : vector<1024x1xf32>
      %sub3A_707 = arith.constant 1.500000e+00 : f32
      %sub3A_708 = vector.broadcast %sub3A_707 : f32 to vector<1024x1xf32>
      %sub3A_709 = arith.subf %sub3A_708, %broadcast_in_dim3A_684 : vector<1024x1xf32>
      %broadcast_in_dim3A_710 = arith.constant 0.000000e+00 : f32
      %broadcast_in_dim3A_711 = vector.broadcast %broadcast_in_dim3A_710 : f32 to vector<1024x1xf32>
      %select_n3A_712 = arith.select %lt3A_706, %sub3A_709, %broadcast_in_dim3A_711 : vector<1024x1xi1>, vector<1024x1xf32>
      %select_n3A_713 = arith.select %lt3A_701, %broadcast_in_dim3A_703, %select_n3A_712 : vector<1024x1xi1>, vector<1024x1xf32>
      %div3A_714 = arith.constant 5.000000e-01 : f32
      %div3A_715 = vector.broadcast %div3A_714 : f32 to vector<1024x1xf32>
      %div3A_716 = arith.divf %broadcast_in_dim3A_684, %div3A_715 : vector<1024x1xf32>
      %integer_pow3A_717 = arith.mulf %div3A_716, %div3A_716 : vector<1024x1xf32>
      %neg3A_718 = arith.constant 0.000000e+00 : f32
      %neg3A_719 = vector.broadcast %neg3A_718 : f32 to vector<1024x1xf32>
      %neg3A_720 = arith.subf %neg3A_719, %integer_pow3A_717 : vector<1024x1xf32>
      %exp3A_721 = math.exp %neg3A_720 : vector<1024x1xf32>
      %sub3A_722 = arith.constant 3.000000e+00 : f32
      %sub3A_723 = vector.broadcast %sub3A_722 : f32 to vector<1024x1xf32>
      %sub3A_724 = arith.subf %broadcast_in_dim3A_684, %sub3A_723 : vector<1024x1xf32>
      %div3A_725 = arith.constant 2.000000e+00 : f32
      %div3A_726 = vector.broadcast %div3A_725 : f32 to vector<1024x1xf32>
      %div3A_727 = arith.divf %sub3A_724, %div3A_726 : vector<1024x1xf32>
      %integer_pow3A_728 = arith.mulf %div3A_727, %div3A_727 : vector<1024x1xf32>
      %neg3A_729 = arith.constant 0.000000e+00 : f32
      %neg3A_730 = vector.broadcast %neg3A_729 : f32 to vector<1024x1xf32>
      %neg3A_731 = arith.subf %neg3A_730, %integer_pow3A_728 : vector<1024x1xf32>
      %exp3A_732 = math.exp %neg3A_731 : vector<1024x1xf32>
      %mul3A_733 = vector.broadcast %get3A_70 : f32 to vector<1024x1xf32>
      %mul3A_734 = arith.mulf %mul3A_733, %select_n3A_713 : vector<1024x1xf32>
      %mul3A_735 = vector.broadcast %get3A_73 : f32 to vector<1024x1xf32>
      %mul3A_736 = arith.mulf %mul3A_735, %exp3A_721 : vector<1024x1xf32>
      %add3A_737 = arith.addf %mul3A_734, %mul3A_736 : vector<1024x1xf32>
      %mul3A_738 = vector.broadcast %get3A_76 : f32 to vector<1024x1xf32>
      %mul3A_739 = arith.mulf %mul3A_738, %exp3A_732 : vector<1024x1xf32>
      %add3A_740 = arith.addf %add3A_737, %mul3A_739 : vector<1024x1xf32>
      %lt3A_741 = arith.constant 8.000000e+00 : f32
      %lt3A_742 = vector.broadcast %lt3A_741 : f32 to vector<1024x1xf32>
      %lt3A_743 = arith.cmpf olt, %broadcast_in_dim3A_684, %lt3A_742 : vector<1024x1xf32>
      %broadcast_in_dim3A_744 = arith.constant 0.000000e+00 : f32
      %broadcast_in_dim3A_745 = vector.broadcast %broadcast_in_dim3A_744 : f32 to vector<1024x1xf32>
      %select_n3A_746 = arith.select %lt3A_743, %add3A_740, %broadcast_in_dim3A_745 : vector<1024x1xi1>, vector<1024x1xf32>
      %mul3A_747 = arith.mulf %min3A_698, %select_n3A_746 : vector<1024x1xf32>
      %add3A_748 = arith.addf %add3A_675, %mul3A_747 : vector<1024x1xf32>
      %add3A_749 = arith.addf %add3A_676, %min3A_698 : vector<1024x1xf32>
      %eq3A_750 = vector.broadcast %broadcast_in_dim3A_684 : vector<1024x1xf32> to vector<1024x128xf32>
      %eq3A_751 = arith.cmpf oeq, %select_n3A_681, %eq3A_750 : vector<1024x128xf32>
      %jit3A_752 = arith.constant 2.000000e+09 : f32
      %broadcast_in_dim3A_753 = vector.broadcast %jit3A_752 : f32 to vector<1024x128xf32>
      %select_n3A_754 = arith.select %eq3A_751, %broadcast_in_dim3A_753, %select_n3A_681 : vector<1024x128xi1>, vector<1024x128xf32>
      %reduce_min3A_755 = arith.constant dense<0x7F800000> : vector<1024xf32>
      %reduce_min3A_756 = vector.multi_reduction <minimumf>, %select_n3A_754, %reduce_min3A_755 [1] : vector<1024x128xf32> to vector<1024xf32>
      %broadcast_in_dim3A_757 = vector.shape_cast %reduce_min3A_756 : vector<1024xf32> to vector<1024x1xf32>
      %eq3A_758 = vector.broadcast %broadcast_in_dim3A_757 : vector<1024x1xf32> to vector<1024x128xf32>
      %eq3A_759 = arith.cmpf oeq, %select_n3A_754, %eq3A_758 : vector<1024x128xf32>
      %convert_element_type3A_760 = arith.extui %eq3A_759 : vector<1024x128xi1> to vector<1024x128xi32>
      %convert_element_type3A_761 = arith.sitofp %convert_element_type3A_760 : vector<1024x128xi32> to vector<1024x128xf32>
      %reduce_sum3A_762 = arith.constant dense<0.000000e+00> : vector<1024xf32>
      %reduce_sum3A_763 = vector.multi_reduction <add>, %convert_element_type3A_761, %reduce_sum3A_762 [1] : vector<1024x128xf32> to vector<1024xf32>
      %broadcast_in_dim3A_764 = vector.shape_cast %reduce_sum3A_763 : vector<1024xf32> to vector<1024x1xf32>
      %sub3A_765 = arith.constant 1.600000e+01 : f32
      %sub3A_766 = vector.broadcast %sub3A_765 : f32 to vector<1024x1xf32>
      %sub3A_767 = arith.subf %sub3A_766, %add3A_749 : vector<1024x1xf32>
      %jit3A_768 = arith.constant 0.000000e+00 : f32
      %max3A_769 = vector.broadcast %jit3A_768 : f32 to vector<1024x1xf32>
      %max3A_770 = arith.maximumf %max3A_769, %sub3A_767 : vector<1024x1xf32>
      %min3A_771 = arith.minimumf %broadcast_in_dim3A_764, %max3A_770 : vector<1024x1xf32>
      %lt3A_772 = arith.constant 5.000000e-01 : f32
      %lt3A_773 = vector.broadcast %lt3A_772 : f32 to vector<1024x1xf32>
      %lt3A_774 = arith.cmpf olt, %broadcast_in_dim3A_757, %lt3A_773 : vector<1024x1xf32>
      %broadcast_in_dim3A_775 = arith.constant 1.000000e+00 : f32
      %broadcast_in_dim3A_776 = vector.broadcast %broadcast_in_dim3A_775 : f32 to vector<1024x1xf32>
      %lt3A_777 = arith.constant 1.500000e+00 : f32
      %lt3A_778 = vector.broadcast %lt3A_777 : f32 to vector<1024x1xf32>
      %lt3A_779 = arith.cmpf olt, %broadcast_in_dim3A_757, %lt3A_778 : vector<1024x1xf32>
      %sub3A_780 = arith.constant 1.500000e+00 : f32
      %sub3A_781 = vector.broadcast %sub3A_780 : f32 to vector<1024x1xf32>
      %sub3A_782 = arith.subf %sub3A_781, %broadcast_in_dim3A_757 : vector<1024x1xf32>
      %broadcast_in_dim3A_783 = arith.constant 0.000000e+00 : f32
      %broadcast_in_dim3A_784 = vector.broadcast %broadcast_in_dim3A_783 : f32 to vector<1024x1xf32>
      %select_n3A_785 = arith.select %lt3A_779, %sub3A_782, %broadcast_in_dim3A_784 : vector<1024x1xi1>, vector<1024x1xf32>
      %select_n3A_786 = arith.select %lt3A_774, %broadcast_in_dim3A_776, %select_n3A_785 : vector<1024x1xi1>, vector<1024x1xf32>
      %div3A_787 = arith.constant 5.000000e-01 : f32
      %div3A_788 = vector.broadcast %div3A_787 : f32 to vector<1024x1xf32>
      %div3A_789 = arith.divf %broadcast_in_dim3A_757, %div3A_788 : vector<1024x1xf32>
      %integer_pow3A_790 = arith.mulf %div3A_789, %div3A_789 : vector<1024x1xf32>
      %neg3A_791 = arith.constant 0.000000e+00 : f32
      %neg3A_792 = vector.broadcast %neg3A_791 : f32 to vector<1024x1xf32>
      %neg3A_793 = arith.subf %neg3A_792, %integer_pow3A_790 : vector<1024x1xf32>
      %exp3A_794 = math.exp %neg3A_793 : vector<1024x1xf32>
      %sub3A_795 = arith.constant 3.000000e+00 : f32
      %sub3A_796 = vector.broadcast %sub3A_795 : f32 to vector<1024x1xf32>
      %sub3A_797 = arith.subf %broadcast_in_dim3A_757, %sub3A_796 : vector<1024x1xf32>
      %div3A_798 = arith.constant 2.000000e+00 : f32
      %div3A_799 = vector.broadcast %div3A_798 : f32 to vector<1024x1xf32>
      %div3A_800 = arith.divf %sub3A_797, %div3A_799 : vector<1024x1xf32>
      %integer_pow3A_801 = arith.mulf %div3A_800, %div3A_800 : vector<1024x1xf32>
      %neg3A_802 = arith.constant 0.000000e+00 : f32
      %neg3A_803 = vector.broadcast %neg3A_802 : f32 to vector<1024x1xf32>
      %neg3A_804 = arith.subf %neg3A_803, %integer_pow3A_801 : vector<1024x1xf32>
      %exp3A_805 = math.exp %neg3A_804 : vector<1024x1xf32>
      %mul3A_806 = vector.broadcast %get3A_70 : f32 to vector<1024x1xf32>
      %mul3A_807 = arith.mulf %mul3A_806, %select_n3A_786 : vector<1024x1xf32>
      %mul3A_808 = vector.broadcast %get3A_73 : f32 to vector<1024x1xf32>
      %mul3A_809 = arith.mulf %mul3A_808, %exp3A_794 : vector<1024x1xf32>
      %add3A_810 = arith.addf %mul3A_807, %mul3A_809 : vector<1024x1xf32>
      %mul3A_811 = vector.broadcast %get3A_76 : f32 to vector<1024x1xf32>
      %mul3A_812 = arith.mulf %mul3A_811, %exp3A_805 : vector<1024x1xf32>
      %add3A_813 = arith.addf %add3A_810, %mul3A_812 : vector<1024x1xf32>
      %lt3A_814 = arith.constant 8.000000e+00 : f32
      %lt3A_815 = vector.broadcast %lt3A_814 : f32 to vector<1024x1xf32>
      %lt3A_816 = arith.cmpf olt, %broadcast_in_dim3A_757, %lt3A_815 : vector<1024x1xf32>
      %broadcast_in_dim3A_817 = arith.constant 0.000000e+00 : f32
      %broadcast_in_dim3A_818 = vector.broadcast %broadcast_in_dim3A_817 : f32 to vector<1024x1xf32>
      %select_n3A_819 = arith.select %lt3A_816, %add3A_813, %broadcast_in_dim3A_818 : vector<1024x1xi1>, vector<1024x1xf32>
      %mul3A_820 = arith.mulf %min3A_771, %select_n3A_819 : vector<1024x1xf32>
      %add3A_821 = arith.addf %add3A_748, %mul3A_820 : vector<1024x1xf32>
      %add3A_822 = arith.addf %add3A_749, %min3A_771 : vector<1024x1xf32>
      %eq3A_823 = vector.broadcast %broadcast_in_dim3A_757 : vector<1024x1xf32> to vector<1024x128xf32>
      %eq3A_824 = arith.cmpf oeq, %select_n3A_754, %eq3A_823 : vector<1024x128xf32>
      %jit3A_825 = arith.constant 2.000000e+09 : f32
      %broadcast_in_dim3A_826 = vector.broadcast %jit3A_825 : f32 to vector<1024x128xf32>
      %select_n3A_827 = arith.select %eq3A_824, %broadcast_in_dim3A_826, %select_n3A_754 : vector<1024x128xi1>, vector<1024x128xf32>
      %reduce_min3A_828 = arith.constant dense<0x7F800000> : vector<1024xf32>
      %reduce_min3A_829 = vector.multi_reduction <minimumf>, %select_n3A_827, %reduce_min3A_828 [1] : vector<1024x128xf32> to vector<1024xf32>
      %broadcast_in_dim3A_830 = vector.shape_cast %reduce_min3A_829 : vector<1024xf32> to vector<1024x1xf32>
      %eq3A_831 = vector.broadcast %broadcast_in_dim3A_830 : vector<1024x1xf32> to vector<1024x128xf32>
      %eq3A_832 = arith.cmpf oeq, %select_n3A_827, %eq3A_831 : vector<1024x128xf32>
      %convert_element_type3A_833 = arith.extui %eq3A_832 : vector<1024x128xi1> to vector<1024x128xi32>
      %convert_element_type3A_834 = arith.sitofp %convert_element_type3A_833 : vector<1024x128xi32> to vector<1024x128xf32>
      %reduce_sum3A_835 = arith.constant dense<0.000000e+00> : vector<1024xf32>
      %reduce_sum3A_836 = vector.multi_reduction <add>, %convert_element_type3A_834, %reduce_sum3A_835 [1] : vector<1024x128xf32> to vector<1024xf32>
      %broadcast_in_dim3A_837 = vector.shape_cast %reduce_sum3A_836 : vector<1024xf32> to vector<1024x1xf32>
      %sub3A_838 = arith.constant 1.600000e+01 : f32
      %sub3A_839 = vector.broadcast %sub3A_838 : f32 to vector<1024x1xf32>
      %sub3A_840 = arith.subf %sub3A_839, %add3A_822 : vector<1024x1xf32>
      %jit3A_841 = arith.constant 0.000000e+00 : f32
      %max3A_842 = vector.broadcast %jit3A_841 : f32 to vector<1024x1xf32>
      %max3A_843 = arith.maximumf %max3A_842, %sub3A_840 : vector<1024x1xf32>
      %min3A_844 = arith.minimumf %broadcast_in_dim3A_837, %max3A_843 : vector<1024x1xf32>
      %lt3A_845 = arith.constant 5.000000e-01 : f32
      %lt3A_846 = vector.broadcast %lt3A_845 : f32 to vector<1024x1xf32>
      %lt3A_847 = arith.cmpf olt, %broadcast_in_dim3A_830, %lt3A_846 : vector<1024x1xf32>
      %broadcast_in_dim3A_848 = arith.constant 1.000000e+00 : f32
      %broadcast_in_dim3A_849 = vector.broadcast %broadcast_in_dim3A_848 : f32 to vector<1024x1xf32>
      %lt3A_850 = arith.constant 1.500000e+00 : f32
      %lt3A_851 = vector.broadcast %lt3A_850 : f32 to vector<1024x1xf32>
      %lt3A_852 = arith.cmpf olt, %broadcast_in_dim3A_830, %lt3A_851 : vector<1024x1xf32>
      %sub3A_853 = arith.constant 1.500000e+00 : f32
      %sub3A_854 = vector.broadcast %sub3A_853 : f32 to vector<1024x1xf32>
      %sub3A_855 = arith.subf %sub3A_854, %broadcast_in_dim3A_830 : vector<1024x1xf32>
      %broadcast_in_dim3A_856 = arith.constant 0.000000e+00 : f32
      %broadcast_in_dim3A_857 = vector.broadcast %broadcast_in_dim3A_856 : f32 to vector<1024x1xf32>
      %select_n3A_858 = arith.select %lt3A_852, %sub3A_855, %broadcast_in_dim3A_857 : vector<1024x1xi1>, vector<1024x1xf32>
      %select_n3A_859 = arith.select %lt3A_847, %broadcast_in_dim3A_849, %select_n3A_858 : vector<1024x1xi1>, vector<1024x1xf32>
      %div3A_860 = arith.constant 5.000000e-01 : f32
      %div3A_861 = vector.broadcast %div3A_860 : f32 to vector<1024x1xf32>
      %div3A_862 = arith.divf %broadcast_in_dim3A_830, %div3A_861 : vector<1024x1xf32>
      %integer_pow3A_863 = arith.mulf %div3A_862, %div3A_862 : vector<1024x1xf32>
      %neg3A_864 = arith.constant 0.000000e+00 : f32
      %neg3A_865 = vector.broadcast %neg3A_864 : f32 to vector<1024x1xf32>
      %neg3A_866 = arith.subf %neg3A_865, %integer_pow3A_863 : vector<1024x1xf32>
      %exp3A_867 = math.exp %neg3A_866 : vector<1024x1xf32>
      %sub3A_868 = arith.constant 3.000000e+00 : f32
      %sub3A_869 = vector.broadcast %sub3A_868 : f32 to vector<1024x1xf32>
      %sub3A_870 = arith.subf %broadcast_in_dim3A_830, %sub3A_869 : vector<1024x1xf32>
      %div3A_871 = arith.constant 2.000000e+00 : f32
      %div3A_872 = vector.broadcast %div3A_871 : f32 to vector<1024x1xf32>
      %div3A_873 = arith.divf %sub3A_870, %div3A_872 : vector<1024x1xf32>
      %integer_pow3A_874 = arith.mulf %div3A_873, %div3A_873 : vector<1024x1xf32>
      %neg3A_875 = arith.constant 0.000000e+00 : f32
      %neg3A_876 = vector.broadcast %neg3A_875 : f32 to vector<1024x1xf32>
      %neg3A_877 = arith.subf %neg3A_876, %integer_pow3A_874 : vector<1024x1xf32>
      %exp3A_878 = math.exp %neg3A_877 : vector<1024x1xf32>
      %mul3A_879 = vector.broadcast %get3A_70 : f32 to vector<1024x1xf32>
      %mul3A_880 = arith.mulf %mul3A_879, %select_n3A_859 : vector<1024x1xf32>
      %mul3A_881 = vector.broadcast %get3A_73 : f32 to vector<1024x1xf32>
      %mul3A_882 = arith.mulf %mul3A_881, %exp3A_867 : vector<1024x1xf32>
      %add3A_883 = arith.addf %mul3A_880, %mul3A_882 : vector<1024x1xf32>
      %mul3A_884 = vector.broadcast %get3A_76 : f32 to vector<1024x1xf32>
      %mul3A_885 = arith.mulf %mul3A_884, %exp3A_878 : vector<1024x1xf32>
      %add3A_886 = arith.addf %add3A_883, %mul3A_885 : vector<1024x1xf32>
      %lt3A_887 = arith.constant 8.000000e+00 : f32
      %lt3A_888 = vector.broadcast %lt3A_887 : f32 to vector<1024x1xf32>
      %lt3A_889 = arith.cmpf olt, %broadcast_in_dim3A_830, %lt3A_888 : vector<1024x1xf32>
      %broadcast_in_dim3A_890 = arith.constant 0.000000e+00 : f32
      %broadcast_in_dim3A_891 = vector.broadcast %broadcast_in_dim3A_890 : f32 to vector<1024x1xf32>
      %select_n3A_892 = arith.select %lt3A_889, %add3A_886, %broadcast_in_dim3A_891 : vector<1024x1xi1>, vector<1024x1xf32>
      %mul3A_893 = arith.mulf %min3A_844, %select_n3A_892 : vector<1024x1xf32>
      %add3A_894 = arith.addf %add3A_821, %mul3A_893 : vector<1024x1xf32>
      %add3A_895 = arith.addf %add3A_822, %min3A_844 : vector<1024x1xf32>
      %eq3A_896 = vector.broadcast %broadcast_in_dim3A_830 : vector<1024x1xf32> to vector<1024x128xf32>
      %eq3A_897 = arith.cmpf oeq, %select_n3A_827, %eq3A_896 : vector<1024x128xf32>
      %jit3A_898 = arith.constant 2.000000e+09 : f32
      %broadcast_in_dim3A_899 = vector.broadcast %jit3A_898 : f32 to vector<1024x128xf32>
      %select_n3A_900 = arith.select %eq3A_897, %broadcast_in_dim3A_899, %select_n3A_827 : vector<1024x128xi1>, vector<1024x128xf32>
      %reduce_min3A_901 = arith.constant dense<0x7F800000> : vector<1024xf32>
      %reduce_min3A_902 = vector.multi_reduction <minimumf>, %select_n3A_900, %reduce_min3A_901 [1] : vector<1024x128xf32> to vector<1024xf32>
      %broadcast_in_dim3A_903 = vector.shape_cast %reduce_min3A_902 : vector<1024xf32> to vector<1024x1xf32>
      %eq3A_904 = vector.broadcast %broadcast_in_dim3A_903 : vector<1024x1xf32> to vector<1024x128xf32>
      %eq3A_905 = arith.cmpf oeq, %select_n3A_900, %eq3A_904 : vector<1024x128xf32>
      %convert_element_type3A_906 = arith.extui %eq3A_905 : vector<1024x128xi1> to vector<1024x128xi32>
      %convert_element_type3A_907 = arith.sitofp %convert_element_type3A_906 : vector<1024x128xi32> to vector<1024x128xf32>
      %reduce_sum3A_908 = arith.constant dense<0.000000e+00> : vector<1024xf32>
      %reduce_sum3A_909 = vector.multi_reduction <add>, %convert_element_type3A_907, %reduce_sum3A_908 [1] : vector<1024x128xf32> to vector<1024xf32>
      %broadcast_in_dim3A_910 = vector.shape_cast %reduce_sum3A_909 : vector<1024xf32> to vector<1024x1xf32>
      %sub3A_911 = arith.constant 1.600000e+01 : f32
      %sub3A_912 = vector.broadcast %sub3A_911 : f32 to vector<1024x1xf32>
      %sub3A_913 = arith.subf %sub3A_912, %add3A_895 : vector<1024x1xf32>
      %jit3A_914 = arith.constant 0.000000e+00 : f32
      %max3A_915 = vector.broadcast %jit3A_914 : f32 to vector<1024x1xf32>
      %max3A_916 = arith.maximumf %max3A_915, %sub3A_913 : vector<1024x1xf32>
      %min3A_917 = arith.minimumf %broadcast_in_dim3A_910, %max3A_916 : vector<1024x1xf32>
      %lt3A_918 = arith.constant 5.000000e-01 : f32
      %lt3A_919 = vector.broadcast %lt3A_918 : f32 to vector<1024x1xf32>
      %lt3A_920 = arith.cmpf olt, %broadcast_in_dim3A_903, %lt3A_919 : vector<1024x1xf32>
      %broadcast_in_dim3A_921 = arith.constant 1.000000e+00 : f32
      %broadcast_in_dim3A_922 = vector.broadcast %broadcast_in_dim3A_921 : f32 to vector<1024x1xf32>
      %lt3A_923 = arith.constant 1.500000e+00 : f32
      %lt3A_924 = vector.broadcast %lt3A_923 : f32 to vector<1024x1xf32>
      %lt3A_925 = arith.cmpf olt, %broadcast_in_dim3A_903, %lt3A_924 : vector<1024x1xf32>
      %sub3A_926 = arith.constant 1.500000e+00 : f32
      %sub3A_927 = vector.broadcast %sub3A_926 : f32 to vector<1024x1xf32>
      %sub3A_928 = arith.subf %sub3A_927, %broadcast_in_dim3A_903 : vector<1024x1xf32>
      %broadcast_in_dim3A_929 = arith.constant 0.000000e+00 : f32
      %broadcast_in_dim3A_930 = vector.broadcast %broadcast_in_dim3A_929 : f32 to vector<1024x1xf32>
      %select_n3A_931 = arith.select %lt3A_925, %sub3A_928, %broadcast_in_dim3A_930 : vector<1024x1xi1>, vector<1024x1xf32>
      %select_n3A_932 = arith.select %lt3A_920, %broadcast_in_dim3A_922, %select_n3A_931 : vector<1024x1xi1>, vector<1024x1xf32>
      %div3A_933 = arith.constant 5.000000e-01 : f32
      %div3A_934 = vector.broadcast %div3A_933 : f32 to vector<1024x1xf32>
      %div3A_935 = arith.divf %broadcast_in_dim3A_903, %div3A_934 : vector<1024x1xf32>
      %integer_pow3A_936 = arith.mulf %div3A_935, %div3A_935 : vector<1024x1xf32>
      %neg3A_937 = arith.constant 0.000000e+00 : f32
      %neg3A_938 = vector.broadcast %neg3A_937 : f32 to vector<1024x1xf32>
      %neg3A_939 = arith.subf %neg3A_938, %integer_pow3A_936 : vector<1024x1xf32>
      %exp3A_940 = math.exp %neg3A_939 : vector<1024x1xf32>
      %sub3A_941 = arith.constant 3.000000e+00 : f32
      %sub3A_942 = vector.broadcast %sub3A_941 : f32 to vector<1024x1xf32>
      %sub3A_943 = arith.subf %broadcast_in_dim3A_903, %sub3A_942 : vector<1024x1xf32>
      %div3A_944 = arith.constant 2.000000e+00 : f32
      %div3A_945 = vector.broadcast %div3A_944 : f32 to vector<1024x1xf32>
      %div3A_946 = arith.divf %sub3A_943, %div3A_945 : vector<1024x1xf32>
      %integer_pow3A_947 = arith.mulf %div3A_946, %div3A_946 : vector<1024x1xf32>
      %neg3A_948 = arith.constant 0.000000e+00 : f32
      %neg3A_949 = vector.broadcast %neg3A_948 : f32 to vector<1024x1xf32>
      %neg3A_950 = arith.subf %neg3A_949, %integer_pow3A_947 : vector<1024x1xf32>
      %exp3A_951 = math.exp %neg3A_950 : vector<1024x1xf32>
      %mul3A_952 = vector.broadcast %get3A_70 : f32 to vector<1024x1xf32>
      %mul3A_953 = arith.mulf %mul3A_952, %select_n3A_932 : vector<1024x1xf32>
      %mul3A_954 = vector.broadcast %get3A_73 : f32 to vector<1024x1xf32>
      %mul3A_955 = arith.mulf %mul3A_954, %exp3A_940 : vector<1024x1xf32>
      %add3A_956 = arith.addf %mul3A_953, %mul3A_955 : vector<1024x1xf32>
      %mul3A_957 = vector.broadcast %get3A_76 : f32 to vector<1024x1xf32>
      %mul3A_958 = arith.mulf %mul3A_957, %exp3A_951 : vector<1024x1xf32>
      %add3A_959 = arith.addf %add3A_956, %mul3A_958 : vector<1024x1xf32>
      %lt3A_960 = arith.constant 8.000000e+00 : f32
      %lt3A_961 = vector.broadcast %lt3A_960 : f32 to vector<1024x1xf32>
      %lt3A_962 = arith.cmpf olt, %broadcast_in_dim3A_903, %lt3A_961 : vector<1024x1xf32>
      %broadcast_in_dim3A_963 = arith.constant 0.000000e+00 : f32
      %broadcast_in_dim3A_964 = vector.broadcast %broadcast_in_dim3A_963 : f32 to vector<1024x1xf32>
      %select_n3A_965 = arith.select %lt3A_962, %add3A_959, %broadcast_in_dim3A_964 : vector<1024x1xi1>, vector<1024x1xf32>
      %mul3A_966 = arith.mulf %min3A_917, %select_n3A_965 : vector<1024x1xf32>
      %add3A_967 = arith.addf %add3A_894, %mul3A_966 : vector<1024x1xf32>
      %add3A_968 = arith.addf %add3A_895, %min3A_917 : vector<1024x1xf32>
      %eq3A_969 = vector.broadcast %broadcast_in_dim3A_903 : vector<1024x1xf32> to vector<1024x128xf32>
      %eq3A_970 = arith.cmpf oeq, %select_n3A_900, %eq3A_969 : vector<1024x128xf32>
      %jit3A_971 = arith.constant 2.000000e+09 : f32
      %broadcast_in_dim3A_972 = vector.broadcast %jit3A_971 : f32 to vector<1024x128xf32>
      %select_n3A_973 = arith.select %eq3A_970, %broadcast_in_dim3A_972, %select_n3A_900 : vector<1024x128xi1>, vector<1024x128xf32>
      %reduce_min3A_974 = arith.constant dense<0x7F800000> : vector<1024xf32>
      %reduce_min3A_975 = vector.multi_reduction <minimumf>, %select_n3A_973, %reduce_min3A_974 [1] : vector<1024x128xf32> to vector<1024xf32>
      %broadcast_in_dim3A_976 = vector.shape_cast %reduce_min3A_975 : vector<1024xf32> to vector<1024x1xf32>
      %eq3A_977 = vector.broadcast %broadcast_in_dim3A_976 : vector<1024x1xf32> to vector<1024x128xf32>
      %eq3A_978 = arith.cmpf oeq, %select_n3A_973, %eq3A_977 : vector<1024x128xf32>
      %convert_element_type3A_979 = arith.extui %eq3A_978 : vector<1024x128xi1> to vector<1024x128xi32>
      %convert_element_type3A_980 = arith.sitofp %convert_element_type3A_979 : vector<1024x128xi32> to vector<1024x128xf32>
      %reduce_sum3A_981 = arith.constant dense<0.000000e+00> : vector<1024xf32>
      %reduce_sum3A_982 = vector.multi_reduction <add>, %convert_element_type3A_980, %reduce_sum3A_981 [1] : vector<1024x128xf32> to vector<1024xf32>
      %broadcast_in_dim3A_983 = vector.shape_cast %reduce_sum3A_982 : vector<1024xf32> to vector<1024x1xf32>
      %sub3A_984 = arith.constant 1.600000e+01 : f32
      %sub3A_985 = vector.broadcast %sub3A_984 : f32 to vector<1024x1xf32>
      %sub3A_986 = arith.subf %sub3A_985, %add3A_968 : vector<1024x1xf32>
      %jit3A_987 = arith.constant 0.000000e+00 : f32
      %max3A_988 = vector.broadcast %jit3A_987 : f32 to vector<1024x1xf32>
      %max3A_989 = arith.maximumf %max3A_988, %sub3A_986 : vector<1024x1xf32>
      %min3A_990 = arith.minimumf %broadcast_in_dim3A_983, %max3A_989 : vector<1024x1xf32>
      %lt3A_991 = arith.constant 5.000000e-01 : f32
      %lt3A_992 = vector.broadcast %lt3A_991 : f32 to vector<1024x1xf32>
      %lt3A_993 = arith.cmpf olt, %broadcast_in_dim3A_976, %lt3A_992 : vector<1024x1xf32>
      %broadcast_in_dim3A_994 = arith.constant 1.000000e+00 : f32
      %broadcast_in_dim3A_995 = vector.broadcast %broadcast_in_dim3A_994 : f32 to vector<1024x1xf32>
      %lt3A_996 = arith.constant 1.500000e+00 : f32
      %lt3A_997 = vector.broadcast %lt3A_996 : f32 to vector<1024x1xf32>
      %lt3A_998 = arith.cmpf olt, %broadcast_in_dim3A_976, %lt3A_997 : vector<1024x1xf32>
      %sub3A_999 = arith.constant 1.500000e+00 : f32
      %sub3A_1000 = vector.broadcast %sub3A_999 : f32 to vector<1024x1xf32>
      %sub3A_1001 = arith.subf %sub3A_1000, %broadcast_in_dim3A_976 : vector<1024x1xf32>
      %broadcast_in_dim3A_1002 = arith.constant 0.000000e+00 : f32
      %broadcast_in_dim3A_1003 = vector.broadcast %broadcast_in_dim3A_1002 : f32 to vector<1024x1xf32>
      %select_n3A_1004 = arith.select %lt3A_998, %sub3A_1001, %broadcast_in_dim3A_1003 : vector<1024x1xi1>, vector<1024x1xf32>
      %select_n3A_1005 = arith.select %lt3A_993, %broadcast_in_dim3A_995, %select_n3A_1004 : vector<1024x1xi1>, vector<1024x1xf32>
      %div3A_1006 = arith.constant 5.000000e-01 : f32
      %div3A_1007 = vector.broadcast %div3A_1006 : f32 to vector<1024x1xf32>
      %div3A_1008 = arith.divf %broadcast_in_dim3A_976, %div3A_1007 : vector<1024x1xf32>
      %integer_pow3A_1009 = arith.mulf %div3A_1008, %div3A_1008 : vector<1024x1xf32>
      %neg3A_1010 = arith.constant 0.000000e+00 : f32
      %neg3A_1011 = vector.broadcast %neg3A_1010 : f32 to vector<1024x1xf32>
      %neg3A_1012 = arith.subf %neg3A_1011, %integer_pow3A_1009 : vector<1024x1xf32>
      %exp3A_1013 = math.exp %neg3A_1012 : vector<1024x1xf32>
      %sub3A_1014 = arith.constant 3.000000e+00 : f32
      %sub3A_1015 = vector.broadcast %sub3A_1014 : f32 to vector<1024x1xf32>
      %sub3A_1016 = arith.subf %broadcast_in_dim3A_976, %sub3A_1015 : vector<1024x1xf32>
      %div3A_1017 = arith.constant 2.000000e+00 : f32
      %div3A_1018 = vector.broadcast %div3A_1017 : f32 to vector<1024x1xf32>
      %div3A_1019 = arith.divf %sub3A_1016, %div3A_1018 : vector<1024x1xf32>
      %integer_pow3A_1020 = arith.mulf %div3A_1019, %div3A_1019 : vector<1024x1xf32>
      %neg3A_1021 = arith.constant 0.000000e+00 : f32
      %neg3A_1022 = vector.broadcast %neg3A_1021 : f32 to vector<1024x1xf32>
      %neg3A_1023 = arith.subf %neg3A_1022, %integer_pow3A_1020 : vector<1024x1xf32>
      %exp3A_1024 = math.exp %neg3A_1023 : vector<1024x1xf32>
      %mul3A_1025 = vector.broadcast %get3A_70 : f32 to vector<1024x1xf32>
      %mul3A_1026 = arith.mulf %mul3A_1025, %select_n3A_1005 : vector<1024x1xf32>
      %mul3A_1027 = vector.broadcast %get3A_73 : f32 to vector<1024x1xf32>
      %mul3A_1028 = arith.mulf %mul3A_1027, %exp3A_1013 : vector<1024x1xf32>
      %add3A_1029 = arith.addf %mul3A_1026, %mul3A_1028 : vector<1024x1xf32>
      %mul3A_1030 = vector.broadcast %get3A_76 : f32 to vector<1024x1xf32>
      %mul3A_1031 = arith.mulf %mul3A_1030, %exp3A_1024 : vector<1024x1xf32>
      %add3A_1032 = arith.addf %add3A_1029, %mul3A_1031 : vector<1024x1xf32>
      %lt3A_1033 = arith.constant 8.000000e+00 : f32
      %lt3A_1034 = vector.broadcast %lt3A_1033 : f32 to vector<1024x1xf32>
      %lt3A_1035 = arith.cmpf olt, %broadcast_in_dim3A_976, %lt3A_1034 : vector<1024x1xf32>
      %broadcast_in_dim3A_1036 = arith.constant 0.000000e+00 : f32
      %broadcast_in_dim3A_1037 = vector.broadcast %broadcast_in_dim3A_1036 : f32 to vector<1024x1xf32>
      %select_n3A_1038 = arith.select %lt3A_1035, %add3A_1032, %broadcast_in_dim3A_1037 : vector<1024x1xi1>, vector<1024x1xf32>
      %mul3A_1039 = arith.mulf %min3A_990, %select_n3A_1038 : vector<1024x1xf32>
      %add3A_1040 = arith.addf %add3A_967, %mul3A_1039 : vector<1024x1xf32>
      %add3A_1041 = arith.addf %add3A_968, %min3A_990 : vector<1024x1xf32>
      %eq3A_1042 = vector.broadcast %broadcast_in_dim3A_976 : vector<1024x1xf32> to vector<1024x128xf32>
      %eq3A_1043 = arith.cmpf oeq, %select_n3A_973, %eq3A_1042 : vector<1024x128xf32>
      %jit3A_1044 = arith.constant 2.000000e+09 : f32
      %broadcast_in_dim3A_1045 = vector.broadcast %jit3A_1044 : f32 to vector<1024x128xf32>
      %select_n3A_1046 = arith.select %eq3A_1043, %broadcast_in_dim3A_1045, %select_n3A_973 : vector<1024x128xi1>, vector<1024x128xf32>
      %reduce_min3A_1047 = arith.constant dense<0x7F800000> : vector<1024xf32>
      %reduce_min3A_1048 = vector.multi_reduction <minimumf>, %select_n3A_1046, %reduce_min3A_1047 [1] : vector<1024x128xf32> to vector<1024xf32>
      %broadcast_in_dim3A_1049 = vector.shape_cast %reduce_min3A_1048 : vector<1024xf32> to vector<1024x1xf32>
      %eq3A_1050 = vector.broadcast %broadcast_in_dim3A_1049 : vector<1024x1xf32> to vector<1024x128xf32>
      %eq3A_1051 = arith.cmpf oeq, %select_n3A_1046, %eq3A_1050 : vector<1024x128xf32>
      %convert_element_type3A_1052 = arith.extui %eq3A_1051 : vector<1024x128xi1> to vector<1024x128xi32>
      %convert_element_type3A_1053 = arith.sitofp %convert_element_type3A_1052 : vector<1024x128xi32> to vector<1024x128xf32>
      %reduce_sum3A_1054 = arith.constant dense<0.000000e+00> : vector<1024xf32>
      %reduce_sum3A_1055 = vector.multi_reduction <add>, %convert_element_type3A_1053, %reduce_sum3A_1054 [1] : vector<1024x128xf32> to vector<1024xf32>
      %broadcast_in_dim3A_1056 = vector.shape_cast %reduce_sum3A_1055 : vector<1024xf32> to vector<1024x1xf32>
      %sub3A_1057 = arith.constant 1.600000e+01 : f32
      %sub3A_1058 = vector.broadcast %sub3A_1057 : f32 to vector<1024x1xf32>
      %sub3A_1059 = arith.subf %sub3A_1058, %add3A_1041 : vector<1024x1xf32>
      %jit3A_1060 = arith.constant 0.000000e+00 : f32
      %max3A_1061 = vector.broadcast %jit3A_1060 : f32 to vector<1024x1xf32>
      %max3A_1062 = arith.maximumf %max3A_1061, %sub3A_1059 : vector<1024x1xf32>
      %min3A_1063 = arith.minimumf %broadcast_in_dim3A_1056, %max3A_1062 : vector<1024x1xf32>
      %lt3A_1064 = arith.constant 5.000000e-01 : f32
      %lt3A_1065 = vector.broadcast %lt3A_1064 : f32 to vector<1024x1xf32>
      %lt3A_1066 = arith.cmpf olt, %broadcast_in_dim3A_1049, %lt3A_1065 : vector<1024x1xf32>
      %broadcast_in_dim3A_1067 = arith.constant 1.000000e+00 : f32
      %broadcast_in_dim3A_1068 = vector.broadcast %broadcast_in_dim3A_1067 : f32 to vector<1024x1xf32>
      %lt3A_1069 = arith.constant 1.500000e+00 : f32
      %lt3A_1070 = vector.broadcast %lt3A_1069 : f32 to vector<1024x1xf32>
      %lt3A_1071 = arith.cmpf olt, %broadcast_in_dim3A_1049, %lt3A_1070 : vector<1024x1xf32>
      %sub3A_1072 = arith.constant 1.500000e+00 : f32
      %sub3A_1073 = vector.broadcast %sub3A_1072 : f32 to vector<1024x1xf32>
      %sub3A_1074 = arith.subf %sub3A_1073, %broadcast_in_dim3A_1049 : vector<1024x1xf32>
      %broadcast_in_dim3A_1075 = arith.constant 0.000000e+00 : f32
      %broadcast_in_dim3A_1076 = vector.broadcast %broadcast_in_dim3A_1075 : f32 to vector<1024x1xf32>
      %select_n3A_1077 = arith.select %lt3A_1071, %sub3A_1074, %broadcast_in_dim3A_1076 : vector<1024x1xi1>, vector<1024x1xf32>
      %select_n3A_1078 = arith.select %lt3A_1066, %broadcast_in_dim3A_1068, %select_n3A_1077 : vector<1024x1xi1>, vector<1024x1xf32>
      %div3A_1079 = arith.constant 5.000000e-01 : f32
      %div3A_1080 = vector.broadcast %div3A_1079 : f32 to vector<1024x1xf32>
      %div3A_1081 = arith.divf %broadcast_in_dim3A_1049, %div3A_1080 : vector<1024x1xf32>
      %integer_pow3A_1082 = arith.mulf %div3A_1081, %div3A_1081 : vector<1024x1xf32>
      %neg3A_1083 = arith.constant 0.000000e+00 : f32
      %neg3A_1084 = vector.broadcast %neg3A_1083 : f32 to vector<1024x1xf32>
      %neg3A_1085 = arith.subf %neg3A_1084, %integer_pow3A_1082 : vector<1024x1xf32>
      %exp3A_1086 = math.exp %neg3A_1085 : vector<1024x1xf32>
      %sub3A_1087 = arith.constant 3.000000e+00 : f32
      %sub3A_1088 = vector.broadcast %sub3A_1087 : f32 to vector<1024x1xf32>
      %sub3A_1089 = arith.subf %broadcast_in_dim3A_1049, %sub3A_1088 : vector<1024x1xf32>
      %div3A_1090 = arith.constant 2.000000e+00 : f32
      %div3A_1091 = vector.broadcast %div3A_1090 : f32 to vector<1024x1xf32>
      %div3A_1092 = arith.divf %sub3A_1089, %div3A_1091 : vector<1024x1xf32>
      %integer_pow3A_1093 = arith.mulf %div3A_1092, %div3A_1092 : vector<1024x1xf32>
      %neg3A_1094 = arith.constant 0.000000e+00 : f32
      %neg3A_1095 = vector.broadcast %neg3A_1094 : f32 to vector<1024x1xf32>
      %neg3A_1096 = arith.subf %neg3A_1095, %integer_pow3A_1093 : vector<1024x1xf32>
      %exp3A_1097 = math.exp %neg3A_1096 : vector<1024x1xf32>
      %mul3A_1098 = vector.broadcast %get3A_70 : f32 to vector<1024x1xf32>
      %mul3A_1099 = arith.mulf %mul3A_1098, %select_n3A_1078 : vector<1024x1xf32>
      %mul3A_1100 = vector.broadcast %get3A_73 : f32 to vector<1024x1xf32>
      %mul3A_1101 = arith.mulf %mul3A_1100, %exp3A_1086 : vector<1024x1xf32>
      %add3A_1102 = arith.addf %mul3A_1099, %mul3A_1101 : vector<1024x1xf32>
      %mul3A_1103 = vector.broadcast %get3A_76 : f32 to vector<1024x1xf32>
      %mul3A_1104 = arith.mulf %mul3A_1103, %exp3A_1097 : vector<1024x1xf32>
      %add3A_1105 = arith.addf %add3A_1102, %mul3A_1104 : vector<1024x1xf32>
      %lt3A_1106 = arith.constant 8.000000e+00 : f32
      %lt3A_1107 = vector.broadcast %lt3A_1106 : f32 to vector<1024x1xf32>
      %lt3A_1108 = arith.cmpf olt, %broadcast_in_dim3A_1049, %lt3A_1107 : vector<1024x1xf32>
      %broadcast_in_dim3A_1109 = arith.constant 0.000000e+00 : f32
      %broadcast_in_dim3A_1110 = vector.broadcast %broadcast_in_dim3A_1109 : f32 to vector<1024x1xf32>
      %select_n3A_1111 = arith.select %lt3A_1108, %add3A_1105, %broadcast_in_dim3A_1110 : vector<1024x1xi1>, vector<1024x1xf32>
      %mul3A_1112 = arith.mulf %min3A_1063, %select_n3A_1111 : vector<1024x1xf32>
      %add3A_1113 = arith.addf %add3A_1040, %mul3A_1112 : vector<1024x1xf32>
      %add3A_1114 = arith.addf %add3A_1041, %min3A_1063 : vector<1024x1xf32>
      %eq3A_1115 = vector.broadcast %broadcast_in_dim3A_1049 : vector<1024x1xf32> to vector<1024x128xf32>
      %eq3A_1116 = arith.cmpf oeq, %select_n3A_1046, %eq3A_1115 : vector<1024x128xf32>
      %jit3A_1117 = arith.constant 2.000000e+09 : f32
      %broadcast_in_dim3A_1118 = vector.broadcast %jit3A_1117 : f32 to vector<1024x128xf32>
      %select_n3A_1119 = arith.select %eq3A_1116, %broadcast_in_dim3A_1118, %select_n3A_1046 : vector<1024x128xi1>, vector<1024x128xf32>
      %reduce_min3A_1120 = arith.constant dense<0x7F800000> : vector<1024xf32>
      %reduce_min3A_1121 = vector.multi_reduction <minimumf>, %select_n3A_1119, %reduce_min3A_1120 [1] : vector<1024x128xf32> to vector<1024xf32>
      %broadcast_in_dim3A_1122 = vector.shape_cast %reduce_min3A_1121 : vector<1024xf32> to vector<1024x1xf32>
      %eq3A_1123 = vector.broadcast %broadcast_in_dim3A_1122 : vector<1024x1xf32> to vector<1024x128xf32>
      %eq3A_1124 = arith.cmpf oeq, %select_n3A_1119, %eq3A_1123 : vector<1024x128xf32>
      %convert_element_type3A_1125 = arith.extui %eq3A_1124 : vector<1024x128xi1> to vector<1024x128xi32>
      %convert_element_type3A_1126 = arith.sitofp %convert_element_type3A_1125 : vector<1024x128xi32> to vector<1024x128xf32>
      %reduce_sum3A_1127 = arith.constant dense<0.000000e+00> : vector<1024xf32>
      %reduce_sum3A_1128 = vector.multi_reduction <add>, %convert_element_type3A_1126, %reduce_sum3A_1127 [1] : vector<1024x128xf32> to vector<1024xf32>
      %broadcast_in_dim3A_1129 = vector.shape_cast %reduce_sum3A_1128 : vector<1024xf32> to vector<1024x1xf32>
      %sub3A_1130 = arith.constant 1.600000e+01 : f32
      %sub3A_1131 = vector.broadcast %sub3A_1130 : f32 to vector<1024x1xf32>
      %sub3A_1132 = arith.subf %sub3A_1131, %add3A_1114 : vector<1024x1xf32>
      %jit3A_1133 = arith.constant 0.000000e+00 : f32
      %max3A_1134 = vector.broadcast %jit3A_1133 : f32 to vector<1024x1xf32>
      %max3A_1135 = arith.maximumf %max3A_1134, %sub3A_1132 : vector<1024x1xf32>
      %min3A_1136 = arith.minimumf %broadcast_in_dim3A_1129, %max3A_1135 : vector<1024x1xf32>
      %lt3A_1137 = arith.constant 5.000000e-01 : f32
      %lt3A_1138 = vector.broadcast %lt3A_1137 : f32 to vector<1024x1xf32>
      %lt3A_1139 = arith.cmpf olt, %broadcast_in_dim3A_1122, %lt3A_1138 : vector<1024x1xf32>
      %broadcast_in_dim3A_1140 = arith.constant 1.000000e+00 : f32
      %broadcast_in_dim3A_1141 = vector.broadcast %broadcast_in_dim3A_1140 : f32 to vector<1024x1xf32>
      %lt3A_1142 = arith.constant 1.500000e+00 : f32
      %lt3A_1143 = vector.broadcast %lt3A_1142 : f32 to vector<1024x1xf32>
      %lt3A_1144 = arith.cmpf olt, %broadcast_in_dim3A_1122, %lt3A_1143 : vector<1024x1xf32>
      %sub3A_1145 = arith.constant 1.500000e+00 : f32
      %sub3A_1146 = vector.broadcast %sub3A_1145 : f32 to vector<1024x1xf32>
      %sub3A_1147 = arith.subf %sub3A_1146, %broadcast_in_dim3A_1122 : vector<1024x1xf32>
      %broadcast_in_dim3A_1148 = arith.constant 0.000000e+00 : f32
      %broadcast_in_dim3A_1149 = vector.broadcast %broadcast_in_dim3A_1148 : f32 to vector<1024x1xf32>
      %select_n3A_1150 = arith.select %lt3A_1144, %sub3A_1147, %broadcast_in_dim3A_1149 : vector<1024x1xi1>, vector<1024x1xf32>
      %select_n3A_1151 = arith.select %lt3A_1139, %broadcast_in_dim3A_1141, %select_n3A_1150 : vector<1024x1xi1>, vector<1024x1xf32>
      %div3A_1152 = arith.constant 5.000000e-01 : f32
      %div3A_1153 = vector.broadcast %div3A_1152 : f32 to vector<1024x1xf32>
      %div3A_1154 = arith.divf %broadcast_in_dim3A_1122, %div3A_1153 : vector<1024x1xf32>
      %integer_pow3A_1155 = arith.mulf %div3A_1154, %div3A_1154 : vector<1024x1xf32>
      %neg3A_1156 = arith.constant 0.000000e+00 : f32
      %neg3A_1157 = vector.broadcast %neg3A_1156 : f32 to vector<1024x1xf32>
      %neg3A_1158 = arith.subf %neg3A_1157, %integer_pow3A_1155 : vector<1024x1xf32>
      %exp3A_1159 = math.exp %neg3A_1158 : vector<1024x1xf32>
      %sub3A_1160 = arith.constant 3.000000e+00 : f32
      %sub3A_1161 = vector.broadcast %sub3A_1160 : f32 to vector<1024x1xf32>
      %sub3A_1162 = arith.subf %broadcast_in_dim3A_1122, %sub3A_1161 : vector<1024x1xf32>
      %div3A_1163 = arith.constant 2.000000e+00 : f32
      %div3A_1164 = vector.broadcast %div3A_1163 : f32 to vector<1024x1xf32>
      %div3A_1165 = arith.divf %sub3A_1162, %div3A_1164 : vector<1024x1xf32>
      %integer_pow3A_1166 = arith.mulf %div3A_1165, %div3A_1165 : vector<1024x1xf32>
      %neg3A_1167 = arith.constant 0.000000e+00 : f32
      %neg3A_1168 = vector.broadcast %neg3A_1167 : f32 to vector<1024x1xf32>
      %neg3A_1169 = arith.subf %neg3A_1168, %integer_pow3A_1166 : vector<1024x1xf32>
      %exp3A_1170 = math.exp %neg3A_1169 : vector<1024x1xf32>
      %mul3A_1171 = vector.broadcast %get3A_70 : f32 to vector<1024x1xf32>
      %mul3A_1172 = arith.mulf %mul3A_1171, %select_n3A_1151 : vector<1024x1xf32>
      %mul3A_1173 = vector.broadcast %get3A_73 : f32 to vector<1024x1xf32>
      %mul3A_1174 = arith.mulf %mul3A_1173, %exp3A_1159 : vector<1024x1xf32>
      %add3A_1175 = arith.addf %mul3A_1172, %mul3A_1174 : vector<1024x1xf32>
      %mul3A_1176 = vector.broadcast %get3A_76 : f32 to vector<1024x1xf32>
      %mul3A_1177 = arith.mulf %mul3A_1176, %exp3A_1170 : vector<1024x1xf32>
      %add3A_1178 = arith.addf %add3A_1175, %mul3A_1177 : vector<1024x1xf32>
      %lt3A_1179 = arith.constant 8.000000e+00 : f32
      %lt3A_1180 = vector.broadcast %lt3A_1179 : f32 to vector<1024x1xf32>
      %lt3A_1181 = arith.cmpf olt, %broadcast_in_dim3A_1122, %lt3A_1180 : vector<1024x1xf32>
      %broadcast_in_dim3A_1182 = arith.constant 0.000000e+00 : f32
      %broadcast_in_dim3A_1183 = vector.broadcast %broadcast_in_dim3A_1182 : f32 to vector<1024x1xf32>
      %select_n3A_1184 = arith.select %lt3A_1181, %add3A_1178, %broadcast_in_dim3A_1183 : vector<1024x1xi1>, vector<1024x1xf32>
      %mul3A_1185 = arith.mulf %min3A_1136, %select_n3A_1184 : vector<1024x1xf32>
      %add3A_1186 = arith.addf %add3A_1113, %mul3A_1185 : vector<1024x1xf32>
      %add3A_1187 = arith.addf %add3A_1114, %min3A_1136 : vector<1024x1xf32>
      %eq3A_1188 = vector.broadcast %broadcast_in_dim3A_1122 : vector<1024x1xf32> to vector<1024x128xf32>
      %eq3A_1189 = arith.cmpf oeq, %select_n3A_1119, %eq3A_1188 : vector<1024x128xf32>
      %jit3A_1190 = arith.constant 2.000000e+09 : f32
      %broadcast_in_dim3A_1191 = vector.broadcast %jit3A_1190 : f32 to vector<1024x128xf32>
      %select_n3A_1192 = arith.select %eq3A_1189, %broadcast_in_dim3A_1191, %select_n3A_1119 : vector<1024x128xi1>, vector<1024x128xf32>
      %reduce_min3A_1193 = arith.constant dense<0x7F800000> : vector<1024xf32>
      %reduce_min3A_1194 = vector.multi_reduction <minimumf>, %select_n3A_1192, %reduce_min3A_1193 [1] : vector<1024x128xf32> to vector<1024xf32>
      %broadcast_in_dim3A_1195 = vector.shape_cast %reduce_min3A_1194 : vector<1024xf32> to vector<1024x1xf32>
      %eq3A_1196 = vector.broadcast %broadcast_in_dim3A_1195 : vector<1024x1xf32> to vector<1024x128xf32>
      %eq3A_1197 = arith.cmpf oeq, %select_n3A_1192, %eq3A_1196 : vector<1024x128xf32>
      %convert_element_type3A_1198 = arith.extui %eq3A_1197 : vector<1024x128xi1> to vector<1024x128xi32>
      %convert_element_type3A_1199 = arith.sitofp %convert_element_type3A_1198 : vector<1024x128xi32> to vector<1024x128xf32>
      %reduce_sum3A_1200 = arith.constant dense<0.000000e+00> : vector<1024xf32>
      %reduce_sum3A_1201 = vector.multi_reduction <add>, %convert_element_type3A_1199, %reduce_sum3A_1200 [1] : vector<1024x128xf32> to vector<1024xf32>
      %broadcast_in_dim3A_1202 = vector.shape_cast %reduce_sum3A_1201 : vector<1024xf32> to vector<1024x1xf32>
      %sub3A_1203 = arith.constant 1.600000e+01 : f32
      %sub3A_1204 = vector.broadcast %sub3A_1203 : f32 to vector<1024x1xf32>
      %sub3A_1205 = arith.subf %sub3A_1204, %add3A_1187 : vector<1024x1xf32>
      %jit3A_1206 = arith.constant 0.000000e+00 : f32
      %max3A_1207 = vector.broadcast %jit3A_1206 : f32 to vector<1024x1xf32>
      %max3A_1208 = arith.maximumf %max3A_1207, %sub3A_1205 : vector<1024x1xf32>
      %min3A_1209 = arith.minimumf %broadcast_in_dim3A_1202, %max3A_1208 : vector<1024x1xf32>
      %lt3A_1210 = arith.constant 5.000000e-01 : f32
      %lt3A_1211 = vector.broadcast %lt3A_1210 : f32 to vector<1024x1xf32>
      %lt3A_1212 = arith.cmpf olt, %broadcast_in_dim3A_1195, %lt3A_1211 : vector<1024x1xf32>
      %broadcast_in_dim3A_1213 = arith.constant 1.000000e+00 : f32
      %broadcast_in_dim3A_1214 = vector.broadcast %broadcast_in_dim3A_1213 : f32 to vector<1024x1xf32>
      %lt3A_1215 = arith.constant 1.500000e+00 : f32
      %lt3A_1216 = vector.broadcast %lt3A_1215 : f32 to vector<1024x1xf32>
      %lt3A_1217 = arith.cmpf olt, %broadcast_in_dim3A_1195, %lt3A_1216 : vector<1024x1xf32>
      %sub3A_1218 = arith.constant 1.500000e+00 : f32
      %sub3A_1219 = vector.broadcast %sub3A_1218 : f32 to vector<1024x1xf32>
      %sub3A_1220 = arith.subf %sub3A_1219, %broadcast_in_dim3A_1195 : vector<1024x1xf32>
      %broadcast_in_dim3A_1221 = arith.constant 0.000000e+00 : f32
      %broadcast_in_dim3A_1222 = vector.broadcast %broadcast_in_dim3A_1221 : f32 to vector<1024x1xf32>
      %select_n3A_1223 = arith.select %lt3A_1217, %sub3A_1220, %broadcast_in_dim3A_1222 : vector<1024x1xi1>, vector<1024x1xf32>
      %select_n3A_1224 = arith.select %lt3A_1212, %broadcast_in_dim3A_1214, %select_n3A_1223 : vector<1024x1xi1>, vector<1024x1xf32>
      %div3A_1225 = arith.constant 5.000000e-01 : f32
      %div3A_1226 = vector.broadcast %div3A_1225 : f32 to vector<1024x1xf32>
      %div3A_1227 = arith.divf %broadcast_in_dim3A_1195, %div3A_1226 : vector<1024x1xf32>
      %integer_pow3A_1228 = arith.mulf %div3A_1227, %div3A_1227 : vector<1024x1xf32>
      %neg3A_1229 = arith.constant 0.000000e+00 : f32
      %neg3A_1230 = vector.broadcast %neg3A_1229 : f32 to vector<1024x1xf32>
      %neg3A_1231 = arith.subf %neg3A_1230, %integer_pow3A_1228 : vector<1024x1xf32>
      %exp3A_1232 = math.exp %neg3A_1231 : vector<1024x1xf32>
      %sub3A_1233 = arith.constant 3.000000e+00 : f32
      %sub3A_1234 = vector.broadcast %sub3A_1233 : f32 to vector<1024x1xf32>
      %sub3A_1235 = arith.subf %broadcast_in_dim3A_1195, %sub3A_1234 : vector<1024x1xf32>
      %div3A_1236 = arith.constant 2.000000e+00 : f32
      %div3A_1237 = vector.broadcast %div3A_1236 : f32 to vector<1024x1xf32>
      %div3A_1238 = arith.divf %sub3A_1235, %div3A_1237 : vector<1024x1xf32>
      %integer_pow3A_1239 = arith.mulf %div3A_1238, %div3A_1238 : vector<1024x1xf32>
      %neg3A_1240 = arith.constant 0.000000e+00 : f32
      %neg3A_1241 = vector.broadcast %neg3A_1240 : f32 to vector<1024x1xf32>
      %neg3A_1242 = arith.subf %neg3A_1241, %integer_pow3A_1239 : vector<1024x1xf32>
      %exp3A_1243 = math.exp %neg3A_1242 : vector<1024x1xf32>
      %mul3A_1244 = vector.broadcast %get3A_70 : f32 to vector<1024x1xf32>
      %mul3A_1245 = arith.mulf %mul3A_1244, %select_n3A_1224 : vector<1024x1xf32>
      %mul3A_1246 = vector.broadcast %get3A_73 : f32 to vector<1024x1xf32>
      %mul3A_1247 = arith.mulf %mul3A_1246, %exp3A_1232 : vector<1024x1xf32>
      %add3A_1248 = arith.addf %mul3A_1245, %mul3A_1247 : vector<1024x1xf32>
      %mul3A_1249 = vector.broadcast %get3A_76 : f32 to vector<1024x1xf32>
      %mul3A_1250 = arith.mulf %mul3A_1249, %exp3A_1243 : vector<1024x1xf32>
      %add3A_1251 = arith.addf %add3A_1248, %mul3A_1250 : vector<1024x1xf32>
      %lt3A_1252 = arith.constant 8.000000e+00 : f32
      %lt3A_1253 = vector.broadcast %lt3A_1252 : f32 to vector<1024x1xf32>
      %lt3A_1254 = arith.cmpf olt, %broadcast_in_dim3A_1195, %lt3A_1253 : vector<1024x1xf32>
      %broadcast_in_dim3A_1255 = arith.constant 0.000000e+00 : f32
      %broadcast_in_dim3A_1256 = vector.broadcast %broadcast_in_dim3A_1255 : f32 to vector<1024x1xf32>
      %select_n3A_1257 = arith.select %lt3A_1254, %add3A_1251, %broadcast_in_dim3A_1256 : vector<1024x1xi1>, vector<1024x1xf32>
      %mul3A_1258 = arith.mulf %min3A_1209, %select_n3A_1257 : vector<1024x1xf32>
      %add3A_1259 = arith.addf %add3A_1186, %mul3A_1258 : vector<1024x1xf32>
      %add3A_1260 = arith.addf %add3A_1187, %min3A_1209 : vector<1024x1xf32>
      %eq3A_1261 = vector.broadcast %broadcast_in_dim3A_1195 : vector<1024x1xf32> to vector<1024x128xf32>
      %eq3A_1262 = arith.cmpf oeq, %select_n3A_1192, %eq3A_1261 : vector<1024x128xf32>
      %jit3A_1263 = arith.constant 2.000000e+09 : f32
      %broadcast_in_dim3A_1264 = vector.broadcast %jit3A_1263 : f32 to vector<1024x128xf32>
      %select_n3A_1265 = arith.select %eq3A_1262, %broadcast_in_dim3A_1264, %select_n3A_1192 : vector<1024x128xi1>, vector<1024x128xf32>
      %reduce_min3A_1266 = arith.constant dense<0x7F800000> : vector<1024xf32>
      %reduce_min3A_1267 = vector.multi_reduction <minimumf>, %select_n3A_1265, %reduce_min3A_1266 [1] : vector<1024x128xf32> to vector<1024xf32>
      %broadcast_in_dim3A_1268 = vector.shape_cast %reduce_min3A_1267 : vector<1024xf32> to vector<1024x1xf32>
      %eq3A_1269 = vector.broadcast %broadcast_in_dim3A_1268 : vector<1024x1xf32> to vector<1024x128xf32>
      %eq3A_1270 = arith.cmpf oeq, %select_n3A_1265, %eq3A_1269 : vector<1024x128xf32>
      %convert_element_type3A_1271 = arith.extui %eq3A_1270 : vector<1024x128xi1> to vector<1024x128xi32>
      %convert_element_type3A_1272 = arith.sitofp %convert_element_type3A_1271 : vector<1024x128xi32> to vector<1024x128xf32>
      %reduce_sum3A_1273 = arith.constant dense<0.000000e+00> : vector<1024xf32>
      %reduce_sum3A_1274 = vector.multi_reduction <add>, %convert_element_type3A_1272, %reduce_sum3A_1273 [1] : vector<1024x128xf32> to vector<1024xf32>
      %broadcast_in_dim3A_1275 = vector.shape_cast %reduce_sum3A_1274 : vector<1024xf32> to vector<1024x1xf32>
      %sub3A_1276 = arith.constant 1.600000e+01 : f32
      %sub3A_1277 = vector.broadcast %sub3A_1276 : f32 to vector<1024x1xf32>
      %sub3A_1278 = arith.subf %sub3A_1277, %add3A_1260 : vector<1024x1xf32>
      %jit3A_1279 = arith.constant 0.000000e+00 : f32
      %max3A_1280 = vector.broadcast %jit3A_1279 : f32 to vector<1024x1xf32>
      %max3A_1281 = arith.maximumf %max3A_1280, %sub3A_1278 : vector<1024x1xf32>
      %min3A_1282 = arith.minimumf %broadcast_in_dim3A_1275, %max3A_1281 : vector<1024x1xf32>
      %lt3A_1283 = arith.constant 5.000000e-01 : f32
      %lt3A_1284 = vector.broadcast %lt3A_1283 : f32 to vector<1024x1xf32>
      %lt3A_1285 = arith.cmpf olt, %broadcast_in_dim3A_1268, %lt3A_1284 : vector<1024x1xf32>
      %broadcast_in_dim3A_1286 = arith.constant 1.000000e+00 : f32
      %broadcast_in_dim3A_1287 = vector.broadcast %broadcast_in_dim3A_1286 : f32 to vector<1024x1xf32>
      %lt3A_1288 = arith.constant 1.500000e+00 : f32
      %lt3A_1289 = vector.broadcast %lt3A_1288 : f32 to vector<1024x1xf32>
      %lt3A_1290 = arith.cmpf olt, %broadcast_in_dim3A_1268, %lt3A_1289 : vector<1024x1xf32>
      %sub3A_1291 = arith.constant 1.500000e+00 : f32
      %sub3A_1292 = vector.broadcast %sub3A_1291 : f32 to vector<1024x1xf32>
      %sub3A_1293 = arith.subf %sub3A_1292, %broadcast_in_dim3A_1268 : vector<1024x1xf32>
      %broadcast_in_dim3A_1294 = arith.constant 0.000000e+00 : f32
      %broadcast_in_dim3A_1295 = vector.broadcast %broadcast_in_dim3A_1294 : f32 to vector<1024x1xf32>
      %select_n3A_1296 = arith.select %lt3A_1290, %sub3A_1293, %broadcast_in_dim3A_1295 : vector<1024x1xi1>, vector<1024x1xf32>
      %select_n3A_1297 = arith.select %lt3A_1285, %broadcast_in_dim3A_1287, %select_n3A_1296 : vector<1024x1xi1>, vector<1024x1xf32>
      %div3A_1298 = arith.constant 5.000000e-01 : f32
      %div3A_1299 = vector.broadcast %div3A_1298 : f32 to vector<1024x1xf32>
      %div3A_1300 = arith.divf %broadcast_in_dim3A_1268, %div3A_1299 : vector<1024x1xf32>
      %integer_pow3A_1301 = arith.mulf %div3A_1300, %div3A_1300 : vector<1024x1xf32>
      %neg3A_1302 = arith.constant 0.000000e+00 : f32
      %neg3A_1303 = vector.broadcast %neg3A_1302 : f32 to vector<1024x1xf32>
      %neg3A_1304 = arith.subf %neg3A_1303, %integer_pow3A_1301 : vector<1024x1xf32>
      %exp3A_1305 = math.exp %neg3A_1304 : vector<1024x1xf32>
      %sub3A_1306 = arith.constant 3.000000e+00 : f32
      %sub3A_1307 = vector.broadcast %sub3A_1306 : f32 to vector<1024x1xf32>
      %sub3A_1308 = arith.subf %broadcast_in_dim3A_1268, %sub3A_1307 : vector<1024x1xf32>
      %div3A_1309 = arith.constant 2.000000e+00 : f32
      %div3A_1310 = vector.broadcast %div3A_1309 : f32 to vector<1024x1xf32>
      %div3A_1311 = arith.divf %sub3A_1308, %div3A_1310 : vector<1024x1xf32>
      %integer_pow3A_1312 = arith.mulf %div3A_1311, %div3A_1311 : vector<1024x1xf32>
      %neg3A_1313 = arith.constant 0.000000e+00 : f32
      %neg3A_1314 = vector.broadcast %neg3A_1313 : f32 to vector<1024x1xf32>
      %neg3A_1315 = arith.subf %neg3A_1314, %integer_pow3A_1312 : vector<1024x1xf32>
      %exp3A_1316 = math.exp %neg3A_1315 : vector<1024x1xf32>
      %mul3A_1317 = vector.broadcast %get3A_70 : f32 to vector<1024x1xf32>
      %mul3A_1318 = arith.mulf %mul3A_1317, %select_n3A_1297 : vector<1024x1xf32>
      %mul3A_1319 = vector.broadcast %get3A_73 : f32 to vector<1024x1xf32>
      %mul3A_1320 = arith.mulf %mul3A_1319, %exp3A_1305 : vector<1024x1xf32>
      %add3A_1321 = arith.addf %mul3A_1318, %mul3A_1320 : vector<1024x1xf32>
      %mul3A_1322 = vector.broadcast %get3A_76 : f32 to vector<1024x1xf32>
      %mul3A_1323 = arith.mulf %mul3A_1322, %exp3A_1316 : vector<1024x1xf32>
      %add3A_1324 = arith.addf %add3A_1321, %mul3A_1323 : vector<1024x1xf32>
      %lt3A_1325 = arith.constant 8.000000e+00 : f32
      %lt3A_1326 = vector.broadcast %lt3A_1325 : f32 to vector<1024x1xf32>
      %lt3A_1327 = arith.cmpf olt, %broadcast_in_dim3A_1268, %lt3A_1326 : vector<1024x1xf32>
      %broadcast_in_dim3A_1328 = arith.constant 0.000000e+00 : f32
      %broadcast_in_dim3A_1329 = vector.broadcast %broadcast_in_dim3A_1328 : f32 to vector<1024x1xf32>
      %select_n3A_1330 = arith.select %lt3A_1327, %add3A_1324, %broadcast_in_dim3A_1329 : vector<1024x1xi1>, vector<1024x1xf32>
      %mul3A_1331 = arith.mulf %min3A_1282, %select_n3A_1330 : vector<1024x1xf32>
      %add3A_1332 = arith.addf %add3A_1259, %mul3A_1331 : vector<1024x1xf32>
      %gt3A_1333 = arith.constant 1.600000e+01 : f32
      %gt3A_1334 = vector.broadcast %gt3A_1333 : f32 to vector<1024x1xf32>
      %gt3A_1335 = arith.cmpf ogt, %broadcast_in_dim3A_125, %gt3A_1334 : vector<1024x1xf32>
      %select_n3A_1336 = arith.select %gt3A_1335, %add3A_1332, %broadcast_in_dim3A_120 : vector<1024x1xi1>, vector<1024x1xf32>
      %swap3A_1337 = arith.constant 0 : index
      %swap3A_1338 = arith.constant 0 : index
      %swap3A_1339 = vector.load %arg6[%swap3A_1337, %swap3A_1338] : memref<1024x1xf32, #tpu.memory_space<vmem>>, vector<1024x1xf32>
      tpu.vector_store %arg6[%swap3A_1337, %swap3A_1338], %select_n3A_1336 {strides = array<i32>} : memref<1024x1xf32, #tpu.memory_space<vmem>>, vector<1024x1xf32>,
    } else {
    }
    %lt3A_136 = arith.constant 50000 : i32
    %lt3A_137 = vector.broadcast %lt3A_136 : i32 to vector<1024x1xi32>
    %lt3A_138 = arith.cmpi slt, %add3A_63, %lt3A_137 : vector<1024x1xi32>
    %convert_element_type3A_139 = arith.extui %lt3A_138 : vector<1024x1xi1> to vector<1024x1xi32>
    %convert_element_type3A_140 = arith.sitofp %convert_element_type3A_139 : vector<1024x1xi32> to vector<1024x1xf32>
    %get3A_141 = arith.constant 0 : index
    %get3A_142 = arith.constant 0 : index
    %get3A_143 = vector.load %arg6[%get3A_141, %get3A_142] : memref<1024x1xf32, #tpu.memory_space<vmem>>, vector<1024x1xf32>
    %mul3A_144 = arith.mulf %get3A_143, %convert_element_type3A_140 : vector<1024x1xf32>
    %reduce_sum3A_145 = vector.shape_cast %mul3A_144 : vector<1024x1xf32> to vector<1x1024x1xf32>
    %reduce_sum3A_146 = arith.constant dense<0.000000e+00> : vector<1xf32>
    %reduce_sum3A_147 = vector.multi_reduction <add>, %reduce_sum3A_145, %reduce_sum3A_146 [1, 2] : vector<1x1024x1xf32> to vector<1xf32>
    %reduce_sum3A_148 = vector.shape_cast %reduce_sum3A_147 : vector<1xf32> to vector<1x1x1xf32>
    %reduce_sum3A_149 = vector.extract %reduce_sum3A_148[0, 0, 0] : f32 from vector<1x1x1xf32>
    %get3A_150 = arith.constant 0 : index
    %get3A_151 = arith.constant 0 : index
    %get3A_152 = memref.load %arg7[%get3A_150, %get3A_151] : memref<1x1xf32, #tpu.memory_space<smem>>
    %div3A_153 = arith.divf %reduce_sum3A_149, %add3A_81 : f32
    %add3A_154 = arith.addf %get3A_152, %div3A_153 : f32
    %swap3A_155 = arith.constant 0 : index
    %swap3A_156 = arith.constant 0 : index
    %swap3A_157 = memref.load %arg7[%swap3A_155, %swap3A_156] : memref<1x1xf32, #tpu.memory_space<smem>>
    memref.store %add3A_154, %arg7[%swap3A_155, %swap3A_156] : memref<1x1xf32, #tpu.memory_space<smem>>
    %get3A_158 = arith.constant 0 : index
    %get3A_159 = arith.constant 0 : index
    %get3A_160 = memref.load %arg7[%get3A_158, %get3A_159] : memref<1x1xf32, #tpu.memory_space<smem>>
    %swap3A_161 = arith.constant 0 : index
    %swap3A_162 = arith.constant 0 : index
    %swap3A_163 = memref.load %arg5[%swap3A_161, %swap3A_162] : memref<1x1xf32, #tpu.memory_space<smem>>
    memref.store %get3A_160, %arg5[%swap3A_161, %swap3A_162] : memref<1x1xf32, #tpu.memory_space<smem>>
    return
  }
  func.func @transform_0(%arg0: i32) -> (i32, i32) {
    %c0_i32 = arith.constant 0 : i32
    %c0_i32_0 = arith.constant 0 : i32
    return %arg0, %c0_i32 : i32, i32
  }
  func.func @transform_1(%arg0: i32) -> (i32, i32) {
    %c0_i32 = arith.constant 0 : i32
    %c0_i32_0 = arith.constant 0 : i32
    %c0_i32_1 = arith.constant 0 : i32
    return %c0_i32, %c0_i32_0 : i32, i32
  }
  func.func @transform_2(%arg0: i32) -> (i32, i32) {
    %c0_i32 = arith.constant 0 : i32
    %c0_i32_0 = arith.constant 0 : i32
    %c0_i32_1 = arith.constant 0 : i32
    return %c0_i32, %c0_i32_0 : i32, i32
  }
  func.func @transform_3(%arg0: i32) -> (i32, i32) {
    %c0_i32 = arith.constant 0 : i32
    %c0_i32_0 = arith.constant 0 : i32
    %c0_i32_1 = arith.constant 0 : i32
    return %c0_i32, %c0_i32_0 : i32, i32
  }
  func.func @transform_4(%arg0: i32) -> (i32, i32) {
    %c0_i32 = arith.constant 0 : i32
    %c0_i32_0 = arith.constant 0 : i32
    %c0_i32_1 = arith.constant 0 : i32
    return %c0_i32, %c0_i32_0 : i32, i32
  }
}

</mosaic_0001>

<sc_bundles>
// kernel: kernel.6.cloned.1.call-start
scs
__scs_entry_jumppad:
0x0: {  	(pc) =	sbr.rel $0x88, $3  }
0x1: {  	(tag) =	ssettag $0x0;
	lr =	simm.s32 $0x1  }
0x2: {  	[smem:$0x3F9E] =	sst lr;
	_ =	strace $0xD0000000  }
0x3: {  	_ = 	snop  }
0x4: {  	_ = 	snop  }
0x5: {  	_ = 	snop  }
0x6: {  	_ = 	snop  }
0x7: {  	_ = 	snop  }
__scs_overlays_trampoline_lowered:
0x8: {  	[smem:$0x3FAD] =	sst s0  }
0x9: {  	[smem:$0x3FAE] =	sst s1  }
0xa: {  	[smem:$0x3FAF] =	sst s2  }
0xb: {  	[smem:$0x3FB0] =	sst s3  }
0xc: {  	[smem:$0x3FB1] =	sst s4  }
0xd: {  	[smem:$0x3FB2] =	sst s5  }
0xe: {  	[smem:$0x3FB3] =	sst s6  }
0xf: {  	[smem:$0x3FB4] =	sst s7  }
0x10: {  	[smem:$0x3FB5] =	sst s8  }
0x11: {  	[smem:$0x3FB6] =	sst s9;
	s0 =	simm.s32 @!p0 $0x0  }
0x12: {  	s1 =	sld [smem:$0x3F9C];
	s0 =	simm.s32 @p0 $0x1  }
0x13: {  	[smem:$0x3FB7] =	sst s0;
	s0 =	simm.s32 @!p1 $0x0  }
0x14: {  	s2 =	sld [smem:$0x3F9B];
	s0 =	simm.s32 @p1 $0x1  }
0x15: {  	[smem:$0x3FB8] =	sst s0;
	s0 =	simm.s32 @!p2 $0x0  }
0x16: {  	s3 =	sld [smem:$0x3FDB];
	s0 =	simm.s32 @p2 $0x1  }
0x17: {  	s4 =	simm.s32 $0x1BF5;
	[smem:$0x3FBA] =	sst s0  }
0x18: {  	s0 =	sld [smem:$0x3F9D];
	_ =	swait.ge [sflag:s4], $0x0  }
0x19: {  	s7 =	sld [smem:$0x3F9E]  }
0x1a: {  	s8 =	sadd.s32 $0xFFFFE003, lr  }
0x1b: {  	s9 =	sadd.s32 $0xFFFFFEF7, lr;
	s5 =	simm.s32 $0xFFFFFFFF;
	p2 =	slt.u32 s8, $0xFFFFF086  }
0x1c: {  	p1 =	slt.u32 s9, $0xF7A;
	s5 =	simm.s32 @!p2 $0x0  }
0x1d: {  	s5 =	simm.s32 @p1 $0x1;
	p0 =	seq.s32 s7, s2  }
0x1e: {  	s7 =	smul.u32 @!p0 $0xF7A, s2;
	p2 =	seq.s32 @!p0 s5, $0x0  }
0x1f: {  	s9 =	smul.u32 $0xF7A, s1;
	s8 =	simm.s32 @!p0 $0x1BF5;
	p2 =	por !p2, p0  }
0x20: {  	[sflag:s8] =	ssyncset.s32 @!p0 $0xFFFFF086;
	s6 =	sadd.s32 @!p0 s3, s7;
	s7 =	simm.s32 @!p0 $0x108  }
0x21: {  	s3 =	sadd.s32 s3, s9;
	s6 =	sadd.s32 @!p0 $0x88, s6;
	s7 =	simm.s32 @p2 $0x1082  }
0x22: {  	[simem:s7], [sflag:s8] =	dma.local @!p0 [hbm:s6], $0xF7A  }
0x23: {  	s9 =	sor.u32 $0xD0000000, s2;
	s6 =	simm.s32 $0x108;
	_ =	swait.ge @!p0 [sflag:s8], $0x0  }
0x24: {  	s3 =	sadd.s32 $0x88, s3;
	s6 =	simm.s32 @!p1 $0x1082;
	[sflag:s4] =	ssyncset.s32 $0xFFFFF086  }
0x25: {  	[simem:s6], [sflag:s4] =	dma.local [hbm:s3], $0xF7A  }
0x26: {  	[smem:$0x3F9E] =	sst s1;
	(tag) =	ssettag s2;
	_ =	strace s9  }
0x27: {  	s1 =	sld [smem:$0x3FAE]  }
0x28: {  	s2 =	sld [smem:$0x3FAF]  }
0x29: {  	s4 =	sld [smem:$0x3FB1]  }
0x2a: {  	p0 =	seq.s32 s5, $0x0;
	s5 =	sld [smem:$0x3FB2]  }
0x2b: {  	s6 =	sld [smem:$0x3FB3]  }
0x2c: {  	s7 =	sld [smem:$0x3FB4]  }
0x2d: {  	s3 =	simm.s32 $0x108;
	s8 =	sld [smem:$0x3FB5]  }
0x2e: {  	s3 =	simm.s32 @!p0 $0x1082;
	s9 =	sld [smem:$0x3FB6]  }
0x2f: {  	lr =	sadd.s32 s0, s3;
	s0 =	sld [smem:$0x3FAD]  }
0x30: {  	s3 =	sld [smem:$0x3FB0]  }
0x31: {  	[smem:$0x3FB9] =	sst s10  }
0x32: {  	s10 =	sld [smem:$0x3FB7];
	_ =	sdelay $0x3  }
0x33: {  	p0 =	seq.s32 s10, $0x1;
	s10 =	sld [smem:$0x3FB9];
	_ =	sdelay $0x3  }
0x34: {  	[smem:$0x3FB9] =	sst s10  }
0x35: {  	s10 =	sld [smem:$0x3FB8];
	_ =	sdelay $0x3  }
0x36: {  	p1 =	seq.s32 s10, $0x1;
	s10 =	sld [smem:$0x3FB9];
	_ =	sdelay $0x3  }
0x37: {  	[smem:$0x3FB9] =	sst s10  }
0x38: {  	s10 =	sld [smem:$0x3FBA]  }
0x39: {  	_ = 	snop;
	(pc) =	sbr.ind lr, $3  }
0x3a: {  	_ = 	snop  }
0x3b: {  	_ = 	snop  }
0x3c: {  	p2 =	seq.s32 s10, $0x1;
	s10 =	sld [smem:$0x3FB9]  }
0x3d: {  	_ =	shalt  }
0x3e: {  	_ =	shalt  }
0x3f: {  	_ =	shalt  }
0x40: {  	_ =	shalt  }
0x41: {  	_ =	shalt  }
0x42: {  	_ =	shalt  }
0x43: {  	_ =	shalt  }
0x44: {  	_ =	shalt  }
0x45: {  	_ =	shalt  }
0x46: {  	_ =	shalt  }
0x47: {  	_ =	shalt  }
0x48: {  	_ =	shalt  }
0x49: {  	_ =	shalt  }
0x4a: {  	_ =	shalt  }
0x4b: {  	_ =	shalt  }
0x4c: {  	_ =	shalt  }
0x4d: {  	_ =	shalt  }
0x4e: {  	_ =	shalt  }
0x4f: {  	_ =	shalt  }
0x50: {  	_ =	shalt  }
0x51: {  	_ =	shalt  }
0x52: {  	_ =	shalt  }
0x53: {  	_ =	shalt  }
0x54: {  	_ =	shalt  }
0x55: {  	_ =	shalt  }
0x56: {  	_ =	shalt  }
0x57: {  	_ =	shalt  }
0x58: {  	_ =	shalt  }
0x59: {  	_ =	shalt  }
0x5a: {  	_ =	shalt  }
0x5b: {  	_ =	shalt  }
0x5c: {  	_ =	shalt  }
0x5d: {  	_ =	shalt  }
0x5e: {  	_ =	shalt  }
0x5f: {  	_ =	shalt  }
0x60: {  	_ =	shalt  }
0x61: {  	_ =	shalt  }
0x62: {  	_ =	shalt  }
0x63: {  	_ =	shalt  }
0x64: {  	_ =	shalt  }
0x65: {  	_ =	shalt  }
0x66: {  	_ =	shalt  }
0x67: {  	_ =	shalt  }
0x68: {  	_ =	shalt  }
0x69: {  	_ =	shalt  }
0x6a: {  	_ =	shalt  }
0x6b: {  	_ =	shalt  }
0x6c: {  	_ =	shalt  }
0x6d: {  	_ =	shalt  }
0x6e: {  	_ =	shalt  }
0x6f: {  	_ =	shalt  }
0x70: {  	_ =	shalt  }
0x71: {  	_ =	shalt  }
0x72: {  	_ =	shalt  }
0x73: {  	_ =	shalt  }
0x74: {  	_ =	shalt  }
0x75: {  	_ =	shalt  }
0x76: {  	_ =	shalt  }
0x77: {  	_ =	shalt  }
0x78: {  	_ =	shalt  }
0x79: {  	_ =	shalt  }
0x7a: {  	_ =	shalt  }
0x7b: {  	_ =	shalt  }
0x7c: {  	_ =	shalt  }
0x7d: {  	_ =	shalt  }
0x7e: {  	_ =	shalt  }
0x7f: {  	_ =	shalt  }
0x80: {  	_ =	shalt  }
0x81: {  	_ =	shalt  }
0x82: {  	_ =	shalt  }
0x83: {  	_ =	shalt  }
0x84: {  	_ =	shalt  }
0x85: {  	_ =	shalt  }
0x86: {  	_ =	shalt  }
0x87: {  	_ =	shalt  }
.Lfunc_end0:
.L_simem_size_0:
called_computation_lowered:
.L_overlay_start_0:
0x88: {  	s2 =	sld [smem:$0x3FD9]  }
0x89: {  	s3 =	sld [smem:$0x3FFE];
	_ =	sdelay $0x1  }
0x8a: {  	s1 =	srdreg.scid  }
0x8b: {  	s0 =	sand.u32 $0x1, s1  }
0x8c: {  	s16 =	sshll.u32 s0, $0xA;
	s2 =	sadd.s32 s3, s2  }
0x8d: {  	s2 =	sadd.s32 s2, s16  }
0x8e: {  	[smem:$0x3FC5] =	sst s2  }
0x8f: {  	_ = 	snop  }
0x90: {  	(tm) =	ssettm $0x1  }
0x91: {  	s17 =	sld [smem:$0x3FFB];
	_ =	sdelay $0x3  }
0x92: {  	_ =	strace s17  }
0x93: {  	s2 =	sld [smem:$0x3FFC];
	_ =	sdelay $0x3  }
0x94: {  	_ =	strace s2  }
0x95: {  	s2 =	sld [smem:$0x3FFD];
	_ =	sdelay $0x3  }
0x96: {  	_ =	strace s2  }
0x97: {  	_ =	strace $0x8FFFFFFF  }
0x98: {  	s18 =	sld [smem:$0x3FDB];
	_ =	sdelay $0x1  }
0x99: {  	s19 =	simm.s32 $_scs_section_size  }
0x9a: {  	s4 =	simm.s32 $_size__tile_overlayer_lowered;
	s5 =	simm.s32 $_tile_overlayer_lowered  }
0x9b: {  	s22 =	simm.s32 $0x1BFF;
	s21 =	sshll.u32 s5, $0x1;
	s2 =	sadd.s32 s19, s18  }
0x9c: {  	s6 =	simm.s32 $0x0;
	s20 =	sshll.u32 s4, $0x1;
	s4 =	sadd.s32 s21, s2  }
0x9d: {  	[timem:s6], [sflag:s22] =	dma.local [hbm:s4], s20  }
0x9e: {  	_ =	swait.ge [sflag:s22], s20  }
0x9f: {  	s3 =	ssub.s32 $0x0, s20;
	[sflag:s22] =	ssyncset.done $0x0  }
0xa0: {  	[sflag:s22] =	ssyncadd.s32 s3;
	_ =	sdelay $0x1  }
0xa1: {  	s23 =	simm.s32 $0x1B8B  }
0xa2: {  	_ =	swait.ge [sflag:s23], $0x1  }
0xa3: {  	[sflag:s23] =	ssyncset.done $0x0  }
0xa4: {  	s25 =	simm.s32 $0x1B8E;
	s24 =	sld [smem:$0x3FFE];
	[sflag:s23] =	ssyncadd.s32 $0xFFFFFFFF  }
0xa5: {  	s26 =	simm.s32 $execute0_lowered;
	[smem:$0x3FD2] =	sst s25  }
0xa6: {  	s4 =	sshll.u32 s26, $0x1;
	_ =	strace $0x80000046;
	[dreg:$0x1] =	wrdreg $0xFFFFFFFF  }
0xa7: {  	s28 =	simm.s32 $_size_execute0_lowered;
	s2 =	sadd.s32 s2, s4;
	[dreg:$0x0] =	wrdreg $0x0  }
0xa8: {  	s4 =	sshll.u32 s28, $0x1;
	[dreg:$0x2] =	wrdreg s2  }
0xa9: {  	[dreg:$0x3] =	wrdreg s4  }
0xaa: {  	[dreg:$0x4] =	wrdreg $0xC0  }
0xab: {  	_ =	task [dreg:s6], $0x5FFFF  }
0xac: {  	[dreg:$0x1] =	wrdreg $0xFFFFFFFF  }
0xad: {  	[dreg:$0x0] =	wrdreg $0x60  }
0xae: {  	[dreg:$0x2] =	wrdreg s24  }
0xaf: {  	[dreg:$0x3] =	wrdreg $0x9  }
0xb0: {  	_ =	task.clear_ibuf [dreg:s6], $0x4FFFF;
	_ =	strace $0x90000046  }
0xb1: {  	s29 =	simm.s32 $0x9;
	_ =	strace $0x80000048  }
0xb2: {  	_ =	swait.ge [sflag:s29], $0x1  }
0xb3: {  	[sflag:s29] =	ssyncadd.s32 $0xFFFFFFFF  }
0xb4: {  	_ =	strace $0x90000048  }
0xb5: {  	_ =	sfence  }
0xb6: {  	s30 =	sld [smem:$0x0];
	_ =	sdelay $0x2  }
0xb7: {  	s31 =	sshll.u32 s1, $0xD;
	s1 =	sshrl.u32 s1, $0x2  }
0xb8: {  	s3 =	sand.u32 $0x4000, s31;
	s1 =	sadd.s32 s1, s30  }
0xb9: {  	s0 =	sor.u32 s3, s0;
	s1 =	sshll.u32 s1, $0x11  }
0xba: {  	s0 =	sor.u32 s1, s0  }
0xbb: {  	s0 =	sadd.s32 $0x8F2B, s0  }
0xbc: {  	[sflag:s0] =	ssyncadd.remote.s32 $0x1  }
0xbd: {  	_ =	sfence.sel $0xFFFF  }
0xbe: {  	[dreg:$0x0] =	wrdreg $0xFFFFFFFF;
	(pc) =	sbr.abs _section_cstart, $3  }
0xbf: {  	[dreg:$0x1] =	wrdreg $0xFFFFFFFF  }
0xc0: {  	_ =	task.clear_ibuf [dreg:s6], $0x2FFFF;
	_ =	strace $0x9FFFFFFF  }
0xc1: {  	(tm) =	ssettm $0x7FFFFFFF  }
tec
execute0_lowered:
.L_overlay_start_1:
0x0: {  	(tag) =	ssettag $0x1  }
0x1: {  	s1 =	srdreg.scid  }
0x2: {  	s0 =	stileid.u32;
	s9 =	rddreg [dreg:$0x0]  }
0x3: {  	s2 =	simm.s32 $0x0;
	s7 =	simm.s32 $0x80;
	s6 =	sand.u32 $0x1, s1  }
0x4: {  	s3 =	sshll.u32 s0, $0x7;
	s1 =	rddreg [dreg:$0x1];
	s4 =	sshll.u32 s6, $0x6  }
0x5: {  	s8 =	simm.s32 $0x1;
	[smem:$0x7FF] =	sst s2;
	s10 =	sor.u32 s4, s3  }
0x6: {  	s5 =	sadd.s32 $0x200, s9;
	_ =	strace $0x80000047;
	s3 =	sshrl.u32 s10, $0x3  }
0x7: {  	s11 =	ssub.s32 $0x2, s6;
	s4 =	sadd.s32 s9, s3;
	s3 =	simm.s32 $0x2  }
0x8: {  	[tilespmem:s2], [sflag:$0x2] =	stream.linear.gather [hbm4b:s4+s2], $0x40, $0x38;
	[tilespmem:$0x2080] =	vst v63  }
0x9: {  	s6 =	simm.s32 $0x40;
	s12 =	sshrl.u32 s11, $0x1;
	_ =	swait.ge [sflag:s3], $0x40  }
0xa: {  	s10 =	sshll.u32 s10, $0x4;
	s31 =	ssub.s32 s11, s12;
	[sflag:s3] =	ssyncset.done $0x0  }
0xb: {  	s9 =	sadd.s32 s10, s9;
	s10 =	smax.u32 s31, $0x1;
	[sflag:s3] =	ssyncadd.s32 $0xFFFFFFC0  }
0xc: {  	[tilespmem:s7], [sflag:$0x1] =	stream.indirect.gather [hbm4b:s5+s6], $0x80, s2, s6, $0xb8;
	[tilespmem:$0x2080] =	vst v63  }
0xd: {  	p0 =	sne.s32 s10, $0x1;
	_ =	swait.ge [sflag:s8], $0x2000  }
.Ltmp0:
0xe: {  	[sflag:s8] =	ssyncset.done $0x0;
	(pc) =	sbr.rel @!p0 .LBB2_2-.Ltmp0, $4  }
0xf: {  	s9 =	sadd.s32 $0xC3800, s9;
	[sflag:s8] =	ssyncadd.s32 $0xFFFFE000  }
0x10: {  	[hbm4b:s9+s2] =	stream.linear.scatter [tilespmem:s7], [sflag:$0x2], $0x2000, $0x38;
	[tilespmem:$0x2080] =	vst v63  }
0x11: {  	_ =	swait.ge [sflag:s3], $0x2000  }
0x12: {  	s10 =	sadd.s32 $0xFFFFFFFF, s10;
	[sflag:s3] =	ssyncset.done $0x0  }
.LBB2_1:
0x13: {  	p0 =	sne.s32 s10, $0x1;
	s10 =	sadd.s32 $0xFFFFFFFF, s10;
	[sflag:s3] =	ssyncadd.s32 $0xFFFFE000  }
0x14: {  	[tilespmem:s2], [sflag:$0x2] =	stream.linear.gather [hbm4b:s4+s2], $0x40, $0x38;
	[tilespmem:$0x2080] =	vst v63  }
0x15: {  	_ =	swait.ge [sflag:s3], $0x40  }
0x16: {  	[sflag:s3] =	ssyncset.done $0x0  }
0x17: {  	[sflag:s3] =	ssyncadd.s32 $0xFFFFFFC0  }
0x18: {  	[tilespmem:s7], [sflag:$0x1] =	stream.indirect.gather [hbm4b:s5+s6], $0x80, s2, s6, $0xb8;
	[tilespmem:$0x2080] =	vst v63  }
0x19: {  	_ =	swait.ge [sflag:s8], $0x2000  }
.Ltmp1:
0x1a: {  	[sflag:s8] =	ssyncset.done $0x0;
	(pc) =	sbr.rel @p0 .LBB2_1-.Ltmp1, $4  }
0x1b: {  	[sflag:s8] =	ssyncadd.s32 $0xFFFFE000  }
0x1c: {  	[hbm4b:s9+s2] =	stream.linear.scatter [tilespmem:s7], [sflag:$0x2], $0x2000, $0x38;
	[tilespmem:$0x2080] =	vst v63  }
0x1d: {  	_ =	swait.ge [sflag:s3], $0x2000  }
0x1e: {  	[sflag:s3] =	ssyncset.done $0x0  }
.LBB2_2:
0x1f: {  	[sflag:s3] =	ssyncadd.s32 $0xFFFFE000  }
0x20: {  	_ =	sfence.sel $0x180000  }
0x21: {  	[bflag:$0x0] =	sbarrier.arrive $0xFFFF  }
0x22: {  	p0 =	sne.s32 s0, $0x0;
	_ =	strace $0x90000047  }
0x23: {  	s0 =	sadd.s32 @!p0 $0x100000, s1;
	[bflag:$0x2] =	sbarrier.arrive $0xFFFF  }
0x24: {  	[sflag:s0] =	ssyncadd.tile.s32 @!p0 $0x1;
	_ =	shalt  }
.Lfunc_end2:
_tile_overlayer_lowered:
.L_overlay_start_2:
0x25: {  	(tag) =	ssettag $0x2  }
0x26: {  	s0 =	rddreg [dreg:$0x0];
	s2 =	stileid.u32  }
0x27: {  	s1 =	rddreg [dreg:$0x1];
	p0 =	sne.s32 s2, $0x0  }
0x28: {  	s3 =	rddreg [dreg:$0x2];
	[bflag:$0x3] =	sbarrier.arrive $0xFFFF;
	s2 =	simm.s32 @!p0 $0x1C02  }
0x29: {  	[timem:s3], [sflag:s2] =	dma.local @!p0 [hbm:s0], s1  }
0x2a: {  	s0 =	simm.s32 @!p0 $0x2  }
0x2b: {  	_ =	swait.ge @!p0 [sflag:s0], s1  }
0x2c: {  	s1 =	ssub.s32 @!p0 $0x0, s1;
	[sflag:s0] =	ssyncset.done @!p0 $0x0  }
0x2d: {  	[sflag:s0] =	ssyncadd.s32 @!p0 s1  }
0x2e: {  	[bflag:$0x3] =	sbarrier.arrive $0xFFFF  }
0x2f: {  	_ =	shalt  }

</sc_bundles>
